<compile_context>
chip_gen: v7x
topology: tpu7x:2x2x1
jax: 0.10.2.dev20260603
libtpu: 0.0.44.dev20260713+nightly
codegen_flags: <defaults>
</compile_context>

<pallas_src>
import functools

import jax
import jax.numpy as jnp
from jax import lax
from jax.experimental import pallas as pl
from jax.experimental.pallas import tpu as pltpu
from jax.experimental.pallas import tpu_sc as plsc

B = 50; N0 = 10000; NPG = 200; K1 = 160; K2 = 128; E = 160000

NPAD = 10240
NOWN = 32
OWNR = NPAD // NOWN
HALF = NPAD // 2
CAP = 6144
CL = 128
NCHUNK = CAP // CL
PADROW = HALF


def _make_edge_scatter(F):
    mesh = plsc.VectorSubcoreMesh(core_axis_name="c", subcore_axis_name="s")

    NBUF = 4

    @functools.partial(
        pl.kernel, mesh=mesh,
        out_type=jax.ShapeDtypeStruct((NPAD, F), jnp.float32),
        scratch_types=[
            pltpu.VMEM((NCHUNK, CL), jnp.int32),
            pltpu.VMEM((NCHUNK, CL), jnp.int32),
            pltpu.VMEM((NBUF, CL, F), jnp.float32),
            pltpu.VMEM_SHARED((HALF + 8, F), jnp.float32),
        ] + [pltpu.SemaphoreType.DMA] * NBUF,
    )
    def k(src_hbm, dst_hbm, rows_hbm, zeros_hbm, out_hbm,
          src_v, dst_v, rows_v, agg_sh, *sems):
        c = lax.axis_index("c")
        s = lax.axis_index("s")
        base = s * OWNR
        pltpu.sync_copy(src_hbm.at[c, s], src_v)
        pltpu.sync_copy(dst_hbm.at[c, s], dst_v)
        for z in range(OWNR // 64):
            pltpu.sync_copy(zeros_hbm, agg_sh.at[pl.ds(base + z * 64, 64)])
        plsc.subcore_barrier()

        def gather(j, b):
            return pltpu.make_async_copy(
                rows_hbm.at[src_v.at[j]], rows_v.at[b], sems[b])

        for b in range(NBUF):
            gather(b, b).start()

        def outer(g, carry):
            j0 = g * NBUF
            for b in range(NBUF):
                j = j0 + b
                gather(j, b).wait()
                pltpu.sync_copy(rows_v.at[b], agg_sh.at[dst_v.at[j]], add=True)
                gather(lax.rem(j + NBUF, NCHUNK), b).start()
            return carry

        lax.fori_loop(0, NCHUNK // NBUF, outer, 0)
        for b in range(NBUF):
            gather(b, b).wait()
        plsc.subcore_barrier()
        pltpu.sync_copy(agg_sh.at[pl.ds(base, OWNR)],
                        out_hbm.at[pl.ds(c * HALF + base, OWNR)])

    return k


_scatter128 = _make_edge_scatter(128)


def _bin_edges(src, dst):
    src = src.astype(jnp.int32)
    dst = dst.astype(jnp.int32)
    owner = dst // OWNR
    order = jnp.argsort(owner, stable=True).astype(jnp.int32)
    src_s = src[order]
    dst_s = dst[order]
    owner_s = owner[order]
    counts = jnp.bincount(owner, length=NOWN)
    starts = jnp.concatenate([jnp.zeros((1,), counts.dtype),
                              jnp.cumsum(counts)[:-1]])
    slot = jnp.arange(E, dtype=jnp.int32) - starts[owner_s].astype(jnp.int32)
    flat = owner_s * CAP + slot
    src_p = jnp.full((NOWN * CAP,), N0, jnp.int32).at[flat].set(
        src_s, unique_indices=True)
    dst_l = dst_s - (owner_s // 16) * HALF
    dst_p = jnp.full((NOWN * CAP,), PADROW, jnp.int32).at[flat].set(
        dst_l, unique_indices=True)
    shape = (2, 16, NCHUNK, CL)
    return src_p.reshape(shape), dst_p.reshape(shape)


def _tail_body(target_ref, xg_ref, cv_w_ref, cv_b_ref,
               wih_f_ref, whh_f_ref, bih_f_ref, bhh_f_ref,
               wih_r_ref, whh_r_ref, bih_r_ref, bhh_r_ref,
               d1_w_ref, d1_b_ref, d3_w_ref, d3_b_ref, out_ref):
    t = target_ref[...]
    conv = jnp.zeros((B, 95, 128), jnp.float32)
    cvw = cv_w_ref[...]
    for k in range(3):
        conv += lax.dot_general(t[:, :, k:k + 95], cvw[:, :, k],
                                (((1,), (1,)), ((), ())))
    conv = jax.nn.relu(conv + cv_b_ref[...][None, None, :])
    xt = conv.reshape(B, 19, 5, 128).mean(2)

    def gru(wih_ref, whh_ref, bih_ref, bhh_ref, reverse):
        gi = lax.dot_general(xt, wih_ref[...],
                             (((2,), (1,)), ((), ()))) + bih_ref[...]
        whh = whh_ref[...]
        bhh = bhh_ref[...]
        h = jnp.zeros((B, 120), jnp.float32)
        hs = [None] * 19
        order = range(18, -1, -1) if reverse else range(19)
        for step in order:
            g = gi[:, step]
            gh = lax.dot_general(h, whh, (((1,), (1,)), ((), ()))) + bhh
            r = jax.nn.sigmoid(g[:, 0:120] + gh[:, 0:120])
            z = jax.nn.sigmoid(g[:, 120:240] + gh[:, 120:240])
            n = jnp.tanh(g[:, 240:360] + r * gh[:, 240:360])
            h = (1 - z) * n + z * h
            hs[step] = h
        return hs

    hf = gru(wih_f_ref, whh_f_ref, bih_f_ref, bhh_f_ref, False)
    hr = gru(wih_r_ref, whh_r_ref, bih_r_ref, bhh_r_ref, True)
    seq = jnp.concatenate([jnp.concatenate([hf[s], hr[s]], axis=1)
                           for s in range(19)], axis=1)
    xc = jnp.concatenate([xg_ref[...], seq], axis=1)
    xc = jax.nn.relu(lax.dot_general(xc, d1_w_ref[...],
                                     (((1,), (1,)), ((), ()))) + d1_b_ref[...])
    logits = lax.dot_general(xc, d3_w_ref[...],
                             (((1,), (1,)), ((), ()))) + d3_b_ref[...]
    m = jnp.max(logits, axis=1, keepdims=True)
    e = logits - m
    out_ref[...] = e - jnp.log(jnp.sum(jnp.exp(e), axis=1, keepdims=True))


def _tail(target, xg, cv_w, cv_b, wf, whf, bf, bhf, wr, whr, br, bhr,
          d1_w, d1_b, d3_w, d3_b):
    return pl.pallas_call(
        _tail_body,
        out_shape=jax.ShapeDtypeStruct((B, 2), jnp.float32),
    )(target, xg, cv_w, cv_b, wf, whf, bf, bhf, wr, whr, br, bhr,
      d1_w, d1_b, d3_w, d3_b)


def kernel(x, edge_index, batch, target, c1_rel_w, c1_rel_b, c1_root_w, p1_w,
           c2_rel_w, c2_rel_b, c2_root_w, p2_w, cv_w, cv_b,
           gru_wih_f, gru_whh_f, gru_bih_f, gru_bhh_f,
           gru_wih_r, gru_whh_r, gru_bih_r, gru_bhh_r, d1_w, d1_b, d3_w, d3_b):
    src, dst = edge_index[0], edge_index[1]
    src_g, dst_l = _bin_edges(src, dst)
    z = jnp.zeros((64, 128), jnp.float32)

    x128 = jnp.zeros((NPAD, 128), jnp.float32).at[:N0, :4].set(x)
    agg1 = _scatter128(src_g, dst_l, x128, z)[:N0, :4]
    h1 = jax.nn.relu(agg1 @ c1_rel_w.T + c1_rel_b + x @ c1_root_w.T)

    s1 = jnp.tanh((h1 @ p1_w) / jnp.linalg.norm(p1_w))
    v1, i1 = lax.top_k(s1.reshape(B, NPG), K1)
    rows = jnp.arange(B)[:, None]
    mask1 = jnp.zeros((B, NPG), bool).at[rows, i1].set(True).reshape(-1)
    hs1 = h1 * s1[:, None]
    g1 = hs1 * mask1[:, None].astype(jnp.float32)
    x1 = jnp.concatenate([
        jnp.where(mask1[:, None], hs1, -jnp.inf).reshape(B, NPG, 128).max(1),
        g1.reshape(B, NPG, 128).sum(1) / K1], axis=1)

    g1p = jnp.zeros((NPAD, 128), jnp.float32).at[:N0].set(g1)
    agg2 = _scatter128(src_g, dst_l, g1p, z)[:N0]
    h2 = jax.nn.relu(agg2 @ c2_rel_w.T + c2_rel_b + g1 @ c2_root_w.T)

    s2 = jnp.tanh((h2 @ p2_w) / jnp.linalg.norm(p2_w))
    s2_ranked = s2.reshape(B, NPG)[rows, i1]
    v2, i2r = lax.top_k(s2_ranked, K2)
    i2 = i1[rows, i2r]
    mask2 = jnp.zeros((B, NPG), bool).at[rows, i2].set(True).reshape(-1)
    hs2 = h2 * s2[:, None]
    g2 = hs2 * mask2[:, None].astype(jnp.float32)
    x2 = jnp.concatenate([
        jnp.where(mask2[:, None], hs2, -jnp.inf).reshape(B, NPG, 128).max(1),
        g2.reshape(B, NPG, 128).sum(1) / K2], axis=1)
    xg = x1 + x2

    return _tail(target, xg, cv_w, cv_b,
                 gru_wih_f, gru_whh_f, gru_bih_f, gru_bhh_f,
                 gru_wih_r, gru_whh_r, gru_bih_r, gru_bhh_r,
                 d1_w, d1_b, d3_w, d3_b)

# --- scband reference (transcript-rebuilt; emitter-appended) ---
"""Pipeline reference for scband-rna2vec-gcn-2layer-76922864271371 (READ-ONLY COPY).

The authoritative reference and input builder live on the scoring server;
editing this copy changes nothing except your own understanding.
"""

import jax, jax.numpy as jnp
import numpy as np

B = 50; N0 = 10000; NPG = 200; K1 = 160; K2 = 128; E = 160000; TLEN = 97


def setup_inputs(seed: int = 0) -> dict:
    key = jax.random.key(seed)
    ks = jax.random.split(key, 20)
    def gl(k, shape, fan_in):
        return jax.random.normal(k, shape, jnp.float32) / np.float32(np.sqrt(fan_in))
    inp = {}
    inp['x'] = jax.random.normal(ks[0], (N0, 4), jnp.float32)
    inp['edge_index'] = jax.random.randint(ks[1], (2, E), 0, N0)
    inp['batch'] = (jnp.arange(N0) // NPG).astype(jnp.int32)
    inp['target'] = jax.random.normal(ks[2], (B, 30, TLEN), jnp.float32)
    inp['c1_rel_w'] = gl(ks[3], (128, 4), 4); inp['c1_rel_b'] = jnp.zeros((128,), jnp.float32)
    inp['c1_root_w'] = gl(ks[4], (128, 4), 4)
    inp['p1_w'] = gl(ks[5], (128,), 128)
    inp['c2_rel_w'] = gl(ks[6], (128, 128), 128); inp['c2_rel_b'] = jnp.zeros((128,), jnp.float32)
    inp['c2_root_w'] = gl(ks[7], (128, 128), 128)
    inp['p2_w'] = gl(ks[8], (128,), 128)
    inp['cv_w'] = gl(ks[9], (128, 30, 3), 90); inp['cv_b'] = jnp.zeros((128,), jnp.float32)
    inp['gru_wih_f'] = gl(ks[10], (360, 128), 128); inp['gru_whh_f'] = gl(ks[11], (360, 120), 120)
    inp['gru_bih_f'] = jnp.zeros((360,), jnp.float32); inp['gru_bhh_f'] = jnp.zeros((360,), jnp.float32)
    inp['gru_wih_r'] = gl(ks[12], (360, 128), 128); inp['gru_whh_r'] = gl(ks[13], (360, 120), 120)
    inp['gru_bih_r'] = jnp.zeros((360,), jnp.float32); inp['gru_bhh_r'] = jnp.zeros((360,), jnp.float32)
    inp['d1_w'] = gl(ks[14], (102, 4816), 4816); inp['d1_b'] = jnp.zeros((102,), jnp.float32)
    inp['d3_w'] = gl(ks[15], (2, 102), 102); inp['d3_b'] = jnp.zeros((2,), jnp.float32)
    return inp


def graph_conv(x, src, dst, ev, Wrel, brel, Wroot):
    # PyG GraphConv: out = lin_rel(sum_{j->i} x_j) + lin_root(x_i)
    msg = x[src] * ev[:, None]
    agg = jnp.zeros((x.shape[0], x.shape[1]), x.dtype).at[dst].add(msg)
    return agg @ Wrel.T + brel + x @ Wroot.T


def topk_pool(x, src, dst, ev, pw, npg, k):
    # PyG TopKPooling: score = tanh(x.w/||w||); keep top-k per graph; x = x[perm]*score[perm]
    Bn = x.shape[0] // npg
    score = jnp.tanh((x @ pw) / jnp.linalg.norm(pw))
    vals, idx = jax.lax.top_k(score.reshape(Bn, npg), k)
    perm = (idx + jnp.arange(Bn)[:, None] * npg).reshape(-1)
    xn = x[perm] * vals.reshape(-1, 1)
    mask = jnp.zeros((x.shape[0],), bool).at[perm].set(True)
    newidx = jnp.zeros((x.shape[0],), jnp.int32).at[perm].set(jnp.arange(perm.shape[0], dtype=jnp.int32))
    evn = ev * mask[src].astype(x.dtype) * mask[dst].astype(x.dtype)
    src_n = jnp.where(mask[src], newidx[src], 0)
    dst_n = jnp.where(mask[dst], newidx[dst], 0)
    return xn, src_n, dst_n, evn


def gru_dir(xseq, Wih, Whh, bih, bhh, reverse):
    xs = jnp.transpose(xseq, (1, 0, 2))
    if reverse:
        xs = xs[::-1]
    gi = xs @ Wih.T + bih
    h0 = jnp.zeros((xseq.shape[0], 120), xseq.dtype)
    def step(h, g):
        gh = h @ Whh.T + bhh
        ir, iz, inn = jnp.split(g, 3, axis=-1)
        hr, hz, hn = jnp.split(gh, 3, axis=-1)
        r = jax.nn.sigmoid(ir + hr)
        z = jax.nn.sigmoid(iz + hz)
        n = jnp.tanh(inn + r * hn)
        hnew = (1 - z) * n + z * h
        return hnew, hnew
    _, hs = jax.lax.scan(step, h0, gi)
    if reverse:
        hs = hs[::-1]
    return jnp.transpose(hs, (1, 0, 2))


def reference(x, edge_index, batch, target, c1_rel_w, c1_rel_b, c1_root_w, p1_w, c2_rel_w, c2_rel_b, c2_root_w, p2_w, cv_w, cv_b, gru_wih_f, gru_whh_f, gru_bih_f, gru_bhh_f, gru_wih_r, gru_whh_r, gru_bih_r, gru_bhh_r, d1_w, d1_b, d3_w, d3_b):
    src, dst = edge_index[0], edge_index[1]
    ev = jnp.ones((src.shape[0],), x.dtype)
    h = jax.nn.relu(graph_conv(x, src, dst, ev, c1_rel_w, c1_rel_b, c1_root_w))
    h, src, dst, ev = topk_pool(h, src, dst, ev, p1_w, NPG, K1)
    hb = h.reshape(B, K1, 128)
    x1 = jnp.concatenate([hb.max(1), hb.mean(1)], axis=1)
    h = jax.nn.relu(graph_conv(h, src, dst, ev, c2_rel_w, c2_rel_b, c2_root_w))
    h, src, dst, ev = topk_pool(h, src, dst, ev, p2_w, K1, K2)
    hb = h.reshape(B, K2, 128)
    x2 = jnp.concatenate([hb.max(1), hb.mean(1)], axis=1)
    xg = x1 + x2
    xt = jax.lax.conv_general_dilated(target, cv_w, (1,), 'VALID', dimension_numbers=('NCH', 'OIH', 'NCH')) + cv_b[None, :, None]
    xt = jax.nn.relu(xt)               # [B,128,95]
    xt = xt.reshape(B, 128, 19, 5).mean(-1)  # avg_pool1d(5)
    xt = jnp.transpose(xt, (0, 2, 1))  # [B,19,128]; dropout is identity in eval
    of = gru_dir(xt, gru_wih_f, gru_whh_f, gru_bih_f, gru_bhh_f, False)
    orv = gru_dir(xt, gru_wih_r, gru_whh_r, gru_bih_r, gru_bhh_r, True)
    xt = jnp.concatenate([of, orv], axis=-1).reshape(B, -1)  # [B,4560]
    xc = jnp.concatenate([xg, xt], axis=1)  # [B,4816]
    xc = jax.nn.relu(xc @ d1_w.T + d1_b)
    logits = xc @ d3_w.T + d3_b
    return jax.nn.log_softmax(logits, axis=-1)

if __name__ == "__main__":
    import jax
    _d = setup_inputs()
    print(jax.jit(kernel)(*tuple(_d.values())))

</pallas_src>

<mosaic_0001>
#map = affine_map<(d0, d1) -> (0, 0, 0, 0)>
#map1 = affine_map<(d0, d1) -> (0, 0)>
module attributes {stable_mosaic.version = 14 : i64} {
  func.func @k(%arg0: i32, %arg1: i32, %arg2: memref<2x16x48x128xi32, #tpu.memory_space<hbm>>, %arg3: memref<2x16x48x128xi32, #tpu.memory_space<hbm>>, %arg4: memref<10240x128xf32, #tpu.memory_space<hbm>>, %arg5: memref<64x128xf32, #tpu.memory_space<hbm>>, %arg6: memref<10240x128xf32, #tpu.memory_space<hbm>>, %arg7: memref<48x128xi32, #tpu.memory_space<vmem>>, %arg8: memref<48x128xi32, #tpu.memory_space<vmem>>, %arg9: memref<4x128x128xf32, #tpu.memory_space<vmem>>, %arg10: memref<5128x128xf32, #tpu.memory_space<vmem_shared>>, %arg11: memref<!tpu.dma_semaphore, #tpu.memory_space<semaphore_mem>>, %arg12: memref<!tpu.dma_semaphore, #tpu.memory_space<semaphore_mem>>, %arg13: memref<!tpu.dma_semaphore, #tpu.memory_space<semaphore_mem>>, %arg14: memref<!tpu.dma_semaphore, #tpu.memory_space<semaphore_mem>>) attributes {dimension_semantics = [#tpu.dimension_semantics<core_parallel>, #tpu.dimension_semantics<subcore_parallel>], iteration_bounds = array<i64: 2, 16>, scalar_prefetch = 0 : i64, scratch_operands = 8 : i64, tpu.core_type = #tpu.core_type<sc_vector_subcore>, window_params = [{transform_indices = #map}, {transform_indices = #map}, {transform_indices = #map1}, {transform_indices = #map1}, {transform_indices = #map1}]} {
    %mul3A = arith.constant 320 : i32
    %mul3A_0 = arith.muli %arg1, %mul3A : i32
    "tpu.region"() ({
      %run_scoped3A = tpu.sem_alloc : memref<!tpu.dma_semaphore, #tpu.memory_space<semaphore_mem>>
      %dma_start3A_113 = arith.constant 0 : i32
      %dma_start3A_114 = arith.constant 0 : i32
      %dma_start3A_115 = tpu.memref_slice %arg2[%arg0, %arg1, %dma_start3A_113, %dma_start3A_114] : memref<2x16x48x128xi32, #tpu.memory_space<hbm>> -> memref<1x1x48x128xi32, #tpu.memory_space<hbm>>
      %dma_start3A_116 = tpu.memref_squeeze %dma_start3A_115 : memref<1x1x48x128xi32, #tpu.memory_space<hbm>> -> memref<48x128xi32, #tpu.memory_space<hbm>>
      %dma_start3A_117 = arith.constant 0 : i32
      %dma_start3A_118 = arith.constant 0 : i32
      %dma_start3A_119 = tpu.memref_slice %arg2[%arg0, %arg1, %dma_start3A_117, %dma_start3A_118] : memref<2x16x48x128xi32, #tpu.memory_space<hbm>> -> memref<1x1x48x128xi32, #tpu.memory_space<hbm>>
      %dma_start3A_120 = tpu.memref_squeeze %dma_start3A_119 : memref<1x1x48x128xi32, #tpu.memory_space<hbm>> -> memref<48x128xi32, #tpu.memory_space<hbm>>
      tpu.enqueue_dma source(%dma_start3A_120 : memref<48x128xi32, #tpu.memory_space<hbm>>) target(%arg7 : memref<48x128xi32, #tpu.memory_space<vmem>>) target_semaphore(%run_scoped3A : memref<!tpu.dma_semaphore, #tpu.memory_space<semaphore_mem>>)
      %dma_wait3A_121 = arith.constant 0 : i32
      %dma_wait3A_122 = arith.constant 0 : i32
      %dma_wait3A_123 = tpu.memref_slice %arg2[%arg0, %arg1, %dma_wait3A_121, %dma_wait3A_122] : memref<2x16x48x128xi32, #tpu.memory_space<hbm>> -> memref<1x1x48x128xi32, #tpu.memory_space<hbm>>
      %dma_wait3A_124 = tpu.memref_squeeze %dma_wait3A_123 : memref<1x1x48x128xi32, #tpu.memory_space<hbm>> -> memref<48x128xi32, #tpu.memory_space<hbm>>
      %dma_wait3A_125 = arith.constant 0 : i32
      %dma_wait3A_126 = arith.constant 0 : i32
      %dma_wait3A_127 = tpu.memref_slice %arg2[%arg0, %arg1, %dma_wait3A_125, %dma_wait3A_126] : memref<2x16x48x128xi32, #tpu.memory_space<hbm>> -> memref<1x1x48x128xi32, #tpu.memory_space<hbm>>
      %dma_wait3A_128 = tpu.memref_squeeze %dma_wait3A_127 : memref<1x1x48x128xi32, #tpu.memory_space<hbm>> -> memref<48x128xi32, #tpu.memory_space<hbm>>
      tpu.wait_dma2 semaphore(%run_scoped3A : memref<!tpu.dma_semaphore, #tpu.memory_space<semaphore_mem>>) src(%dma_wait3A_128 : memref<48x128xi32, #tpu.memory_space<hbm>>) dst(%arg7 : memref<48x128xi32, #tpu.memory_space<vmem>>)
      tpu.yield
    }) : () -> ()
    "tpu.region"() ({
      %run_scoped3A = tpu.sem_alloc : memref<!tpu.dma_semaphore, #tpu.memory_space<semaphore_mem>>
      %dma_start3A_113 = arith.constant 0 : i32
      %dma_start3A_114 = arith.constant 0 : i32
      %dma_start3A_115 = tpu.memref_slice %arg3[%arg0, %arg1, %dma_start3A_113, %dma_start3A_114] : memref<2x16x48x128xi32, #tpu.memory_space<hbm>> -> memref<1x1x48x128xi32, #tpu.memory_space<hbm>>
      %dma_start3A_116 = tpu.memref_squeeze %dma_start3A_115 : memref<1x1x48x128xi32, #tpu.memory_space<hbm>> -> memref<48x128xi32, #tpu.memory_space<hbm>>
      %dma_start3A_117 = arith.constant 0 : i32
      %dma_start3A_118 = arith.constant 0 : i32
      %dma_start3A_119 = tpu.memref_slice %arg3[%arg0, %arg1, %dma_start3A_117, %dma_start3A_118] : memref<2x16x48x128xi32, #tpu.memory_space<hbm>> -> memref<1x1x48x128xi32, #tpu.memory_space<hbm>>
      %dma_start3A_120 = tpu.memref_squeeze %dma_start3A_119 : memref<1x1x48x128xi32, #tpu.memory_space<hbm>> -> memref<48x128xi32, #tpu.memory_space<hbm>>
      tpu.enqueue_dma source(%dma_start3A_120 : memref<48x128xi32, #tpu.memory_space<hbm>>) target(%arg8 : memref<48x128xi32, #tpu.memory_space<vmem>>) target_semaphore(%run_scoped3A : memref<!tpu.dma_semaphore, #tpu.memory_space<semaphore_mem>>)
      %dma_wait3A_121 = arith.constant 0 : i32
      %dma_wait3A_122 = arith.constant 0 : i32
      %dma_wait3A_123 = tpu.memref_slice %arg3[%arg0, %arg1, %dma_wait3A_121, %dma_wait3A_122] : memref<2x16x48x128xi32, #tpu.memory_space<hbm>> -> memref<1x1x48x128xi32, #tpu.memory_space<hbm>>
      %dma_wait3A_124 = tpu.memref_squeeze %dma_wait3A_123 : memref<1x1x48x128xi32, #tpu.memory_space<hbm>> -> memref<48x128xi32, #tpu.memory_space<hbm>>
      %dma_wait3A_125 = arith.constant 0 : i32
      %dma_wait3A_126 = arith.constant 0 : i32
      %dma_wait3A_127 = tpu.memref_slice %arg3[%arg0, %arg1, %dma_wait3A_125, %dma_wait3A_126] : memref<2x16x48x128xi32, #tpu.memory_space<hbm>> -> memref<1x1x48x128xi32, #tpu.memory_space<hbm>>
      %dma_wait3A_128 = tpu.memref_squeeze %dma_wait3A_127 : memref<1x1x48x128xi32, #tpu.memory_space<hbm>> -> memref<48x128xi32, #tpu.memory_space<hbm>>
      tpu.wait_dma2 semaphore(%run_scoped3A : memref<!tpu.dma_semaphore, #tpu.memory_space<semaphore_mem>>) src(%dma_wait3A_128 : memref<48x128xi32, #tpu.memory_space<hbm>>) dst(%arg8 : memref<48x128xi32, #tpu.memory_space<vmem>>)
      tpu.yield
    }) : () -> ()
    %add3A = arith.constant 0 : i32
    %add3A_1 = arith.addi %mul3A_0, %add3A : i32
    "tpu.region"() ({
      %run_scoped3A = tpu.sem_alloc : memref<!tpu.dma_semaphore, #tpu.memory_space<semaphore_mem>>
      %dma_start3A_113 = arith.constant 0 : i32
      %dma_start3A_114 = tpu.memref_slice %arg10[%add3A_1, %dma_start3A_113] : memref<5128x128xf32, #tpu.memory_space<vmem_shared>> -> memref<64x128xf32, #tpu.memory_space<vmem_shared>>
      tpu.enqueue_dma source(%arg5 : memref<64x128xf32, #tpu.memory_space<hbm>>) target(%dma_start3A_114 : memref<64x128xf32, #tpu.memory_space<vmem_shared>>) target_semaphore(%run_scoped3A : memref<!tpu.dma_semaphore, #tpu.memory_space<semaphore_mem>>)
      %dma_wait3A_115 = arith.constant 0 : i32
      %dma_wait3A_116 = tpu.memref_slice %arg10[%add3A_1, %dma_wait3A_115] : memref<5128x128xf32, #tpu.memory_space<vmem_shared>> -> memref<64x128xf32, #tpu.memory_space<vmem_shared>>
      tpu.wait_dma2 semaphore(%run_scoped3A : memref<!tpu.dma_semaphore, #tpu.memory_space<semaphore_mem>>) src(%arg5 : memref<64x128xf32, #tpu.memory_space<hbm>>) dst(%dma_wait3A_116 : memref<64x128xf32, #tpu.memory_space<vmem_shared>>)
      tpu.yield
    }) : () -> ()
    %add3A_2 = arith.constant 64 : i32
    %add3A_3 = arith.addi %mul3A_0, %add3A_2 : i32
    "tpu.region"() ({
      %run_scoped3A = tpu.sem_alloc : memref<!tpu.dma_semaphore, #tpu.memory_space<semaphore_mem>>
      %dma_start3A_113 = arith.constant 0 : i32
      %dma_start3A_114 = tpu.memref_slice %arg10[%add3A_3, %dma_start3A_113] : memref<5128x128xf32, #tpu.memory_space<vmem_shared>> -> memref<64x128xf32, #tpu.memory_space<vmem_shared>>
      tpu.enqueue_dma source(%arg5 : memref<64x128xf32, #tpu.memory_space<hbm>>) target(%dma_start3A_114 : memref<64x128xf32, #tpu.memory_space<vmem_shared>>) target_semaphore(%run_scoped3A : memref<!tpu.dma_semaphore, #tpu.memory_space<semaphore_mem>>)
      %dma_wait3A_115 = arith.constant 0 : i32
      %dma_wait3A_116 = tpu.memref_slice %arg10[%add3A_3, %dma_wait3A_115] : memref<5128x128xf32, #tpu.memory_space<vmem_shared>> -> memref<64x128xf32, #tpu.memory_space<vmem_shared>>
      tpu.wait_dma2 semaphore(%run_scoped3A : memref<!tpu.dma_semaphore, #tpu.memory_space<semaphore_mem>>) src(%arg5 : memref<64x128xf32, #tpu.memory_space<hbm>>) dst(%dma_wait3A_116 : memref<64x128xf32, #tpu.memory_space<vmem_shared>>)
      tpu.yield
    }) : () -> ()
    %add3A_4 = arith.constant 128 : i32
    %add3A_5 = arith.addi %mul3A_0, %add3A_4 : i32
    "tpu.region"() ({
      %run_scoped3A = tpu.sem_alloc : memref<!tpu.dma_semaphore, #tpu.memory_space<semaphore_mem>>
      %dma_start3A_113 = arith.constant 0 : i32
      %dma_start3A_114 = tpu.memref_slice %arg10[%add3A_5, %dma_start3A_113] : memref<5128x128xf32, #tpu.memory_space<vmem_shared>> -> memref<64x128xf32, #tpu.memory_space<vmem_shared>>
      tpu.enqueue_dma source(%arg5 : memref<64x128xf32, #tpu.memory_space<hbm>>) target(%dma_start3A_114 : memref<64x128xf32, #tpu.memory_space<vmem_shared>>) target_semaphore(%run_scoped3A : memref<!tpu.dma_semaphore, #tpu.memory_space<semaphore_mem>>)
      %dma_wait3A_115 = arith.constant 0 : i32
      %dma_wait3A_116 = tpu.memref_slice %arg10[%add3A_5, %dma_wait3A_115] : memref<5128x128xf32, #tpu.memory_space<vmem_shared>> -> memref<64x128xf32, #tpu.memory_space<vmem_shared>>
      tpu.wait_dma2 semaphore(%run_scoped3A : memref<!tpu.dma_semaphore, #tpu.memory_space<semaphore_mem>>) src(%arg5 : memref<64x128xf32, #tpu.memory_space<hbm>>) dst(%dma_wait3A_116 : memref<64x128xf32, #tpu.memory_space<vmem_shared>>)
      tpu.yield
    }) : () -> ()
    %add3A_6 = arith.constant 192 : i32
    %add3A_7 = arith.addi %mul3A_0, %add3A_6 : i32
    "tpu.region"() ({
      %run_scoped3A = tpu.sem_alloc : memref<!tpu.dma_semaphore, #tpu.memory_space<semaphore_mem>>
      %dma_start3A_113 = arith.constant 0 : i32
      %dma_start3A_114 = tpu.memref_slice %arg10[%add3A_7, %dma_start3A_113] : memref<5128x128xf32, #tpu.memory_space<vmem_shared>> -> memref<64x128xf32, #tpu.memory_space<vmem_shared>>
      tpu.enqueue_dma source(%arg5 : memref<64x128xf32, #tpu.memory_space<hbm>>) target(%dma_start3A_114 : memref<64x128xf32, #tpu.memory_space<vmem_shared>>) target_semaphore(%run_scoped3A : memref<!tpu.dma_semaphore, #tpu.memory_space<semaphore_mem>>)
      %dma_wait3A_115 = arith.constant 0 : i32
      %dma_wait3A_116 = tpu.memref_slice %arg10[%add3A_7, %dma_wait3A_115] : memref<5128x128xf32, #tpu.memory_space<vmem_shared>> -> memref<64x128xf32, #tpu.memory_space<vmem_shared>>
      tpu.wait_dma2 semaphore(%run_scoped3A : memref<!tpu.dma_semaphore, #tpu.memory_space<semaphore_mem>>) src(%arg5 : memref<64x128xf32, #tpu.memory_space<hbm>>) dst(%dma_wait3A_116 : memref<64x128xf32, #tpu.memory_space<vmem_shared>>)
      tpu.yield
    }) : () -> ()
    %add3A_8 = arith.constant 256 : i32
    %add3A_9 = arith.addi %mul3A_0, %add3A_8 : i32
    "tpu.region"() ({
      %run_scoped3A = tpu.sem_alloc : memref<!tpu.dma_semaphore, #tpu.memory_space<semaphore_mem>>
      %dma_start3A_113 = arith.constant 0 : i32
      %dma_start3A_114 = tpu.memref_slice %arg10[%add3A_9, %dma_start3A_113] : memref<5128x128xf32, #tpu.memory_space<vmem_shared>> -> memref<64x128xf32, #tpu.memory_space<vmem_shared>>
      tpu.enqueue_dma source(%arg5 : memref<64x128xf32, #tpu.memory_space<hbm>>) target(%dma_start3A_114 : memref<64x128xf32, #tpu.memory_space<vmem_shared>>) target_semaphore(%run_scoped3A : memref<!tpu.dma_semaphore, #tpu.memory_space<semaphore_mem>>)
      %dma_wait3A_115 = arith.constant 0 : i32
      %dma_wait3A_116 = tpu.memref_slice %arg10[%add3A_9, %dma_wait3A_115] : memref<5128x128xf32, #tpu.memory_space<vmem_shared>> -> memref<64x128xf32, #tpu.memory_space<vmem_shared>>
      tpu.wait_dma2 semaphore(%run_scoped3A : memref<!tpu.dma_semaphore, #tpu.memory_space<semaphore_mem>>) src(%arg5 : memref<64x128xf32, #tpu.memory_space<hbm>>) dst(%dma_wait3A_116 : memref<64x128xf32, #tpu.memory_space<vmem_shared>>)
      tpu.yield
    }) : () -> ()
    %barrier3A = arith.constant 0 : index
    tpu.barrier barrier_id(%barrier3A)
    %dma_start3A = arith.constant 0 : i32
    %dma_start3A_10 = arith.constant 0 : i32
    %dma_start3A_11 = arith.constant 0 : i32
    %dma_start3A_12 = arith.constant 0 : i32
    %dma_start3A_13 = tpu.memref_slice %arg9[%dma_start3A_10, %dma_start3A_11, %dma_start3A_12] : memref<4x128x128xf32, #tpu.memory_space<vmem>> -> memref<1x128x128xf32, #tpu.memory_space<vmem>>
    %dma_start3A_14 = tpu.memref_squeeze %dma_start3A_13 : memref<1x128x128xf32, #tpu.memory_space<vmem>> -> memref<128x128xf32, #tpu.memory_space<vmem>>
    %dma_start3A_15 = arith.constant 0 : i32
    %dma_start3A_16 = tpu.memref_slice %arg7[%dma_start3A, %dma_start3A_15] : memref<48x128xi32, #tpu.memory_space<vmem>> -> memref<1x128xi32, #tpu.memory_space<vmem>>
    %dma_start3A_17 = tpu.memref_squeeze %dma_start3A_16 : memref<1x128xi32, #tpu.memory_space<vmem>> -> memref<128xi32, #tpu.memory_space<vmem>>
    %dma_start3A_18 = arith.constant 0 : i32
    %dma_start3A_19 = arith.constant 0 : i32
    %dma_start3A_20 = tpu.memref_slice %arg4[%dma_start3A_18, %dma_start3A_19] : memref<10240x128xf32, #tpu.memory_space<hbm>> -> memref<10240x128xf32, #tpu.memory_space<hbm>>
    tpu.enqueue_indirect_dma source(%dma_start3A_20 : memref<10240x128xf32, #tpu.memory_space<hbm>>) target(%dma_start3A_14 : memref<128x128xf32, #tpu.memory_space<vmem>>) offsets(%dma_start3A_17 : memref<128xi32, #tpu.memory_space<vmem>>) semaphore(%arg11 : memref<!tpu.dma_semaphore, #tpu.memory_space<semaphore_mem>>)
    %dma_start3A_21 = arith.constant 1 : i32
    %dma_start3A_22 = arith.constant 1 : i32
    %dma_start3A_23 = arith.constant 0 : i32
    %dma_start3A_24 = arith.constant 0 : i32
    %dma_start3A_25 = tpu.memref_slice %arg9[%dma_start3A_22, %dma_start3A_23, %dma_start3A_24] : memref<4x128x128xf32, #tpu.memory_space<vmem>> -> memref<1x128x128xf32, #tpu.memory_space<vmem>>
    %dma_start3A_26 = tpu.memref_squeeze %dma_start3A_25 : memref<1x128x128xf32, #tpu.memory_space<vmem>> -> memref<128x128xf32, #tpu.memory_space<vmem>>
    %dma_start3A_27 = arith.constant 0 : i32
    %dma_start3A_28 = tpu.memref_slice %arg7[%dma_start3A_21, %dma_start3A_27] : memref<48x128xi32, #tpu.memory_space<vmem>> -> memref<1x128xi32, #tpu.memory_space<vmem>>
    %dma_start3A_29 = tpu.memref_squeeze %dma_start3A_28 : memref<1x128xi32, #tpu.memory_space<vmem>> -> memref<128xi32, #tpu.memory_space<vmem>>
    %dma_start3A_30 = arith.constant 0 : i32
    %dma_start3A_31 = arith.constant 0 : i32
    %dma_start3A_32 = tpu.memref_slice %arg4[%dma_start3A_30, %dma_start3A_31] : memref<10240x128xf32, #tpu.memory_space<hbm>> -> memref<10240x128xf32, #tpu.memory_space<hbm>>
    tpu.enqueue_indirect_dma source(%dma_start3A_32 : memref<10240x128xf32, #tpu.memory_space<hbm>>) target(%dma_start3A_26 : memref<128x128xf32, #tpu.memory_space<vmem>>) offsets(%dma_start3A_29 : memref<128xi32, #tpu.memory_space<vmem>>) semaphore(%arg12 : memref<!tpu.dma_semaphore, #tpu.memory_space<semaphore_mem>>)
    %dma_start3A_33 = arith.constant 2 : i32
    %dma_start3A_34 = arith.constant 2 : i32
    %dma_start3A_35 = arith.constant 0 : i32
    %dma_start3A_36 = arith.constant 0 : i32
    %dma_start3A_37 = tpu.memref_slice %arg9[%dma_start3A_34, %dma_start3A_35, %dma_start3A_36] : memref<4x128x128xf32, #tpu.memory_space<vmem>> -> memref<1x128x128xf32, #tpu.memory_space<vmem>>
    %dma_start3A_38 = tpu.memref_squeeze %dma_start3A_37 : memref<1x128x128xf32, #tpu.memory_space<vmem>> -> memref<128x128xf32, #tpu.memory_space<vmem>>
    %dma_start3A_39 = arith.constant 0 : i32
    %dma_start3A_40 = tpu.memref_slice %arg7[%dma_start3A_33, %dma_start3A_39] : memref<48x128xi32, #tpu.memory_space<vmem>> -> memref<1x128xi32, #tpu.memory_space<vmem>>
    %dma_start3A_41 = tpu.memref_squeeze %dma_start3A_40 : memref<1x128xi32, #tpu.memory_space<vmem>> -> memref<128xi32, #tpu.memory_space<vmem>>
    %dma_start3A_42 = arith.constant 0 : i32
    %dma_start3A_43 = arith.constant 0 : i32
    %dma_start3A_44 = tpu.memref_slice %arg4[%dma_start3A_42, %dma_start3A_43] : memref<10240x128xf32, #tpu.memory_space<hbm>> -> memref<10240x128xf32, #tpu.memory_space<hbm>>
    tpu.enqueue_indirect_dma source(%dma_start3A_44 : memref<10240x128xf32, #tpu.memory_space<hbm>>) target(%dma_start3A_38 : memref<128x128xf32, #tpu.memory_space<vmem>>) offsets(%dma_start3A_41 : memref<128xi32, #tpu.memory_space<vmem>>) semaphore(%arg13 : memref<!tpu.dma_semaphore, #tpu.memory_space<semaphore_mem>>)
    %dma_start3A_45 = arith.constant 3 : i32
    %dma_start3A_46 = arith.constant 3 : i32
    %dma_start3A_47 = arith.constant 0 : i32
    %dma_start3A_48 = arith.constant 0 : i32
    %dma_start3A_49 = tpu.memref_slice %arg9[%dma_start3A_46, %dma_start3A_47, %dma_start3A_48] : memref<4x128x128xf32, #tpu.memory_space<vmem>> -> memref<1x128x128xf32, #tpu.memory_space<vmem>>
    %dma_start3A_50 = tpu.memref_squeeze %dma_start3A_49 : memref<1x128x128xf32, #tpu.memory_space<vmem>> -> memref<128x128xf32, #tpu.memory_space<vmem>>
    %dma_start3A_51 = arith.constant 0 : i32
    %dma_start3A_52 = tpu.memref_slice %arg7[%dma_start3A_45, %dma_start3A_51] : memref<48x128xi32, #tpu.memory_space<vmem>> -> memref<1x128xi32, #tpu.memory_space<vmem>>
    %dma_start3A_53 = tpu.memref_squeeze %dma_start3A_52 : memref<1x128xi32, #tpu.memory_space<vmem>> -> memref<128xi32, #tpu.memory_space<vmem>>
    %dma_start3A_54 = arith.constant 0 : i32
    %dma_start3A_55 = arith.constant 0 : i32
    %dma_start3A_56 = tpu.memref_slice %arg4[%dma_start3A_54, %dma_start3A_55] : memref<10240x128xf32, #tpu.memory_space<hbm>> -> memref<10240x128xf32, #tpu.memory_space<hbm>>
    tpu.enqueue_indirect_dma source(%dma_start3A_56 : memref<10240x128xf32, #tpu.memory_space<hbm>>) target(%dma_start3A_50 : memref<128x128xf32, #tpu.memory_space<vmem>>) offsets(%dma_start3A_53 : memref<128xi32, #tpu.memory_space<vmem>>) semaphore(%arg14 : memref<!tpu.dma_semaphore, #tpu.memory_space<semaphore_mem>>)
    %scan3A = arith.constant 0 : i32
    %scan3A_57 = arith.constant 0 : i32
    %scan3A_58 = arith.constant 12 : i32
    %scan3A_59 = arith.addi %scan3A_57, %scan3A_58 : i32
    %scan3A_60 = arith.constant 1 : i32
    scf.for %scan3A_113 = %scan3A_57 to %scan3A_59 step %scan3A_60  : i32 {
      %mul3A_114 = arith.constant 4 : i32
      %mul3A_115 = arith.muli %scan3A_113, %mul3A_114 : i32
      %add3A_116 = arith.constant 0 : i32
      %add3A_117 = arith.addi %mul3A_115, %add3A_116 : i32
      %dma_wait3A_118 = arith.constant 0 : i32
      %dma_wait3A_119 = arith.constant 0 : i32
      %dma_wait3A_120 = arith.constant 0 : i32
      %dma_wait3A_121 = tpu.memref_slice %arg9[%dma_wait3A_118, %dma_wait3A_119, %dma_wait3A_120] : memref<4x128x128xf32, #tpu.memory_space<vmem>> -> memref<1x128x128xf32, #tpu.memory_space<vmem>>
      %dma_wait3A_122 = tpu.memref_squeeze %dma_wait3A_121 : memref<1x128x128xf32, #tpu.memory_space<vmem>> -> memref<128x128xf32, #tpu.memory_space<vmem>>
      %dma_wait3A_123 = arith.constant 0 : i32
      %dma_wait3A_124 = tpu.memref_slice %arg7[%add3A_117, %dma_wait3A_123] : memref<48x128xi32, #tpu.memory_space<vmem>> -> memref<1x128xi32, #tpu.memory_space<vmem>>
      %dma_wait3A_125 = tpu.memref_squeeze %dma_wait3A_124 : memref<1x128xi32, #tpu.memory_space<vmem>> -> memref<128xi32, #tpu.memory_space<vmem>>
      %dma_wait3A_126 = arith.constant 0 : i32
      %dma_wait3A_127 = arith.constant 0 : i32
      %dma_wait3A_128 = tpu.memref_slice %arg4[%dma_wait3A_126, %dma_wait3A_127] : memref<10240x128xf32, #tpu.memory_space<hbm>> -> memref<10240x128xf32, #tpu.memory_space<hbm>>
      tpu.wait_indirect_dma semaphore(%arg11 : memref<!tpu.dma_semaphore, #tpu.memory_space<semaphore_mem>>) src(%dma_wait3A_128 : memref<10240x128xf32, #tpu.memory_space<hbm>>) dst(%dma_wait3A_122 : memref<128x128xf32, #tpu.memory_space<vmem>>)
      %run_scoped3A = arith.constant 0 : i32
      "tpu.region"() ({
        %run_scoped3A_230 = tpu.sem_alloc : memref<!tpu.dma_semaphore, #tpu.memory_space<semaphore_mem>>
        %dma_start3A_231 = arith.constant 0 : i32
        %dma_start3A_232 = arith.constant 0 : i32
        %dma_start3A_233 = tpu.memref_slice %arg9[%run_scoped3A, %dma_start3A_231, %dma_start3A_232] : memref<4x128x128xf32, #tpu.memory_space<vmem>> -> memref<1x128x128xf32, #tpu.memory_space<vmem>>
        %dma_start3A_234 = tpu.memref_squeeze %dma_start3A_233 : memref<1x128x128xf32, #tpu.memory_space<vmem>> -> memref<128x128xf32, #tpu.memory_space<vmem>>
        %dma_start3A_235 = arith.constant 0 : i32
        %dma_start3A_236 = tpu.memref_slice %arg8[%add3A_117, %dma_start3A_235] : memref<48x128xi32, #tpu.memory_space<vmem>> -> memref<1x128xi32, #tpu.memory_space<vmem>>
        %dma_start3A_237 = tpu.memref_squeeze %dma_start3A_236 : memref<1x128xi32, #tpu.memory_space<vmem>> -> memref<128xi32, #tpu.memory_space<vmem>>
        %dma_start3A_238 = arith.constant 0 : i32
        %dma_start3A_239 = arith.constant 0 : i32
        %dma_start3A_240 = tpu.memref_slice %arg10[%dma_start3A_238, %dma_start3A_239] : memref<5128x128xf32, #tpu.memory_space<vmem_shared>> -> memref<5128x128xf32, #tpu.memory_space<vmem_shared>>
        tpu.enqueue_indirect_dma source(%dma_start3A_234 : memref<128x128xf32, #tpu.memory_space<vmem>>) target(%dma_start3A_240 : memref<5128x128xf32, #tpu.memory_space<vmem_shared>>) offsets(%dma_start3A_237 : memref<128xi32, #tpu.memory_space<vmem>>) semaphore(%run_scoped3A_230 : memref<!tpu.dma_semaphore, #tpu.memory_space<semaphore_mem>>) {add = true}
        %dma_wait3A_241 = arith.constant 0 : i32
        %dma_wait3A_242 = arith.constant 0 : i32
        %dma_wait3A_243 = tpu.memref_slice %arg9[%run_scoped3A, %dma_wait3A_241, %dma_wait3A_242] : memref<4x128x128xf32, #tpu.memory_space<vmem>> -> memref<1x128x128xf32, #tpu.memory_space<vmem>>
        %dma_wait3A_244 = tpu.memref_squeeze %dma_wait3A_243 : memref<1x128x128xf32, #tpu.memory_space<vmem>> -> memref<128x128xf32, #tpu.memory_space<vmem>>
        %dma_wait3A_245 = arith.constant 0 : i32
        %dma_wait3A_246 = tpu.memref_slice %arg8[%add3A_117, %dma_wait3A_245] : memref<48x128xi32, #tpu.memory_space<vmem>> -> memref<1x128xi32, #tpu.memory_space<vmem>>
        %dma_wait3A_247 = tpu.memref_squeeze %dma_wait3A_246 : memref<1x128xi32, #tpu.memory_space<vmem>> -> memref<128xi32, #tpu.memory_space<vmem>>
        %dma_wait3A_248 = arith.constant 0 : i32
        %dma_wait3A_249 = arith.constant 0 : i32
        %dma_wait3A_250 = tpu.memref_slice %arg10[%dma_wait3A_248, %dma_wait3A_249] : memref<5128x128xf32, #tpu.memory_space<vmem_shared>> -> memref<5128x128xf32, #tpu.memory_space<vmem_shared>>
        tpu.wait_indirect_dma semaphore(%run_scoped3A_230 : memref<!tpu.dma_semaphore, #tpu.memory_space<semaphore_mem>>) src(%dma_wait3A_244 : memref<128x128xf32, #tpu.memory_space<vmem>>) dst(%dma_wait3A_250 : memref<5128x128xf32, #tpu.memory_space<vmem_shared>>)
        tpu.yield
      }) : () -> ()
      %add3A_129 = arith.constant 4 : i32
      %add3A_130 = arith.addi %add3A_117, %add3A_129 : i32
      %rem3A = arith.constant 48 : i32
      %rem3A_131 = arith.remsi %add3A_130, %rem3A : i32
      %dma_start3A_132 = arith.constant 0 : i32
      %dma_start3A_133 = arith.constant 0 : i32
      %dma_start3A_134 = arith.constant 0 : i32
      %dma_start3A_135 = tpu.memref_slice %arg9[%dma_start3A_132, %dma_start3A_133, %dma_start3A_134] : memref<4x128x128xf32, #tpu.memory_space<vmem>> -> memref<1x128x128xf32, #tpu.memory_space<vmem>>
      %dma_start3A_136 = tpu.memref_squeeze %dma_start3A_135 : memref<1x128x128xf32, #tpu.memory_space<vmem>> -> memref<128x128xf32, #tpu.memory_space<vmem>>
      %dma_start3A_137 = arith.constant 0 : i32
      %dma_start3A_138 = tpu.memref_slice %arg7[%rem3A_131, %dma_start3A_137] : memref<48x128xi32, #tpu.memory_space<vmem>> -> memref<1x128xi32, #tpu.memory_space<vmem>>
      %dma_start3A_139 = tpu.memref_squeeze %dma_start3A_138 : memref<1x128xi32, #tpu.memory_space<vmem>> -> memref<128xi32, #tpu.memory_space<vmem>>
      %dma_start3A_140 = arith.constant 0 : i32
      %dma_start3A_141 = arith.constant 0 : i32
      %dma_start3A_142 = tpu.memref_slice %arg4[%dma_start3A_140, %dma_start3A_141] : memref<10240x128xf32, #tpu.memory_space<hbm>> -> memref<10240x128xf32, #tpu.memory_space<hbm>>
      tpu.enqueue_indirect_dma source(%dma_start3A_142 : memref<10240x128xf32, #tpu.memory_space<hbm>>) target(%dma_start3A_136 : memref<128x128xf32, #tpu.memory_space<vmem>>) offsets(%dma_start3A_139 : memref<128xi32, #tpu.memory_space<vmem>>) semaphore(%arg11 : memref<!tpu.dma_semaphore, #tpu.memory_space<semaphore_mem>>)
      %add3A_143 = arith.constant 1 : i32
      %add3A_144 = arith.addi %mul3A_115, %add3A_143 : i32
      %dma_wait3A_145 = arith.constant 1 : i32
      %dma_wait3A_146 = arith.constant 0 : i32
      %dma_wait3A_147 = arith.constant 0 : i32
      %dma_wait3A_148 = tpu.memref_slice %arg9[%dma_wait3A_145, %dma_wait3A_146, %dma_wait3A_147] : memref<4x128x128xf32, #tpu.memory_space<vmem>> -> memref<1x128x128xf32, #tpu.memory_space<vmem>>
      %dma_wait3A_149 = tpu.memref_squeeze %dma_wait3A_148 : memref<1x128x128xf32, #tpu.memory_space<vmem>> -> memref<128x128xf32, #tpu.memory_space<vmem>>
      %dma_wait3A_150 = arith.constant 0 : i32
      %dma_wait3A_151 = tpu.memref_slice %arg7[%add3A_144, %dma_wait3A_150] : memref<48x128xi32, #tpu.memory_space<vmem>> -> memref<1x128xi32, #tpu.memory_space<vmem>>
      %dma_wait3A_152 = tpu.memref_squeeze %dma_wait3A_151 : memref<1x128xi32, #tpu.memory_space<vmem>> -> memref<128xi32, #tpu.memory_space<vmem>>
      %dma_wait3A_153 = arith.constant 0 : i32
      %dma_wait3A_154 = arith.constant 0 : i32
      %dma_wait3A_155 = tpu.memref_slice %arg4[%dma_wait3A_153, %dma_wait3A_154] : memref<10240x128xf32, #tpu.memory_space<hbm>> -> memref<10240x128xf32, #tpu.memory_space<hbm>>
      tpu.wait_indirect_dma semaphore(%arg12 : memref<!tpu.dma_semaphore, #tpu.memory_space<semaphore_mem>>) src(%dma_wait3A_155 : memref<10240x128xf32, #tpu.memory_space<hbm>>) dst(%dma_wait3A_149 : memref<128x128xf32, #tpu.memory_space<vmem>>)
      %run_scoped3A_156 = arith.constant 1 : i32
      "tpu.region"() ({
        %run_scoped3A_230 = tpu.sem_alloc : memref<!tpu.dma_semaphore, #tpu.memory_space<semaphore_mem>>
        %dma_start3A_231 = arith.constant 0 : i32
        %dma_start3A_232 = arith.constant 0 : i32
        %dma_start3A_233 = tpu.memref_slice %arg9[%run_scoped3A_156, %dma_start3A_231, %dma_start3A_232] : memref<4x128x128xf32, #tpu.memory_space<vmem>> -> memref<1x128x128xf32, #tpu.memory_space<vmem>>
        %dma_start3A_234 = tpu.memref_squeeze %dma_start3A_233 : memref<1x128x128xf32, #tpu.memory_space<vmem>> -> memref<128x128xf32, #tpu.memory_space<vmem>>
        %dma_start3A_235 = arith.constant 0 : i32
        %dma_start3A_236 = tpu.memref_slice %arg8[%add3A_144, %dma_start3A_235] : memref<48x128xi32, #tpu.memory_space<vmem>> -> memref<1x128xi32, #tpu.memory_space<vmem>>
        %dma_start3A_237 = tpu.memref_squeeze %dma_start3A_236 : memref<1x128xi32, #tpu.memory_space<vmem>> -> memref<128xi32, #tpu.memory_space<vmem>>
        %dma_start3A_238 = arith.constant 0 : i32
        %dma_start3A_239 = arith.constant 0 : i32
        %dma_start3A_240 = tpu.memref_slice %arg10[%dma_start3A_238, %dma_start3A_239] : memref<5128x128xf32, #tpu.memory_space<vmem_shared>> -> memref<5128x128xf32, #tpu.memory_space<vmem_shared>>
        tpu.enqueue_indirect_dma source(%dma_start3A_234 : memref<128x128xf32, #tpu.memory_space<vmem>>) target(%dma_start3A_240 : memref<5128x128xf32, #tpu.memory_space<vmem_shared>>) offsets(%dma_start3A_237 : memref<128xi32, #tpu.memory_space<vmem>>) semaphore(%run_scoped3A_230 : memref<!tpu.dma_semaphore, #tpu.memory_space<semaphore_mem>>) {add = true}
        %dma_wait3A_241 = arith.constant 0 : i32
        %dma_wait3A_242 = arith.constant 0 : i32
        %dma_wait3A_243 = tpu.memref_slice %arg9[%run_scoped3A_156, %dma_wait3A_241, %dma_wait3A_242] : memref<4x128x128xf32, #tpu.memory_space<vmem>> -> memref<1x128x128xf32, #tpu.memory_space<vmem>>
        %dma_wait3A_244 = tpu.memref_squeeze %dma_wait3A_243 : memref<1x128x128xf32, #tpu.memory_space<vmem>> -> memref<128x128xf32, #tpu.memory_space<vmem>>
        %dma_wait3A_245 = arith.constant 0 : i32
        %dma_wait3A_246 = tpu.memref_slice %arg8[%add3A_144, %dma_wait3A_245] : memref<48x128xi32, #tpu.memory_space<vmem>> -> memref<1x128xi32, #tpu.memory_space<vmem>>
        %dma_wait3A_247 = tpu.memref_squeeze %dma_wait3A_246 : memref<1x128xi32, #tpu.memory_space<vmem>> -> memref<128xi32, #tpu.memory_space<vmem>>
        %dma_wait3A_248 = arith.constant 0 : i32
        %dma_wait3A_249 = arith.constant 0 : i32
        %dma_wait3A_250 = tpu.memref_slice %arg10[%dma_wait3A_248, %dma_wait3A_249] : memref<5128x128xf32, #tpu.memory_space<vmem_shared>> -> memref<5128x128xf32, #tpu.memory_space<vmem_shared>>
        tpu.wait_indirect_dma semaphore(%run_scoped3A_230 : memref<!tpu.dma_semaphore, #tpu.memory_space<semaphore_mem>>) src(%dma_wait3A_244 : memref<128x128xf32, #tpu.memory_space<vmem>>) dst(%dma_wait3A_250 : memref<5128x128xf32, #tpu.memory_space<vmem_shared>>)
        tpu.yield
      }) : () -> ()
      %add3A_157 = arith.constant 4 : i32
      %add3A_158 = arith.addi %add3A_144, %add3A_157 : i32
      %rem3A_159 = arith.constant 48 : i32
      %rem3A_160 = arith.remsi %add3A_158, %rem3A_159 : i32
      %dma_start3A_161 = arith.constant 1 : i32
      %dma_start3A_162 = arith.constant 0 : i32
      %dma_start3A_163 = arith.constant 0 : i32
      %dma_start3A_164 = tpu.memref_slice %arg9[%dma_start3A_161, %dma_start3A_162, %dma_start3A_163] : memref<4x128x128xf32, #tpu.memory_space<vmem>> -> memref<1x128x128xf32, #tpu.memory_space<vmem>>
      %dma_start3A_165 = tpu.memref_squeeze %dma_start3A_164 : memref<1x128x128xf32, #tpu.memory_space<vmem>> -> memref<128x128xf32, #tpu.memory_space<vmem>>
      %dma_start3A_166 = arith.constant 0 : i32
      %dma_start3A_167 = tpu.memref_slice %arg7[%rem3A_160, %dma_start3A_166] : memref<48x128xi32, #tpu.memory_space<vmem>> -> memref<1x128xi32, #tpu.memory_space<vmem>>
      %dma_start3A_168 = tpu.memref_squeeze %dma_start3A_167 : memref<1x128xi32, #tpu.memory_space<vmem>> -> memref<128xi32, #tpu.memory_space<vmem>>
      %dma_start3A_169 = arith.constant 0 : i32
      %dma_start3A_170 = arith.constant 0 : i32
      %dma_start3A_171 = tpu.memref_slice %arg4[%dma_start3A_169, %dma_start3A_170] : memref<10240x128xf32, #tpu.memory_space<hbm>> -> memref<10240x128xf32, #tpu.memory_space<hbm>>
      tpu.enqueue_indirect_dma source(%dma_start3A_171 : memref<10240x128xf32, #tpu.memory_space<hbm>>) target(%dma_start3A_165 : memref<128x128xf32, #tpu.memory_space<vmem>>) offsets(%dma_start3A_168 : memref<128xi32, #tpu.memory_space<vmem>>) semaphore(%arg12 : memref<!tpu.dma_semaphore, #tpu.memory_space<semaphore_mem>>)
      %add3A_172 = arith.constant 2 : i32
      %add3A_173 = arith.addi %mul3A_115, %add3A_172 : i32
      %dma_wait3A_174 = arith.constant 2 : i32
      %dma_wait3A_175 = arith.constant 0 : i32
      %dma_wait3A_176 = arith.constant 0 : i32
      %dma_wait3A_177 = tpu.memref_slice %arg9[%dma_wait3A_174, %dma_wait3A_175, %dma_wait3A_176] : memref<4x128x128xf32, #tpu.memory_space<vmem>> -> memref<1x128x128xf32, #tpu.memory_space<vmem>>
      %dma_wait3A_178 = tpu.memref_squeeze %dma_wait3A_177 : memref<1x128x128xf32, #tpu.memory_space<vmem>> -> memref<128x128xf32, #tpu.memory_space<vmem>>
      %dma_wait3A_179 = arith.constant 0 : i32
      %dma_wait3A_180 = tpu.memref_slice %arg7[%add3A_173, %dma_wait3A_179] : memref<48x128xi32, #tpu.memory_space<vmem>> -> memref<1x128xi32, #tpu.memory_space<vmem>>
      %dma_wait3A_181 = tpu.memref_squeeze %dma_wait3A_180 : memref<1x128xi32, #tpu.memory_space<vmem>> -> memref<128xi32, #tpu.memory_space<vmem>>
      %dma_wait3A_182 = arith.constant 0 : i32
      %dma_wait3A_183 = arith.constant 0 : i32
      %dma_wait3A_184 = tpu.memref_slice %arg4[%dma_wait3A_182, %dma_wait3A_183] : memref<10240x128xf32, #tpu.memory_space<hbm>> -> memref<10240x128xf32, #tpu.memory_space<hbm>>
      tpu.wait_indirect_dma semaphore(%arg13 : memref<!tpu.dma_semaphore, #tpu.memory_space<semaphore_mem>>) src(%dma_wait3A_184 : memref<10240x128xf32, #tpu.memory_space<hbm>>) dst(%dma_wait3A_178 : memref<128x128xf32, #tpu.memory_space<vmem>>)
      %run_scoped3A_185 = arith.constant 2 : i32
      "tpu.region"() ({
        %run_scoped3A_230 = tpu.sem_alloc : memref<!tpu.dma_semaphore, #tpu.memory_space<semaphore_mem>>
        %dma_start3A_231 = arith.constant 0 : i32
        %dma_start3A_232 = arith.constant 0 : i32
        %dma_start3A_233 = tpu.memref_slice %arg9[%run_scoped3A_185, %dma_start3A_231, %dma_start3A_232] : memref<4x128x128xf32, #tpu.memory_space<vmem>> -> memref<1x128x128xf32, #tpu.memory_space<vmem>>
        %dma_start3A_234 = tpu.memref_squeeze %dma_start3A_233 : memref<1x128x128xf32, #tpu.memory_space<vmem>> -> memref<128x128xf32, #tpu.memory_space<vmem>>
        %dma_start3A_235 = arith.constant 0 : i32
        %dma_start3A_236 = tpu.memref_slice %arg8[%add3A_173, %dma_start3A_235] : memref<48x128xi32, #tpu.memory_space<vmem>> -> memref<1x128xi32, #tpu.memory_space<vmem>>
        %dma_start3A_237 = tpu.memref_squeeze %dma_start3A_236 : memref<1x128xi32, #tpu.memory_space<vmem>> -> memref<128xi32, #tpu.memory_space<vmem>>
        %dma_start3A_238 = arith.constant 0 : i32
        %dma_start3A_239 = arith.constant 0 : i32
        %dma_start3A_240 = tpu.memref_slice %arg10[%dma_start3A_238, %dma_start3A_239] : memref<5128x128xf32, #tpu.memory_space<vmem_shared>> -> memref<5128x128xf32, #tpu.memory_space<vmem_shared>>
        tpu.enqueue_indirect_dma source(%dma_start3A_234 : memref<128x128xf32, #tpu.memory_space<vmem>>) target(%dma_start3A_240 : memref<5128x128xf32, #tpu.memory_space<vmem_shared>>) offsets(%dma_start3A_237 : memref<128xi32, #tpu.memory_space<vmem>>) semaphore(%run_scoped3A_230 : memref<!tpu.dma_semaphore, #tpu.memory_space<semaphore_mem>>) {add = true}
        %dma_wait3A_241 = arith.constant 0 : i32
        %dma_wait3A_242 = arith.constant 0 : i32
        %dma_wait3A_243 = tpu.memref_slice %arg9[%run_scoped3A_185, %dma_wait3A_241, %dma_wait3A_242] : memref<4x128x128xf32, #tpu.memory_space<vmem>> -> memref<1x128x128xf32, #tpu.memory_space<vmem>>
        %dma_wait3A_244 = tpu.memref_squeeze %dma_wait3A_243 : memref<1x128x128xf32, #tpu.memory_space<vmem>> -> memref<128x128xf32, #tpu.memory_space<vmem>>
        %dma_wait3A_245 = arith.constant 0 : i32
        %dma_wait3A_246 = tpu.memref_slice %arg8[%add3A_173, %dma_wait3A_245] : memref<48x128xi32, #tpu.memory_space<vmem>> -> memref<1x128xi32, #tpu.memory_space<vmem>>
        %dma_wait3A_247 = tpu.memref_squeeze %dma_wait3A_246 : memref<1x128xi32, #tpu.memory_space<vmem>> -> memref<128xi32, #tpu.memory_space<vmem>>
        %dma_wait3A_248 = arith.constant 0 : i32
        %dma_wait3A_249 = arith.constant 0 : i32
        %dma_wait3A_250 = tpu.memref_slice %arg10[%dma_wait3A_248, %dma_wait3A_249] : memref<5128x128xf32, #tpu.memory_space<vmem_shared>> -> memref<5128x128xf32, #tpu.memory_space<vmem_shared>>
        tpu.wait_indirect_dma semaphore(%run_scoped3A_230 : memref<!tpu.dma_semaphore, #tpu.memory_space<semaphore_mem>>) src(%dma_wait3A_244 : memref<128x128xf32, #tpu.memory_space<vmem>>) dst(%dma_wait3A_250 : memref<5128x128xf32, #tpu.memory_space<vmem_shared>>)
        tpu.yield
      }) : () -> ()
      %add3A_186 = arith.constant 4 : i32
      %add3A_187 = arith.addi %add3A_173, %add3A_186 : i32
      %rem3A_188 = arith.constant 48 : i32
      %rem3A_189 = arith.remsi %add3A_187, %rem3A_188 : i32
      %dma_start3A_190 = arith.constant 2 : i32
      %dma_start3A_191 = arith.constant 0 : i32
      %dma_start3A_192 = arith.constant 0 : i32
      %dma_start3A_193 = tpu.memref_slice %arg9[%dma_start3A_190, %dma_start3A_191, %dma_start3A_192] : memref<4x128x128xf32, #tpu.memory_space<vmem>> -> memref<1x128x128xf32, #tpu.memory_space<vmem>>
      %dma_start3A_194 = tpu.memref_squeeze %dma_start3A_193 : memref<1x128x128xf32, #tpu.memory_space<vmem>> -> memref<128x128xf32, #tpu.memory_space<vmem>>
      %dma_start3A_195 = arith.constant 0 : i32
      %dma_start3A_196 = tpu.memref_slice %arg7[%rem3A_189, %dma_start3A_195] : memref<48x128xi32, #tpu.memory_space<vmem>> -> memref<1x128xi32, #tpu.memory_space<vmem>>
      %dma_start3A_197 = tpu.memref_squeeze %dma_start3A_196 : memref<1x128xi32, #tpu.memory_space<vmem>> -> memref<128xi32, #tpu.memory_space<vmem>>
      %dma_start3A_198 = arith.constant 0 : i32
      %dma_start3A_199 = arith.constant 0 : i32
      %dma_start3A_200 = tpu.memref_slice %arg4[%dma_start3A_198, %dma_start3A_199] : memref<10240x128xf32, #tpu.memory_space<hbm>> -> memref<10240x128xf32, #tpu.memory_space<hbm>>
      tpu.enqueue_indirect_dma source(%dma_start3A_200 : memref<10240x128xf32, #tpu.memory_space<hbm>>) target(%dma_start3A_194 : memref<128x128xf32, #tpu.memory_space<vmem>>) offsets(%dma_start3A_197 : memref<128xi32, #tpu.memory_space<vmem>>) semaphore(%arg13 : memref<!tpu.dma_semaphore, #tpu.memory_space<semaphore_mem>>)
      %add3A_201 = arith.constant 3 : i32
      %add3A_202 = arith.addi %mul3A_115, %add3A_201 : i32
      %dma_wait3A_203 = arith.constant 3 : i32
      %dma_wait3A_204 = arith.constant 0 : i32
      %dma_wait3A_205 = arith.constant 0 : i32
      %dma_wait3A_206 = tpu.memref_slice %arg9[%dma_wait3A_203, %dma_wait3A_204, %dma_wait3A_205] : memref<4x128x128xf32, #tpu.memory_space<vmem>> -> memref<1x128x128xf32, #tpu.memory_space<vmem>>
      %dma_wait3A_207 = tpu.memref_squeeze %dma_wait3A_206 : memref<1x128x128xf32, #tpu.memory_space<vmem>> -> memref<128x128xf32, #tpu.memory_space<vmem>>
      %dma_wait3A_208 = arith.constant 0 : i32
      %dma_wait3A_209 = tpu.memref_slice %arg7[%add3A_202, %dma_wait3A_208] : memref<48x128xi32, #tpu.memory_space<vmem>> -> memref<1x128xi32, #tpu.memory_space<vmem>>
      %dma_wait3A_210 = tpu.memref_squeeze %dma_wait3A_209 : memref<1x128xi32, #tpu.memory_space<vmem>> -> memref<128xi32, #tpu.memory_space<vmem>>
      %dma_wait3A_211 = arith.constant 0 : i32
      %dma_wait3A_212 = arith.constant 0 : i32
      %dma_wait3A_213 = tpu.memref_slice %arg4[%dma_wait3A_211, %dma_wait3A_212] : memref<10240x128xf32, #tpu.memory_space<hbm>> -> memref<10240x128xf32, #tpu.memory_space<hbm>>
      tpu.wait_indirect_dma semaphore(%arg14 : memref<!tpu.dma_semaphore, #tpu.memory_space<semaphore_mem>>) src(%dma_wait3A_213 : memref<10240x128xf32, #tpu.memory_space<hbm>>) dst(%dma_wait3A_207 : memref<128x128xf32, #tpu.memory_space<vmem>>)
      %run_scoped3A_214 = arith.constant 3 : i32
      "tpu.region"() ({
        %run_scoped3A_230 = tpu.sem_alloc : memref<!tpu.dma_semaphore, #tpu.memory_space<semaphore_mem>>
        %dma_start3A_231 = arith.constant 0 : i32
        %dma_start3A_232 = arith.constant 0 : i32
        %dma_start3A_233 = tpu.memref_slice %arg9[%run_scoped3A_214, %dma_start3A_231, %dma_start3A_232] : memref<4x128x128xf32, #tpu.memory_space<vmem>> -> memref<1x128x128xf32, #tpu.memory_space<vmem>>
        %dma_start3A_234 = tpu.memref_squeeze %dma_start3A_233 : memref<1x128x128xf32, #tpu.memory_space<vmem>> -> memref<128x128xf32, #tpu.memory_space<vmem>>
        %dma_start3A_235 = arith.constant 0 : i32
        %dma_start3A_236 = tpu.memref_slice %arg8[%add3A_202, %dma_start3A_235] : memref<48x128xi32, #tpu.memory_space<vmem>> -> memref<1x128xi32, #tpu.memory_space<vmem>>
        %dma_start3A_237 = tpu.memref_squeeze %dma_start3A_236 : memref<1x128xi32, #tpu.memory_space<vmem>> -> memref<128xi32, #tpu.memory_space<vmem>>
        %dma_start3A_238 = arith.constant 0 : i32
        %dma_start3A_239 = arith.constant 0 : i32
        %dma_start3A_240 = tpu.memref_slice %arg10[%dma_start3A_238, %dma_start3A_239] : memref<5128x128xf32, #tpu.memory_space<vmem_shared>> -> memref<5128x128xf32, #tpu.memory_space<vmem_shared>>
        tpu.enqueue_indirect_dma source(%dma_start3A_234 : memref<128x128xf32, #tpu.memory_space<vmem>>) target(%dma_start3A_240 : memref<5128x128xf32, #tpu.memory_space<vmem_shared>>) offsets(%dma_start3A_237 : memref<128xi32, #tpu.memory_space<vmem>>) semaphore(%run_scoped3A_230 : memref<!tpu.dma_semaphore, #tpu.memory_space<semaphore_mem>>) {add = true}
        %dma_wait3A_241 = arith.constant 0 : i32
        %dma_wait3A_242 = arith.constant 0 : i32
        %dma_wait3A_243 = tpu.memref_slice %arg9[%run_scoped3A_214, %dma_wait3A_241, %dma_wait3A_242] : memref<4x128x128xf32, #tpu.memory_space<vmem>> -> memref<1x128x128xf32, #tpu.memory_space<vmem>>
        %dma_wait3A_244 = tpu.memref_squeeze %dma_wait3A_243 : memref<1x128x128xf32, #tpu.memory_space<vmem>> -> memref<128x128xf32, #tpu.memory_space<vmem>>
        %dma_wait3A_245 = arith.constant 0 : i32
        %dma_wait3A_246 = tpu.memref_slice %arg8[%add3A_202, %dma_wait3A_245] : memref<48x128xi32, #tpu.memory_space<vmem>> -> memref<1x128xi32, #tpu.memory_space<vmem>>
        %dma_wait3A_247 = tpu.memref_squeeze %dma_wait3A_246 : memref<1x128xi32, #tpu.memory_space<vmem>> -> memref<128xi32, #tpu.memory_space<vmem>>
        %dma_wait3A_248 = arith.constant 0 : i32
        %dma_wait3A_249 = arith.constant 0 : i32
        %dma_wait3A_250 = tpu.memref_slice %arg10[%dma_wait3A_248, %dma_wait3A_249] : memref<5128x128xf32, #tpu.memory_space<vmem_shared>> -> memref<5128x128xf32, #tpu.memory_space<vmem_shared>>
        tpu.wait_indirect_dma semaphore(%run_scoped3A_230 : memref<!tpu.dma_semaphore, #tpu.memory_space<semaphore_mem>>) src(%dma_wait3A_244 : memref<128x128xf32, #tpu.memory_space<vmem>>) dst(%dma_wait3A_250 : memref<5128x128xf32, #tpu.memory_space<vmem_shared>>)
        tpu.yield
      }) : () -> ()
      %add3A_215 = arith.constant 4 : i32
      %add3A_216 = arith.addi %add3A_202, %add3A_215 : i32
      %rem3A_217 = arith.constant 48 : i32
      %rem3A_218 = arith.remsi %add3A_216, %rem3A_217 : i32
      %dma_start3A_219 = arith.constant 3 : i32
      %dma_start3A_220 = arith.constant 0 : i32
      %dma_start3A_221 = arith.constant 0 : i32
      %dma_start3A_222 = tpu.memref_slice %arg9[%dma_start3A_219, %dma_start3A_220, %dma_start3A_221] : memref<4x128x128xf32, #tpu.memory_space<vmem>> -> memref<1x128x128xf32, #tpu.memory_space<vmem>>
      %dma_start3A_223 = tpu.memref_squeeze %dma_start3A_222 : memref<1x128x128xf32, #tpu.memory_space<vmem>> -> memref<128x128xf32, #tpu.memory_space<vmem>>
      %dma_start3A_224 = arith.constant 0 : i32
      %dma_start3A_225 = tpu.memref_slice %arg7[%rem3A_218, %dma_start3A_224] : memref<48x128xi32, #tpu.memory_space<vmem>> -> memref<1x128xi32, #tpu.memory_space<vmem>>
      %dma_start3A_226 = tpu.memref_squeeze %dma_start3A_225 : memref<1x128xi32, #tpu.memory_space<vmem>> -> memref<128xi32, #tpu.memory_space<vmem>>
      %dma_start3A_227 = arith.constant 0 : i32
      %dma_start3A_228 = arith.constant 0 : i32
      %dma_start3A_229 = tpu.memref_slice %arg4[%dma_start3A_227, %dma_start3A_228] : memref<10240x128xf32, #tpu.memory_space<hbm>> -> memref<10240x128xf32, #tpu.memory_space<hbm>>
      tpu.enqueue_indirect_dma source(%dma_start3A_229 : memref<10240x128xf32, #tpu.memory_space<hbm>>) target(%dma_start3A_223 : memref<128x128xf32, #tpu.memory_space<vmem>>) offsets(%dma_start3A_226 : memref<128xi32, #tpu.memory_space<vmem>>) semaphore(%arg14 : memref<!tpu.dma_semaphore, #tpu.memory_space<semaphore_mem>>)
    }
    %scan3A_61 = arith.constant 12 : i32
    %dma_wait3A = arith.constant 0 : i32
    %dma_wait3A_62 = arith.constant 0 : i32
    %dma_wait3A_63 = arith.constant 0 : i32
    %dma_wait3A_64 = arith.constant 0 : i32
    %dma_wait3A_65 = tpu.memref_slice %arg9[%dma_wait3A_62, %dma_wait3A_63, %dma_wait3A_64] : memref<4x128x128xf32, #tpu.memory_space<vmem>> -> memref<1x128x128xf32, #tpu.memory_space<vmem>>
    %dma_wait3A_66 = tpu.memref_squeeze %dma_wait3A_65 : memref<1x128x128xf32, #tpu.memory_space<vmem>> -> memref<128x128xf32, #tpu.memory_space<vmem>>
    %dma_wait3A_67 = arith.constant 0 : i32
    %dma_wait3A_68 = tpu.memref_slice %arg7[%dma_wait3A, %dma_wait3A_67] : memref<48x128xi32, #tpu.memory_space<vmem>> -> memref<1x128xi32, #tpu.memory_space<vmem>>
    %dma_wait3A_69 = tpu.memref_squeeze %dma_wait3A_68 : memref<1x128xi32, #tpu.memory_space<vmem>> -> memref<128xi32, #tpu.memory_space<vmem>>
    %dma_wait3A_70 = arith.constant 0 : i32
    %dma_wait3A_71 = arith.constant 0 : i32
    %dma_wait3A_72 = tpu.memref_slice %arg4[%dma_wait3A_70, %dma_wait3A_71] : memref<10240x128xf32, #tpu.memory_space<hbm>> -> memref<10240x128xf32, #tpu.memory_space<hbm>>
    tpu.wait_indirect_dma semaphore(%arg11 : memref<!tpu.dma_semaphore, #tpu.memory_space<semaphore_mem>>) src(%dma_wait3A_72 : memref<10240x128xf32, #tpu.memory_space<hbm>>) dst(%dma_wait3A_66 : memref<128x128xf32, #tpu.memory_space<vmem>>)
    %dma_wait3A_73 = arith.constant 1 : i32
    %dma_wait3A_74 = arith.constant 1 : i32
    %dma_wait3A_75 = arith.constant 0 : i32
    %dma_wait3A_76 = arith.constant 0 : i32
    %dma_wait3A_77 = tpu.memref_slice %arg9[%dma_wait3A_74, %dma_wait3A_75, %dma_wait3A_76] : memref<4x128x128xf32, #tpu.memory_space<vmem>> -> memref<1x128x128xf32, #tpu.memory_space<vmem>>
    %dma_wait3A_78 = tpu.memref_squeeze %dma_wait3A_77 : memref<1x128x128xf32, #tpu.memory_space<vmem>> -> memref<128x128xf32, #tpu.memory_space<vmem>>
    %dma_wait3A_79 = arith.constant 0 : i32
    %dma_wait3A_80 = tpu.memref_slice %arg7[%dma_wait3A_73, %dma_wait3A_79] : memref<48x128xi32, #tpu.memory_space<vmem>> -> memref<1x128xi32, #tpu.memory_space<vmem>>
    %dma_wait3A_81 = tpu.memref_squeeze %dma_wait3A_80 : memref<1x128xi32, #tpu.memory_space<vmem>> -> memref<128xi32, #tpu.memory_space<vmem>>
    %dma_wait3A_82 = arith.constant 0 : i32
    %dma_wait3A_83 = arith.constant 0 : i32
    %dma_wait3A_84 = tpu.memref_slice %arg4[%dma_wait3A_82, %dma_wait3A_83] : memref<10240x128xf32, #tpu.memory_space<hbm>> -> memref<10240x128xf32, #tpu.memory_space<hbm>>
    tpu.wait_indirect_dma semaphore(%arg12 : memref<!tpu.dma_semaphore, #tpu.memory_space<semaphore_mem>>) src(%dma_wait3A_84 : memref<10240x128xf32, #tpu.memory_space<hbm>>) dst(%dma_wait3A_78 : memref<128x128xf32, #tpu.memory_space<vmem>>)
    %dma_wait3A_85 = arith.constant 2 : i32
    %dma_wait3A_86 = arith.constant 2 : i32
    %dma_wait3A_87 = arith.constant 0 : i32
    %dma_wait3A_88 = arith.constant 0 : i32
    %dma_wait3A_89 = tpu.memref_slice %arg9[%dma_wait3A_86, %dma_wait3A_87, %dma_wait3A_88] : memref<4x128x128xf32, #tpu.memory_space<vmem>> -> memref<1x128x128xf32, #tpu.memory_space<vmem>>
    %dma_wait3A_90 = tpu.memref_squeeze %dma_wait3A_89 : memref<1x128x128xf32, #tpu.memory_space<vmem>> -> memref<128x128xf32, #tpu.memory_space<vmem>>
    %dma_wait3A_91 = arith.constant 0 : i32
    %dma_wait3A_92 = tpu.memref_slice %arg7[%dma_wait3A_85, %dma_wait3A_91] : memref<48x128xi32, #tpu.memory_space<vmem>> -> memref<1x128xi32, #tpu.memory_space<vmem>>
    %dma_wait3A_93 = tpu.memref_squeeze %dma_wait3A_92 : memref<1x128xi32, #tpu.memory_space<vmem>> -> memref<128xi32, #tpu.memory_space<vmem>>
    %dma_wait3A_94 = arith.constant 0 : i32
    %dma_wait3A_95 = arith.constant 0 : i32
    %dma_wait3A_96 = tpu.memref_slice %arg4[%dma_wait3A_94, %dma_wait3A_95] : memref<10240x128xf32, #tpu.memory_space<hbm>> -> memref<10240x128xf32, #tpu.memory_space<hbm>>
    tpu.wait_indirect_dma semaphore(%arg13 : memref<!tpu.dma_semaphore, #tpu.memory_space<semaphore_mem>>) src(%dma_wait3A_96 : memref<10240x128xf32, #tpu.memory_space<hbm>>) dst(%dma_wait3A_90 : memref<128x128xf32, #tpu.memory_space<vmem>>)
    %dma_wait3A_97 = arith.constant 3 : i32
    %dma_wait3A_98 = arith.constant 3 : i32
    %dma_wait3A_99 = arith.constant 0 : i32
    %dma_wait3A_100 = arith.constant 0 : i32
    %dma_wait3A_101 = tpu.memref_slice %arg9[%dma_wait3A_98, %dma_wait3A_99, %dma_wait3A_100] : memref<4x128x128xf32, #tpu.memory_space<vmem>> -> memref<1x128x128xf32, #tpu.memory_space<vmem>>
    %dma_wait3A_102 = tpu.memref_squeeze %dma_wait3A_101 : memref<1x128x128xf32, #tpu.memory_space<vmem>> -> memref<128x128xf32, #tpu.memory_space<vmem>>
    %dma_wait3A_103 = arith.constant 0 : i32
    %dma_wait3A_104 = tpu.memref_slice %arg7[%dma_wait3A_97, %dma_wait3A_103] : memref<48x128xi32, #tpu.memory_space<vmem>> -> memref<1x128xi32, #tpu.memory_space<vmem>>
    %dma_wait3A_105 = tpu.memref_squeeze %dma_wait3A_104 : memref<1x128xi32, #tpu.memory_space<vmem>> -> memref<128xi32, #tpu.memory_space<vmem>>
    %dma_wait3A_106 = arith.constant 0 : i32
    %dma_wait3A_107 = arith.constant 0 : i32
    %dma_wait3A_108 = tpu.memref_slice %arg4[%dma_wait3A_106, %dma_wait3A_107] : memref<10240x128xf32, #tpu.memory_space<hbm>> -> memref<10240x128xf32, #tpu.memory_space<hbm>>
    tpu.wait_indirect_dma semaphore(%arg14 : memref<!tpu.dma_semaphore, #tpu.memory_space<semaphore_mem>>) src(%dma_wait3A_108 : memref<10240x128xf32, #tpu.memory_space<hbm>>) dst(%dma_wait3A_102 : memref<128x128xf32, #tpu.memory_space<vmem>>)
    %barrier3A_109 = arith.constant 0 : index
    tpu.barrier barrier_id(%barrier3A_109)
    %mul3A_110 = arith.constant 5120 : i32
    %mul3A_111 = arith.muli %arg0, %mul3A_110 : i32
    %add3A_112 = arith.addi %mul3A_111, %mul3A_0 : i32
    "tpu.region"() ({
      %run_scoped3A = tpu.sem_alloc : memref<!tpu.dma_semaphore, #tpu.memory_space<semaphore_mem>>
      %dma_start3A_113 = arith.constant 0 : i32
      %dma_start3A_114 = tpu.memref_slice %arg6[%add3A_112, %dma_start3A_113] : memref<10240x128xf32, #tpu.memory_space<hbm>> -> memref<320x128xf32, #tpu.memory_space<hbm>>
      %dma_start3A_115 = arith.constant 0 : i32
      %dma_start3A_116 = tpu.memref_slice %arg10[%mul3A_0, %dma_start3A_115] : memref<5128x128xf32, #tpu.memory_space<vmem_shared>> -> memref<320x128xf32, #tpu.memory_space<vmem_shared>>
      tpu.enqueue_dma source(%dma_start3A_116 : memref<320x128xf32, #tpu.memory_space<vmem_shared>>) target(%dma_start3A_114 : memref<320x128xf32, #tpu.memory_space<hbm>>) target_semaphore(%run_scoped3A : memref<!tpu.dma_semaphore, #tpu.memory_space<semaphore_mem>>)
      %dma_wait3A_117 = arith.constant 0 : i32
      %dma_wait3A_118 = tpu.memref_slice %arg6[%add3A_112, %dma_wait3A_117] : memref<10240x128xf32, #tpu.memory_space<hbm>> -> memref<320x128xf32, #tpu.memory_space<hbm>>
      %dma_wait3A_119 = arith.constant 0 : i32
      %dma_wait3A_120 = tpu.memref_slice %arg10[%mul3A_0, %dma_wait3A_119] : memref<5128x128xf32, #tpu.memory_space<vmem_shared>> -> memref<320x128xf32, #tpu.memory_space<vmem_shared>>
      tpu.wait_dma2 semaphore(%run_scoped3A : memref<!tpu.dma_semaphore, #tpu.memory_space<semaphore_mem>>) src(%dma_wait3A_120 : memref<320x128xf32, #tpu.memory_space<vmem_shared>>) dst(%dma_wait3A_118 : memref<320x128xf32, #tpu.memory_space<hbm>>)
      tpu.yield
    }) : () -> ()
    return
  }
}

#map = affine_map<(d0, d1) -> (0, 0, 0, 0)>
#map1 = affine_map<(d0, d1) -> (0, 0)>
module attributes {stable_mosaic.version = 14 : i64} {
  func.func @k(%arg0: i32, %arg1: i32, %arg2: memref<2x16x48x128xi32, #tpu.memory_space<hbm>>, %arg3: memref<2x16x48x128xi32, #tpu.memory_space<hbm>>, %arg4: memref<10240x128xf32, #tpu.memory_space<hbm>>, %arg5: memref<64x128xf32, #tpu.memory_space<hbm>>, %arg6: memref<10240x128xf32, #tpu.memory_space<hbm>>, %arg7: memref<48x128xi32, #tpu.memory_space<vmem>>, %arg8: memref<48x128xi32, #tpu.memory_space<vmem>>, %arg9: memref<4x128x128xf32, #tpu.memory_space<vmem>>, %arg10: memref<5128x128xf32, #tpu.memory_space<vmem_shared>>, %arg11: memref<!tpu.dma_semaphore, #tpu.memory_space<semaphore_mem>>, %arg12: memref<!tpu.dma_semaphore, #tpu.memory_space<semaphore_mem>>, %arg13: memref<!tpu.dma_semaphore, #tpu.memory_space<semaphore_mem>>, %arg14: memref<!tpu.dma_semaphore, #tpu.memory_space<semaphore_mem>>) attributes {dimension_semantics = [#tpu.dimension_semantics<core_parallel>, #tpu.dimension_semantics<subcore_parallel>], iteration_bounds = array<i64: 2, 16>, scalar_prefetch = 0 : i64, scratch_operands = 8 : i64, tpu.core_type = #tpu.core_type<sc_vector_subcore>, window_params = [{transform_indices = #map}, {transform_indices = #map}, {transform_indices = #map1}, {transform_indices = #map1}, {transform_indices = #map1}]} {
    %mul3A = arith.constant 320 : i32
    %mul3A_0 = arith.muli %arg1, %mul3A : i32
    "tpu.region"() ({
      %run_scoped3A = tpu.sem_alloc : memref<!tpu.dma_semaphore, #tpu.memory_space<semaphore_mem>>
      %dma_start3A_113 = arith.constant 0 : i32
      %dma_start3A_114 = arith.constant 0 : i32
      %dma_start3A_115 = tpu.memref_slice %arg2[%arg0, %arg1, %dma_start3A_113, %dma_start3A_114] : memref<2x16x48x128xi32, #tpu.memory_space<hbm>> -> memref<1x1x48x128xi32, #tpu.memory_space<hbm>>
      %dma_start3A_116 = tpu.memref_squeeze %dma_start3A_115 : memref<1x1x48x128xi32, #tpu.memory_space<hbm>> -> memref<48x128xi32, #tpu.memory_space<hbm>>
      %dma_start3A_117 = arith.constant 0 : i32
      %dma_start3A_118 = arith.constant 0 : i32
      %dma_start3A_119 = tpu.memref_slice %arg2[%arg0, %arg1, %dma_start3A_117, %dma_start3A_118] : memref<2x16x48x128xi32, #tpu.memory_space<hbm>> -> memref<1x1x48x128xi32, #tpu.memory_space<hbm>>
      %dma_start3A_120 = tpu.memref_squeeze %dma_start3A_119 : memref<1x1x48x128xi32, #tpu.memory_space<hbm>> -> memref<48x128xi32, #tpu.memory_space<hbm>>
      tpu.enqueue_dma source(%dma_start3A_120 : memref<48x128xi32, #tpu.memory_space<hbm>>) target(%arg7 : memref<48x128xi32, #tpu.memory_space<vmem>>) target_semaphore(%run_scoped3A : memref<!tpu.dma_semaphore, #tpu.memory_space<semaphore_mem>>)
      %dma_wait3A_121 = arith.constant 0 : i32
      %dma_wait3A_122 = arith.constant 0 : i32
      %dma_wait3A_123 = tpu.memref_slice %arg2[%arg0, %arg1, %dma_wait3A_121, %dma_wait3A_122] : memref<2x16x48x128xi32, #tpu.memory_space<hbm>> -> memref<1x1x48x128xi32, #tpu.memory_space<hbm>>
      %dma_wait3A_124 = tpu.memref_squeeze %dma_wait3A_123 : memref<1x1x48x128xi32, #tpu.memory_space<hbm>> -> memref<48x128xi32, #tpu.memory_space<hbm>>
      %dma_wait3A_125 = arith.constant 0 : i32
      %dma_wait3A_126 = arith.constant 0 : i32
      %dma_wait3A_127 = tpu.memref_slice %arg2[%arg0, %arg1, %dma_wait3A_125, %dma_wait3A_126] : memref<2x16x48x128xi32, #tpu.memory_space<hbm>> -> memref<1x1x48x128xi32, #tpu.memory_space<hbm>>
      %dma_wait3A_128 = tpu.memref_squeeze %dma_wait3A_127 : memref<1x1x48x128xi32, #tpu.memory_space<hbm>> -> memref<48x128xi32, #tpu.memory_space<hbm>>
      tpu.wait_dma2 semaphore(%run_scoped3A : memref<!tpu.dma_semaphore, #tpu.memory_space<semaphore_mem>>) src(%dma_wait3A_128 : memref<48x128xi32, #tpu.memory_space<hbm>>) dst(%arg7 : memref<48x128xi32, #tpu.memory_space<vmem>>)
      tpu.yield
    }) : () -> ()
    "tpu.region"() ({
      %run_scoped3A = tpu.sem_alloc : memref<!tpu.dma_semaphore, #tpu.memory_space<semaphore_mem>>
      %dma_start3A_113 = arith.constant 0 : i32
      %dma_start3A_114 = arith.constant 0 : i32
      %dma_start3A_115 = tpu.memref_slice %arg3[%arg0, %arg1, %dma_start3A_113, %dma_start3A_114] : memref<2x16x48x128xi32, #tpu.memory_space<hbm>> -> memref<1x1x48x128xi32, #tpu.memory_space<hbm>>
      %dma_start3A_116 = tpu.memref_squeeze %dma_start3A_115 : memref<1x1x48x128xi32, #tpu.memory_space<hbm>> -> memref<48x128xi32, #tpu.memory_space<hbm>>
      %dma_start3A_117 = arith.constant 0 : i32
      %dma_start3A_118 = arith.constant 0 : i32
      %dma_start3A_119 = tpu.memref_slice %arg3[%arg0, %arg1, %dma_start3A_117, %dma_start3A_118] : memref<2x16x48x128xi32, #tpu.memory_space<hbm>> -> memref<1x1x48x128xi32, #tpu.memory_space<hbm>>
      %dma_start3A_120 = tpu.memref_squeeze %dma_start3A_119 : memref<1x1x48x128xi32, #tpu.memory_space<hbm>> -> memref<48x128xi32, #tpu.memory_space<hbm>>
      tpu.enqueue_dma source(%dma_start3A_120 : memref<48x128xi32, #tpu.memory_space<hbm>>) target(%arg8 : memref<48x128xi32, #tpu.memory_space<vmem>>) target_semaphore(%run_scoped3A : memref<!tpu.dma_semaphore, #tpu.memory_space<semaphore_mem>>)
      %dma_wait3A_121 = arith.constant 0 : i32
      %dma_wait3A_122 = arith.constant 0 : i32
      %dma_wait3A_123 = tpu.memref_slice %arg3[%arg0, %arg1, %dma_wait3A_121, %dma_wait3A_122] : memref<2x16x48x128xi32, #tpu.memory_space<hbm>> -> memref<1x1x48x128xi32, #tpu.memory_space<hbm>>
      %dma_wait3A_124 = tpu.memref_squeeze %dma_wait3A_123 : memref<1x1x48x128xi32, #tpu.memory_space<hbm>> -> memref<48x128xi32, #tpu.memory_space<hbm>>
      %dma_wait3A_125 = arith.constant 0 : i32
      %dma_wait3A_126 = arith.constant 0 : i32
      %dma_wait3A_127 = tpu.memref_slice %arg3[%arg0, %arg1, %dma_wait3A_125, %dma_wait3A_126] : memref<2x16x48x128xi32, #tpu.memory_space<hbm>> -> memref<1x1x48x128xi32, #tpu.memory_space<hbm>>
      %dma_wait3A_128 = tpu.memref_squeeze %dma_wait3A_127 : memref<1x1x48x128xi32, #tpu.memory_space<hbm>> -> memref<48x128xi32, #tpu.memory_space<hbm>>
      tpu.wait_dma2 semaphore(%run_scoped3A : memref<!tpu.dma_semaphore, #tpu.memory_space<semaphore_mem>>) src(%dma_wait3A_128 : memref<48x128xi32, #tpu.memory_space<hbm>>) dst(%arg8 : memref<48x128xi32, #tpu.memory_space<vmem>>)
      tpu.yield
    }) : () -> ()
    %add3A = arith.constant 0 : i32
    %add3A_1 = arith.addi %mul3A_0, %add3A : i32
    "tpu.region"() ({
      %run_scoped3A = tpu.sem_alloc : memref<!tpu.dma_semaphore, #tpu.memory_space<semaphore_mem>>
      %dma_start3A_113 = arith.constant 0 : i32
      %dma_start3A_114 = tpu.memref_slice %arg10[%add3A_1, %dma_start3A_113] : memref<5128x128xf32, #tpu.memory_space<vmem_shared>> -> memref<64x128xf32, #tpu.memory_space<vmem_shared>>
      tpu.enqueue_dma source(%arg5 : memref<64x128xf32, #tpu.memory_space<hbm>>) target(%dma_start3A_114 : memref<64x128xf32, #tpu.memory_space<vmem_shared>>) target_semaphore(%run_scoped3A : memref<!tpu.dma_semaphore, #tpu.memory_space<semaphore_mem>>)
      %dma_wait3A_115 = arith.constant 0 : i32
      %dma_wait3A_116 = tpu.memref_slice %arg10[%add3A_1, %dma_wait3A_115] : memref<5128x128xf32, #tpu.memory_space<vmem_shared>> -> memref<64x128xf32, #tpu.memory_space<vmem_shared>>
      tpu.wait_dma2 semaphore(%run_scoped3A : memref<!tpu.dma_semaphore, #tpu.memory_space<semaphore_mem>>) src(%arg5 : memref<64x128xf32, #tpu.memory_space<hbm>>) dst(%dma_wait3A_116 : memref<64x128xf32, #tpu.memory_space<vmem_shared>>)
      tpu.yield
    }) : () -> ()
    %add3A_2 = arith.constant 64 : i32
    %add3A_3 = arith.addi %mul3A_0, %add3A_2 : i32
    "tpu.region"() ({
      %run_scoped3A = tpu.sem_alloc : memref<!tpu.dma_semaphore, #tpu.memory_space<semaphore_mem>>
      %dma_start3A_113 = arith.constant 0 : i32
      %dma_start3A_114 = tpu.memref_slice %arg10[%add3A_3, %dma_start3A_113] : memref<5128x128xf32, #tpu.memory_space<vmem_shared>> -> memref<64x128xf32, #tpu.memory_space<vmem_shared>>
      tpu.enqueue_dma source(%arg5 : memref<64x128xf32, #tpu.memory_space<hbm>>) target(%dma_start3A_114 : memref<64x128xf32, #tpu.memory_space<vmem_shared>>) target_semaphore(%run_scoped3A : memref<!tpu.dma_semaphore, #tpu.memory_space<semaphore_mem>>)
      %dma_wait3A_115 = arith.constant 0 : i32
      %dma_wait3A_116 = tpu.memref_slice %arg10[%add3A_3, %dma_wait3A_115] : memref<5128x128xf32, #tpu.memory_space<vmem_shared>> -> memref<64x128xf32, #tpu.memory_space<vmem_shared>>
      tpu.wait_dma2 semaphore(%run_scoped3A : memref<!tpu.dma_semaphore, #tpu.memory_space<semaphore_mem>>) src(%arg5 : memref<64x128xf32, #tpu.memory_space<hbm>>) dst(%dma_wait3A_116 : memref<64x128xf32, #tpu.memory_space<vmem_shared>>)
      tpu.yield
    }) : () -> ()
    %add3A_4 = arith.constant 128 : i32
    %add3A_5 = arith.addi %mul3A_0, %add3A_4 : i32
    "tpu.region"() ({
      %run_scoped3A = tpu.sem_alloc : memref<!tpu.dma_semaphore, #tpu.memory_space<semaphore_mem>>
      %dma_start3A_113 = arith.constant 0 : i32
      %dma_start3A_114 = tpu.memref_slice %arg10[%add3A_5, %dma_start3A_113] : memref<5128x128xf32, #tpu.memory_space<vmem_shared>> -> memref<64x128xf32, #tpu.memory_space<vmem_shared>>
      tpu.enqueue_dma source(%arg5 : memref<64x128xf32, #tpu.memory_space<hbm>>) target(%dma_start3A_114 : memref<64x128xf32, #tpu.memory_space<vmem_shared>>) target_semaphore(%run_scoped3A : memref<!tpu.dma_semaphore, #tpu.memory_space<semaphore_mem>>)
      %dma_wait3A_115 = arith.constant 0 : i32
      %dma_wait3A_116 = tpu.memref_slice %arg10[%add3A_5, %dma_wait3A_115] : memref<5128x128xf32, #tpu.memory_space<vmem_shared>> -> memref<64x128xf32, #tpu.memory_space<vmem_shared>>
      tpu.wait_dma2 semaphore(%run_scoped3A : memref<!tpu.dma_semaphore, #tpu.memory_space<semaphore_mem>>) src(%arg5 : memref<64x128xf32, #tpu.memory_space<hbm>>) dst(%dma_wait3A_116 : memref<64x128xf32, #tpu.memory_space<vmem_shared>>)
      tpu.yield
    }) : () -> ()
    %add3A_6 = arith.constant 192 : i32
    %add3A_7 = arith.addi %mul3A_0, %add3A_6 : i32
    "tpu.region"() ({
      %run_scoped3A = tpu.sem_alloc : memref<!tpu.dma_semaphore, #tpu.memory_space<semaphore_mem>>
      %dma_start3A_113 = arith.constant 0 : i32
      %dma_start3A_114 = tpu.memref_slice %arg10[%add3A_7, %dma_start3A_113] : memref<5128x128xf32, #tpu.memory_space<vmem_shared>> -> memref<64x128xf32, #tpu.memory_space<vmem_shared>>
      tpu.enqueue_dma source(%arg5 : memref<64x128xf32, #tpu.memory_space<hbm>>) target(%dma_start3A_114 : memref<64x128xf32, #tpu.memory_space<vmem_shared>>) target_semaphore(%run_scoped3A : memref<!tpu.dma_semaphore, #tpu.memory_space<semaphore_mem>>)
      %dma_wait3A_115 = arith.constant 0 : i32
      %dma_wait3A_116 = tpu.memref_slice %arg10[%add3A_7, %dma_wait3A_115] : memref<5128x128xf32, #tpu.memory_space<vmem_shared>> -> memref<64x128xf32, #tpu.memory_space<vmem_shared>>
      tpu.wait_dma2 semaphore(%run_scoped3A : memref<!tpu.dma_semaphore, #tpu.memory_space<semaphore_mem>>) src(%arg5 : memref<64x128xf32, #tpu.memory_space<hbm>>) dst(%dma_wait3A_116 : memref<64x128xf32, #tpu.memory_space<vmem_shared>>)
      tpu.yield
    }) : () -> ()
    %add3A_8 = arith.constant 256 : i32
    %add3A_9 = arith.addi %mul3A_0, %add3A_8 : i32
    "tpu.region"() ({
      %run_scoped3A = tpu.sem_alloc : memref<!tpu.dma_semaphore, #tpu.memory_space<semaphore_mem>>
      %dma_start3A_113 = arith.constant 0 : i32
      %dma_start3A_114 = tpu.memref_slice %arg10[%add3A_9, %dma_start3A_113] : memref<5128x128xf32, #tpu.memory_space<vmem_shared>> -> memref<64x128xf32, #tpu.memory_space<vmem_shared>>
      tpu.enqueue_dma source(%arg5 : memref<64x128xf32, #tpu.memory_space<hbm>>) target(%dma_start3A_114 : memref<64x128xf32, #tpu.memory_space<vmem_shared>>) target_semaphore(%run_scoped3A : memref<!tpu.dma_semaphore, #tpu.memory_space<semaphore_mem>>)
      %dma_wait3A_115 = arith.constant 0 : i32
      %dma_wait3A_116 = tpu.memref_slice %arg10[%add3A_9, %dma_wait3A_115] : memref<5128x128xf32, #tpu.memory_space<vmem_shared>> -> memref<64x128xf32, #tpu.memory_space<vmem_shared>>
      tpu.wait_dma2 semaphore(%run_scoped3A : memref<!tpu.dma_semaphore, #tpu.memory_space<semaphore_mem>>) src(%arg5 : memref<64x128xf32, #tpu.memory_space<hbm>>) dst(%dma_wait3A_116 : memref<64x128xf32, #tpu.memory_space<vmem_shared>>)
      tpu.yield
    }) : () -> ()
    %barrier3A = arith.constant 0 : index
    tpu.barrier barrier_id(%barrier3A)
    %dma_start3A = arith.constant 0 : i32
    %dma_start3A_10 = arith.constant 0 : i32
    %dma_start3A_11 = arith.constant 0 : i32
    %dma_start3A_12 = arith.constant 0 : i32
    %dma_start3A_13 = tpu.memref_slice %arg9[%dma_start3A_10, %dma_start3A_11, %dma_start3A_12] : memref<4x128x128xf32, #tpu.memory_space<vmem>> -> memref<1x128x128xf32, #tpu.memory_space<vmem>>
    %dma_start3A_14 = tpu.memref_squeeze %dma_start3A_13 : memref<1x128x128xf32, #tpu.memory_space<vmem>> -> memref<128x128xf32, #tpu.memory_space<vmem>>
    %dma_start3A_15 = arith.constant 0 : i32
    %dma_start3A_16 = tpu.memref_slice %arg7[%dma_start3A, %dma_start3A_15] : memref<48x128xi32, #tpu.memory_space<vmem>> -> memref<1x128xi32, #tpu.memory_space<vmem>>
    %dma_start3A_17 = tpu.memref_squeeze %dma_start3A_16 : memref<1x128xi32, #tpu.memory_space<vmem>> -> memref<128xi32, #tpu.memory_space<vmem>>
    %dma_start3A_18 = arith.constant 0 : i32
    %dma_start3A_19 = arith.constant 0 : i32
    %dma_start3A_20 = tpu.memref_slice %arg4[%dma_start3A_18, %dma_start3A_19] : memref<10240x128xf32, #tpu.memory_space<hbm>> -> memref<10240x128xf32, #tpu.memory_space<hbm>>
    tpu.enqueue_indirect_dma source(%dma_start3A_20 : memref<10240x128xf32, #tpu.memory_space<hbm>>) target(%dma_start3A_14 : memref<128x128xf32, #tpu.memory_space<vmem>>) offsets(%dma_start3A_17 : memref<128xi32, #tpu.memory_space<vmem>>) semaphore(%arg11 : memref<!tpu.dma_semaphore, #tpu.memory_space<semaphore_mem>>)
    %dma_start3A_21 = arith.constant 1 : i32
    %dma_start3A_22 = arith.constant 1 : i32
    %dma_start3A_23 = arith.constant 0 : i32
    %dma_start3A_24 = arith.constant 0 : i32
    %dma_start3A_25 = tpu.memref_slice %arg9[%dma_start3A_22, %dma_start3A_23, %dma_start3A_24] : memref<4x128x128xf32, #tpu.memory_space<vmem>> -> memref<1x128x128xf32, #tpu.memory_space<vmem>>
    %dma_start3A_26 = tpu.memref_squeeze %dma_start3A_25 : memref<1x128x128xf32, #tpu.memory_space<vmem>> -> memref<128x128xf32, #tpu.memory_space<vmem>>
    %dma_start3A_27 = arith.constant 0 : i32
    %dma_start3A_28 = tpu.memref_slice %arg7[%dma_start3A_21, %dma_start3A_27] : memref<48x128xi32, #tpu.memory_space<vmem>> -> memref<1x128xi32, #tpu.memory_space<vmem>>
    %dma_start3A_29 = tpu.memref_squeeze %dma_start3A_28 : memref<1x128xi32, #tpu.memory_space<vmem>> -> memref<128xi32, #tpu.memory_space<vmem>>
    %dma_start3A_30 = arith.constant 0 : i32
    %dma_start3A_31 = arith.constant 0 : i32
    %dma_start3A_32 = tpu.memref_slice %arg4[%dma_start3A_30, %dma_start3A_31] : memref<10240x128xf32, #tpu.memory_space<hbm>> -> memref<10240x128xf32, #tpu.memory_space<hbm>>
    tpu.enqueue_indirect_dma source(%dma_start3A_32 : memref<10240x128xf32, #tpu.memory_space<hbm>>) target(%dma_start3A_26 : memref<128x128xf32, #tpu.memory_space<vmem>>) offsets(%dma_start3A_29 : memref<128xi32, #tpu.memory_space<vmem>>) semaphore(%arg12 : memref<!tpu.dma_semaphore, #tpu.memory_space<semaphore_mem>>)
    %dma_start3A_33 = arith.constant 2 : i32
    %dma_start3A_34 = arith.constant 2 : i32
    %dma_start3A_35 = arith.constant 0 : i32
    %dma_start3A_36 = arith.constant 0 : i32
    %dma_start3A_37 = tpu.memref_slice %arg9[%dma_start3A_34, %dma_start3A_35, %dma_start3A_36] : memref<4x128x128xf32, #tpu.memory_space<vmem>> -> memref<1x128x128xf32, #tpu.memory_space<vmem>>
    %dma_start3A_38 = tpu.memref_squeeze %dma_start3A_37 : memref<1x128x128xf32, #tpu.memory_space<vmem>> -> memref<128x128xf32, #tpu.memory_space<vmem>>
    %dma_start3A_39 = arith.constant 0 : i32
    %dma_start3A_40 = tpu.memref_slice %arg7[%dma_start3A_33, %dma_start3A_39] : memref<48x128xi32, #tpu.memory_space<vmem>> -> memref<1x128xi32, #tpu.memory_space<vmem>>
    %dma_start3A_41 = tpu.memref_squeeze %dma_start3A_40 : memref<1x128xi32, #tpu.memory_space<vmem>> -> memref<128xi32, #tpu.memory_space<vmem>>
    %dma_start3A_42 = arith.constant 0 : i32
    %dma_start3A_43 = arith.constant 0 : i32
    %dma_start3A_44 = tpu.memref_slice %arg4[%dma_start3A_42, %dma_start3A_43] : memref<10240x128xf32, #tpu.memory_space<hbm>> -> memref<10240x128xf32, #tpu.memory_space<hbm>>
    tpu.enqueue_indirect_dma source(%dma_start3A_44 : memref<10240x128xf32, #tpu.memory_space<hbm>>) target(%dma_start3A_38 : memref<128x128xf32, #tpu.memory_space<vmem>>) offsets(%dma_start3A_41 : memref<128xi32, #tpu.memory_space<vmem>>) semaphore(%arg13 : memref<!tpu.dma_semaphore, #tpu.memory_space<semaphore_mem>>)
    %dma_start3A_45 = arith.constant 3 : i32
    %dma_start3A_46 = arith.constant 3 : i32
    %dma_start3A_47 = arith.constant 0 : i32
    %dma_start3A_48 = arith.constant 0 : i32
    %dma_start3A_49 = tpu.memref_slice %arg9[%dma_start3A_46, %dma_start3A_47, %dma_start3A_48] : memref<4x128x128xf32, #tpu.memory_space<vmem>> -> memref<1x128x128xf32, #tpu.memory_space<vmem>>
    %dma_start3A_50 = tpu.memref_squeeze %dma_start3A_49 : memref<1x128x128xf32, #tpu.memory_space<vmem>> -> memref<128x128xf32, #tpu.memory_space<vmem>>
    %dma_start3A_51 = arith.constant 0 : i32
    %dma_start3A_52 = tpu.memref_slice %arg7[%dma_start3A_45, %dma_start3A_51] : memref<48x128xi32, #tpu.memory_space<vmem>> -> memref<1x128xi32, #tpu.memory_space<vmem>>
    %dma_start3A_53 = tpu.memref_squeeze %dma_start3A_52 : memref<1x128xi32, #tpu.memory_space<vmem>> -> memref<128xi32, #tpu.memory_space<vmem>>
    %dma_start3A_54 = arith.constant 0 : i32
    %dma_start3A_55 = arith.constant 0 : i32
    %dma_start3A_56 = tpu.memref_slice %arg4[%dma_start3A_54, %dma_start3A_55] : memref<10240x128xf32, #tpu.memory_space<hbm>> -> memref<10240x128xf32, #tpu.memory_space<hbm>>
    tpu.enqueue_indirect_dma source(%dma_start3A_56 : memref<10240x128xf32, #tpu.memory_space<hbm>>) target(%dma_start3A_50 : memref<128x128xf32, #tpu.memory_space<vmem>>) offsets(%dma_start3A_53 : memref<128xi32, #tpu.memory_space<vmem>>) semaphore(%arg14 : memref<!tpu.dma_semaphore, #tpu.memory_space<semaphore_mem>>)
    %scan3A = arith.constant 0 : i32
    %scan3A_57 = arith.constant 0 : i32
    %scan3A_58 = arith.constant 12 : i32
    %scan3A_59 = arith.addi %scan3A_57, %scan3A_58 : i32
    %scan3A_60 = arith.constant 1 : i32
    scf.for %scan3A_113 = %scan3A_57 to %scan3A_59 step %scan3A_60  : i32 {
      %mul3A_114 = arith.constant 4 : i32
      %mul3A_115 = arith.muli %scan3A_113, %mul3A_114 : i32
      %add3A_116 = arith.constant 0 : i32
      %add3A_117 = arith.addi %mul3A_115, %add3A_116 : i32
      %dma_wait3A_118 = arith.constant 0 : i32
      %dma_wait3A_119 = arith.constant 0 : i32
      %dma_wait3A_120 = arith.constant 0 : i32
      %dma_wait3A_121 = tpu.memref_slice %arg9[%dma_wait3A_118, %dma_wait3A_119, %dma_wait3A_120] : memref<4x128x128xf32, #tpu.memory_space<vmem>> -> memref<1x128x128xf32, #tpu.memory_space<vmem>>
      %dma_wait3A_122 = tpu.memref_squeeze %dma_wait3A_121 : memref<1x128x128xf32, #tpu.memory_space<vmem>> -> memref<128x128xf32, #tpu.memory_space<vmem>>
      %dma_wait3A_123 = arith.constant 0 : i32
      %dma_wait3A_124 = tpu.memref_slice %arg7[%add3A_117, %dma_wait3A_123] : memref<48x128xi32, #tpu.memory_space<vmem>> -> memref<1x128xi32, #tpu.memory_space<vmem>>
      %dma_wait3A_125 = tpu.memref_squeeze %dma_wait3A_124 : memref<1x128xi32, #tpu.memory_space<vmem>> -> memref<128xi32, #tpu.memory_space<vmem>>
      %dma_wait3A_126 = arith.constant 0 : i32
      %dma_wait3A_127 = arith.constant 0 : i32
      %dma_wait3A_128 = tpu.memref_slice %arg4[%dma_wait3A_126, %dma_wait3A_127] : memref<10240x128xf32, #tpu.memory_space<hbm>> -> memref<10240x128xf32, #tpu.memory_space<hbm>>
      tpu.wait_indirect_dma semaphore(%arg11 : memref<!tpu.dma_semaphore, #tpu.memory_space<semaphore_mem>>) src(%dma_wait3A_128 : memref<10240x128xf32, #tpu.memory_space<hbm>>) dst(%dma_wait3A_122 : memref<128x128xf32, #tpu.memory_space<vmem>>)
      %run_scoped3A = arith.constant 0 : i32
      "tpu.region"() ({
        %run_scoped3A_230 = tpu.sem_alloc : memref<!tpu.dma_semaphore, #tpu.memory_space<semaphore_mem>>
        %dma_start3A_231 = arith.constant 0 : i32
        %dma_start3A_232 = arith.constant 0 : i32
        %dma_start3A_233 = tpu.memref_slice %arg9[%run_scoped3A, %dma_start3A_231, %dma_start3A_232] : memref<4x128x128xf32, #tpu.memory_space<vmem>> -> memref<1x128x128xf32, #tpu.memory_space<vmem>>
        %dma_start3A_234 = tpu.memref_squeeze %dma_start3A_233 : memref<1x128x128xf32, #tpu.memory_space<vmem>> -> memref<128x128xf32, #tpu.memory_space<vmem>>
        %dma_start3A_235 = arith.constant 0 : i32
        %dma_start3A_236 = tpu.memref_slice %arg8[%add3A_117, %dma_start3A_235] : memref<48x128xi32, #tpu.memory_space<vmem>> -> memref<1x128xi32, #tpu.memory_space<vmem>>
        %dma_start3A_237 = tpu.memref_squeeze %dma_start3A_236 : memref<1x128xi32, #tpu.memory_space<vmem>> -> memref<128xi32, #tpu.memory_space<vmem>>
        %dma_start3A_238 = arith.constant 0 : i32
        %dma_start3A_239 = arith.constant 0 : i32
        %dma_start3A_240 = tpu.memref_slice %arg10[%dma_start3A_238, %dma_start3A_239] : memref<5128x128xf32, #tpu.memory_space<vmem_shared>> -> memref<5128x128xf32, #tpu.memory_space<vmem_shared>>
        tpu.enqueue_indirect_dma source(%dma_start3A_234 : memref<128x128xf32, #tpu.memory_space<vmem>>) target(%dma_start3A_240 : memref<5128x128xf32, #tpu.memory_space<vmem_shared>>) offsets(%dma_start3A_237 : memref<128xi32, #tpu.memory_space<vmem>>) semaphore(%run_scoped3A_230 : memref<!tpu.dma_semaphore, #tpu.memory_space<semaphore_mem>>) {add = true}
        %dma_wait3A_241 = arith.constant 0 : i32
        %dma_wait3A_242 = arith.constant 0 : i32
        %dma_wait3A_243 = tpu.memref_slice %arg9[%run_scoped3A, %dma_wait3A_241, %dma_wait3A_242] : memref<4x128x128xf32, #tpu.memory_space<vmem>> -> memref<1x128x128xf32, #tpu.memory_space<vmem>>
        %dma_wait3A_244 = tpu.memref_squeeze %dma_wait3A_243 : memref<1x128x128xf32, #tpu.memory_space<vmem>> -> memref<128x128xf32, #tpu.memory_space<vmem>>
        %dma_wait3A_245 = arith.constant 0 : i32
        %dma_wait3A_246 = tpu.memref_slice %arg8[%add3A_117, %dma_wait3A_245] : memref<48x128xi32, #tpu.memory_space<vmem>> -> memref<1x128xi32, #tpu.memory_space<vmem>>
        %dma_wait3A_247 = tpu.memref_squeeze %dma_wait3A_246 : memref<1x128xi32, #tpu.memory_space<vmem>> -> memref<128xi32, #tpu.memory_space<vmem>>
        %dma_wait3A_248 = arith.constant 0 : i32
        %dma_wait3A_249 = arith.constant 0 : i32
        %dma_wait3A_250 = tpu.memref_slice %arg10[%dma_wait3A_248, %dma_wait3A_249] : memref<5128x128xf32, #tpu.memory_space<vmem_shared>> -> memref<5128x128xf32, #tpu.memory_space<vmem_shared>>
        tpu.wait_indirect_dma semaphore(%run_scoped3A_230 : memref<!tpu.dma_semaphore, #tpu.memory_space<semaphore_mem>>) src(%dma_wait3A_244 : memref<128x128xf32, #tpu.memory_space<vmem>>) dst(%dma_wait3A_250 : memref<5128x128xf32, #tpu.memory_space<vmem_shared>>)
        tpu.yield
      }) : () -> ()
      %add3A_129 = arith.constant 4 : i32
      %add3A_130 = arith.addi %add3A_117, %add3A_129 : i32
      %rem3A = arith.constant 48 : i32
      %rem3A_131 = arith.remsi %add3A_130, %rem3A : i32
      %dma_start3A_132 = arith.constant 0 : i32
      %dma_start3A_133 = arith.constant 0 : i32
      %dma_start3A_134 = arith.constant 0 : i32
      %dma_start3A_135 = tpu.memref_slice %arg9[%dma_start3A_132, %dma_start3A_133, %dma_start3A_134] : memref<4x128x128xf32, #tpu.memory_space<vmem>> -> memref<1x128x128xf32, #tpu.memory_space<vmem>>
      %dma_start3A_136 = tpu.memref_squeeze %dma_start3A_135 : memref<1x128x128xf32, #tpu.memory_space<vmem>> -> memref<128x128xf32, #tpu.memory_space<vmem>>
      %dma_start3A_137 = arith.constant 0 : i32
      %dma_start3A_138 = tpu.memref_slice %arg7[%rem3A_131, %dma_start3A_137] : memref<48x128xi32, #tpu.memory_space<vmem>> -> memref<1x128xi32, #tpu.memory_space<vmem>>
      %dma_start3A_139 = tpu.memref_squeeze %dma_start3A_138 : memref<1x128xi32, #tpu.memory_space<vmem>> -> memref<128xi32, #tpu.memory_space<vmem>>
      %dma_start3A_140 = arith.constant 0 : i32
      %dma_start3A_141 = arith.constant 0 : i32
      %dma_start3A_142 = tpu.memref_slice %arg4[%dma_start3A_140, %dma_start3A_141] : memref<10240x128xf32, #tpu.memory_space<hbm>> -> memref<10240x128xf32, #tpu.memory_space<hbm>>
      tpu.enqueue_indirect_dma source(%dma_start3A_142 : memref<10240x128xf32, #tpu.memory_space<hbm>>) target(%dma_start3A_136 : memref<128x128xf32, #tpu.memory_space<vmem>>) offsets(%dma_start3A_139 : memref<128xi32, #tpu.memory_space<vmem>>) semaphore(%arg11 : memref<!tpu.dma_semaphore, #tpu.memory_space<semaphore_mem>>)
      %add3A_143 = arith.constant 1 : i32
      %add3A_144 = arith.addi %mul3A_115, %add3A_143 : i32
      %dma_wait3A_145 = arith.constant 1 : i32
      %dma_wait3A_146 = arith.constant 0 : i32
      %dma_wait3A_147 = arith.constant 0 : i32
      %dma_wait3A_148 = tpu.memref_slice %arg9[%dma_wait3A_145, %dma_wait3A_146, %dma_wait3A_147] : memref<4x128x128xf32, #tpu.memory_space<vmem>> -> memref<1x128x128xf32, #tpu.memory_space<vmem>>
      %dma_wait3A_149 = tpu.memref_squeeze %dma_wait3A_148 : memref<1x128x128xf32, #tpu.memory_space<vmem>> -> memref<128x128xf32, #tpu.memory_space<vmem>>
      %dma_wait3A_150 = arith.constant 0 : i32
      %dma_wait3A_151 = tpu.memref_slice %arg7[%add3A_144, %dma_wait3A_150] : memref<48x128xi32, #tpu.memory_space<vmem>> -> memref<1x128xi32, #tpu.memory_space<vmem>>
      %dma_wait3A_152 = tpu.memref_squeeze %dma_wait3A_151 : memref<1x128xi32, #tpu.memory_space<vmem>> -> memref<128xi32, #tpu.memory_space<vmem>>
      %dma_wait3A_153 = arith.constant 0 : i32
      %dma_wait3A_154 = arith.constant 0 : i32
      %dma_wait3A_155 = tpu.memref_slice %arg4[%dma_wait3A_153, %dma_wait3A_154] : memref<10240x128xf32, #tpu.memory_space<hbm>> -> memref<10240x128xf32, #tpu.memory_space<hbm>>
      tpu.wait_indirect_dma semaphore(%arg12 : memref<!tpu.dma_semaphore, #tpu.memory_space<semaphore_mem>>) src(%dma_wait3A_155 : memref<10240x128xf32, #tpu.memory_space<hbm>>) dst(%dma_wait3A_149 : memref<128x128xf32, #tpu.memory_space<vmem>>)
      %run_scoped3A_156 = arith.constant 1 : i32
      "tpu.region"() ({
        %run_scoped3A_230 = tpu.sem_alloc : memref<!tpu.dma_semaphore, #tpu.memory_space<semaphore_mem>>
        %dma_start3A_231 = arith.constant 0 : i32
        %dma_start3A_232 = arith.constant 0 : i32
        %dma_start3A_233 = tpu.memref_slice %arg9[%run_scoped3A_156, %dma_start3A_231, %dma_start3A_232] : memref<4x128x128xf32, #tpu.memory_space<vmem>> -> memref<1x128x128xf32, #tpu.memory_space<vmem>>
        %dma_start3A_234 = tpu.memref_squeeze %dma_start3A_233 : memref<1x128x128xf32, #tpu.memory_space<vmem>> -> memref<128x128xf32, #tpu.memory_space<vmem>>
        %dma_start3A_235 = arith.constant 0 : i32
        %dma_start3A_236 = tpu.memref_slice %arg8[%add3A_144, %dma_start3A_235] : memref<48x128xi32, #tpu.memory_space<vmem>> -> memref<1x128xi32, #tpu.memory_space<vmem>>
        %dma_start3A_237 = tpu.memref_squeeze %dma_start3A_236 : memref<1x128xi32, #tpu.memory_space<vmem>> -> memref<128xi32, #tpu.memory_space<vmem>>
        %dma_start3A_238 = arith.constant 0 : i32
        %dma_start3A_239 = arith.constant 0 : i32
        %dma_start3A_240 = tpu.memref_slice %arg10[%dma_start3A_238, %dma_start3A_239] : memref<5128x128xf32, #tpu.memory_space<vmem_shared>> -> memref<5128x128xf32, #tpu.memory_space<vmem_shared>>
        tpu.enqueue_indirect_dma source(%dma_start3A_234 : memref<128x128xf32, #tpu.memory_space<vmem>>) target(%dma_start3A_240 : memref<5128x128xf32, #tpu.memory_space<vmem_shared>>) offsets(%dma_start3A_237 : memref<128xi32, #tpu.memory_space<vmem>>) semaphore(%run_scoped3A_230 : memref<!tpu.dma_semaphore, #tpu.memory_space<semaphore_mem>>) {add = true}
        %dma_wait3A_241 = arith.constant 0 : i32
        %dma_wait3A_242 = arith.constant 0 : i32
        %dma_wait3A_243 = tpu.memref_slice %arg9[%run_scoped3A_156, %dma_wait3A_241, %dma_wait3A_242] : memref<4x128x128xf32, #tpu.memory_space<vmem>> -> memref<1x128x128xf32, #tpu.memory_space<vmem>>
        %dma_wait3A_244 = tpu.memref_squeeze %dma_wait3A_243 : memref<1x128x128xf32, #tpu.memory_space<vmem>> -> memref<128x128xf32, #tpu.memory_space<vmem>>
        %dma_wait3A_245 = arith.constant 0 : i32
        %dma_wait3A_246 = tpu.memref_slice %arg8[%add3A_144, %dma_wait3A_245] : memref<48x128xi32, #tpu.memory_space<vmem>> -> memref<1x128xi32, #tpu.memory_space<vmem>>
        %dma_wait3A_247 = tpu.memref_squeeze %dma_wait3A_246 : memref<1x128xi32, #tpu.memory_space<vmem>> -> memref<128xi32, #tpu.memory_space<vmem>>
        %dma_wait3A_248 = arith.constant 0 : i32
        %dma_wait3A_249 = arith.constant 0 : i32
        %dma_wait3A_250 = tpu.memref_slice %arg10[%dma_wait3A_248, %dma_wait3A_249] : memref<5128x128xf32, #tpu.memory_space<vmem_shared>> -> memref<5128x128xf32, #tpu.memory_space<vmem_shared>>
        tpu.wait_indirect_dma semaphore(%run_scoped3A_230 : memref<!tpu.dma_semaphore, #tpu.memory_space<semaphore_mem>>) src(%dma_wait3A_244 : memref<128x128xf32, #tpu.memory_space<vmem>>) dst(%dma_wait3A_250 : memref<5128x128xf32, #tpu.memory_space<vmem_shared>>)
        tpu.yield
      }) : () -> ()
      %add3A_157 = arith.constant 4 : i32
      %add3A_158 = arith.addi %add3A_144, %add3A_157 : i32
      %rem3A_159 = arith.constant 48 : i32
      %rem3A_160 = arith.remsi %add3A_158, %rem3A_159 : i32
      %dma_start3A_161 = arith.constant 1 : i32
      %dma_start3A_162 = arith.constant 0 : i32
      %dma_start3A_163 = arith.constant 0 : i32
      %dma_start3A_164 = tpu.memref_slice %arg9[%dma_start3A_161, %dma_start3A_162, %dma_start3A_163] : memref<4x128x128xf32, #tpu.memory_space<vmem>> -> memref<1x128x128xf32, #tpu.memory_space<vmem>>
      %dma_start3A_165 = tpu.memref_squeeze %dma_start3A_164 : memref<1x128x128xf32, #tpu.memory_space<vmem>> -> memref<128x128xf32, #tpu.memory_space<vmem>>
      %dma_start3A_166 = arith.constant 0 : i32
      %dma_start3A_167 = tpu.memref_slice %arg7[%rem3A_160, %dma_start3A_166] : memref<48x128xi32, #tpu.memory_space<vmem>> -> memref<1x128xi32, #tpu.memory_space<vmem>>
      %dma_start3A_168 = tpu.memref_squeeze %dma_start3A_167 : memref<1x128xi32, #tpu.memory_space<vmem>> -> memref<128xi32, #tpu.memory_space<vmem>>
      %dma_start3A_169 = arith.constant 0 : i32
      %dma_start3A_170 = arith.constant 0 : i32
      %dma_start3A_171 = tpu.memref_slice %arg4[%dma_start3A_169, %dma_start3A_170] : memref<10240x128xf32, #tpu.memory_space<hbm>> -> memref<10240x128xf32, #tpu.memory_space<hbm>>
      tpu.enqueue_indirect_dma source(%dma_start3A_171 : memref<10240x128xf32, #tpu.memory_space<hbm>>) target(%dma_start3A_165 : memref<128x128xf32, #tpu.memory_space<vmem>>) offsets(%dma_start3A_168 : memref<128xi32, #tpu.memory_space<vmem>>) semaphore(%arg12 : memref<!tpu.dma_semaphore, #tpu.memory_space<semaphore_mem>>)
      %add3A_172 = arith.constant 2 : i32
      %add3A_173 = arith.addi %mul3A_115, %add3A_172 : i32
      %dma_wait3A_174 = arith.constant 2 : i32
      %dma_wait3A_175 = arith.constant 0 : i32
      %dma_wait3A_176 = arith.constant 0 : i32
      %dma_wait3A_177 = tpu.memref_slice %arg9[%dma_wait3A_174, %dma_wait3A_175, %dma_wait3A_176] : memref<4x128x128xf32, #tpu.memory_space<vmem>> -> memref<1x128x128xf32, #tpu.memory_space<vmem>>
      %dma_wait3A_178 = tpu.memref_squeeze %dma_wait3A_177 : memref<1x128x128xf32, #tpu.memory_space<vmem>> -> memref<128x128xf32, #tpu.memory_space<vmem>>
      %dma_wait3A_179 = arith.constant 0 : i32
      %dma_wait3A_180 = tpu.memref_slice %arg7[%add3A_173, %dma_wait3A_179] : memref<48x128xi32, #tpu.memory_space<vmem>> -> memref<1x128xi32, #tpu.memory_space<vmem>>
      %dma_wait3A_181 = tpu.memref_squeeze %dma_wait3A_180 : memref<1x128xi32, #tpu.memory_space<vmem>> -> memref<128xi32, #tpu.memory_space<vmem>>
      %dma_wait3A_182 = arith.constant 0 : i32
      %dma_wait3A_183 = arith.constant 0 : i32
      %dma_wait3A_184 = tpu.memref_slice %arg4[%dma_wait3A_182, %dma_wait3A_183] : memref<10240x128xf32, #tpu.memory_space<hbm>> -> memref<10240x128xf32, #tpu.memory_space<hbm>>
      tpu.wait_indirect_dma semaphore(%arg13 : memref<!tpu.dma_semaphore, #tpu.memory_space<semaphore_mem>>) src(%dma_wait3A_184 : memref<10240x128xf32, #tpu.memory_space<hbm>>) dst(%dma_wait3A_178 : memref<128x128xf32, #tpu.memory_space<vmem>>)
      %run_scoped3A_185 = arith.constant 2 : i32
      "tpu.region"() ({
        %run_scoped3A_230 = tpu.sem_alloc : memref<!tpu.dma_semaphore, #tpu.memory_space<semaphore_mem>>
        %dma_start3A_231 = arith.constant 0 : i32
        %dma_start3A_232 = arith.constant 0 : i32
        %dma_start3A_233 = tpu.memref_slice %arg9[%run_scoped3A_185, %dma_start3A_231, %dma_start3A_232] : memref<4x128x128xf32, #tpu.memory_space<vmem>> -> memref<1x128x128xf32, #tpu.memory_space<vmem>>
        %dma_start3A_234 = tpu.memref_squeeze %dma_start3A_233 : memref<1x128x128xf32, #tpu.memory_space<vmem>> -> memref<128x128xf32, #tpu.memory_space<vmem>>
        %dma_start3A_235 = arith.constant 0 : i32
        %dma_start3A_236 = tpu.memref_slice %arg8[%add3A_173, %dma_start3A_235] : memref<48x128xi32, #tpu.memory_space<vmem>> -> memref<1x128xi32, #tpu.memory_space<vmem>>
        %dma_start3A_237 = tpu.memref_squeeze %dma_start3A_236 : memref<1x128xi32, #tpu.memory_space<vmem>> -> memref<128xi32, #tpu.memory_space<vmem>>
        %dma_start3A_238 = arith.constant 0 : i32
        %dma_start3A_239 = arith.constant 0 : i32
        %dma_start3A_240 = tpu.memref_slice %arg10[%dma_start3A_238, %dma_start3A_239] : memref<5128x128xf32, #tpu.memory_space<vmem_shared>> -> memref<5128x128xf32, #tpu.memory_space<vmem_shared>>
        tpu.enqueue_indirect_dma source(%dma_start3A_234 : memref<128x128xf32, #tpu.memory_space<vmem>>) target(%dma_start3A_240 : memref<5128x128xf32, #tpu.memory_space<vmem_shared>>) offsets(%dma_start3A_237 : memref<128xi32, #tpu.memory_space<vmem>>) semaphore(%run_scoped3A_230 : memref<!tpu.dma_semaphore, #tpu.memory_space<semaphore_mem>>) {add = true}
        %dma_wait3A_241 = arith.constant 0 : i32
        %dma_wait3A_242 = arith.constant 0 : i32
        %dma_wait3A_243 = tpu.memref_slice %arg9[%run_scoped3A_185, %dma_wait3A_241, %dma_wait3A_242] : memref<4x128x128xf32, #tpu.memory_space<vmem>> -> memref<1x128x128xf32, #tpu.memory_space<vmem>>
        %dma_wait3A_244 = tpu.memref_squeeze %dma_wait3A_243 : memref<1x128x128xf32, #tpu.memory_space<vmem>> -> memref<128x128xf32, #tpu.memory_space<vmem>>
        %dma_wait3A_245 = arith.constant 0 : i32
        %dma_wait3A_246 = tpu.memref_slice %arg8[%add3A_173, %dma_wait3A_245] : memref<48x128xi32, #tpu.memory_space<vmem>> -> memref<1x128xi32, #tpu.memory_space<vmem>>
        %dma_wait3A_247 = tpu.memref_squeeze %dma_wait3A_246 : memref<1x128xi32, #tpu.memory_space<vmem>> -> memref<128xi32, #tpu.memory_space<vmem>>
        %dma_wait3A_248 = arith.constant 0 : i32
        %dma_wait3A_249 = arith.constant 0 : i32
        %dma_wait3A_250 = tpu.memref_slice %arg10[%dma_wait3A_248, %dma_wait3A_249] : memref<5128x128xf32, #tpu.memory_space<vmem_shared>> -> memref<5128x128xf32, #tpu.memory_space<vmem_shared>>
        tpu.wait_indirect_dma semaphore(%run_scoped3A_230 : memref<!tpu.dma_semaphore, #tpu.memory_space<semaphore_mem>>) src(%dma_wait3A_244 : memref<128x128xf32, #tpu.memory_space<vmem>>) dst(%dma_wait3A_250 : memref<5128x128xf32, #tpu.memory_space<vmem_shared>>)
        tpu.yield
      }) : () -> ()
      %add3A_186 = arith.constant 4 : i32
      %add3A_187 = arith.addi %add3A_173, %add3A_186 : i32
      %rem3A_188 = arith.constant 48 : i32
      %rem3A_189 = arith.remsi %add3A_187, %rem3A_188 : i32
      %dma_start3A_190 = arith.constant 2 : i32
      %dma_start3A_191 = arith.constant 0 : i32
      %dma_start3A_192 = arith.constant 0 : i32
      %dma_start3A_193 = tpu.memref_slice %arg9[%dma_start3A_190, %dma_start3A_191, %dma_start3A_192] : memref<4x128x128xf32, #tpu.memory_space<vmem>> -> memref<1x128x128xf32, #tpu.memory_space<vmem>>
      %dma_start3A_194 = tpu.memref_squeeze %dma_start3A_193 : memref<1x128x128xf32, #tpu.memory_space<vmem>> -> memref<128x128xf32, #tpu.memory_space<vmem>>
      %dma_start3A_195 = arith.constant 0 : i32
      %dma_start3A_196 = tpu.memref_slice %arg7[%rem3A_189, %dma_start3A_195] : memref<48x128xi32, #tpu.memory_space<vmem>> -> memref<1x128xi32, #tpu.memory_space<vmem>>
      %dma_start3A_197 = tpu.memref_squeeze %dma_start3A_196 : memref<1x128xi32, #tpu.memory_space<vmem>> -> memref<128xi32, #tpu.memory_space<vmem>>
      %dma_start3A_198 = arith.constant 0 : i32
      %dma_start3A_199 = arith.constant 0 : i32
      %dma_start3A_200 = tpu.memref_slice %arg4[%dma_start3A_198, %dma_start3A_199] : memref<10240x128xf32, #tpu.memory_space<hbm>> -> memref<10240x128xf32, #tpu.memory_space<hbm>>
      tpu.enqueue_indirect_dma source(%dma_start3A_200 : memref<10240x128xf32, #tpu.memory_space<hbm>>) target(%dma_start3A_194 : memref<128x128xf32, #tpu.memory_space<vmem>>) offsets(%dma_start3A_197 : memref<128xi32, #tpu.memory_space<vmem>>) semaphore(%arg13 : memref<!tpu.dma_semaphore, #tpu.memory_space<semaphore_mem>>)
      %add3A_201 = arith.constant 3 : i32
      %add3A_202 = arith.addi %mul3A_115, %add3A_201 : i32
      %dma_wait3A_203 = arith.constant 3 : i32
      %dma_wait3A_204 = arith.constant 0 : i32
      %dma_wait3A_205 = arith.constant 0 : i32
      %dma_wait3A_206 = tpu.memref_slice %arg9[%dma_wait3A_203, %dma_wait3A_204, %dma_wait3A_205] : memref<4x128x128xf32, #tpu.memory_space<vmem>> -> memref<1x128x128xf32, #tpu.memory_space<vmem>>
      %dma_wait3A_207 = tpu.memref_squeeze %dma_wait3A_206 : memref<1x128x128xf32, #tpu.memory_space<vmem>> -> memref<128x128xf32, #tpu.memory_space<vmem>>
      %dma_wait3A_208 = arith.constant 0 : i32
      %dma_wait3A_209 = tpu.memref_slice %arg7[%add3A_202, %dma_wait3A_208] : memref<48x128xi32, #tpu.memory_space<vmem>> -> memref<1x128xi32, #tpu.memory_space<vmem>>
      %dma_wait3A_210 = tpu.memref_squeeze %dma_wait3A_209 : memref<1x128xi32, #tpu.memory_space<vmem>> -> memref<128xi32, #tpu.memory_space<vmem>>
      %dma_wait3A_211 = arith.constant 0 : i32
      %dma_wait3A_212 = arith.constant 0 : i32
      %dma_wait3A_213 = tpu.memref_slice %arg4[%dma_wait3A_211, %dma_wait3A_212] : memref<10240x128xf32, #tpu.memory_space<hbm>> -> memref<10240x128xf32, #tpu.memory_space<hbm>>
      tpu.wait_indirect_dma semaphore(%arg14 : memref<!tpu.dma_semaphore, #tpu.memory_space<semaphore_mem>>) src(%dma_wait3A_213 : memref<10240x128xf32, #tpu.memory_space<hbm>>) dst(%dma_wait3A_207 : memref<128x128xf32, #tpu.memory_space<vmem>>)
      %run_scoped3A_214 = arith.constant 3 : i32
      "tpu.region"() ({
        %run_scoped3A_230 = tpu.sem_alloc : memref<!tpu.dma_semaphore, #tpu.memory_space<semaphore_mem>>
        %dma_start3A_231 = arith.constant 0 : i32
        %dma_start3A_232 = arith.constant 0 : i32
        %dma_start3A_233 = tpu.memref_slice %arg9[%run_scoped3A_214, %dma_start3A_231, %dma_start3A_232] : memref<4x128x128xf32, #tpu.memory_space<vmem>> -> memref<1x128x128xf32, #tpu.memory_space<vmem>>
        %dma_start3A_234 = tpu.memref_squeeze %dma_start3A_233 : memref<1x128x128xf32, #tpu.memory_space<vmem>> -> memref<128x128xf32, #tpu.memory_space<vmem>>
        %dma_start3A_235 = arith.constant 0 : i32
        %dma_start3A_236 = tpu.memref_slice %arg8[%add3A_202, %dma_start3A_235] : memref<48x128xi32, #tpu.memory_space<vmem>> -> memref<1x128xi32, #tpu.memory_space<vmem>>
        %dma_start3A_237 = tpu.memref_squeeze %dma_start3A_236 : memref<1x128xi32, #tpu.memory_space<vmem>> -> memref<128xi32, #tpu.memory_space<vmem>>
        %dma_start3A_238 = arith.constant 0 : i32
        %dma_start3A_239 = arith.constant 0 : i32
        %dma_start3A_240 = tpu.memref_slice %arg10[%dma_start3A_238, %dma_start3A_239] : memref<5128x128xf32, #tpu.memory_space<vmem_shared>> -> memref<5128x128xf32, #tpu.memory_space<vmem_shared>>
        tpu.enqueue_indirect_dma source(%dma_start3A_234 : memref<128x128xf32, #tpu.memory_space<vmem>>) target(%dma_start3A_240 : memref<5128x128xf32, #tpu.memory_space<vmem_shared>>) offsets(%dma_start3A_237 : memref<128xi32, #tpu.memory_space<vmem>>) semaphore(%run_scoped3A_230 : memref<!tpu.dma_semaphore, #tpu.memory_space<semaphore_mem>>) {add = true}
        %dma_wait3A_241 = arith.constant 0 : i32
        %dma_wait3A_242 = arith.constant 0 : i32
        %dma_wait3A_243 = tpu.memref_slice %arg9[%run_scoped3A_214, %dma_wait3A_241, %dma_wait3A_242] : memref<4x128x128xf32, #tpu.memory_space<vmem>> -> memref<1x128x128xf32, #tpu.memory_space<vmem>>
        %dma_wait3A_244 = tpu.memref_squeeze %dma_wait3A_243 : memref<1x128x128xf32, #tpu.memory_space<vmem>> -> memref<128x128xf32, #tpu.memory_space<vmem>>
        %dma_wait3A_245 = arith.constant 0 : i32
        %dma_wait3A_246 = tpu.memref_slice %arg8[%add3A_202, %dma_wait3A_245] : memref<48x128xi32, #tpu.memory_space<vmem>> -> memref<1x128xi32, #tpu.memory_space<vmem>>
        %dma_wait3A_247 = tpu.memref_squeeze %dma_wait3A_246 : memref<1x128xi32, #tpu.memory_space<vmem>> -> memref<128xi32, #tpu.memory_space<vmem>>
        %dma_wait3A_248 = arith.constant 0 : i32
        %dma_wait3A_249 = arith.constant 0 : i32
        %dma_wait3A_250 = tpu.memref_slice %arg10[%dma_wait3A_248, %dma_wait3A_249] : memref<5128x128xf32, #tpu.memory_space<vmem_shared>> -> memref<5128x128xf32, #tpu.memory_space<vmem_shared>>
        tpu.wait_indirect_dma semaphore(%run_scoped3A_230 : memref<!tpu.dma_semaphore, #tpu.memory_space<semaphore_mem>>) src(%dma_wait3A_244 : memref<128x128xf32, #tpu.memory_space<vmem>>) dst(%dma_wait3A_250 : memref<5128x128xf32, #tpu.memory_space<vmem_shared>>)
        tpu.yield
      }) : () -> ()
      %add3A_215 = arith.constant 4 : i32
      %add3A_216 = arith.addi %add3A_202, %add3A_215 : i32
      %rem3A_217 = arith.constant 48 : i32
      %rem3A_218 = arith.remsi %add3A_216, %rem3A_217 : i32
      %dma_start3A_219 = arith.constant 3 : i32
      %dma_start3A_220 = arith.constant 0 : i32
      %dma_start3A_221 = arith.constant 0 : i32
      %dma_start3A_222 = tpu.memref_slice %arg9[%dma_start3A_219, %dma_start3A_220, %dma_start3A_221] : memref<4x128x128xf32, #tpu.memory_space<vmem>> -> memref<1x128x128xf32, #tpu.memory_space<vmem>>
      %dma_start3A_223 = tpu.memref_squeeze %dma_start3A_222 : memref<1x128x128xf32, #tpu.memory_space<vmem>> -> memref<128x128xf32, #tpu.memory_space<vmem>>
      %dma_start3A_224 = arith.constant 0 : i32
      %dma_start3A_225 = tpu.memref_slice %arg7[%rem3A_218, %dma_start3A_224] : memref<48x128xi32, #tpu.memory_space<vmem>> -> memref<1x128xi32, #tpu.memory_space<vmem>>
      %dma_start3A_226 = tpu.memref_squeeze %dma_start3A_225 : memref<1x128xi32, #tpu.memory_space<vmem>> -> memref<128xi32, #tpu.memory_space<vmem>>
      %dma_start3A_227 = arith.constant 0 : i32
      %dma_start3A_228 = arith.constant 0 : i32
      %dma_start3A_229 = tpu.memref_slice %arg4[%dma_start3A_227, %dma_start3A_228] : memref<10240x128xf32, #tpu.memory_space<hbm>> -> memref<10240x128xf32, #tpu.memory_space<hbm>>
      tpu.enqueue_indirect_dma source(%dma_start3A_229 : memref<10240x128xf32, #tpu.memory_space<hbm>>) target(%dma_start3A_223 : memref<128x128xf32, #tpu.memory_space<vmem>>) offsets(%dma_start3A_226 : memref<128xi32, #tpu.memory_space<vmem>>) semaphore(%arg14 : memref<!tpu.dma_semaphore, #tpu.memory_space<semaphore_mem>>)
    }
    %scan3A_61 = arith.constant 12 : i32
    %dma_wait3A = arith.constant 0 : i32
    %dma_wait3A_62 = arith.constant 0 : i32
    %dma_wait3A_63 = arith.constant 0 : i32
    %dma_wait3A_64 = arith.constant 0 : i32
    %dma_wait3A_65 = tpu.memref_slice %arg9[%dma_wait3A_62, %dma_wait3A_63, %dma_wait3A_64] : memref<4x128x128xf32, #tpu.memory_space<vmem>> -> memref<1x128x128xf32, #tpu.memory_space<vmem>>
    %dma_wait3A_66 = tpu.memref_squeeze %dma_wait3A_65 : memref<1x128x128xf32, #tpu.memory_space<vmem>> -> memref<128x128xf32, #tpu.memory_space<vmem>>
    %dma_wait3A_67 = arith.constant 0 : i32
    %dma_wait3A_68 = tpu.memref_slice %arg7[%dma_wait3A, %dma_wait3A_67] : memref<48x128xi32, #tpu.memory_space<vmem>> -> memref<1x128xi32, #tpu.memory_space<vmem>>
    %dma_wait3A_69 = tpu.memref_squeeze %dma_wait3A_68 : memref<1x128xi32, #tpu.memory_space<vmem>> -> memref<128xi32, #tpu.memory_space<vmem>>
    %dma_wait3A_70 = arith.constant 0 : i32
    %dma_wait3A_71 = arith.constant 0 : i32
    %dma_wait3A_72 = tpu.memref_slice %arg4[%dma_wait3A_70, %dma_wait3A_71] : memref<10240x128xf32, #tpu.memory_space<hbm>> -> memref<10240x128xf32, #tpu.memory_space<hbm>>
    tpu.wait_indirect_dma semaphore(%arg11 : memref<!tpu.dma_semaphore, #tpu.memory_space<semaphore_mem>>) src(%dma_wait3A_72 : memref<10240x128xf32, #tpu.memory_space<hbm>>) dst(%dma_wait3A_66 : memref<128x128xf32, #tpu.memory_space<vmem>>)
    %dma_wait3A_73 = arith.constant 1 : i32
    %dma_wait3A_74 = arith.constant 1 : i32
    %dma_wait3A_75 = arith.constant 0 : i32
    %dma_wait3A_76 = arith.constant 0 : i32
    %dma_wait3A_77 = tpu.memref_slice %arg9[%dma_wait3A_74, %dma_wait3A_75, %dma_wait3A_76] : memref<4x128x128xf32, #tpu.memory_space<vmem>> -> memref<1x128x128xf32, #tpu.memory_space<vmem>>
    %dma_wait3A_78 = tpu.memref_squeeze %dma_wait3A_77 : memref<1x128x128xf32, #tpu.memory_space<vmem>> -> memref<128x128xf32, #tpu.memory_space<vmem>>
    %dma_wait3A_79 = arith.constant 0 : i32
    %dma_wait3A_80 = tpu.memref_slice %arg7[%dma_wait3A_73, %dma_wait3A_79] : memref<48x128xi32, #tpu.memory_space<vmem>> -> memref<1x128xi32, #tpu.memory_space<vmem>>
    %dma_wait3A_81 = tpu.memref_squeeze %dma_wait3A_80 : memref<1x128xi32, #tpu.memory_space<vmem>> -> memref<128xi32, #tpu.memory_space<vmem>>
    %dma_wait3A_82 = arith.constant 0 : i32
    %dma_wait3A_83 = arith.constant 0 : i32
    %dma_wait3A_84 = tpu.memref_slice %arg4[%dma_wait3A_82, %dma_wait3A_83] : memref<10240x128xf32, #tpu.memory_space<hbm>> -> memref<10240x128xf32, #tpu.memory_space<hbm>>
    tpu.wait_indirect_dma semaphore(%arg12 : memref<!tpu.dma_semaphore, #tpu.memory_space<semaphore_mem>>) src(%dma_wait3A_84 : memref<10240x128xf32, #tpu.memory_space<hbm>>) dst(%dma_wait3A_78 : memref<128x128xf32, #tpu.memory_space<vmem>>)
    %dma_wait3A_85 = arith.constant 2 : i32
    %dma_wait3A_86 = arith.constant 2 : i32
    %dma_wait3A_87 = arith.constant 0 : i32
    %dma_wait3A_88 = arith.constant 0 : i32
    %dma_wait3A_89 = tpu.memref_slice %arg9[%dma_wait3A_86, %dma_wait3A_87, %dma_wait3A_88] : memref<4x128x128xf32, #tpu.memory_space<vmem>> -> memref<1x128x128xf32, #tpu.memory_space<vmem>>
    %dma_wait3A_90 = tpu.memref_squeeze %dma_wait3A_89 : memref<1x128x128xf32, #tpu.memory_space<vmem>> -> memref<128x128xf32, #tpu.memory_space<vmem>>
    %dma_wait3A_91 = arith.constant 0 : i32
    %dma_wait3A_92 = tpu.memref_slice %arg7[%dma_wait3A_85, %dma_wait3A_91] : memref<48x128xi32, #tpu.memory_space<vmem>> -> memref<1x128xi32, #tpu.memory_space<vmem>>
    %dma_wait3A_93 = tpu.memref_squeeze %dma_wait3A_92 : memref<1x128xi32, #tpu.memory_space<vmem>> -> memref<128xi32, #tpu.memory_space<vmem>>
    %dma_wait3A_94 = arith.constant 0 : i32
    %dma_wait3A_95 = arith.constant 0 : i32
    %dma_wait3A_96 = tpu.memref_slice %arg4[%dma_wait3A_94, %dma_wait3A_95] : memref<10240x128xf32, #tpu.memory_space<hbm>> -> memref<10240x128xf32, #tpu.memory_space<hbm>>
    tpu.wait_indirect_dma semaphore(%arg13 : memref<!tpu.dma_semaphore, #tpu.memory_space<semaphore_mem>>) src(%dma_wait3A_96 : memref<10240x128xf32, #tpu.memory_space<hbm>>) dst(%dma_wait3A_90 : memref<128x128xf32, #tpu.memory_space<vmem>>)
    %dma_wait3A_97 = arith.constant 3 : i32
    %dma_wait3A_98 = arith.constant 3 : i32
    %dma_wait3A_99 = arith.constant 0 : i32
    %dma_wait3A_100 = arith.constant 0 : i32
    %dma_wait3A_101 = tpu.memref_slice %arg9[%dma_wait3A_98, %dma_wait3A_99, %dma_wait3A_100] : memref<4x128x128xf32, #tpu.memory_space<vmem>> -> memref<1x128x128xf32, #tpu.memory_space<vmem>>
    %dma_wait3A_102 = tpu.memref_squeeze %dma_wait3A_101 : memref<1x128x128xf32, #tpu.memory_space<vmem>> -> memref<128x128xf32, #tpu.memory_space<vmem>>
    %dma_wait3A_103 = arith.constant 0 : i32
    %dma_wait3A_104 = tpu.memref_slice %arg7[%dma_wait3A_97, %dma_wait3A_103] : memref<48x128xi32, #tpu.memory_space<vmem>> -> memref<1x128xi32, #tpu.memory_space<vmem>>
    %dma_wait3A_105 = tpu.memref_squeeze %dma_wait3A_104 : memref<1x128xi32, #tpu.memory_space<vmem>> -> memref<128xi32, #tpu.memory_space<vmem>>
    %dma_wait3A_106 = arith.constant 0 : i32
    %dma_wait3A_107 = arith.constant 0 : i32
    %dma_wait3A_108 = tpu.memref_slice %arg4[%dma_wait3A_106, %dma_wait3A_107] : memref<10240x128xf32, #tpu.memory_space<hbm>> -> memref<10240x128xf32, #tpu.memory_space<hbm>>
    tpu.wait_indirect_dma semaphore(%arg14 : memref<!tpu.dma_semaphore, #tpu.memory_space<semaphore_mem>>) src(%dma_wait3A_108 : memref<10240x128xf32, #tpu.memory_space<hbm>>) dst(%dma_wait3A_102 : memref<128x128xf32, #tpu.memory_space<vmem>>)
    %barrier3A_109 = arith.constant 0 : index
    tpu.barrier barrier_id(%barrier3A_109)
    %mul3A_110 = arith.constant 5120 : i32
    %mul3A_111 = arith.muli %arg0, %mul3A_110 : i32
    %add3A_112 = arith.addi %mul3A_111, %mul3A_0 : i32
    "tpu.region"() ({
      %run_scoped3A = tpu.sem_alloc : memref<!tpu.dma_semaphore, #tpu.memory_space<semaphore_mem>>
      %dma_start3A_113 = arith.constant 0 : i32
      %dma_start3A_114 = tpu.memref_slice %arg6[%add3A_112, %dma_start3A_113] : memref<10240x128xf32, #tpu.memory_space<hbm>> -> memref<320x128xf32, #tpu.memory_space<hbm>>
      %dma_start3A_115 = arith.constant 0 : i32
      %dma_start3A_116 = tpu.memref_slice %arg10[%mul3A_0, %dma_start3A_115] : memref<5128x128xf32, #tpu.memory_space<vmem_shared>> -> memref<320x128xf32, #tpu.memory_space<vmem_shared>>
      tpu.enqueue_dma source(%dma_start3A_116 : memref<320x128xf32, #tpu.memory_space<vmem_shared>>) target(%dma_start3A_114 : memref<320x128xf32, #tpu.memory_space<hbm>>) target_semaphore(%run_scoped3A : memref<!tpu.dma_semaphore, #tpu.memory_space<semaphore_mem>>)
      %dma_wait3A_117 = arith.constant 0 : i32
      %dma_wait3A_118 = tpu.memref_slice %arg6[%add3A_112, %dma_wait3A_117] : memref<10240x128xf32, #tpu.memory_space<hbm>> -> memref<320x128xf32, #tpu.memory_space<hbm>>
      %dma_wait3A_119 = arith.constant 0 : i32
      %dma_wait3A_120 = tpu.memref_slice %arg10[%mul3A_0, %dma_wait3A_119] : memref<5128x128xf32, #tpu.memory_space<vmem_shared>> -> memref<320x128xf32, #tpu.memory_space<vmem_shared>>
      tpu.wait_dma2 semaphore(%run_scoped3A : memref<!tpu.dma_semaphore, #tpu.memory_space<semaphore_mem>>) src(%dma_wait3A_120 : memref<320x128xf32, #tpu.memory_space<vmem_shared>>) dst(%dma_wait3A_118 : memref<320x128xf32, #tpu.memory_space<hbm>>)
      tpu.yield
    }) : () -> ()
    return
  }
}

module attributes {stable_mosaic.version = 14 : i64} {
  func.func @_tail_body(%arg0: memref<50x30x97xf32, #tpu.memory_space<vmem>>, %arg1: memref<50x256xf32, #tpu.memory_space<vmem>>, %arg2: memref<128x30x3xf32, #tpu.memory_space<vmem>>, %arg3: memref<128xf32, #tpu.memory_space<vmem>>, %arg4: memref<360x128xf32, #tpu.memory_space<vmem>>, %arg5: memref<360x120xf32, #tpu.memory_space<vmem>>, %arg6: memref<360xf32, #tpu.memory_space<vmem>>, %arg7: memref<360xf32, #tpu.memory_space<vmem>>, %arg8: memref<360x128xf32, #tpu.memory_space<vmem>>, %arg9: memref<360x120xf32, #tpu.memory_space<vmem>>, %arg10: memref<360xf32, #tpu.memory_space<vmem>>, %arg11: memref<360xf32, #tpu.memory_space<vmem>>, %arg12: memref<102x4816xf32, #tpu.memory_space<vmem>>, %arg13: memref<102xf32, #tpu.memory_space<vmem>>, %arg14: memref<2x102xf32, #tpu.memory_space<vmem>>, %arg15: memref<2xf32, #tpu.memory_space<vmem>>, %arg16: memref<50x2xf32, #tpu.memory_space<vmem>>) attributes {dimension_semantics = [], scalar_prefetch = 0 : i64, scratch_operands = 0 : i64, tpu.core_type = #tpu.core_type<tc>} {
    %get3A = arith.constant 0 : index
    %get3A_0 = arith.constant 0 : index
    %get3A_1 = arith.constant 0 : index
    %get3A_2 = vector.load %arg0[%get3A, %get3A_0, %get3A_1] : memref<50x30x97xf32, #tpu.memory_space<vmem>>, vector<50x30x97xf32>
    %broadcast_in_dim3A = arith.constant 0.000000e+00 : f32
    %broadcast_in_dim3A_3 = vector.broadcast %broadcast_in_dim3A : f32 to vector<50x95x128xf32>
    %get3A_4 = arith.constant 0 : index
    %get3A_5 = arith.constant 0 : index
    %get3A_6 = arith.constant 0 : index
    %get3A_7 = vector.load %arg2[%get3A_4, %get3A_5, %get3A_6] : memref<128x30x3xf32, #tpu.memory_space<vmem>>, vector<128x30x3xf32>
    %slice3A = vector.extract_strided_slice %get3A_2 {offsets = [0, 0, 0], sizes = [50, 30, 95], strides = [1, 1, 1]} : vector<50x30x97xf32> to vector<50x30x95xf32>
    %slice3A_8 = vector.extract_strided_slice %get3A_7 {offsets = [0, 0, 0], sizes = [128, 30, 1], strides = [1, 1, 1]} : vector<128x30x3xf32> to vector<128x30x1xf32>
    %squeeze3A = vector.shape_cast %slice3A_8 : vector<128x30x1xf32> to vector<128x30xf32>
    %dot_general3A = arith.constant dense<0.000000e+00> : vector<50x95x128xf32>
    %dot_general3A_9 = tpu.matmul %slice3A, %squeeze3A, %dot_general3A {dimension_numbers = #tpu.dot_dimension_numbers<[1], [1], [0, 2], [0], [0, 0, 0, 2, 1, 0], [], []>, transpose_lhs_hint = false} : vector<50x30x95xf32>, vector<128x30xf32>, vector<50x95x128xf32> -> vector<50x95x128xf32>
    %add3A = arith.addf %broadcast_in_dim3A_3, %dot_general3A_9 : vector<50x95x128xf32>
    %slice3A_10 = vector.extract_strided_slice %get3A_2 {offsets = [0, 0, 1], sizes = [50, 30, 95], strides = [1, 1, 1]} : vector<50x30x97xf32> to vector<50x30x95xf32>
    %slice3A_11 = vector.extract_strided_slice %get3A_7 {offsets = [0, 0, 1], sizes = [128, 30, 1], strides = [1, 1, 1]} : vector<128x30x3xf32> to vector<128x30x1xf32>
    %squeeze3A_12 = vector.shape_cast %slice3A_11 : vector<128x30x1xf32> to vector<128x30xf32>
    %dot_general3A_13 = arith.constant dense<0.000000e+00> : vector<50x95x128xf32>
    %dot_general3A_14 = tpu.matmul %slice3A_10, %squeeze3A_12, %dot_general3A_13 {dimension_numbers = #tpu.dot_dimension_numbers<[1], [1], [0, 2], [0], [0, 0, 0, 2, 1, 0], [], []>, transpose_lhs_hint = false} : vector<50x30x95xf32>, vector<128x30xf32>, vector<50x95x128xf32> -> vector<50x95x128xf32>
    %add3A_15 = arith.addf %add3A, %dot_general3A_14 : vector<50x95x128xf32>
    %slice3A_16 = vector.extract_strided_slice %get3A_2 {offsets = [0, 0, 2], sizes = [50, 30, 95], strides = [1, 1, 1]} : vector<50x30x97xf32> to vector<50x30x95xf32>
    %slice3A_17 = vector.extract_strided_slice %get3A_7 {offsets = [0, 0, 2], sizes = [128, 30, 1], strides = [1, 1, 1]} : vector<128x30x3xf32> to vector<128x30x1xf32>
    %squeeze3A_18 = vector.shape_cast %slice3A_17 : vector<128x30x1xf32> to vector<128x30xf32>
    %dot_general3A_19 = arith.constant dense<0.000000e+00> : vector<50x95x128xf32>
    %dot_general3A_20 = tpu.matmul %slice3A_16, %squeeze3A_18, %dot_general3A_19 {dimension_numbers = #tpu.dot_dimension_numbers<[1], [1], [0, 2], [0], [0, 0, 0, 2, 1, 0], [], []>, transpose_lhs_hint = false} : vector<50x30x95xf32>, vector<128x30xf32>, vector<50x95x128xf32> -> vector<50x95x128xf32>
    %add3A_21 = arith.addf %add3A_15, %dot_general3A_20 : vector<50x95x128xf32>
    %get3A_22 = arith.constant 0 : index
    %get3A_23 = vector.load %arg3[%get3A_22] : memref<128xf32, #tpu.memory_space<vmem>>, vector<128xf32>
    %broadcast_in_dim3A_24 = vector.shape_cast %get3A_23 : vector<128xf32> to vector<1x1x128xf32>
    %add3A_25 = vector.broadcast %broadcast_in_dim3A_24 : vector<1x1x128xf32> to vector<50x95x128xf32>
    %add3A_26 = arith.addf %add3A_21, %add3A_25 : vector<50x95x128xf32>
    %max3A = arith.constant 0.000000e+00 : f32
    %max3A_27 = vector.broadcast %max3A : f32 to vector<50x95x128xf32>
    %max3A_28 = arith.maximumf %add3A_26, %max3A_27 : vector<50x95x128xf32>
    %reshape3A = vector.shape_cast %max3A_28 : vector<50x95x128xf32> to vector<50x19x5x128xf32>
    %reduce_sum3A = arith.constant dense<0.000000e+00> : vector<50x19x128xf32>
    %reduce_sum3A_29 = vector.multi_reduction <add>, %reshape3A, %reduce_sum3A [2] : vector<50x19x5x128xf32> to vector<50x19x128xf32>
    %div3A = arith.constant 5.000000e+00 : f32
    %div3A_30 = vector.broadcast %div3A : f32 to vector<50x19x128xf32>
    %div3A_31 = arith.divf %reduce_sum3A_29, %div3A_30 : vector<50x19x128xf32>
    %get3A_32 = arith.constant 0 : index
    %get3A_33 = arith.constant 0 : index
    %get3A_34 = vector.load %arg4[%get3A_32, %get3A_33] : memref<360x128xf32, #tpu.memory_space<vmem>>, vector<360x128xf32>
    %dot_general3A_35 = arith.constant dense<0.000000e+00> : vector<50x19x360xf32>
    %dot_general3A_36 = tpu.matmul %div3A_31, %get3A_34, %dot_general3A_35 {dimension_numbers = #tpu.dot_dimension_numbers<[2], [1], [0, 1], [0], [0, 0, 0, 1, 1, 0], [], []>, transpose_lhs_hint = false} : vector<50x19x128xf32>, vector<360x128xf32>, vector<50x19x360xf32> -> vector<50x19x360xf32>
    %get3A_37 = arith.constant 0 : index
    %get3A_38 = vector.load %arg6[%get3A_37] : memref<360xf32, #tpu.memory_space<vmem>>, vector<360xf32>
    %broadcast_in_dim3A_39 = vector.shape_cast %get3A_38 : vector<360xf32> to vector<1x1x360xf32>
    %add3A_40 = vector.broadcast %broadcast_in_dim3A_39 : vector<1x1x360xf32> to vector<50x19x360xf32>
    %add3A_41 = arith.addf %dot_general3A_36, %add3A_40 : vector<50x19x360xf32>
    %get3A_42 = arith.constant 0 : index
    %get3A_43 = arith.constant 0 : index
    %get3A_44 = vector.load %arg5[%get3A_42, %get3A_43] : memref<360x120xf32, #tpu.memory_space<vmem>>, vector<360x120xf32>
    %get3A_45 = arith.constant 0 : index
    %get3A_46 = vector.load %arg7[%get3A_45] : memref<360xf32, #tpu.memory_space<vmem>>, vector<360xf32>
    %broadcast_in_dim3A_47 = arith.constant 0.000000e+00 : f32
    %broadcast_in_dim3A_48 = vector.broadcast %broadcast_in_dim3A_47 : f32 to vector<50x120xf32>
    %slice3A_49 = vector.extract_strided_slice %add3A_41 {offsets = [0, 0, 0], sizes = [50, 1, 360], strides = [1, 1, 1]} : vector<50x19x360xf32> to vector<50x1x360xf32>
    %squeeze3A_50 = vector.shape_cast %slice3A_49 : vector<50x1x360xf32> to vector<50x360xf32>
    %dot_general3A_51 = arith.constant dense<0.000000e+00> : vector<50x360xf32>
    %dot_general3A_52 = tpu.matmul %broadcast_in_dim3A_48, %get3A_44, %dot_general3A_51 {dimension_numbers = #tpu.dot_dimension_numbers<[1], [1], [0], [0], [0, 0, 1, 0], [], []>, transpose_lhs_hint = false} : vector<50x120xf32>, vector<360x120xf32>, vector<50x360xf32> -> vector<50x360xf32>
    %broadcast_in_dim3A_53 = vector.shape_cast %get3A_46 : vector<360xf32> to vector<1x360xf32>
    %add3A_54 = vector.broadcast %broadcast_in_dim3A_53 : vector<1x360xf32> to vector<50x360xf32>
    %add3A_55 = arith.addf %dot_general3A_52, %add3A_54 : vector<50x360xf32>
    %slice3A_56 = vector.extract_strided_slice %squeeze3A_50 {offsets = [0, 0], sizes = [50, 120], strides = [1, 1]} : vector<50x360xf32> to vector<50x120xf32>
    %slice3A_57 = vector.extract_strided_slice %add3A_55 {offsets = [0, 0], sizes = [50, 120], strides = [1, 1]} : vector<50x360xf32> to vector<50x120xf32>
    %add3A_58 = arith.addf %slice3A_56, %slice3A_57 : vector<50x120xf32>
    %logistic3A = arith.negf %add3A_58 : vector<50x120xf32>
    %logistic3A_59 = math.exp %logistic3A : vector<50x120xf32>
    %logistic3A_60 = arith.constant 1.000000e+00 : f32
    %logistic3A_61 = vector.broadcast %logistic3A_60 : f32 to vector<50x120xf32>
    %logistic3A_62 = arith.addf %logistic3A_61, %logistic3A_59 : vector<50x120xf32>
    %logistic3A_63 = arith.divf %logistic3A_61, %logistic3A_62 : vector<50x120xf32>
    %slice3A_64 = vector.extract_strided_slice %squeeze3A_50 {offsets = [0, 120], sizes = [50, 120], strides = [1, 1]} : vector<50x360xf32> to vector<50x120xf32>
    %slice3A_65 = vector.extract_strided_slice %add3A_55 {offsets = [0, 120], sizes = [50, 120], strides = [1, 1]} : vector<50x360xf32> to vector<50x120xf32>
    %add3A_66 = arith.addf %slice3A_64, %slice3A_65 : vector<50x120xf32>
    %logistic3A_67 = arith.negf %add3A_66 : vector<50x120xf32>
    %logistic3A_68 = math.exp %logistic3A_67 : vector<50x120xf32>
    %logistic3A_69 = arith.constant 1.000000e+00 : f32
    %logistic3A_70 = vector.broadcast %logistic3A_69 : f32 to vector<50x120xf32>
    %logistic3A_71 = arith.addf %logistic3A_70, %logistic3A_68 : vector<50x120xf32>
    %logistic3A_72 = arith.divf %logistic3A_70, %logistic3A_71 : vector<50x120xf32>
    %slice3A_73 = vector.extract_strided_slice %squeeze3A_50 {offsets = [0, 240], sizes = [50, 120], strides = [1, 1]} : vector<50x360xf32> to vector<50x120xf32>
    %slice3A_74 = vector.extract_strided_slice %add3A_55 {offsets = [0, 240], sizes = [50, 120], strides = [1, 1]} : vector<50x360xf32> to vector<50x120xf32>
    %mul3A = arith.mulf %logistic3A_63, %slice3A_74 : vector<50x120xf32>
    %add3A_75 = arith.addf %slice3A_73, %mul3A : vector<50x120xf32>
    %tanh3A = math.tanh %add3A_75 : vector<50x120xf32>
    %sub3A = arith.constant 1.000000e+00 : f32
    %sub3A_76 = vector.broadcast %sub3A : f32 to vector<50x120xf32>
    %sub3A_77 = arith.subf %sub3A_76, %logistic3A_72 : vector<50x120xf32>
    %mul3A_78 = arith.mulf %sub3A_77, %tanh3A : vector<50x120xf32>
    %mul3A_79 = arith.mulf %logistic3A_72, %broadcast_in_dim3A_48 : vector<50x120xf32>
    %add3A_80 = arith.addf %mul3A_78, %mul3A_79 : vector<50x120xf32>
    %slice3A_81 = vector.extract_strided_slice %add3A_41 {offsets = [0, 1, 0], sizes = [50, 1, 360], strides = [1, 1, 1]} : vector<50x19x360xf32> to vector<50x1x360xf32>
    %squeeze3A_82 = vector.shape_cast %slice3A_81 : vector<50x1x360xf32> to vector<50x360xf32>
    %dot_general3A_83 = arith.constant dense<0.000000e+00> : vector<50x360xf32>
    %dot_general3A_84 = tpu.matmul %add3A_80, %get3A_44, %dot_general3A_83 {dimension_numbers = #tpu.dot_dimension_numbers<[1], [1], [0], [0], [0, 0, 1, 0], [], []>, transpose_lhs_hint = false} : vector<50x120xf32>, vector<360x120xf32>, vector<50x360xf32> -> vector<50x360xf32>
    %broadcast_in_dim3A_85 = vector.shape_cast %get3A_46 : vector<360xf32> to vector<1x360xf32>
    %add3A_86 = vector.broadcast %broadcast_in_dim3A_85 : vector<1x360xf32> to vector<50x360xf32>
    %add3A_87 = arith.addf %dot_general3A_84, %add3A_86 : vector<50x360xf32>
    %slice3A_88 = vector.extract_strided_slice %squeeze3A_82 {offsets = [0, 0], sizes = [50, 120], strides = [1, 1]} : vector<50x360xf32> to vector<50x120xf32>
    %slice3A_89 = vector.extract_strided_slice %add3A_87 {offsets = [0, 0], sizes = [50, 120], strides = [1, 1]} : vector<50x360xf32> to vector<50x120xf32>
    %add3A_90 = arith.addf %slice3A_88, %slice3A_89 : vector<50x120xf32>
    %logistic3A_91 = arith.negf %add3A_90 : vector<50x120xf32>
    %logistic3A_92 = math.exp %logistic3A_91 : vector<50x120xf32>
    %logistic3A_93 = arith.constant 1.000000e+00 : f32
    %logistic3A_94 = vector.broadcast %logistic3A_93 : f32 to vector<50x120xf32>
    %logistic3A_95 = arith.addf %logistic3A_94, %logistic3A_92 : vector<50x120xf32>
    %logistic3A_96 = arith.divf %logistic3A_94, %logistic3A_95 : vector<50x120xf32>
    %slice3A_97 = vector.extract_strided_slice %squeeze3A_82 {offsets = [0, 120], sizes = [50, 120], strides = [1, 1]} : vector<50x360xf32> to vector<50x120xf32>
    %slice3A_98 = vector.extract_strided_slice %add3A_87 {offsets = [0, 120], sizes = [50, 120], strides = [1, 1]} : vector<50x360xf32> to vector<50x120xf32>
    %add3A_99 = arith.addf %slice3A_97, %slice3A_98 : vector<50x120xf32>
    %logistic3A_100 = arith.negf %add3A_99 : vector<50x120xf32>
    %logistic3A_101 = math.exp %logistic3A_100 : vector<50x120xf32>
    %logistic3A_102 = arith.constant 1.000000e+00 : f32
    %logistic3A_103 = vector.broadcast %logistic3A_102 : f32 to vector<50x120xf32>
    %logistic3A_104 = arith.addf %logistic3A_103, %logistic3A_101 : vector<50x120xf32>
    %logistic3A_105 = arith.divf %logistic3A_103, %logistic3A_104 : vector<50x120xf32>
    %slice3A_106 = vector.extract_strided_slice %squeeze3A_82 {offsets = [0, 240], sizes = [50, 120], strides = [1, 1]} : vector<50x360xf32> to vector<50x120xf32>
    %slice3A_107 = vector.extract_strided_slice %add3A_87 {offsets = [0, 240], sizes = [50, 120], strides = [1, 1]} : vector<50x360xf32> to vector<50x120xf32>
    %mul3A_108 = arith.mulf %logistic3A_96, %slice3A_107 : vector<50x120xf32>
    %add3A_109 = arith.addf %slice3A_106, %mul3A_108 : vector<50x120xf32>
    %tanh3A_110 = math.tanh %add3A_109 : vector<50x120xf32>
    %sub3A_111 = arith.constant 1.000000e+00 : f32
    %sub3A_112 = vector.broadcast %sub3A_111 : f32 to vector<50x120xf32>
    %sub3A_113 = arith.subf %sub3A_112, %logistic3A_105 : vector<50x120xf32>
    %mul3A_114 = arith.mulf %sub3A_113, %tanh3A_110 : vector<50x120xf32>
    %mul3A_115 = arith.mulf %logistic3A_105, %add3A_80 : vector<50x120xf32>
    %add3A_116 = arith.addf %mul3A_114, %mul3A_115 : vector<50x120xf32>
    %slice3A_117 = vector.extract_strided_slice %add3A_41 {offsets = [0, 2, 0], sizes = [50, 1, 360], strides = [1, 1, 1]} : vector<50x19x360xf32> to vector<50x1x360xf32>
    %squeeze3A_118 = vector.shape_cast %slice3A_117 : vector<50x1x360xf32> to vector<50x360xf32>
    %dot_general3A_119 = arith.constant dense<0.000000e+00> : vector<50x360xf32>
    %dot_general3A_120 = tpu.matmul %add3A_116, %get3A_44, %dot_general3A_119 {dimension_numbers = #tpu.dot_dimension_numbers<[1], [1], [0], [0], [0, 0, 1, 0], [], []>, transpose_lhs_hint = false} : vector<50x120xf32>, vector<360x120xf32>, vector<50x360xf32> -> vector<50x360xf32>
    %broadcast_in_dim3A_121 = vector.shape_cast %get3A_46 : vector<360xf32> to vector<1x360xf32>
    %add3A_122 = vector.broadcast %broadcast_in_dim3A_121 : vector<1x360xf32> to vector<50x360xf32>
    %add3A_123 = arith.addf %dot_general3A_120, %add3A_122 : vector<50x360xf32>
    %slice3A_124 = vector.extract_strided_slice %squeeze3A_118 {offsets = [0, 0], sizes = [50, 120], strides = [1, 1]} : vector<50x360xf32> to vector<50x120xf32>
    %slice3A_125 = vector.extract_strided_slice %add3A_123 {offsets = [0, 0], sizes = [50, 120], strides = [1, 1]} : vector<50x360xf32> to vector<50x120xf32>
    %add3A_126 = arith.addf %slice3A_124, %slice3A_125 : vector<50x120xf32>
    %logistic3A_127 = arith.negf %add3A_126 : vector<50x120xf32>
    %logistic3A_128 = math.exp %logistic3A_127 : vector<50x120xf32>
    %logistic3A_129 = arith.constant 1.000000e+00 : f32
    %logistic3A_130 = vector.broadcast %logistic3A_129 : f32 to vector<50x120xf32>
    %logistic3A_131 = arith.addf %logistic3A_130, %logistic3A_128 : vector<50x120xf32>
    %logistic3A_132 = arith.divf %logistic3A_130, %logistic3A_131 : vector<50x120xf32>
    %slice3A_133 = vector.extract_strided_slice %squeeze3A_118 {offsets = [0, 120], sizes = [50, 120], strides = [1, 1]} : vector<50x360xf32> to vector<50x120xf32>
    %slice3A_134 = vector.extract_strided_slice %add3A_123 {offsets = [0, 120], sizes = [50, 120], strides = [1, 1]} : vector<50x360xf32> to vector<50x120xf32>
    %add3A_135 = arith.addf %slice3A_133, %slice3A_134 : vector<50x120xf32>
    %logistic3A_136 = arith.negf %add3A_135 : vector<50x120xf32>
    %logistic3A_137 = math.exp %logistic3A_136 : vector<50x120xf32>
    %logistic3A_138 = arith.constant 1.000000e+00 : f32
    %logistic3A_139 = vector.broadcast %logistic3A_138 : f32 to vector<50x120xf32>
    %logistic3A_140 = arith.addf %logistic3A_139, %logistic3A_137 : vector<50x120xf32>
    %logistic3A_141 = arith.divf %logistic3A_139, %logistic3A_140 : vector<50x120xf32>
    %slice3A_142 = vector.extract_strided_slice %squeeze3A_118 {offsets = [0, 240], sizes = [50, 120], strides = [1, 1]} : vector<50x360xf32> to vector<50x120xf32>
    %slice3A_143 = vector.extract_strided_slice %add3A_123 {offsets = [0, 240], sizes = [50, 120], strides = [1, 1]} : vector<50x360xf32> to vector<50x120xf32>
    %mul3A_144 = arith.mulf %logistic3A_132, %slice3A_143 : vector<50x120xf32>
    %add3A_145 = arith.addf %slice3A_142, %mul3A_144 : vector<50x120xf32>
    %tanh3A_146 = math.tanh %add3A_145 : vector<50x120xf32>
    %sub3A_147 = arith.constant 1.000000e+00 : f32
    %sub3A_148 = vector.broadcast %sub3A_147 : f32 to vector<50x120xf32>
    %sub3A_149 = arith.subf %sub3A_148, %logistic3A_141 : vector<50x120xf32>
    %mul3A_150 = arith.mulf %sub3A_149, %tanh3A_146 : vector<50x120xf32>
    %mul3A_151 = arith.mulf %logistic3A_141, %add3A_116 : vector<50x120xf32>
    %add3A_152 = arith.addf %mul3A_150, %mul3A_151 : vector<50x120xf32>
    %slice3A_153 = vector.extract_strided_slice %add3A_41 {offsets = [0, 3, 0], sizes = [50, 1, 360], strides = [1, 1, 1]} : vector<50x19x360xf32> to vector<50x1x360xf32>
    %squeeze3A_154 = vector.shape_cast %slice3A_153 : vector<50x1x360xf32> to vector<50x360xf32>
    %dot_general3A_155 = arith.constant dense<0.000000e+00> : vector<50x360xf32>
    %dot_general3A_156 = tpu.matmul %add3A_152, %get3A_44, %dot_general3A_155 {dimension_numbers = #tpu.dot_dimension_numbers<[1], [1], [0], [0], [0, 0, 1, 0], [], []>, transpose_lhs_hint = false} : vector<50x120xf32>, vector<360x120xf32>, vector<50x360xf32> -> vector<50x360xf32>
    %broadcast_in_dim3A_157 = vector.shape_cast %get3A_46 : vector<360xf32> to vector<1x360xf32>
    %add3A_158 = vector.broadcast %broadcast_in_dim3A_157 : vector<1x360xf32> to vector<50x360xf32>
    %add3A_159 = arith.addf %dot_general3A_156, %add3A_158 : vector<50x360xf32>
    %slice3A_160 = vector.extract_strided_slice %squeeze3A_154 {offsets = [0, 0], sizes = [50, 120], strides = [1, 1]} : vector<50x360xf32> to vector<50x120xf32>
    %slice3A_161 = vector.extract_strided_slice %add3A_159 {offsets = [0, 0], sizes = [50, 120], strides = [1, 1]} : vector<50x360xf32> to vector<50x120xf32>
    %add3A_162 = arith.addf %slice3A_160, %slice3A_161 : vector<50x120xf32>
    %logistic3A_163 = arith.negf %add3A_162 : vector<50x120xf32>
    %logistic3A_164 = math.exp %logistic3A_163 : vector<50x120xf32>
    %logistic3A_165 = arith.constant 1.000000e+00 : f32
    %logistic3A_166 = vector.broadcast %logistic3A_165 : f32 to vector<50x120xf32>
    %logistic3A_167 = arith.addf %logistic3A_166, %logistic3A_164 : vector<50x120xf32>
    %logistic3A_168 = arith.divf %logistic3A_166, %logistic3A_167 : vector<50x120xf32>
    %slice3A_169 = vector.extract_strided_slice %squeeze3A_154 {offsets = [0, 120], sizes = [50, 120], strides = [1, 1]} : vector<50x360xf32> to vector<50x120xf32>
    %slice3A_170 = vector.extract_strided_slice %add3A_159 {offsets = [0, 120], sizes = [50, 120], strides = [1, 1]} : vector<50x360xf32> to vector<50x120xf32>
    %add3A_171 = arith.addf %slice3A_169, %slice3A_170 : vector<50x120xf32>
    %logistic3A_172 = arith.negf %add3A_171 : vector<50x120xf32>
    %logistic3A_173 = math.exp %logistic3A_172 : vector<50x120xf32>
    %logistic3A_174 = arith.constant 1.000000e+00 : f32
    %logistic3A_175 = vector.broadcast %logistic3A_174 : f32 to vector<50x120xf32>
    %logistic3A_176 = arith.addf %logistic3A_175, %logistic3A_173 : vector<50x120xf32>
    %logistic3A_177 = arith.divf %logistic3A_175, %logistic3A_176 : vector<50x120xf32>
    %slice3A_178 = vector.extract_strided_slice %squeeze3A_154 {offsets = [0, 240], sizes = [50, 120], strides = [1, 1]} : vector<50x360xf32> to vector<50x120xf32>
    %slice3A_179 = vector.extract_strided_slice %add3A_159 {offsets = [0, 240], sizes = [50, 120], strides = [1, 1]} : vector<50x360xf32> to vector<50x120xf32>
    %mul3A_180 = arith.mulf %logistic3A_168, %slice3A_179 : vector<50x120xf32>
    %add3A_181 = arith.addf %slice3A_178, %mul3A_180 : vector<50x120xf32>
    %tanh3A_182 = math.tanh %add3A_181 : vector<50x120xf32>
    %sub3A_183 = arith.constant 1.000000e+00 : f32
    %sub3A_184 = vector.broadcast %sub3A_183 : f32 to vector<50x120xf32>
    %sub3A_185 = arith.subf %sub3A_184, %logistic3A_177 : vector<50x120xf32>
    %mul3A_186 = arith.mulf %sub3A_185, %tanh3A_182 : vector<50x120xf32>
    %mul3A_187 = arith.mulf %logistic3A_177, %add3A_152 : vector<50x120xf32>
    %add3A_188 = arith.addf %mul3A_186, %mul3A_187 : vector<50x120xf32>
    %slice3A_189 = vector.extract_strided_slice %add3A_41 {offsets = [0, 4, 0], sizes = [50, 1, 360], strides = [1, 1, 1]} : vector<50x19x360xf32> to vector<50x1x360xf32>
    %squeeze3A_190 = vector.shape_cast %slice3A_189 : vector<50x1x360xf32> to vector<50x360xf32>
    %dot_general3A_191 = arith.constant dense<0.000000e+00> : vector<50x360xf32>
    %dot_general3A_192 = tpu.matmul %add3A_188, %get3A_44, %dot_general3A_191 {dimension_numbers = #tpu.dot_dimension_numbers<[1], [1], [0], [0], [0, 0, 1, 0], [], []>, transpose_lhs_hint = false} : vector<50x120xf32>, vector<360x120xf32>, vector<50x360xf32> -> vector<50x360xf32>
    %broadcast_in_dim3A_193 = vector.shape_cast %get3A_46 : vector<360xf32> to vector<1x360xf32>
    %add3A_194 = vector.broadcast %broadcast_in_dim3A_193 : vector<1x360xf32> to vector<50x360xf32>
    %add3A_195 = arith.addf %dot_general3A_192, %add3A_194 : vector<50x360xf32>
    %slice3A_196 = vector.extract_strided_slice %squeeze3A_190 {offsets = [0, 0], sizes = [50, 120], strides = [1, 1]} : vector<50x360xf32> to vector<50x120xf32>
    %slice3A_197 = vector.extract_strided_slice %add3A_195 {offsets = [0, 0], sizes = [50, 120], strides = [1, 1]} : vector<50x360xf32> to vector<50x120xf32>
    %add3A_198 = arith.addf %slice3A_196, %slice3A_197 : vector<50x120xf32>
    %logistic3A_199 = arith.negf %add3A_198 : vector<50x120xf32>
    %logistic3A_200 = math.exp %logistic3A_199 : vector<50x120xf32>
    %logistic3A_201 = arith.constant 1.000000e+00 : f32
    %logistic3A_202 = vector.broadcast %logistic3A_201 : f32 to vector<50x120xf32>
    %logistic3A_203 = arith.addf %logistic3A_202, %logistic3A_200 : vector<50x120xf32>
    %logistic3A_204 = arith.divf %logistic3A_202, %logistic3A_203 : vector<50x120xf32>
    %slice3A_205 = vector.extract_strided_slice %squeeze3A_190 {offsets = [0, 120], sizes = [50, 120], strides = [1, 1]} : vector<50x360xf32> to vector<50x120xf32>
    %slice3A_206 = vector.extract_strided_slice %add3A_195 {offsets = [0, 120], sizes = [50, 120], strides = [1, 1]} : vector<50x360xf32> to vector<50x120xf32>
    %add3A_207 = arith.addf %slice3A_205, %slice3A_206 : vector<50x120xf32>
    %logistic3A_208 = arith.negf %add3A_207 : vector<50x120xf32>
    %logistic3A_209 = math.exp %logistic3A_208 : vector<50x120xf32>
    %logistic3A_210 = arith.constant 1.000000e+00 : f32
    %logistic3A_211 = vector.broadcast %logistic3A_210 : f32 to vector<50x120xf32>
    %logistic3A_212 = arith.addf %logistic3A_211, %logistic3A_209 : vector<50x120xf32>
    %logistic3A_213 = arith.divf %logistic3A_211, %logistic3A_212 : vector<50x120xf32>
    %slice3A_214 = vector.extract_strided_slice %squeeze3A_190 {offsets = [0, 240], sizes = [50, 120], strides = [1, 1]} : vector<50x360xf32> to vector<50x120xf32>
    %slice3A_215 = vector.extract_strided_slice %add3A_195 {offsets = [0, 240], sizes = [50, 120], strides = [1, 1]} : vector<50x360xf32> to vector<50x120xf32>
    %mul3A_216 = arith.mulf %logistic3A_204, %slice3A_215 : vector<50x120xf32>
    %add3A_217 = arith.addf %slice3A_214, %mul3A_216 : vector<50x120xf32>
    %tanh3A_218 = math.tanh %add3A_217 : vector<50x120xf32>
    %sub3A_219 = arith.constant 1.000000e+00 : f32
    %sub3A_220 = vector.broadcast %sub3A_219 : f32 to vector<50x120xf32>
    %sub3A_221 = arith.subf %sub3A_220, %logistic3A_213 : vector<50x120xf32>
    %mul3A_222 = arith.mulf %sub3A_221, %tanh3A_218 : vector<50x120xf32>
    %mul3A_223 = arith.mulf %logistic3A_213, %add3A_188 : vector<50x120xf32>
    %add3A_224 = arith.addf %mul3A_222, %mul3A_223 : vector<50x120xf32>
    %slice3A_225 = vector.extract_strided_slice %add3A_41 {offsets = [0, 5, 0], sizes = [50, 1, 360], strides = [1, 1, 1]} : vector<50x19x360xf32> to vector<50x1x360xf32>
    %squeeze3A_226 = vector.shape_cast %slice3A_225 : vector<50x1x360xf32> to vector<50x360xf32>
    %dot_general3A_227 = arith.constant dense<0.000000e+00> : vector<50x360xf32>
    %dot_general3A_228 = tpu.matmul %add3A_224, %get3A_44, %dot_general3A_227 {dimension_numbers = #tpu.dot_dimension_numbers<[1], [1], [0], [0], [0, 0, 1, 0], [], []>, transpose_lhs_hint = false} : vector<50x120xf32>, vector<360x120xf32>, vector<50x360xf32> -> vector<50x360xf32>
    %broadcast_in_dim3A_229 = vector.shape_cast %get3A_46 : vector<360xf32> to vector<1x360xf32>
    %add3A_230 = vector.broadcast %broadcast_in_dim3A_229 : vector<1x360xf32> to vector<50x360xf32>
    %add3A_231 = arith.addf %dot_general3A_228, %add3A_230 : vector<50x360xf32>
    %slice3A_232 = vector.extract_strided_slice %squeeze3A_226 {offsets = [0, 0], sizes = [50, 120], strides = [1, 1]} : vector<50x360xf32> to vector<50x120xf32>
    %slice3A_233 = vector.extract_strided_slice %add3A_231 {offsets = [0, 0], sizes = [50, 120], strides = [1, 1]} : vector<50x360xf32> to vector<50x120xf32>
    %add3A_234 = arith.addf %slice3A_232, %slice3A_233 : vector<50x120xf32>
    %logistic3A_235 = arith.negf %add3A_234 : vector<50x120xf32>
    %logistic3A_236 = math.exp %logistic3A_235 : vector<50x120xf32>
    %logistic3A_237 = arith.constant 1.000000e+00 : f32
    %logistic3A_238 = vector.broadcast %logistic3A_237 : f32 to vector<50x120xf32>
    %logistic3A_239 = arith.addf %logistic3A_238, %logistic3A_236 : vector<50x120xf32>
    %logistic3A_240 = arith.divf %logistic3A_238, %logistic3A_239 : vector<50x120xf32>
    %slice3A_241 = vector.extract_strided_slice %squeeze3A_226 {offsets = [0, 120], sizes = [50, 120], strides = [1, 1]} : vector<50x360xf32> to vector<50x120xf32>
    %slice3A_242 = vector.extract_strided_slice %add3A_231 {offsets = [0, 120], sizes = [50, 120], strides = [1, 1]} : vector<50x360xf32> to vector<50x120xf32>
    %add3A_243 = arith.addf %slice3A_241, %slice3A_242 : vector<50x120xf32>
    %logistic3A_244 = arith.negf %add3A_243 : vector<50x120xf32>
    %logistic3A_245 = math.exp %logistic3A_244 : vector<50x120xf32>
    %logistic3A_246 = arith.constant 1.000000e+00 : f32
    %logistic3A_247 = vector.broadcast %logistic3A_246 : f32 to vector<50x120xf32>
    %logistic3A_248 = arith.addf %logistic3A_247, %logistic3A_245 : vector<50x120xf32>
    %logistic3A_249 = arith.divf %logistic3A_247, %logistic3A_248 : vector<50x120xf32>
    %slice3A_250 = vector.extract_strided_slice %squeeze3A_226 {offsets = [0, 240], sizes = [50, 120], strides = [1, 1]} : vector<50x360xf32> to vector<50x120xf32>
    %slice3A_251 = vector.extract_strided_slice %add3A_231 {offsets = [0, 240], sizes = [50, 120], strides = [1, 1]} : vector<50x360xf32> to vector<50x120xf32>
    %mul3A_252 = arith.mulf %logistic3A_240, %slice3A_251 : vector<50x120xf32>
    %add3A_253 = arith.addf %slice3A_250, %mul3A_252 : vector<50x120xf32>
    %tanh3A_254 = math.tanh %add3A_253 : vector<50x120xf32>
    %sub3A_255 = arith.constant 1.000000e+00 : f32
    %sub3A_256 = vector.broadcast %sub3A_255 : f32 to vector<50x120xf32>
    %sub3A_257 = arith.subf %sub3A_256, %logistic3A_249 : vector<50x120xf32>
    %mul3A_258 = arith.mulf %sub3A_257, %tanh3A_254 : vector<50x120xf32>
    %mul3A_259 = arith.mulf %logistic3A_249, %add3A_224 : vector<50x120xf32>
    %add3A_260 = arith.addf %mul3A_258, %mul3A_259 : vector<50x120xf32>
    %slice3A_261 = vector.extract_strided_slice %add3A_41 {offsets = [0, 6, 0], sizes = [50, 1, 360], strides = [1, 1, 1]} : vector<50x19x360xf32> to vector<50x1x360xf32>
    %squeeze3A_262 = vector.shape_cast %slice3A_261 : vector<50x1x360xf32> to vector<50x360xf32>
    %dot_general3A_263 = arith.constant dense<0.000000e+00> : vector<50x360xf32>
    %dot_general3A_264 = tpu.matmul %add3A_260, %get3A_44, %dot_general3A_263 {dimension_numbers = #tpu.dot_dimension_numbers<[1], [1], [0], [0], [0, 0, 1, 0], [], []>, transpose_lhs_hint = false} : vector<50x120xf32>, vector<360x120xf32>, vector<50x360xf32> -> vector<50x360xf32>
    %broadcast_in_dim3A_265 = vector.shape_cast %get3A_46 : vector<360xf32> to vector<1x360xf32>
    %add3A_266 = vector.broadcast %broadcast_in_dim3A_265 : vector<1x360xf32> to vector<50x360xf32>
    %add3A_267 = arith.addf %dot_general3A_264, %add3A_266 : vector<50x360xf32>
    %slice3A_268 = vector.extract_strided_slice %squeeze3A_262 {offsets = [0, 0], sizes = [50, 120], strides = [1, 1]} : vector<50x360xf32> to vector<50x120xf32>
    %slice3A_269 = vector.extract_strided_slice %add3A_267 {offsets = [0, 0], sizes = [50, 120], strides = [1, 1]} : vector<50x360xf32> to vector<50x120xf32>
    %add3A_270 = arith.addf %slice3A_268, %slice3A_269 : vector<50x120xf32>
    %logistic3A_271 = arith.negf %add3A_270 : vector<50x120xf32>
    %logistic3A_272 = math.exp %logistic3A_271 : vector<50x120xf32>
    %logistic3A_273 = arith.constant 1.000000e+00 : f32
    %logistic3A_274 = vector.broadcast %logistic3A_273 : f32 to vector<50x120xf32>
    %logistic3A_275 = arith.addf %logistic3A_274, %logistic3A_272 : vector<50x120xf32>
    %logistic3A_276 = arith.divf %logistic3A_274, %logistic3A_275 : vector<50x120xf32>
    %slice3A_277 = vector.extract_strided_slice %squeeze3A_262 {offsets = [0, 120], sizes = [50, 120], strides = [1, 1]} : vector<50x360xf32> to vector<50x120xf32>
    %slice3A_278 = vector.extract_strided_slice %add3A_267 {offsets = [0, 120], sizes = [50, 120], strides = [1, 1]} : vector<50x360xf32> to vector<50x120xf32>
    %add3A_279 = arith.addf %slice3A_277, %slice3A_278 : vector<50x120xf32>
    %logistic3A_280 = arith.negf %add3A_279 : vector<50x120xf32>
    %logistic3A_281 = math.exp %logistic3A_280 : vector<50x120xf32>
    %logistic3A_282 = arith.constant 1.000000e+00 : f32
    %logistic3A_283 = vector.broadcast %logistic3A_282 : f32 to vector<50x120xf32>
    %logistic3A_284 = arith.addf %logistic3A_283, %logistic3A_281 : vector<50x120xf32>
    %logistic3A_285 = arith.divf %logistic3A_283, %logistic3A_284 : vector<50x120xf32>
    %slice3A_286 = vector.extract_strided_slice %squeeze3A_262 {offsets = [0, 240], sizes = [50, 120], strides = [1, 1]} : vector<50x360xf32> to vector<50x120xf32>
    %slice3A_287 = vector.extract_strided_slice %add3A_267 {offsets = [0, 240], sizes = [50, 120], strides = [1, 1]} : vector<50x360xf32> to vector<50x120xf32>
    %mul3A_288 = arith.mulf %logistic3A_276, %slice3A_287 : vector<50x120xf32>
    %add3A_289 = arith.addf %slice3A_286, %mul3A_288 : vector<50x120xf32>
    %tanh3A_290 = math.tanh %add3A_289 : vector<50x120xf32>
    %sub3A_291 = arith.constant 1.000000e+00 : f32
    %sub3A_292 = vector.broadcast %sub3A_291 : f32 to vector<50x120xf32>
    %sub3A_293 = arith.subf %sub3A_292, %logistic3A_285 : vector<50x120xf32>
    %mul3A_294 = arith.mulf %sub3A_293, %tanh3A_290 : vector<50x120xf32>
    %mul3A_295 = arith.mulf %logistic3A_285, %add3A_260 : vector<50x120xf32>
    %add3A_296 = arith.addf %mul3A_294, %mul3A_295 : vector<50x120xf32>
    %slice3A_297 = vector.extract_strided_slice %add3A_41 {offsets = [0, 7, 0], sizes = [50, 1, 360], strides = [1, 1, 1]} : vector<50x19x360xf32> to vector<50x1x360xf32>
    %squeeze3A_298 = vector.shape_cast %slice3A_297 : vector<50x1x360xf32> to vector<50x360xf32>
    %dot_general3A_299 = arith.constant dense<0.000000e+00> : vector<50x360xf32>
    %dot_general3A_300 = tpu.matmul %add3A_296, %get3A_44, %dot_general3A_299 {dimension_numbers = #tpu.dot_dimension_numbers<[1], [1], [0], [0], [0, 0, 1, 0], [], []>, transpose_lhs_hint = false} : vector<50x120xf32>, vector<360x120xf32>, vector<50x360xf32> -> vector<50x360xf32>
    %broadcast_in_dim3A_301 = vector.shape_cast %get3A_46 : vector<360xf32> to vector<1x360xf32>
    %add3A_302 = vector.broadcast %broadcast_in_dim3A_301 : vector<1x360xf32> to vector<50x360xf32>
    %add3A_303 = arith.addf %dot_general3A_300, %add3A_302 : vector<50x360xf32>
    %slice3A_304 = vector.extract_strided_slice %squeeze3A_298 {offsets = [0, 0], sizes = [50, 120], strides = [1, 1]} : vector<50x360xf32> to vector<50x120xf32>
    %slice3A_305 = vector.extract_strided_slice %add3A_303 {offsets = [0, 0], sizes = [50, 120], strides = [1, 1]} : vector<50x360xf32> to vector<50x120xf32>
    %add3A_306 = arith.addf %slice3A_304, %slice3A_305 : vector<50x120xf32>
    %logistic3A_307 = arith.negf %add3A_306 : vector<50x120xf32>
    %logistic3A_308 = math.exp %logistic3A_307 : vector<50x120xf32>
    %logistic3A_309 = arith.constant 1.000000e+00 : f32
    %logistic3A_310 = vector.broadcast %logistic3A_309 : f32 to vector<50x120xf32>
    %logistic3A_311 = arith.addf %logistic3A_310, %logistic3A_308 : vector<50x120xf32>
    %logistic3A_312 = arith.divf %logistic3A_310, %logistic3A_311 : vector<50x120xf32>
    %slice3A_313 = vector.extract_strided_slice %squeeze3A_298 {offsets = [0, 120], sizes = [50, 120], strides = [1, 1]} : vector<50x360xf32> to vector<50x120xf32>
    %slice3A_314 = vector.extract_strided_slice %add3A_303 {offsets = [0, 120], sizes = [50, 120], strides = [1, 1]} : vector<50x360xf32> to vector<50x120xf32>
    %add3A_315 = arith.addf %slice3A_313, %slice3A_314 : vector<50x120xf32>
    %logistic3A_316 = arith.negf %add3A_315 : vector<50x120xf32>
    %logistic3A_317 = math.exp %logistic3A_316 : vector<50x120xf32>
    %logistic3A_318 = arith.constant 1.000000e+00 : f32
    %logistic3A_319 = vector.broadcast %logistic3A_318 : f32 to vector<50x120xf32>
    %logistic3A_320 = arith.addf %logistic3A_319, %logistic3A_317 : vector<50x120xf32>
    %logistic3A_321 = arith.divf %logistic3A_319, %logistic3A_320 : vector<50x120xf32>
    %slice3A_322 = vector.extract_strided_slice %squeeze3A_298 {offsets = [0, 240], sizes = [50, 120], strides = [1, 1]} : vector<50x360xf32> to vector<50x120xf32>
    %slice3A_323 = vector.extract_strided_slice %add3A_303 {offsets = [0, 240], sizes = [50, 120], strides = [1, 1]} : vector<50x360xf32> to vector<50x120xf32>
    %mul3A_324 = arith.mulf %logistic3A_312, %slice3A_323 : vector<50x120xf32>
    %add3A_325 = arith.addf %slice3A_322, %mul3A_324 : vector<50x120xf32>
    %tanh3A_326 = math.tanh %add3A_325 : vector<50x120xf32>
    %sub3A_327 = arith.constant 1.000000e+00 : f32
    %sub3A_328 = vector.broadcast %sub3A_327 : f32 to vector<50x120xf32>
    %sub3A_329 = arith.subf %sub3A_328, %logistic3A_321 : vector<50x120xf32>
    %mul3A_330 = arith.mulf %sub3A_329, %tanh3A_326 : vector<50x120xf32>
    %mul3A_331 = arith.mulf %logistic3A_321, %add3A_296 : vector<50x120xf32>
    %add3A_332 = arith.addf %mul3A_330, %mul3A_331 : vector<50x120xf32>
    %slice3A_333 = vector.extract_strided_slice %add3A_41 {offsets = [0, 8, 0], sizes = [50, 1, 360], strides = [1, 1, 1]} : vector<50x19x360xf32> to vector<50x1x360xf32>
    %squeeze3A_334 = vector.shape_cast %slice3A_333 : vector<50x1x360xf32> to vector<50x360xf32>
    %dot_general3A_335 = arith.constant dense<0.000000e+00> : vector<50x360xf32>
    %dot_general3A_336 = tpu.matmul %add3A_332, %get3A_44, %dot_general3A_335 {dimension_numbers = #tpu.dot_dimension_numbers<[1], [1], [0], [0], [0, 0, 1, 0], [], []>, transpose_lhs_hint = false} : vector<50x120xf32>, vector<360x120xf32>, vector<50x360xf32> -> vector<50x360xf32>
    %broadcast_in_dim3A_337 = vector.shape_cast %get3A_46 : vector<360xf32> to vector<1x360xf32>
    %add3A_338 = vector.broadcast %broadcast_in_dim3A_337 : vector<1x360xf32> to vector<50x360xf32>
    %add3A_339 = arith.addf %dot_general3A_336, %add3A_338 : vector<50x360xf32>
    %slice3A_340 = vector.extract_strided_slice %squeeze3A_334 {offsets = [0, 0], sizes = [50, 120], strides = [1, 1]} : vector<50x360xf32> to vector<50x120xf32>
    %slice3A_341 = vector.extract_strided_slice %add3A_339 {offsets = [0, 0], sizes = [50, 120], strides = [1, 1]} : vector<50x360xf32> to vector<50x120xf32>
    %add3A_342 = arith.addf %slice3A_340, %slice3A_341 : vector<50x120xf32>
    %logistic3A_343 = arith.negf %add3A_342 : vector<50x120xf32>
    %logistic3A_344 = math.exp %logistic3A_343 : vector<50x120xf32>
    %logistic3A_345 = arith.constant 1.000000e+00 : f32
    %logistic3A_346 = vector.broadcast %logistic3A_345 : f32 to vector<50x120xf32>
    %logistic3A_347 = arith.addf %logistic3A_346, %logistic3A_344 : vector<50x120xf32>
    %logistic3A_348 = arith.divf %logistic3A_346, %logistic3A_347 : vector<50x120xf32>
    %slice3A_349 = vector.extract_strided_slice %squeeze3A_334 {offsets = [0, 120], sizes = [50, 120], strides = [1, 1]} : vector<50x360xf32> to vector<50x120xf32>
    %slice3A_350 = vector.extract_strided_slice %add3A_339 {offsets = [0, 120], sizes = [50, 120], strides = [1, 1]} : vector<50x360xf32> to vector<50x120xf32>
    %add3A_351 = arith.addf %slice3A_349, %slice3A_350 : vector<50x120xf32>
    %logistic3A_352 = arith.negf %add3A_351 : vector<50x120xf32>
    %logistic3A_353 = math.exp %logistic3A_352 : vector<50x120xf32>
    %logistic3A_354 = arith.constant 1.000000e+00 : f32
    %logistic3A_355 = vector.broadcast %logistic3A_354 : f32 to vector<50x120xf32>
    %logistic3A_356 = arith.addf %logistic3A_355, %logistic3A_353 : vector<50x120xf32>
    %logistic3A_357 = arith.divf %logistic3A_355, %logistic3A_356 : vector<50x120xf32>
    %slice3A_358 = vector.extract_strided_slice %squeeze3A_334 {offsets = [0, 240], sizes = [50, 120], strides = [1, 1]} : vector<50x360xf32> to vector<50x120xf32>
    %slice3A_359 = vector.extract_strided_slice %add3A_339 {offsets = [0, 240], sizes = [50, 120], strides = [1, 1]} : vector<50x360xf32> to vector<50x120xf32>
    %mul3A_360 = arith.mulf %logistic3A_348, %slice3A_359 : vector<50x120xf32>
    %add3A_361 = arith.addf %slice3A_358, %mul3A_360 : vector<50x120xf32>
    %tanh3A_362 = math.tanh %add3A_361 : vector<50x120xf32>
    %sub3A_363 = arith.constant 1.000000e+00 : f32
    %sub3A_364 = vector.broadcast %sub3A_363 : f32 to vector<50x120xf32>
    %sub3A_365 = arith.subf %sub3A_364, %logistic3A_357 : vector<50x120xf32>
    %mul3A_366 = arith.mulf %sub3A_365, %tanh3A_362 : vector<50x120xf32>
    %mul3A_367 = arith.mulf %logistic3A_357, %add3A_332 : vector<50x120xf32>
    %add3A_368 = arith.addf %mul3A_366, %mul3A_367 : vector<50x120xf32>
    %slice3A_369 = vector.extract_strided_slice %add3A_41 {offsets = [0, 9, 0], sizes = [50, 1, 360], strides = [1, 1, 1]} : vector<50x19x360xf32> to vector<50x1x360xf32>
    %squeeze3A_370 = vector.shape_cast %slice3A_369 : vector<50x1x360xf32> to vector<50x360xf32>
    %dot_general3A_371 = arith.constant dense<0.000000e+00> : vector<50x360xf32>
    %dot_general3A_372 = tpu.matmul %add3A_368, %get3A_44, %dot_general3A_371 {dimension_numbers = #tpu.dot_dimension_numbers<[1], [1], [0], [0], [0, 0, 1, 0], [], []>, transpose_lhs_hint = false} : vector<50x120xf32>, vector<360x120xf32>, vector<50x360xf32> -> vector<50x360xf32>
    %broadcast_in_dim3A_373 = vector.shape_cast %get3A_46 : vector<360xf32> to vector<1x360xf32>
    %add3A_374 = vector.broadcast %broadcast_in_dim3A_373 : vector<1x360xf32> to vector<50x360xf32>
    %add3A_375 = arith.addf %dot_general3A_372, %add3A_374 : vector<50x360xf32>
    %slice3A_376 = vector.extract_strided_slice %squeeze3A_370 {offsets = [0, 0], sizes = [50, 120], strides = [1, 1]} : vector<50x360xf32> to vector<50x120xf32>
    %slice3A_377 = vector.extract_strided_slice %add3A_375 {offsets = [0, 0], sizes = [50, 120], strides = [1, 1]} : vector<50x360xf32> to vector<50x120xf32>
    %add3A_378 = arith.addf %slice3A_376, %slice3A_377 : vector<50x120xf32>
    %logistic3A_379 = arith.negf %add3A_378 : vector<50x120xf32>
    %logistic3A_380 = math.exp %logistic3A_379 : vector<50x120xf32>
    %logistic3A_381 = arith.constant 1.000000e+00 : f32
    %logistic3A_382 = vector.broadcast %logistic3A_381 : f32 to vector<50x120xf32>
    %logistic3A_383 = arith.addf %logistic3A_382, %logistic3A_380 : vector<50x120xf32>
    %logistic3A_384 = arith.divf %logistic3A_382, %logistic3A_383 : vector<50x120xf32>
    %slice3A_385 = vector.extract_strided_slice %squeeze3A_370 {offsets = [0, 120], sizes = [50, 120], strides = [1, 1]} : vector<50x360xf32> to vector<50x120xf32>
    %slice3A_386 = vector.extract_strided_slice %add3A_375 {offsets = [0, 120], sizes = [50, 120], strides = [1, 1]} : vector<50x360xf32> to vector<50x120xf32>
    %add3A_387 = arith.addf %slice3A_385, %slice3A_386 : vector<50x120xf32>
    %logistic3A_388 = arith.negf %add3A_387 : vector<50x120xf32>
    %logistic3A_389 = math.exp %logistic3A_388 : vector<50x120xf32>
    %logistic3A_390 = arith.constant 1.000000e+00 : f32
    %logistic3A_391 = vector.broadcast %logistic3A_390 : f32 to vector<50x120xf32>
    %logistic3A_392 = arith.addf %logistic3A_391, %logistic3A_389 : vector<50x120xf32>
    %logistic3A_393 = arith.divf %logistic3A_391, %logistic3A_392 : vector<50x120xf32>
    %slice3A_394 = vector.extract_strided_slice %squeeze3A_370 {offsets = [0, 240], sizes = [50, 120], strides = [1, 1]} : vector<50x360xf32> to vector<50x120xf32>
    %slice3A_395 = vector.extract_strided_slice %add3A_375 {offsets = [0, 240], sizes = [50, 120], strides = [1, 1]} : vector<50x360xf32> to vector<50x120xf32>
    %mul3A_396 = arith.mulf %logistic3A_384, %slice3A_395 : vector<50x120xf32>
    %add3A_397 = arith.addf %slice3A_394, %mul3A_396 : vector<50x120xf32>
    %tanh3A_398 = math.tanh %add3A_397 : vector<50x120xf32>
    %sub3A_399 = arith.constant 1.000000e+00 : f32
    %sub3A_400 = vector.broadcast %sub3A_399 : f32 to vector<50x120xf32>
    %sub3A_401 = arith.subf %sub3A_400, %logistic3A_393 : vector<50x120xf32>
    %mul3A_402 = arith.mulf %sub3A_401, %tanh3A_398 : vector<50x120xf32>
    %mul3A_403 = arith.mulf %logistic3A_393, %add3A_368 : vector<50x120xf32>
    %add3A_404 = arith.addf %mul3A_402, %mul3A_403 : vector<50x120xf32>
    %slice3A_405 = vector.extract_strided_slice %add3A_41 {offsets = [0, 10, 0], sizes = [50, 1, 360], strides = [1, 1, 1]} : vector<50x19x360xf32> to vector<50x1x360xf32>
    %squeeze3A_406 = vector.shape_cast %slice3A_405 : vector<50x1x360xf32> to vector<50x360xf32>
    %dot_general3A_407 = arith.constant dense<0.000000e+00> : vector<50x360xf32>
    %dot_general3A_408 = tpu.matmul %add3A_404, %get3A_44, %dot_general3A_407 {dimension_numbers = #tpu.dot_dimension_numbers<[1], [1], [0], [0], [0, 0, 1, 0], [], []>, transpose_lhs_hint = false} : vector<50x120xf32>, vector<360x120xf32>, vector<50x360xf32> -> vector<50x360xf32>
    %broadcast_in_dim3A_409 = vector.shape_cast %get3A_46 : vector<360xf32> to vector<1x360xf32>
    %add3A_410 = vector.broadcast %broadcast_in_dim3A_409 : vector<1x360xf32> to vector<50x360xf32>
    %add3A_411 = arith.addf %dot_general3A_408, %add3A_410 : vector<50x360xf32>
    %slice3A_412 = vector.extract_strided_slice %squeeze3A_406 {offsets = [0, 0], sizes = [50, 120], strides = [1, 1]} : vector<50x360xf32> to vector<50x120xf32>
    %slice3A_413 = vector.extract_strided_slice %add3A_411 {offsets = [0, 0], sizes = [50, 120], strides = [1, 1]} : vector<50x360xf32> to vector<50x120xf32>
    %add3A_414 = arith.addf %slice3A_412, %slice3A_413 : vector<50x120xf32>
    %logistic3A_415 = arith.negf %add3A_414 : vector<50x120xf32>
    %logistic3A_416 = math.exp %logistic3A_415 : vector<50x120xf32>
    %logistic3A_417 = arith.constant 1.000000e+00 : f32
    %logistic3A_418 = vector.broadcast %logistic3A_417 : f32 to vector<50x120xf32>
    %logistic3A_419 = arith.addf %logistic3A_418, %logistic3A_416 : vector<50x120xf32>
    %logistic3A_420 = arith.divf %logistic3A_418, %logistic3A_419 : vector<50x120xf32>
    %slice3A_421 = vector.extract_strided_slice %squeeze3A_406 {offsets = [0, 120], sizes = [50, 120], strides = [1, 1]} : vector<50x360xf32> to vector<50x120xf32>
    %slice3A_422 = vector.extract_strided_slice %add3A_411 {offsets = [0, 120], sizes = [50, 120], strides = [1, 1]} : vector<50x360xf32> to vector<50x120xf32>
    %add3A_423 = arith.addf %slice3A_421, %slice3A_422 : vector<50x120xf32>
    %logistic3A_424 = arith.negf %add3A_423 : vector<50x120xf32>
    %logistic3A_425 = math.exp %logistic3A_424 : vector<50x120xf32>
    %logistic3A_426 = arith.constant 1.000000e+00 : f32
    %logistic3A_427 = vector.broadcast %logistic3A_426 : f32 to vector<50x120xf32>
    %logistic3A_428 = arith.addf %logistic3A_427, %logistic3A_425 : vector<50x120xf32>
    %logistic3A_429 = arith.divf %logistic3A_427, %logistic3A_428 : vector<50x120xf32>
    %slice3A_430 = vector.extract_strided_slice %squeeze3A_406 {offsets = [0, 240], sizes = [50, 120], strides = [1, 1]} : vector<50x360xf32> to vector<50x120xf32>
    %slice3A_431 = vector.extract_strided_slice %add3A_411 {offsets = [0, 240], sizes = [50, 120], strides = [1, 1]} : vector<50x360xf32> to vector<50x120xf32>
    %mul3A_432 = arith.mulf %logistic3A_420, %slice3A_431 : vector<50x120xf32>
    %add3A_433 = arith.addf %slice3A_430, %mul3A_432 : vector<50x120xf32>
    %tanh3A_434 = math.tanh %add3A_433 : vector<50x120xf32>
    %sub3A_435 = arith.constant 1.000000e+00 : f32
    %sub3A_436 = vector.broadcast %sub3A_435 : f32 to vector<50x120xf32>
    %sub3A_437 = arith.subf %sub3A_436, %logistic3A_429 : vector<50x120xf32>
    %mul3A_438 = arith.mulf %sub3A_437, %tanh3A_434 : vector<50x120xf32>
    %mul3A_439 = arith.mulf %logistic3A_429, %add3A_404 : vector<50x120xf32>
    %add3A_440 = arith.addf %mul3A_438, %mul3A_439 : vector<50x120xf32>
    %slice3A_441 = vector.extract_strided_slice %add3A_41 {offsets = [0, 11, 0], sizes = [50, 1, 360], strides = [1, 1, 1]} : vector<50x19x360xf32> to vector<50x1x360xf32>
    %squeeze3A_442 = vector.shape_cast %slice3A_441 : vector<50x1x360xf32> to vector<50x360xf32>
    %dot_general3A_443 = arith.constant dense<0.000000e+00> : vector<50x360xf32>
    %dot_general3A_444 = tpu.matmul %add3A_440, %get3A_44, %dot_general3A_443 {dimension_numbers = #tpu.dot_dimension_numbers<[1], [1], [0], [0], [0, 0, 1, 0], [], []>, transpose_lhs_hint = false} : vector<50x120xf32>, vector<360x120xf32>, vector<50x360xf32> -> vector<50x360xf32>
    %broadcast_in_dim3A_445 = vector.shape_cast %get3A_46 : vector<360xf32> to vector<1x360xf32>
    %add3A_446 = vector.broadcast %broadcast_in_dim3A_445 : vector<1x360xf32> to vector<50x360xf32>
    %add3A_447 = arith.addf %dot_general3A_444, %add3A_446 : vector<50x360xf32>
    %slice3A_448 = vector.extract_strided_slice %squeeze3A_442 {offsets = [0, 0], sizes = [50, 120], strides = [1, 1]} : vector<50x360xf32> to vector<50x120xf32>
    %slice3A_449 = vector.extract_strided_slice %add3A_447 {offsets = [0, 0], sizes = [50, 120], strides = [1, 1]} : vector<50x360xf32> to vector<50x120xf32>
    %add3A_450 = arith.addf %slice3A_448, %slice3A_449 : vector<50x120xf32>
    %logistic3A_451 = arith.negf %add3A_450 : vector<50x120xf32>
    %logistic3A_452 = math.exp %logistic3A_451 : vector<50x120xf32>
    %logistic3A_453 = arith.constant 1.000000e+00 : f32
    %logistic3A_454 = vector.broadcast %logistic3A_453 : f32 to vector<50x120xf32>
    %logistic3A_455 = arith.addf %logistic3A_454, %logistic3A_452 : vector<50x120xf32>
    %logistic3A_456 = arith.divf %logistic3A_454, %logistic3A_455 : vector<50x120xf32>
    %slice3A_457 = vector.extract_strided_slice %squeeze3A_442 {offsets = [0, 120], sizes = [50, 120], strides = [1, 1]} : vector<50x360xf32> to vector<50x120xf32>
    %slice3A_458 = vector.extract_strided_slice %add3A_447 {offsets = [0, 120], sizes = [50, 120], strides = [1, 1]} : vector<50x360xf32> to vector<50x120xf32>
    %add3A_459 = arith.addf %slice3A_457, %slice3A_458 : vector<50x120xf32>
    %logistic3A_460 = arith.negf %add3A_459 : vector<50x120xf32>
    %logistic3A_461 = math.exp %logistic3A_460 : vector<50x120xf32>
    %logistic3A_462 = arith.constant 1.000000e+00 : f32
    %logistic3A_463 = vector.broadcast %logistic3A_462 : f32 to vector<50x120xf32>
    %logistic3A_464 = arith.addf %logistic3A_463, %logistic3A_461 : vector<50x120xf32>
    %logistic3A_465 = arith.divf %logistic3A_463, %logistic3A_464 : vector<50x120xf32>
    %slice3A_466 = vector.extract_strided_slice %squeeze3A_442 {offsets = [0, 240], sizes = [50, 120], strides = [1, 1]} : vector<50x360xf32> to vector<50x120xf32>
    %slice3A_467 = vector.extract_strided_slice %add3A_447 {offsets = [0, 240], sizes = [50, 120], strides = [1, 1]} : vector<50x360xf32> to vector<50x120xf32>
    %mul3A_468 = arith.mulf %logistic3A_456, %slice3A_467 : vector<50x120xf32>
    %add3A_469 = arith.addf %slice3A_466, %mul3A_468 : vector<50x120xf32>
    %tanh3A_470 = math.tanh %add3A_469 : vector<50x120xf32>
    %sub3A_471 = arith.constant 1.000000e+00 : f32
    %sub3A_472 = vector.broadcast %sub3A_471 : f32 to vector<50x120xf32>
    %sub3A_473 = arith.subf %sub3A_472, %logistic3A_465 : vector<50x120xf32>
    %mul3A_474 = arith.mulf %sub3A_473, %tanh3A_470 : vector<50x120xf32>
    %mul3A_475 = arith.mulf %logistic3A_465, %add3A_440 : vector<50x120xf32>
    %add3A_476 = arith.addf %mul3A_474, %mul3A_475 : vector<50x120xf32>
    %slice3A_477 = vector.extract_strided_slice %add3A_41 {offsets = [0, 12, 0], sizes = [50, 1, 360], strides = [1, 1, 1]} : vector<50x19x360xf32> to vector<50x1x360xf32>
    %squeeze3A_478 = vector.shape_cast %slice3A_477 : vector<50x1x360xf32> to vector<50x360xf32>
    %dot_general3A_479 = arith.constant dense<0.000000e+00> : vector<50x360xf32>
    %dot_general3A_480 = tpu.matmul %add3A_476, %get3A_44, %dot_general3A_479 {dimension_numbers = #tpu.dot_dimension_numbers<[1], [1], [0], [0], [0, 0, 1, 0], [], []>, transpose_lhs_hint = false} : vector<50x120xf32>, vector<360x120xf32>, vector<50x360xf32> -> vector<50x360xf32>
    %broadcast_in_dim3A_481 = vector.shape_cast %get3A_46 : vector<360xf32> to vector<1x360xf32>
    %add3A_482 = vector.broadcast %broadcast_in_dim3A_481 : vector<1x360xf32> to vector<50x360xf32>
    %add3A_483 = arith.addf %dot_general3A_480, %add3A_482 : vector<50x360xf32>
    %slice3A_484 = vector.extract_strided_slice %squeeze3A_478 {offsets = [0, 0], sizes = [50, 120], strides = [1, 1]} : vector<50x360xf32> to vector<50x120xf32>
    %slice3A_485 = vector.extract_strided_slice %add3A_483 {offsets = [0, 0], sizes = [50, 120], strides = [1, 1]} : vector<50x360xf32> to vector<50x120xf32>
    %add3A_486 = arith.addf %slice3A_484, %slice3A_485 : vector<50x120xf32>
    %logistic3A_487 = arith.negf %add3A_486 : vector<50x120xf32>
    %logistic3A_488 = math.exp %logistic3A_487 : vector<50x120xf32>
    %logistic3A_489 = arith.constant 1.000000e+00 : f32
    %logistic3A_490 = vector.broadcast %logistic3A_489 : f32 to vector<50x120xf32>
    %logistic3A_491 = arith.addf %logistic3A_490, %logistic3A_488 : vector<50x120xf32>
    %logistic3A_492 = arith.divf %logistic3A_490, %logistic3A_491 : vector<50x120xf32>
    %slice3A_493 = vector.extract_strided_slice %squeeze3A_478 {offsets = [0, 120], sizes = [50, 120], strides = [1, 1]} : vector<50x360xf32> to vector<50x120xf32>
    %slice3A_494 = vector.extract_strided_slice %add3A_483 {offsets = [0, 120], sizes = [50, 120], strides = [1, 1]} : vector<50x360xf32> to vector<50x120xf32>
    %add3A_495 = arith.addf %slice3A_493, %slice3A_494 : vector<50x120xf32>
    %logistic3A_496 = arith.negf %add3A_495 : vector<50x120xf32>
    %logistic3A_497 = math.exp %logistic3A_496 : vector<50x120xf32>
    %logistic3A_498 = arith.constant 1.000000e+00 : f32
    %logistic3A_499 = vector.broadcast %logistic3A_498 : f32 to vector<50x120xf32>
    %logistic3A_500 = arith.addf %logistic3A_499, %logistic3A_497 : vector<50x120xf32>
    %logistic3A_501 = arith.divf %logistic3A_499, %logistic3A_500 : vector<50x120xf32>
    %slice3A_502 = vector.extract_strided_slice %squeeze3A_478 {offsets = [0, 240], sizes = [50, 120], strides = [1, 1]} : vector<50x360xf32> to vector<50x120xf32>
    %slice3A_503 = vector.extract_strided_slice %add3A_483 {offsets = [0, 240], sizes = [50, 120], strides = [1, 1]} : vector<50x360xf32> to vector<50x120xf32>
    %mul3A_504 = arith.mulf %logistic3A_492, %slice3A_503 : vector<50x120xf32>
    %add3A_505 = arith.addf %slice3A_502, %mul3A_504 : vector<50x120xf32>
    %tanh3A_506 = math.tanh %add3A_505 : vector<50x120xf32>
    %sub3A_507 = arith.constant 1.000000e+00 : f32
    %sub3A_508 = vector.broadcast %sub3A_507 : f32 to vector<50x120xf32>
    %sub3A_509 = arith.subf %sub3A_508, %logistic3A_501 : vector<50x120xf32>
    %mul3A_510 = arith.mulf %sub3A_509, %tanh3A_506 : vector<50x120xf32>
    %mul3A_511 = arith.mulf %logistic3A_501, %add3A_476 : vector<50x120xf32>
    %add3A_512 = arith.addf %mul3A_510, %mul3A_511 : vector<50x120xf32>
    %slice3A_513 = vector.extract_strided_slice %add3A_41 {offsets = [0, 13, 0], sizes = [50, 1, 360], strides = [1, 1, 1]} : vector<50x19x360xf32> to vector<50x1x360xf32>
    %squeeze3A_514 = vector.shape_cast %slice3A_513 : vector<50x1x360xf32> to vector<50x360xf32>
    %dot_general3A_515 = arith.constant dense<0.000000e+00> : vector<50x360xf32>
    %dot_general3A_516 = tpu.matmul %add3A_512, %get3A_44, %dot_general3A_515 {dimension_numbers = #tpu.dot_dimension_numbers<[1], [1], [0], [0], [0, 0, 1, 0], [], []>, transpose_lhs_hint = false} : vector<50x120xf32>, vector<360x120xf32>, vector<50x360xf32> -> vector<50x360xf32>
    %broadcast_in_dim3A_517 = vector.shape_cast %get3A_46 : vector<360xf32> to vector<1x360xf32>
    %add3A_518 = vector.broadcast %broadcast_in_dim3A_517 : vector<1x360xf32> to vector<50x360xf32>
    %add3A_519 = arith.addf %dot_general3A_516, %add3A_518 : vector<50x360xf32>
    %slice3A_520 = vector.extract_strided_slice %squeeze3A_514 {offsets = [0, 0], sizes = [50, 120], strides = [1, 1]} : vector<50x360xf32> to vector<50x120xf32>
    %slice3A_521 = vector.extract_strided_slice %add3A_519 {offsets = [0, 0], sizes = [50, 120], strides = [1, 1]} : vector<50x360xf32> to vector<50x120xf32>
    %add3A_522 = arith.addf %slice3A_520, %slice3A_521 : vector<50x120xf32>
    %logistic3A_523 = arith.negf %add3A_522 : vector<50x120xf32>
    %logistic3A_524 = math.exp %logistic3A_523 : vector<50x120xf32>
    %logistic3A_525 = arith.constant 1.000000e+00 : f32
    %logistic3A_526 = vector.broadcast %logistic3A_525 : f32 to vector<50x120xf32>
    %logistic3A_527 = arith.addf %logistic3A_526, %logistic3A_524 : vector<50x120xf32>
    %logistic3A_528 = arith.divf %logistic3A_526, %logistic3A_527 : vector<50x120xf32>
    %slice3A_529 = vector.extract_strided_slice %squeeze3A_514 {offsets = [0, 120], sizes = [50, 120], strides = [1, 1]} : vector<50x360xf32> to vector<50x120xf32>
    %slice3A_530 = vector.extract_strided_slice %add3A_519 {offsets = [0, 120], sizes = [50, 120], strides = [1, 1]} : vector<50x360xf32> to vector<50x120xf32>
    %add3A_531 = arith.addf %slice3A_529, %slice3A_530 : vector<50x120xf32>
    %logistic3A_532 = arith.negf %add3A_531 : vector<50x120xf32>
    %logistic3A_533 = math.exp %logistic3A_532 : vector<50x120xf32>
    %logistic3A_534 = arith.constant 1.000000e+00 : f32
    %logistic3A_535 = vector.broadcast %logistic3A_534 : f32 to vector<50x120xf32>
    %logistic3A_536 = arith.addf %logistic3A_535, %logistic3A_533 : vector<50x120xf32>
    %logistic3A_537 = arith.divf %logistic3A_535, %logistic3A_536 : vector<50x120xf32>
    %slice3A_538 = vector.extract_strided_slice %squeeze3A_514 {offsets = [0, 240], sizes = [50, 120], strides = [1, 1]} : vector<50x360xf32> to vector<50x120xf32>
    %slice3A_539 = vector.extract_strided_slice %add3A_519 {offsets = [0, 240], sizes = [50, 120], strides = [1, 1]} : vector<50x360xf32> to vector<50x120xf32>
    %mul3A_540 = arith.mulf %logistic3A_528, %slice3A_539 : vector<50x120xf32>
    %add3A_541 = arith.addf %slice3A_538, %mul3A_540 : vector<50x120xf32>
    %tanh3A_542 = math.tanh %add3A_541 : vector<50x120xf32>
    %sub3A_543 = arith.constant 1.000000e+00 : f32
    %sub3A_544 = vector.broadcast %sub3A_543 : f32 to vector<50x120xf32>
    %sub3A_545 = arith.subf %sub3A_544, %logistic3A_537 : vector<50x120xf32>
    %mul3A_546 = arith.mulf %sub3A_545, %tanh3A_542 : vector<50x120xf32>
    %mul3A_547 = arith.mulf %logistic3A_537, %add3A_512 : vector<50x120xf32>
    %add3A_548 = arith.addf %mul3A_546, %mul3A_547 : vector<50x120xf32>
    %slice3A_549 = vector.extract_strided_slice %add3A_41 {offsets = [0, 14, 0], sizes = [50, 1, 360], strides = [1, 1, 1]} : vector<50x19x360xf32> to vector<50x1x360xf32>
    %squeeze3A_550 = vector.shape_cast %slice3A_549 : vector<50x1x360xf32> to vector<50x360xf32>
    %dot_general3A_551 = arith.constant dense<0.000000e+00> : vector<50x360xf32>
    %dot_general3A_552 = tpu.matmul %add3A_548, %get3A_44, %dot_general3A_551 {dimension_numbers = #tpu.dot_dimension_numbers<[1], [1], [0], [0], [0, 0, 1, 0], [], []>, transpose_lhs_hint = false} : vector<50x120xf32>, vector<360x120xf32>, vector<50x360xf32> -> vector<50x360xf32>
    %broadcast_in_dim3A_553 = vector.shape_cast %get3A_46 : vector<360xf32> to vector<1x360xf32>
    %add3A_554 = vector.broadcast %broadcast_in_dim3A_553 : vector<1x360xf32> to vector<50x360xf32>
    %add3A_555 = arith.addf %dot_general3A_552, %add3A_554 : vector<50x360xf32>
    %slice3A_556 = vector.extract_strided_slice %squeeze3A_550 {offsets = [0, 0], sizes = [50, 120], strides = [1, 1]} : vector<50x360xf32> to vector<50x120xf32>
    %slice3A_557 = vector.extract_strided_slice %add3A_555 {offsets = [0, 0], sizes = [50, 120], strides = [1, 1]} : vector<50x360xf32> to vector<50x120xf32>
    %add3A_558 = arith.addf %slice3A_556, %slice3A_557 : vector<50x120xf32>
    %logistic3A_559 = arith.negf %add3A_558 : vector<50x120xf32>
    %logistic3A_560 = math.exp %logistic3A_559 : vector<50x120xf32>
    %logistic3A_561 = arith.constant 1.000000e+00 : f32
    %logistic3A_562 = vector.broadcast %logistic3A_561 : f32 to vector<50x120xf32>
    %logistic3A_563 = arith.addf %logistic3A_562, %logistic3A_560 : vector<50x120xf32>
    %logistic3A_564 = arith.divf %logistic3A_562, %logistic3A_563 : vector<50x120xf32>
    %slice3A_565 = vector.extract_strided_slice %squeeze3A_550 {offsets = [0, 120], sizes = [50, 120], strides = [1, 1]} : vector<50x360xf32> to vector<50x120xf32>
    %slice3A_566 = vector.extract_strided_slice %add3A_555 {offsets = [0, 120], sizes = [50, 120], strides = [1, 1]} : vector<50x360xf32> to vector<50x120xf32>
    %add3A_567 = arith.addf %slice3A_565, %slice3A_566 : vector<50x120xf32>
    %logistic3A_568 = arith.negf %add3A_567 : vector<50x120xf32>
    %logistic3A_569 = math.exp %logistic3A_568 : vector<50x120xf32>
    %logistic3A_570 = arith.constant 1.000000e+00 : f32
    %logistic3A_571 = vector.broadcast %logistic3A_570 : f32 to vector<50x120xf32>
    %logistic3A_572 = arith.addf %logistic3A_571, %logistic3A_569 : vector<50x120xf32>
    %logistic3A_573 = arith.divf %logistic3A_571, %logistic3A_572 : vector<50x120xf32>
    %slice3A_574 = vector.extract_strided_slice %squeeze3A_550 {offsets = [0, 240], sizes = [50, 120], strides = [1, 1]} : vector<50x360xf32> to vector<50x120xf32>
    %slice3A_575 = vector.extract_strided_slice %add3A_555 {offsets = [0, 240], sizes = [50, 120], strides = [1, 1]} : vector<50x360xf32> to vector<50x120xf32>
    %mul3A_576 = arith.mulf %logistic3A_564, %slice3A_575 : vector<50x120xf32>
    %add3A_577 = arith.addf %slice3A_574, %mul3A_576 : vector<50x120xf32>
    %tanh3A_578 = math.tanh %add3A_577 : vector<50x120xf32>
    %sub3A_579 = arith.constant 1.000000e+00 : f32
    %sub3A_580 = vector.broadcast %sub3A_579 : f32 to vector<50x120xf32>
    %sub3A_581 = arith.subf %sub3A_580, %logistic3A_573 : vector<50x120xf32>
    %mul3A_582 = arith.mulf %sub3A_581, %tanh3A_578 : vector<50x120xf32>
    %mul3A_583 = arith.mulf %logistic3A_573, %add3A_548 : vector<50x120xf32>
    %add3A_584 = arith.addf %mul3A_582, %mul3A_583 : vector<50x120xf32>
    %slice3A_585 = vector.extract_strided_slice %add3A_41 {offsets = [0, 15, 0], sizes = [50, 1, 360], strides = [1, 1, 1]} : vector<50x19x360xf32> to vector<50x1x360xf32>
    %squeeze3A_586 = vector.shape_cast %slice3A_585 : vector<50x1x360xf32> to vector<50x360xf32>
    %dot_general3A_587 = arith.constant dense<0.000000e+00> : vector<50x360xf32>
    %dot_general3A_588 = tpu.matmul %add3A_584, %get3A_44, %dot_general3A_587 {dimension_numbers = #tpu.dot_dimension_numbers<[1], [1], [0], [0], [0, 0, 1, 0], [], []>, transpose_lhs_hint = false} : vector<50x120xf32>, vector<360x120xf32>, vector<50x360xf32> -> vector<50x360xf32>
    %broadcast_in_dim3A_589 = vector.shape_cast %get3A_46 : vector<360xf32> to vector<1x360xf32>
    %add3A_590 = vector.broadcast %broadcast_in_dim3A_589 : vector<1x360xf32> to vector<50x360xf32>
    %add3A_591 = arith.addf %dot_general3A_588, %add3A_590 : vector<50x360xf32>
    %slice3A_592 = vector.extract_strided_slice %squeeze3A_586 {offsets = [0, 0], sizes = [50, 120], strides = [1, 1]} : vector<50x360xf32> to vector<50x120xf32>
    %slice3A_593 = vector.extract_strided_slice %add3A_591 {offsets = [0, 0], sizes = [50, 120], strides = [1, 1]} : vector<50x360xf32> to vector<50x120xf32>
    %add3A_594 = arith.addf %slice3A_592, %slice3A_593 : vector<50x120xf32>
    %logistic3A_595 = arith.negf %add3A_594 : vector<50x120xf32>
    %logistic3A_596 = math.exp %logistic3A_595 : vector<50x120xf32>
    %logistic3A_597 = arith.constant 1.000000e+00 : f32
    %logistic3A_598 = vector.broadcast %logistic3A_597 : f32 to vector<50x120xf32>
    %logistic3A_599 = arith.addf %logistic3A_598, %logistic3A_596 : vector<50x120xf32>
    %logistic3A_600 = arith.divf %logistic3A_598, %logistic3A_599 : vector<50x120xf32>
    %slice3A_601 = vector.extract_strided_slice %squeeze3A_586 {offsets = [0, 120], sizes = [50, 120], strides = [1, 1]} : vector<50x360xf32> to vector<50x120xf32>
    %slice3A_602 = vector.extract_strided_slice %add3A_591 {offsets = [0, 120], sizes = [50, 120], strides = [1, 1]} : vector<50x360xf32> to vector<50x120xf32>
    %add3A_603 = arith.addf %slice3A_601, %slice3A_602 : vector<50x120xf32>
    %logistic3A_604 = arith.negf %add3A_603 : vector<50x120xf32>
    %logistic3A_605 = math.exp %logistic3A_604 : vector<50x120xf32>
    %logistic3A_606 = arith.constant 1.000000e+00 : f32
    %logistic3A_607 = vector.broadcast %logistic3A_606 : f32 to vector<50x120xf32>
    %logistic3A_608 = arith.addf %logistic3A_607, %logistic3A_605 : vector<50x120xf32>
    %logistic3A_609 = arith.divf %logistic3A_607, %logistic3A_608 : vector<50x120xf32>
    %slice3A_610 = vector.extract_strided_slice %squeeze3A_586 {offsets = [0, 240], sizes = [50, 120], strides = [1, 1]} : vector<50x360xf32> to vector<50x120xf32>
    %slice3A_611 = vector.extract_strided_slice %add3A_591 {offsets = [0, 240], sizes = [50, 120], strides = [1, 1]} : vector<50x360xf32> to vector<50x120xf32>
    %mul3A_612 = arith.mulf %logistic3A_600, %slice3A_611 : vector<50x120xf32>
    %add3A_613 = arith.addf %slice3A_610, %mul3A_612 : vector<50x120xf32>
    %tanh3A_614 = math.tanh %add3A_613 : vector<50x120xf32>
    %sub3A_615 = arith.constant 1.000000e+00 : f32
    %sub3A_616 = vector.broadcast %sub3A_615 : f32 to vector<50x120xf32>
    %sub3A_617 = arith.subf %sub3A_616, %logistic3A_609 : vector<50x120xf32>
    %mul3A_618 = arith.mulf %sub3A_617, %tanh3A_614 : vector<50x120xf32>
    %mul3A_619 = arith.mulf %logistic3A_609, %add3A_584 : vector<50x120xf32>
    %add3A_620 = arith.addf %mul3A_618, %mul3A_619 : vector<50x120xf32>
    %slice3A_621 = vector.extract_strided_slice %add3A_41 {offsets = [0, 16, 0], sizes = [50, 1, 360], strides = [1, 1, 1]} : vector<50x19x360xf32> to vector<50x1x360xf32>
    %squeeze3A_622 = vector.shape_cast %slice3A_621 : vector<50x1x360xf32> to vector<50x360xf32>
    %dot_general3A_623 = arith.constant dense<0.000000e+00> : vector<50x360xf32>
    %dot_general3A_624 = tpu.matmul %add3A_620, %get3A_44, %dot_general3A_623 {dimension_numbers = #tpu.dot_dimension_numbers<[1], [1], [0], [0], [0, 0, 1, 0], [], []>, transpose_lhs_hint = false} : vector<50x120xf32>, vector<360x120xf32>, vector<50x360xf32> -> vector<50x360xf32>
    %broadcast_in_dim3A_625 = vector.shape_cast %get3A_46 : vector<360xf32> to vector<1x360xf32>
    %add3A_626 = vector.broadcast %broadcast_in_dim3A_625 : vector<1x360xf32> to vector<50x360xf32>
    %add3A_627 = arith.addf %dot_general3A_624, %add3A_626 : vector<50x360xf32>
    %slice3A_628 = vector.extract_strided_slice %squeeze3A_622 {offsets = [0, 0], sizes = [50, 120], strides = [1, 1]} : vector<50x360xf32> to vector<50x120xf32>
    %slice3A_629 = vector.extract_strided_slice %add3A_627 {offsets = [0, 0], sizes = [50, 120], strides = [1, 1]} : vector<50x360xf32> to vector<50x120xf32>
    %add3A_630 = arith.addf %slice3A_628, %slice3A_629 : vector<50x120xf32>
    %logistic3A_631 = arith.negf %add3A_630 : vector<50x120xf32>
    %logistic3A_632 = math.exp %logistic3A_631 : vector<50x120xf32>
    %logistic3A_633 = arith.constant 1.000000e+00 : f32
    %logistic3A_634 = vector.broadcast %logistic3A_633 : f32 to vector<50x120xf32>
    %logistic3A_635 = arith.addf %logistic3A_634, %logistic3A_632 : vector<50x120xf32>
    %logistic3A_636 = arith.divf %logistic3A_634, %logistic3A_635 : vector<50x120xf32>
    %slice3A_637 = vector.extract_strided_slice %squeeze3A_622 {offsets = [0, 120], sizes = [50, 120], strides = [1, 1]} : vector<50x360xf32> to vector<50x120xf32>
    %slice3A_638 = vector.extract_strided_slice %add3A_627 {offsets = [0, 120], sizes = [50, 120], strides = [1, 1]} : vector<50x360xf32> to vector<50x120xf32>
    %add3A_639 = arith.addf %slice3A_637, %slice3A_638 : vector<50x120xf32>
    %logistic3A_640 = arith.negf %add3A_639 : vector<50x120xf32>
    %logistic3A_641 = math.exp %logistic3A_640 : vector<50x120xf32>
    %logistic3A_642 = arith.constant 1.000000e+00 : f32
    %logistic3A_643 = vector.broadcast %logistic3A_642 : f32 to vector<50x120xf32>
    %logistic3A_644 = arith.addf %logistic3A_643, %logistic3A_641 : vector<50x120xf32>
    %logistic3A_645 = arith.divf %logistic3A_643, %logistic3A_644 : vector<50x120xf32>
    %slice3A_646 = vector.extract_strided_slice %squeeze3A_622 {offsets = [0, 240], sizes = [50, 120], strides = [1, 1]} : vector<50x360xf32> to vector<50x120xf32>
    %slice3A_647 = vector.extract_strided_slice %add3A_627 {offsets = [0, 240], sizes = [50, 120], strides = [1, 1]} : vector<50x360xf32> to vector<50x120xf32>
    %mul3A_648 = arith.mulf %logistic3A_636, %slice3A_647 : vector<50x120xf32>
    %add3A_649 = arith.addf %slice3A_646, %mul3A_648 : vector<50x120xf32>
    %tanh3A_650 = math.tanh %add3A_649 : vector<50x120xf32>
    %sub3A_651 = arith.constant 1.000000e+00 : f32
    %sub3A_652 = vector.broadcast %sub3A_651 : f32 to vector<50x120xf32>
    %sub3A_653 = arith.subf %sub3A_652, %logistic3A_645 : vector<50x120xf32>
    %mul3A_654 = arith.mulf %sub3A_653, %tanh3A_650 : vector<50x120xf32>
    %mul3A_655 = arith.mulf %logistic3A_645, %add3A_620 : vector<50x120xf32>
    %add3A_656 = arith.addf %mul3A_654, %mul3A_655 : vector<50x120xf32>
    %slice3A_657 = vector.extract_strided_slice %add3A_41 {offsets = [0, 17, 0], sizes = [50, 1, 360], strides = [1, 1, 1]} : vector<50x19x360xf32> to vector<50x1x360xf32>
    %squeeze3A_658 = vector.shape_cast %slice3A_657 : vector<50x1x360xf32> to vector<50x360xf32>
    %dot_general3A_659 = arith.constant dense<0.000000e+00> : vector<50x360xf32>
    %dot_general3A_660 = tpu.matmul %add3A_656, %get3A_44, %dot_general3A_659 {dimension_numbers = #tpu.dot_dimension_numbers<[1], [1], [0], [0], [0, 0, 1, 0], [], []>, transpose_lhs_hint = false} : vector<50x120xf32>, vector<360x120xf32>, vector<50x360xf32> -> vector<50x360xf32>
    %broadcast_in_dim3A_661 = vector.shape_cast %get3A_46 : vector<360xf32> to vector<1x360xf32>
    %add3A_662 = vector.broadcast %broadcast_in_dim3A_661 : vector<1x360xf32> to vector<50x360xf32>
    %add3A_663 = arith.addf %dot_general3A_660, %add3A_662 : vector<50x360xf32>
    %slice3A_664 = vector.extract_strided_slice %squeeze3A_658 {offsets = [0, 0], sizes = [50, 120], strides = [1, 1]} : vector<50x360xf32> to vector<50x120xf32>
    %slice3A_665 = vector.extract_strided_slice %add3A_663 {offsets = [0, 0], sizes = [50, 120], strides = [1, 1]} : vector<50x360xf32> to vector<50x120xf32>
    %add3A_666 = arith.addf %slice3A_664, %slice3A_665 : vector<50x120xf32>
    %logistic3A_667 = arith.negf %add3A_666 : vector<50x120xf32>
    %logistic3A_668 = math.exp %logistic3A_667 : vector<50x120xf32>
    %logistic3A_669 = arith.constant 1.000000e+00 : f32
    %logistic3A_670 = vector.broadcast %logistic3A_669 : f32 to vector<50x120xf32>
    %logistic3A_671 = arith.addf %logistic3A_670, %logistic3A_668 : vector<50x120xf32>
    %logistic3A_672 = arith.divf %logistic3A_670, %logistic3A_671 : vector<50x120xf32>
    %slice3A_673 = vector.extract_strided_slice %squeeze3A_658 {offsets = [0, 120], sizes = [50, 120], strides = [1, 1]} : vector<50x360xf32> to vector<50x120xf32>
    %slice3A_674 = vector.extract_strided_slice %add3A_663 {offsets = [0, 120], sizes = [50, 120], strides = [1, 1]} : vector<50x360xf32> to vector<50x120xf32>
    %add3A_675 = arith.addf %slice3A_673, %slice3A_674 : vector<50x120xf32>
    %logistic3A_676 = arith.negf %add3A_675 : vector<50x120xf32>
    %logistic3A_677 = math.exp %logistic3A_676 : vector<50x120xf32>
    %logistic3A_678 = arith.constant 1.000000e+00 : f32
    %logistic3A_679 = vector.broadcast %logistic3A_678 : f32 to vector<50x120xf32>
    %logistic3A_680 = arith.addf %logistic3A_679, %logistic3A_677 : vector<50x120xf32>
    %logistic3A_681 = arith.divf %logistic3A_679, %logistic3A_680 : vector<50x120xf32>
    %slice3A_682 = vector.extract_strided_slice %squeeze3A_658 {offsets = [0, 240], sizes = [50, 120], strides = [1, 1]} : vector<50x360xf32> to vector<50x120xf32>
    %slice3A_683 = vector.extract_strided_slice %add3A_663 {offsets = [0, 240], sizes = [50, 120], strides = [1, 1]} : vector<50x360xf32> to vector<50x120xf32>
    %mul3A_684 = arith.mulf %logistic3A_672, %slice3A_683 : vector<50x120xf32>
    %add3A_685 = arith.addf %slice3A_682, %mul3A_684 : vector<50x120xf32>
    %tanh3A_686 = math.tanh %add3A_685 : vector<50x120xf32>
    %sub3A_687 = arith.constant 1.000000e+00 : f32
    %sub3A_688 = vector.broadcast %sub3A_687 : f32 to vector<50x120xf32>
    %sub3A_689 = arith.subf %sub3A_688, %logistic3A_681 : vector<50x120xf32>
    %mul3A_690 = arith.mulf %sub3A_689, %tanh3A_686 : vector<50x120xf32>
    %mul3A_691 = arith.mulf %logistic3A_681, %add3A_656 : vector<50x120xf32>
    %add3A_692 = arith.addf %mul3A_690, %mul3A_691 : vector<50x120xf32>
    %slice3A_693 = vector.extract_strided_slice %add3A_41 {offsets = [0, 18, 0], sizes = [50, 1, 360], strides = [1, 1, 1]} : vector<50x19x360xf32> to vector<50x1x360xf32>
    %squeeze3A_694 = vector.shape_cast %slice3A_693 : vector<50x1x360xf32> to vector<50x360xf32>
    %dot_general3A_695 = arith.constant dense<0.000000e+00> : vector<50x360xf32>
    %dot_general3A_696 = tpu.matmul %add3A_692, %get3A_44, %dot_general3A_695 {dimension_numbers = #tpu.dot_dimension_numbers<[1], [1], [0], [0], [0, 0, 1, 0], [], []>, transpose_lhs_hint = false} : vector<50x120xf32>, vector<360x120xf32>, vector<50x360xf32> -> vector<50x360xf32>
    %broadcast_in_dim3A_697 = vector.shape_cast %get3A_46 : vector<360xf32> to vector<1x360xf32>
    %add3A_698 = vector.broadcast %broadcast_in_dim3A_697 : vector<1x360xf32> to vector<50x360xf32>
    %add3A_699 = arith.addf %dot_general3A_696, %add3A_698 : vector<50x360xf32>
    %slice3A_700 = vector.extract_strided_slice %squeeze3A_694 {offsets = [0, 0], sizes = [50, 120], strides = [1, 1]} : vector<50x360xf32> to vector<50x120xf32>
    %slice3A_701 = vector.extract_strided_slice %add3A_699 {offsets = [0, 0], sizes = [50, 120], strides = [1, 1]} : vector<50x360xf32> to vector<50x120xf32>
    %add3A_702 = arith.addf %slice3A_700, %slice3A_701 : vector<50x120xf32>
    %logistic3A_703 = arith.negf %add3A_702 : vector<50x120xf32>
    %logistic3A_704 = math.exp %logistic3A_703 : vector<50x120xf32>
    %logistic3A_705 = arith.constant 1.000000e+00 : f32
    %logistic3A_706 = vector.broadcast %logistic3A_705 : f32 to vector<50x120xf32>
    %logistic3A_707 = arith.addf %logistic3A_706, %logistic3A_704 : vector<50x120xf32>
    %logistic3A_708 = arith.divf %logistic3A_706, %logistic3A_707 : vector<50x120xf32>
    %slice3A_709 = vector.extract_strided_slice %squeeze3A_694 {offsets = [0, 120], sizes = [50, 120], strides = [1, 1]} : vector<50x360xf32> to vector<50x120xf32>
    %slice3A_710 = vector.extract_strided_slice %add3A_699 {offsets = [0, 120], sizes = [50, 120], strides = [1, 1]} : vector<50x360xf32> to vector<50x120xf32>
    %add3A_711 = arith.addf %slice3A_709, %slice3A_710 : vector<50x120xf32>
    %logistic3A_712 = arith.negf %add3A_711 : vector<50x120xf32>
    %logistic3A_713 = math.exp %logistic3A_712 : vector<50x120xf32>
    %logistic3A_714 = arith.constant 1.000000e+00 : f32
    %logistic3A_715 = vector.broadcast %logistic3A_714 : f32 to vector<50x120xf32>
    %logistic3A_716 = arith.addf %logistic3A_715, %logistic3A_713 : vector<50x120xf32>
    %logistic3A_717 = arith.divf %logistic3A_715, %logistic3A_716 : vector<50x120xf32>
    %slice3A_718 = vector.extract_strided_slice %squeeze3A_694 {offsets = [0, 240], sizes = [50, 120], strides = [1, 1]} : vector<50x360xf32> to vector<50x120xf32>
    %slice3A_719 = vector.extract_strided_slice %add3A_699 {offsets = [0, 240], sizes = [50, 120], strides = [1, 1]} : vector<50x360xf32> to vector<50x120xf32>
    %mul3A_720 = arith.mulf %logistic3A_708, %slice3A_719 : vector<50x120xf32>
    %add3A_721 = arith.addf %slice3A_718, %mul3A_720 : vector<50x120xf32>
    %tanh3A_722 = math.tanh %add3A_721 : vector<50x120xf32>
    %sub3A_723 = arith.constant 1.000000e+00 : f32
    %sub3A_724 = vector.broadcast %sub3A_723 : f32 to vector<50x120xf32>
    %sub3A_725 = arith.subf %sub3A_724, %logistic3A_717 : vector<50x120xf32>
    %mul3A_726 = arith.mulf %sub3A_725, %tanh3A_722 : vector<50x120xf32>
    %mul3A_727 = arith.mulf %logistic3A_717, %add3A_692 : vector<50x120xf32>
    %add3A_728 = arith.addf %mul3A_726, %mul3A_727 : vector<50x120xf32>
    %get3A_729 = arith.constant 0 : index
    %get3A_730 = arith.constant 0 : index
    %get3A_731 = vector.load %arg8[%get3A_729, %get3A_730] : memref<360x128xf32, #tpu.memory_space<vmem>>, vector<360x128xf32>
    %dot_general3A_732 = arith.constant dense<0.000000e+00> : vector<50x19x360xf32>
    %dot_general3A_733 = tpu.matmul %div3A_31, %get3A_731, %dot_general3A_732 {dimension_numbers = #tpu.dot_dimension_numbers<[2], [1], [0, 1], [0], [0, 0, 0, 1, 1, 0], [], []>, transpose_lhs_hint = false} : vector<50x19x128xf32>, vector<360x128xf32>, vector<50x19x360xf32> -> vector<50x19x360xf32>
    %get3A_734 = arith.constant 0 : index
    %get3A_735 = vector.load %arg10[%get3A_734] : memref<360xf32, #tpu.memory_space<vmem>>, vector<360xf32>
    %broadcast_in_dim3A_736 = vector.shape_cast %get3A_735 : vector<360xf32> to vector<1x1x360xf32>
    %add3A_737 = vector.broadcast %broadcast_in_dim3A_736 : vector<1x1x360xf32> to vector<50x19x360xf32>
    %add3A_738 = arith.addf %dot_general3A_733, %add3A_737 : vector<50x19x360xf32>
    %get3A_739 = arith.constant 0 : index
    %get3A_740 = arith.constant 0 : index
    %get3A_741 = vector.load %arg9[%get3A_739, %get3A_740] : memref<360x120xf32, #tpu.memory_space<vmem>>, vector<360x120xf32>
    %get3A_742 = arith.constant 0 : index
    %get3A_743 = vector.load %arg11[%get3A_742] : memref<360xf32, #tpu.memory_space<vmem>>, vector<360xf32>
    %broadcast_in_dim3A_744 = arith.constant 0.000000e+00 : f32
    %broadcast_in_dim3A_745 = vector.broadcast %broadcast_in_dim3A_744 : f32 to vector<50x120xf32>
    %slice3A_746 = vector.extract_strided_slice %add3A_738 {offsets = [0, 18, 0], sizes = [50, 1, 360], strides = [1, 1, 1]} : vector<50x19x360xf32> to vector<50x1x360xf32>
    %squeeze3A_747 = vector.shape_cast %slice3A_746 : vector<50x1x360xf32> to vector<50x360xf32>
    %dot_general3A_748 = arith.constant dense<0.000000e+00> : vector<50x360xf32>
    %dot_general3A_749 = tpu.matmul %broadcast_in_dim3A_745, %get3A_741, %dot_general3A_748 {dimension_numbers = #tpu.dot_dimension_numbers<[1], [1], [0], [0], [0, 0, 1, 0], [], []>, transpose_lhs_hint = false} : vector<50x120xf32>, vector<360x120xf32>, vector<50x360xf32> -> vector<50x360xf32>
    %broadcast_in_dim3A_750 = vector.shape_cast %get3A_743 : vector<360xf32> to vector<1x360xf32>
    %add3A_751 = vector.broadcast %broadcast_in_dim3A_750 : vector<1x360xf32> to vector<50x360xf32>
    %add3A_752 = arith.addf %dot_general3A_749, %add3A_751 : vector<50x360xf32>
    %slice3A_753 = vector.extract_strided_slice %squeeze3A_747 {offsets = [0, 0], sizes = [50, 120], strides = [1, 1]} : vector<50x360xf32> to vector<50x120xf32>
    %slice3A_754 = vector.extract_strided_slice %add3A_752 {offsets = [0, 0], sizes = [50, 120], strides = [1, 1]} : vector<50x360xf32> to vector<50x120xf32>
    %add3A_755 = arith.addf %slice3A_753, %slice3A_754 : vector<50x120xf32>
    %logistic3A_756 = arith.negf %add3A_755 : vector<50x120xf32>
    %logistic3A_757 = math.exp %logistic3A_756 : vector<50x120xf32>
    %logistic3A_758 = arith.constant 1.000000e+00 : f32
    %logistic3A_759 = vector.broadcast %logistic3A_758 : f32 to vector<50x120xf32>
    %logistic3A_760 = arith.addf %logistic3A_759, %logistic3A_757 : vector<50x120xf32>
    %logistic3A_761 = arith.divf %logistic3A_759, %logistic3A_760 : vector<50x120xf32>
    %slice3A_762 = vector.extract_strided_slice %squeeze3A_747 {offsets = [0, 120], sizes = [50, 120], strides = [1, 1]} : vector<50x360xf32> to vector<50x120xf32>
    %slice3A_763 = vector.extract_strided_slice %add3A_752 {offsets = [0, 120], sizes = [50, 120], strides = [1, 1]} : vector<50x360xf32> to vector<50x120xf32>
    %add3A_764 = arith.addf %slice3A_762, %slice3A_763 : vector<50x120xf32>
    %logistic3A_765 = arith.negf %add3A_764 : vector<50x120xf32>
    %logistic3A_766 = math.exp %logistic3A_765 : vector<50x120xf32>
    %logistic3A_767 = arith.constant 1.000000e+00 : f32
    %logistic3A_768 = vector.broadcast %logistic3A_767 : f32 to vector<50x120xf32>
    %logistic3A_769 = arith.addf %logistic3A_768, %logistic3A_766 : vector<50x120xf32>
    %logistic3A_770 = arith.divf %logistic3A_768, %logistic3A_769 : vector<50x120xf32>
    %slice3A_771 = vector.extract_strided_slice %squeeze3A_747 {offsets = [0, 240], sizes = [50, 120], strides = [1, 1]} : vector<50x360xf32> to vector<50x120xf32>
    %slice3A_772 = vector.extract_strided_slice %add3A_752 {offsets = [0, 240], sizes = [50, 120], strides = [1, 1]} : vector<50x360xf32> to vector<50x120xf32>
    %mul3A_773 = arith.mulf %logistic3A_761, %slice3A_772 : vector<50x120xf32>
    %add3A_774 = arith.addf %slice3A_771, %mul3A_773 : vector<50x120xf32>
    %tanh3A_775 = math.tanh %add3A_774 : vector<50x120xf32>
    %sub3A_776 = arith.constant 1.000000e+00 : f32
    %sub3A_777 = vector.broadcast %sub3A_776 : f32 to vector<50x120xf32>
    %sub3A_778 = arith.subf %sub3A_777, %logistic3A_770 : vector<50x120xf32>
    %mul3A_779 = arith.mulf %sub3A_778, %tanh3A_775 : vector<50x120xf32>
    %mul3A_780 = arith.mulf %logistic3A_770, %broadcast_in_dim3A_745 : vector<50x120xf32>
    %add3A_781 = arith.addf %mul3A_779, %mul3A_780 : vector<50x120xf32>
    %slice3A_782 = vector.extract_strided_slice %add3A_738 {offsets = [0, 17, 0], sizes = [50, 1, 360], strides = [1, 1, 1]} : vector<50x19x360xf32> to vector<50x1x360xf32>
    %squeeze3A_783 = vector.shape_cast %slice3A_782 : vector<50x1x360xf32> to vector<50x360xf32>
    %dot_general3A_784 = arith.constant dense<0.000000e+00> : vector<50x360xf32>
    %dot_general3A_785 = tpu.matmul %add3A_781, %get3A_741, %dot_general3A_784 {dimension_numbers = #tpu.dot_dimension_numbers<[1], [1], [0], [0], [0, 0, 1, 0], [], []>, transpose_lhs_hint = false} : vector<50x120xf32>, vector<360x120xf32>, vector<50x360xf32> -> vector<50x360xf32>
    %broadcast_in_dim3A_786 = vector.shape_cast %get3A_743 : vector<360xf32> to vector<1x360xf32>
    %add3A_787 = vector.broadcast %broadcast_in_dim3A_786 : vector<1x360xf32> to vector<50x360xf32>
    %add3A_788 = arith.addf %dot_general3A_785, %add3A_787 : vector<50x360xf32>
    %slice3A_789 = vector.extract_strided_slice %squeeze3A_783 {offsets = [0, 0], sizes = [50, 120], strides = [1, 1]} : vector<50x360xf32> to vector<50x120xf32>
    %slice3A_790 = vector.extract_strided_slice %add3A_788 {offsets = [0, 0], sizes = [50, 120], strides = [1, 1]} : vector<50x360xf32> to vector<50x120xf32>
    %add3A_791 = arith.addf %slice3A_789, %slice3A_790 : vector<50x120xf32>
    %logistic3A_792 = arith.negf %add3A_791 : vector<50x120xf32>
    %logistic3A_793 = math.exp %logistic3A_792 : vector<50x120xf32>
    %logistic3A_794 = arith.constant 1.000000e+00 : f32
    %logistic3A_795 = vector.broadcast %logistic3A_794 : f32 to vector<50x120xf32>
    %logistic3A_796 = arith.addf %logistic3A_795, %logistic3A_793 : vector<50x120xf32>
    %logistic3A_797 = arith.divf %logistic3A_795, %logistic3A_796 : vector<50x120xf32>
    %slice3A_798 = vector.extract_strided_slice %squeeze3A_783 {offsets = [0, 120], sizes = [50, 120], strides = [1, 1]} : vector<50x360xf32> to vector<50x120xf32>
    %slice3A_799 = vector.extract_strided_slice %add3A_788 {offsets = [0, 120], sizes = [50, 120], strides = [1, 1]} : vector<50x360xf32> to vector<50x120xf32>
    %add3A_800 = arith.addf %slice3A_798, %slice3A_799 : vector<50x120xf32>
    %logistic3A_801 = arith.negf %add3A_800 : vector<50x120xf32>
    %logistic3A_802 = math.exp %logistic3A_801 : vector<50x120xf32>
    %logistic3A_803 = arith.constant 1.000000e+00 : f32
    %logistic3A_804 = vector.broadcast %logistic3A_803 : f32 to vector<50x120xf32>
    %logistic3A_805 = arith.addf %logistic3A_804, %logistic3A_802 : vector<50x120xf32>
    %logistic3A_806 = arith.divf %logistic3A_804, %logistic3A_805 : vector<50x120xf32>
    %slice3A_807 = vector.extract_strided_slice %squeeze3A_783 {offsets = [0, 240], sizes = [50, 120], strides = [1, 1]} : vector<50x360xf32> to vector<50x120xf32>
    %slice3A_808 = vector.extract_strided_slice %add3A_788 {offsets = [0, 240], sizes = [50, 120], strides = [1, 1]} : vector<50x360xf32> to vector<50x120xf32>
    %mul3A_809 = arith.mulf %logistic3A_797, %slice3A_808 : vector<50x120xf32>
    %add3A_810 = arith.addf %slice3A_807, %mul3A_809 : vector<50x120xf32>
    %tanh3A_811 = math.tanh %add3A_810 : vector<50x120xf32>
    %sub3A_812 = arith.constant 1.000000e+00 : f32
    %sub3A_813 = vector.broadcast %sub3A_812 : f32 to vector<50x120xf32>
    %sub3A_814 = arith.subf %sub3A_813, %logistic3A_806 : vector<50x120xf32>
    %mul3A_815 = arith.mulf %sub3A_814, %tanh3A_811 : vector<50x120xf32>
    %mul3A_816 = arith.mulf %logistic3A_806, %add3A_781 : vector<50x120xf32>
    %add3A_817 = arith.addf %mul3A_815, %mul3A_816 : vector<50x120xf32>
    %slice3A_818 = vector.extract_strided_slice %add3A_738 {offsets = [0, 16, 0], sizes = [50, 1, 360], strides = [1, 1, 1]} : vector<50x19x360xf32> to vector<50x1x360xf32>
    %squeeze3A_819 = vector.shape_cast %slice3A_818 : vector<50x1x360xf32> to vector<50x360xf32>
    %dot_general3A_820 = arith.constant dense<0.000000e+00> : vector<50x360xf32>
    %dot_general3A_821 = tpu.matmul %add3A_817, %get3A_741, %dot_general3A_820 {dimension_numbers = #tpu.dot_dimension_numbers<[1], [1], [0], [0], [0, 0, 1, 0], [], []>, transpose_lhs_hint = false} : vector<50x120xf32>, vector<360x120xf32>, vector<50x360xf32> -> vector<50x360xf32>
    %broadcast_in_dim3A_822 = vector.shape_cast %get3A_743 : vector<360xf32> to vector<1x360xf32>
    %add3A_823 = vector.broadcast %broadcast_in_dim3A_822 : vector<1x360xf32> to vector<50x360xf32>
    %add3A_824 = arith.addf %dot_general3A_821, %add3A_823 : vector<50x360xf32>
    %slice3A_825 = vector.extract_strided_slice %squeeze3A_819 {offsets = [0, 0], sizes = [50, 120], strides = [1, 1]} : vector<50x360xf32> to vector<50x120xf32>
    %slice3A_826 = vector.extract_strided_slice %add3A_824 {offsets = [0, 0], sizes = [50, 120], strides = [1, 1]} : vector<50x360xf32> to vector<50x120xf32>
    %add3A_827 = arith.addf %slice3A_825, %slice3A_826 : vector<50x120xf32>
    %logistic3A_828 = arith.negf %add3A_827 : vector<50x120xf32>
    %logistic3A_829 = math.exp %logistic3A_828 : vector<50x120xf32>
    %logistic3A_830 = arith.constant 1.000000e+00 : f32
    %logistic3A_831 = vector.broadcast %logistic3A_830 : f32 to vector<50x120xf32>
    %logistic3A_832 = arith.addf %logistic3A_831, %logistic3A_829 : vector<50x120xf32>
    %logistic3A_833 = arith.divf %logistic3A_831, %logistic3A_832 : vector<50x120xf32>
    %slice3A_834 = vector.extract_strided_slice %squeeze3A_819 {offsets = [0, 120], sizes = [50, 120], strides = [1, 1]} : vector<50x360xf32> to vector<50x120xf32>
    %slice3A_835 = vector.extract_strided_slice %add3A_824 {offsets = [0, 120], sizes = [50, 120], strides = [1, 1]} : vector<50x360xf32> to vector<50x120xf32>
    %add3A_836 = arith.addf %slice3A_834, %slice3A_835 : vector<50x120xf32>
    %logistic3A_837 = arith.negf %add3A_836 : vector<50x120xf32>
    %logistic3A_838 = math.exp %logistic3A_837 : vector<50x120xf32>
    %logistic3A_839 = arith.constant 1.000000e+00 : f32
    %logistic3A_840 = vector.broadcast %logistic3A_839 : f32 to vector<50x120xf32>
    %logistic3A_841 = arith.addf %logistic3A_840, %logistic3A_838 : vector<50x120xf32>
    %logistic3A_842 = arith.divf %logistic3A_840, %logistic3A_841 : vector<50x120xf32>
    %slice3A_843 = vector.extract_strided_slice %squeeze3A_819 {offsets = [0, 240], sizes = [50, 120], strides = [1, 1]} : vector<50x360xf32> to vector<50x120xf32>
    %slice3A_844 = vector.extract_strided_slice %add3A_824 {offsets = [0, 240], sizes = [50, 120], strides = [1, 1]} : vector<50x360xf32> to vector<50x120xf32>
    %mul3A_845 = arith.mulf %logistic3A_833, %slice3A_844 : vector<50x120xf32>
    %add3A_846 = arith.addf %slice3A_843, %mul3A_845 : vector<50x120xf32>
    %tanh3A_847 = math.tanh %add3A_846 : vector<50x120xf32>
    %sub3A_848 = arith.constant 1.000000e+00 : f32
    %sub3A_849 = vector.broadcast %sub3A_848 : f32 to vector<50x120xf32>
    %sub3A_850 = arith.subf %sub3A_849, %logistic3A_842 : vector<50x120xf32>
    %mul3A_851 = arith.mulf %sub3A_850, %tanh3A_847 : vector<50x120xf32>
    %mul3A_852 = arith.mulf %logistic3A_842, %add3A_817 : vector<50x120xf32>
    %add3A_853 = arith.addf %mul3A_851, %mul3A_852 : vector<50x120xf32>
    %slice3A_854 = vector.extract_strided_slice %add3A_738 {offsets = [0, 15, 0], sizes = [50, 1, 360], strides = [1, 1, 1]} : vector<50x19x360xf32> to vector<50x1x360xf32>
    %squeeze3A_855 = vector.shape_cast %slice3A_854 : vector<50x1x360xf32> to vector<50x360xf32>
    %dot_general3A_856 = arith.constant dense<0.000000e+00> : vector<50x360xf32>
    %dot_general3A_857 = tpu.matmul %add3A_853, %get3A_741, %dot_general3A_856 {dimension_numbers = #tpu.dot_dimension_numbers<[1], [1], [0], [0], [0, 0, 1, 0], [], []>, transpose_lhs_hint = false} : vector<50x120xf32>, vector<360x120xf32>, vector<50x360xf32> -> vector<50x360xf32>
    %broadcast_in_dim3A_858 = vector.shape_cast %get3A_743 : vector<360xf32> to vector<1x360xf32>
    %add3A_859 = vector.broadcast %broadcast_in_dim3A_858 : vector<1x360xf32> to vector<50x360xf32>
    %add3A_860 = arith.addf %dot_general3A_857, %add3A_859 : vector<50x360xf32>
    %slice3A_861 = vector.extract_strided_slice %squeeze3A_855 {offsets = [0, 0], sizes = [50, 120], strides = [1, 1]} : vector<50x360xf32> to vector<50x120xf32>
    %slice3A_862 = vector.extract_strided_slice %add3A_860 {offsets = [0, 0], sizes = [50, 120], strides = [1, 1]} : vector<50x360xf32> to vector<50x120xf32>
    %add3A_863 = arith.addf %slice3A_861, %slice3A_862 : vector<50x120xf32>
    %logistic3A_864 = arith.negf %add3A_863 : vector<50x120xf32>
    %logistic3A_865 = math.exp %logistic3A_864 : vector<50x120xf32>
    %logistic3A_866 = arith.constant 1.000000e+00 : f32
    %logistic3A_867 = vector.broadcast %logistic3A_866 : f32 to vector<50x120xf32>
    %logistic3A_868 = arith.addf %logistic3A_867, %logistic3A_865 : vector<50x120xf32>
    %logistic3A_869 = arith.divf %logistic3A_867, %logistic3A_868 : vector<50x120xf32>
    %slice3A_870 = vector.extract_strided_slice %squeeze3A_855 {offsets = [0, 120], sizes = [50, 120], strides = [1, 1]} : vector<50x360xf32> to vector<50x120xf32>
    %slice3A_871 = vector.extract_strided_slice %add3A_860 {offsets = [0, 120], sizes = [50, 120], strides = [1, 1]} : vector<50x360xf32> to vector<50x120xf32>
    %add3A_872 = arith.addf %slice3A_870, %slice3A_871 : vector<50x120xf32>
    %logistic3A_873 = arith.negf %add3A_872 : vector<50x120xf32>
    %logistic3A_874 = math.exp %logistic3A_873 : vector<50x120xf32>
    %logistic3A_875 = arith.constant 1.000000e+00 : f32
    %logistic3A_876 = vector.broadcast %logistic3A_875 : f32 to vector<50x120xf32>
    %logistic3A_877 = arith.addf %logistic3A_876, %logistic3A_874 : vector<50x120xf32>
    %logistic3A_878 = arith.divf %logistic3A_876, %logistic3A_877 : vector<50x120xf32>
    %slice3A_879 = vector.extract_strided_slice %squeeze3A_855 {offsets = [0, 240], sizes = [50, 120], strides = [1, 1]} : vector<50x360xf32> to vector<50x120xf32>
    %slice3A_880 = vector.extract_strided_slice %add3A_860 {offsets = [0, 240], sizes = [50, 120], strides = [1, 1]} : vector<50x360xf32> to vector<50x120xf32>
    %mul3A_881 = arith.mulf %logistic3A_869, %slice3A_880 : vector<50x120xf32>
    %add3A_882 = arith.addf %slice3A_879, %mul3A_881 : vector<50x120xf32>
    %tanh3A_883 = math.tanh %add3A_882 : vector<50x120xf32>
    %sub3A_884 = arith.constant 1.000000e+00 : f32
    %sub3A_885 = vector.broadcast %sub3A_884 : f32 to vector<50x120xf32>
    %sub3A_886 = arith.subf %sub3A_885, %logistic3A_878 : vector<50x120xf32>
    %mul3A_887 = arith.mulf %sub3A_886, %tanh3A_883 : vector<50x120xf32>
    %mul3A_888 = arith.mulf %logistic3A_878, %add3A_853 : vector<50x120xf32>
    %add3A_889 = arith.addf %mul3A_887, %mul3A_888 : vector<50x120xf32>
    %slice3A_890 = vector.extract_strided_slice %add3A_738 {offsets = [0, 14, 0], sizes = [50, 1, 360], strides = [1, 1, 1]} : vector<50x19x360xf32> to vector<50x1x360xf32>
    %squeeze3A_891 = vector.shape_cast %slice3A_890 : vector<50x1x360xf32> to vector<50x360xf32>
    %dot_general3A_892 = arith.constant dense<0.000000e+00> : vector<50x360xf32>
    %dot_general3A_893 = tpu.matmul %add3A_889, %get3A_741, %dot_general3A_892 {dimension_numbers = #tpu.dot_dimension_numbers<[1], [1], [0], [0], [0, 0, 1, 0], [], []>, transpose_lhs_hint = false} : vector<50x120xf32>, vector<360x120xf32>, vector<50x360xf32> -> vector<50x360xf32>
    %broadcast_in_dim3A_894 = vector.shape_cast %get3A_743 : vector<360xf32> to vector<1x360xf32>
    %add3A_895 = vector.broadcast %broadcast_in_dim3A_894 : vector<1x360xf32> to vector<50x360xf32>
    %add3A_896 = arith.addf %dot_general3A_893, %add3A_895 : vector<50x360xf32>
    %slice3A_897 = vector.extract_strided_slice %squeeze3A_891 {offsets = [0, 0], sizes = [50, 120], strides = [1, 1]} : vector<50x360xf32> to vector<50x120xf32>
    %slice3A_898 = vector.extract_strided_slice %add3A_896 {offsets = [0, 0], sizes = [50, 120], strides = [1, 1]} : vector<50x360xf32> to vector<50x120xf32>
    %add3A_899 = arith.addf %slice3A_897, %slice3A_898 : vector<50x120xf32>
    %logistic3A_900 = arith.negf %add3A_899 : vector<50x120xf32>
    %logistic3A_901 = math.exp %logistic3A_900 : vector<50x120xf32>
    %logistic3A_902 = arith.constant 1.000000e+00 : f32
    %logistic3A_903 = vector.broadcast %logistic3A_902 : f32 to vector<50x120xf32>
    %logistic3A_904 = arith.addf %logistic3A_903, %logistic3A_901 : vector<50x120xf32>
    %logistic3A_905 = arith.divf %logistic3A_903, %logistic3A_904 : vector<50x120xf32>
    %slice3A_906 = vector.extract_strided_slice %squeeze3A_891 {offsets = [0, 120], sizes = [50, 120], strides = [1, 1]} : vector<50x360xf32> to vector<50x120xf32>
    %slice3A_907 = vector.extract_strided_slice %add3A_896 {offsets = [0, 120], sizes = [50, 120], strides = [1, 1]} : vector<50x360xf32> to vector<50x120xf32>
    %add3A_908 = arith.addf %slice3A_906, %slice3A_907 : vector<50x120xf32>
    %logistic3A_909 = arith.negf %add3A_908 : vector<50x120xf32>
    %logistic3A_910 = math.exp %logistic3A_909 : vector<50x120xf32>
    %logistic3A_911 = arith.constant 1.000000e+00 : f32
    %logistic3A_912 = vector.broadcast %logistic3A_911 : f32 to vector<50x120xf32>
    %logistic3A_913 = arith.addf %logistic3A_912, %logistic3A_910 : vector<50x120xf32>
    %logistic3A_914 = arith.divf %logistic3A_912, %logistic3A_913 : vector<50x120xf32>
    %slice3A_915 = vector.extract_strided_slice %squeeze3A_891 {offsets = [0, 240], sizes = [50, 120], strides = [1, 1]} : vector<50x360xf32> to vector<50x120xf32>
    %slice3A_916 = vector.extract_strided_slice %add3A_896 {offsets = [0, 240], sizes = [50, 120], strides = [1, 1]} : vector<50x360xf32> to vector<50x120xf32>
    %mul3A_917 = arith.mulf %logistic3A_905, %slice3A_916 : vector<50x120xf32>
    %add3A_918 = arith.addf %slice3A_915, %mul3A_917 : vector<50x120xf32>
    %tanh3A_919 = math.tanh %add3A_918 : vector<50x120xf32>
    %sub3A_920 = arith.constant 1.000000e+00 : f32
    %sub3A_921 = vector.broadcast %sub3A_920 : f32 to vector<50x120xf32>
    %sub3A_922 = arith.subf %sub3A_921, %logistic3A_914 : vector<50x120xf32>
    %mul3A_923 = arith.mulf %sub3A_922, %tanh3A_919 : vector<50x120xf32>
    %mul3A_924 = arith.mulf %logistic3A_914, %add3A_889 : vector<50x120xf32>
    %add3A_925 = arith.addf %mul3A_923, %mul3A_924 : vector<50x120xf32>
    %slice3A_926 = vector.extract_strided_slice %add3A_738 {offsets = [0, 13, 0], sizes = [50, 1, 360], strides = [1, 1, 1]} : vector<50x19x360xf32> to vector<50x1x360xf32>
    %squeeze3A_927 = vector.shape_cast %slice3A_926 : vector<50x1x360xf32> to vector<50x360xf32>
    %dot_general3A_928 = arith.constant dense<0.000000e+00> : vector<50x360xf32>
    %dot_general3A_929 = tpu.matmul %add3A_925, %get3A_741, %dot_general3A_928 {dimension_numbers = #tpu.dot_dimension_numbers<[1], [1], [0], [0], [0, 0, 1, 0], [], []>, transpose_lhs_hint = false} : vector<50x120xf32>, vector<360x120xf32>, vector<50x360xf32> -> vector<50x360xf32>
    %broadcast_in_dim3A_930 = vector.shape_cast %get3A_743 : vector<360xf32> to vector<1x360xf32>
    %add3A_931 = vector.broadcast %broadcast_in_dim3A_930 : vector<1x360xf32> to vector<50x360xf32>
    %add3A_932 = arith.addf %dot_general3A_929, %add3A_931 : vector<50x360xf32>
    %slice3A_933 = vector.extract_strided_slice %squeeze3A_927 {offsets = [0, 0], sizes = [50, 120], strides = [1, 1]} : vector<50x360xf32> to vector<50x120xf32>
    %slice3A_934 = vector.extract_strided_slice %add3A_932 {offsets = [0, 0], sizes = [50, 120], strides = [1, 1]} : vector<50x360xf32> to vector<50x120xf32>
    %add3A_935 = arith.addf %slice3A_933, %slice3A_934 : vector<50x120xf32>
    %logistic3A_936 = arith.negf %add3A_935 : vector<50x120xf32>
    %logistic3A_937 = math.exp %logistic3A_936 : vector<50x120xf32>
    %logistic3A_938 = arith.constant 1.000000e+00 : f32
    %logistic3A_939 = vector.broadcast %logistic3A_938 : f32 to vector<50x120xf32>
    %logistic3A_940 = arith.addf %logistic3A_939, %logistic3A_937 : vector<50x120xf32>
    %logistic3A_941 = arith.divf %logistic3A_939, %logistic3A_940 : vector<50x120xf32>
    %slice3A_942 = vector.extract_strided_slice %squeeze3A_927 {offsets = [0, 120], sizes = [50, 120], strides = [1, 1]} : vector<50x360xf32> to vector<50x120xf32>
    %slice3A_943 = vector.extract_strided_slice %add3A_932 {offsets = [0, 120], sizes = [50, 120], strides = [1, 1]} : vector<50x360xf32> to vector<50x120xf32>
    %add3A_944 = arith.addf %slice3A_942, %slice3A_943 : vector<50x120xf32>
    %logistic3A_945 = arith.negf %add3A_944 : vector<50x120xf32>
    %logistic3A_946 = math.exp %logistic3A_945 : vector<50x120xf32>
    %logistic3A_947 = arith.constant 1.000000e+00 : f32
    %logistic3A_948 = vector.broadcast %logistic3A_947 : f32 to vector<50x120xf32>
    %logistic3A_949 = arith.addf %logistic3A_948, %logistic3A_946 : vector<50x120xf32>
    %logistic3A_950 = arith.divf %logistic3A_948, %logistic3A_949 : vector<50x120xf32>
    %slice3A_951 = vector.extract_strided_slice %squeeze3A_927 {offsets = [0, 240], sizes = [50, 120], strides = [1, 1]} : vector<50x360xf32> to vector<50x120xf32>
    %slice3A_952 = vector.extract_strided_slice %add3A_932 {offsets = [0, 240], sizes = [50, 120], strides = [1, 1]} : vector<50x360xf32> to vector<50x120xf32>
    %mul3A_953 = arith.mulf %logistic3A_941, %slice3A_952 : vector<50x120xf32>
    %add3A_954 = arith.addf %slice3A_951, %mul3A_953 : vector<50x120xf32>
    %tanh3A_955 = math.tanh %add3A_954 : vector<50x120xf32>
    %sub3A_956 = arith.constant 1.000000e+00 : f32
    %sub3A_957 = vector.broadcast %sub3A_956 : f32 to vector<50x120xf32>
    %sub3A_958 = arith.subf %sub3A_957, %logistic3A_950 : vector<50x120xf32>
    %mul3A_959 = arith.mulf %sub3A_958, %tanh3A_955 : vector<50x120xf32>
    %mul3A_960 = arith.mulf %logistic3A_950, %add3A_925 : vector<50x120xf32>
    %add3A_961 = arith.addf %mul3A_959, %mul3A_960 : vector<50x120xf32>
    %slice3A_962 = vector.extract_strided_slice %add3A_738 {offsets = [0, 12, 0], sizes = [50, 1, 360], strides = [1, 1, 1]} : vector<50x19x360xf32> to vector<50x1x360xf32>
    %squeeze3A_963 = vector.shape_cast %slice3A_962 : vector<50x1x360xf32> to vector<50x360xf32>
    %dot_general3A_964 = arith.constant dense<0.000000e+00> : vector<50x360xf32>
    %dot_general3A_965 = tpu.matmul %add3A_961, %get3A_741, %dot_general3A_964 {dimension_numbers = #tpu.dot_dimension_numbers<[1], [1], [0], [0], [0, 0, 1, 0], [], []>, transpose_lhs_hint = false} : vector<50x120xf32>, vector<360x120xf32>, vector<50x360xf32> -> vector<50x360xf32>
    %broadcast_in_dim3A_966 = vector.shape_cast %get3A_743 : vector<360xf32> to vector<1x360xf32>
    %add3A_967 = vector.broadcast %broadcast_in_dim3A_966 : vector<1x360xf32> to vector<50x360xf32>
    %add3A_968 = arith.addf %dot_general3A_965, %add3A_967 : vector<50x360xf32>
    %slice3A_969 = vector.extract_strided_slice %squeeze3A_963 {offsets = [0, 0], sizes = [50, 120], strides = [1, 1]} : vector<50x360xf32> to vector<50x120xf32>
    %slice3A_970 = vector.extract_strided_slice %add3A_968 {offsets = [0, 0], sizes = [50, 120], strides = [1, 1]} : vector<50x360xf32> to vector<50x120xf32>
    %add3A_971 = arith.addf %slice3A_969, %slice3A_970 : vector<50x120xf32>
    %logistic3A_972 = arith.negf %add3A_971 : vector<50x120xf32>
    %logistic3A_973 = math.exp %logistic3A_972 : vector<50x120xf32>
    %logistic3A_974 = arith.constant 1.000000e+00 : f32
    %logistic3A_975 = vector.broadcast %logistic3A_974 : f32 to vector<50x120xf32>
    %logistic3A_976 = arith.addf %logistic3A_975, %logistic3A_973 : vector<50x120xf32>
    %logistic3A_977 = arith.divf %logistic3A_975, %logistic3A_976 : vector<50x120xf32>
    %slice3A_978 = vector.extract_strided_slice %squeeze3A_963 {offsets = [0, 120], sizes = [50, 120], strides = [1, 1]} : vector<50x360xf32> to vector<50x120xf32>
    %slice3A_979 = vector.extract_strided_slice %add3A_968 {offsets = [0, 120], sizes = [50, 120], strides = [1, 1]} : vector<50x360xf32> to vector<50x120xf32>
    %add3A_980 = arith.addf %slice3A_978, %slice3A_979 : vector<50x120xf32>
    %logistic3A_981 = arith.negf %add3A_980 : vector<50x120xf32>
    %logistic3A_982 = math.exp %logistic3A_981 : vector<50x120xf32>
    %logistic3A_983 = arith.constant 1.000000e+00 : f32
    %logistic3A_984 = vector.broadcast %logistic3A_983 : f32 to vector<50x120xf32>
    %logistic3A_985 = arith.addf %logistic3A_984, %logistic3A_982 : vector<50x120xf32>
    %logistic3A_986 = arith.divf %logistic3A_984, %logistic3A_985 : vector<50x120xf32>
    %slice3A_987 = vector.extract_strided_slice %squeeze3A_963 {offsets = [0, 240], sizes = [50, 120], strides = [1, 1]} : vector<50x360xf32> to vector<50x120xf32>
    %slice3A_988 = vector.extract_strided_slice %add3A_968 {offsets = [0, 240], sizes = [50, 120], strides = [1, 1]} : vector<50x360xf32> to vector<50x120xf32>
    %mul3A_989 = arith.mulf %logistic3A_977, %slice3A_988 : vector<50x120xf32>
    %add3A_990 = arith.addf %slice3A_987, %mul3A_989 : vector<50x120xf32>
    %tanh3A_991 = math.tanh %add3A_990 : vector<50x120xf32>
    %sub3A_992 = arith.constant 1.000000e+00 : f32
    %sub3A_993 = vector.broadcast %sub3A_992 : f32 to vector<50x120xf32>
    %sub3A_994 = arith.subf %sub3A_993, %logistic3A_986 : vector<50x120xf32>
    %mul3A_995 = arith.mulf %sub3A_994, %tanh3A_991 : vector<50x120xf32>
    %mul3A_996 = arith.mulf %logistic3A_986, %add3A_961 : vector<50x120xf32>
    %add3A_997 = arith.addf %mul3A_995, %mul3A_996 : vector<50x120xf32>
    %slice3A_998 = vector.extract_strided_slice %add3A_738 {offsets = [0, 11, 0], sizes = [50, 1, 360], strides = [1, 1, 1]} : vector<50x19x360xf32> to vector<50x1x360xf32>
    %squeeze3A_999 = vector.shape_cast %slice3A_998 : vector<50x1x360xf32> to vector<50x360xf32>
    %dot_general3A_1000 = arith.constant dense<0.000000e+00> : vector<50x360xf32>
    %dot_general3A_1001 = tpu.matmul %add3A_997, %get3A_741, %dot_general3A_1000 {dimension_numbers = #tpu.dot_dimension_numbers<[1], [1], [0], [0], [0, 0, 1, 0], [], []>, transpose_lhs_hint = false} : vector<50x120xf32>, vector<360x120xf32>, vector<50x360xf32> -> vector<50x360xf32>
    %broadcast_in_dim3A_1002 = vector.shape_cast %get3A_743 : vector<360xf32> to vector<1x360xf32>
    %add3A_1003 = vector.broadcast %broadcast_in_dim3A_1002 : vector<1x360xf32> to vector<50x360xf32>
    %add3A_1004 = arith.addf %dot_general3A_1001, %add3A_1003 : vector<50x360xf32>
    %slice3A_1005 = vector.extract_strided_slice %squeeze3A_999 {offsets = [0, 0], sizes = [50, 120], strides = [1, 1]} : vector<50x360xf32> to vector<50x120xf32>
    %slice3A_1006 = vector.extract_strided_slice %add3A_1004 {offsets = [0, 0], sizes = [50, 120], strides = [1, 1]} : vector<50x360xf32> to vector<50x120xf32>
    %add3A_1007 = arith.addf %slice3A_1005, %slice3A_1006 : vector<50x120xf32>
    %logistic3A_1008 = arith.negf %add3A_1007 : vector<50x120xf32>
    %logistic3A_1009 = math.exp %logistic3A_1008 : vector<50x120xf32>
    %logistic3A_1010 = arith.constant 1.000000e+00 : f32
    %logistic3A_1011 = vector.broadcast %logistic3A_1010 : f32 to vector<50x120xf32>
    %logistic3A_1012 = arith.addf %logistic3A_1011, %logistic3A_1009 : vector<50x120xf32>
    %logistic3A_1013 = arith.divf %logistic3A_1011, %logistic3A_1012 : vector<50x120xf32>
    %slice3A_1014 = vector.extract_strided_slice %squeeze3A_999 {offsets = [0, 120], sizes = [50, 120], strides = [1, 1]} : vector<50x360xf32> to vector<50x120xf32>
    %slice3A_1015 = vector.extract_strided_slice %add3A_1004 {offsets = [0, 120], sizes = [50, 120], strides = [1, 1]} : vector<50x360xf32> to vector<50x120xf32>
    %add3A_1016 = arith.addf %slice3A_1014, %slice3A_1015 : vector<50x120xf32>
    %logistic3A_1017 = arith.negf %add3A_1016 : vector<50x120xf32>
    %logistic3A_1018 = math.exp %logistic3A_1017 : vector<50x120xf32>
    %logistic3A_1019 = arith.constant 1.000000e+00 : f32
    %logistic3A_1020 = vector.broadcast %logistic3A_1019 : f32 to vector<50x120xf32>
    %logistic3A_1021 = arith.addf %logistic3A_1020, %logistic3A_1018 : vector<50x120xf32>
    %logistic3A_1022 = arith.divf %logistic3A_1020, %logistic3A_1021 : vector<50x120xf32>
    %slice3A_1023 = vector.extract_strided_slice %squeeze3A_999 {offsets = [0, 240], sizes = [50, 120], strides = [1, 1]} : vector<50x360xf32> to vector<50x120xf32>
    %slice3A_1024 = vector.extract_strided_slice %add3A_1004 {offsets = [0, 240], sizes = [50, 120], strides = [1, 1]} : vector<50x360xf32> to vector<50x120xf32>
    %mul3A_1025 = arith.mulf %logistic3A_1013, %slice3A_1024 : vector<50x120xf32>
    %add3A_1026 = arith.addf %slice3A_1023, %mul3A_1025 : vector<50x120xf32>
    %tanh3A_1027 = math.tanh %add3A_1026 : vector<50x120xf32>
    %sub3A_1028 = arith.constant 1.000000e+00 : f32
    %sub3A_1029 = vector.broadcast %sub3A_1028 : f32 to vector<50x120xf32>
    %sub3A_1030 = arith.subf %sub3A_1029, %logistic3A_1022 : vector<50x120xf32>
    %mul3A_1031 = arith.mulf %sub3A_1030, %tanh3A_1027 : vector<50x120xf32>
    %mul3A_1032 = arith.mulf %logistic3A_1022, %add3A_997 : vector<50x120xf32>
    %add3A_1033 = arith.addf %mul3A_1031, %mul3A_1032 : vector<50x120xf32>
    %slice3A_1034 = vector.extract_strided_slice %add3A_738 {offsets = [0, 10, 0], sizes = [50, 1, 360], strides = [1, 1, 1]} : vector<50x19x360xf32> to vector<50x1x360xf32>
    %squeeze3A_1035 = vector.shape_cast %slice3A_1034 : vector<50x1x360xf32> to vector<50x360xf32>
    %dot_general3A_1036 = arith.constant dense<0.000000e+00> : vector<50x360xf32>
    %dot_general3A_1037 = tpu.matmul %add3A_1033, %get3A_741, %dot_general3A_1036 {dimension_numbers = #tpu.dot_dimension_numbers<[1], [1], [0], [0], [0, 0, 1, 0], [], []>, transpose_lhs_hint = false} : vector<50x120xf32>, vector<360x120xf32>, vector<50x360xf32> -> vector<50x360xf32>
    %broadcast_in_dim3A_1038 = vector.shape_cast %get3A_743 : vector<360xf32> to vector<1x360xf32>
    %add3A_1039 = vector.broadcast %broadcast_in_dim3A_1038 : vector<1x360xf32> to vector<50x360xf32>
    %add3A_1040 = arith.addf %dot_general3A_1037, %add3A_1039 : vector<50x360xf32>
    %slice3A_1041 = vector.extract_strided_slice %squeeze3A_1035 {offsets = [0, 0], sizes = [50, 120], strides = [1, 1]} : vector<50x360xf32> to vector<50x120xf32>
    %slice3A_1042 = vector.extract_strided_slice %add3A_1040 {offsets = [0, 0], sizes = [50, 120], strides = [1, 1]} : vector<50x360xf32> to vector<50x120xf32>
    %add3A_1043 = arith.addf %slice3A_1041, %slice3A_1042 : vector<50x120xf32>
    %logistic3A_1044 = arith.negf %add3A_1043 : vector<50x120xf32>
    %logistic3A_1045 = math.exp %logistic3A_1044 : vector<50x120xf32>
    %logistic3A_1046 = arith.constant 1.000000e+00 : f32
    %logistic3A_1047 = vector.broadcast %logistic3A_1046 : f32 to vector<50x120xf32>
    %logistic3A_1048 = arith.addf %logistic3A_1047, %logistic3A_1045 : vector<50x120xf32>
    %logistic3A_1049 = arith.divf %logistic3A_1047, %logistic3A_1048 : vector<50x120xf32>
    %slice3A_1050 = vector.extract_strided_slice %squeeze3A_1035 {offsets = [0, 120], sizes = [50, 120], strides = [1, 1]} : vector<50x360xf32> to vector<50x120xf32>
    %slice3A_1051 = vector.extract_strided_slice %add3A_1040 {offsets = [0, 120], sizes = [50, 120], strides = [1, 1]} : vector<50x360xf32> to vector<50x120xf32>
    %add3A_1052 = arith.addf %slice3A_1050, %slice3A_1051 : vector<50x120xf32>
    %logistic3A_1053 = arith.negf %add3A_1052 : vector<50x120xf32>
    %logistic3A_1054 = math.exp %logistic3A_1053 : vector<50x120xf32>
    %logistic3A_1055 = arith.constant 1.000000e+00 : f32
    %logistic3A_1056 = vector.broadcast %logistic3A_1055 : f32 to vector<50x120xf32>
    %logistic3A_1057 = arith.addf %logistic3A_1056, %logistic3A_1054 : vector<50x120xf32>
    %logistic3A_1058 = arith.divf %logistic3A_1056, %logistic3A_1057 : vector<50x120xf32>
    %slice3A_1059 = vector.extract_strided_slice %squeeze3A_1035 {offsets = [0, 240], sizes = [50, 120], strides = [1, 1]} : vector<50x360xf32> to vector<50x120xf32>
    %slice3A_1060 = vector.extract_strided_slice %add3A_1040 {offsets = [0, 240], sizes = [50, 120], strides = [1, 1]} : vector<50x360xf32> to vector<50x120xf32>
    %mul3A_1061 = arith.mulf %logistic3A_1049, %slice3A_1060 : vector<50x120xf32>
    %add3A_1062 = arith.addf %slice3A_1059, %mul3A_1061 : vector<50x120xf32>
    %tanh3A_1063 = math.tanh %add3A_1062 : vector<50x120xf32>
    %sub3A_1064 = arith.constant 1.000000e+00 : f32
    %sub3A_1065 = vector.broadcast %sub3A_1064 : f32 to vector<50x120xf32>
    %sub3A_1066 = arith.subf %sub3A_1065, %logistic3A_1058 : vector<50x120xf32>
    %mul3A_1067 = arith.mulf %sub3A_1066, %tanh3A_1063 : vector<50x120xf32>
    %mul3A_1068 = arith.mulf %logistic3A_1058, %add3A_1033 : vector<50x120xf32>
    %add3A_1069 = arith.addf %mul3A_1067, %mul3A_1068 : vector<50x120xf32>
    %slice3A_1070 = vector.extract_strided_slice %add3A_738 {offsets = [0, 9, 0], sizes = [50, 1, 360], strides = [1, 1, 1]} : vector<50x19x360xf32> to vector<50x1x360xf32>
    %squeeze3A_1071 = vector.shape_cast %slice3A_1070 : vector<50x1x360xf32> to vector<50x360xf32>
    %dot_general3A_1072 = arith.constant dense<0.000000e+00> : vector<50x360xf32>
    %dot_general3A_1073 = tpu.matmul %add3A_1069, %get3A_741, %dot_general3A_1072 {dimension_numbers = #tpu.dot_dimension_numbers<[1], [1], [0], [0], [0, 0, 1, 0], [], []>, transpose_lhs_hint = false} : vector<50x120xf32>, vector<360x120xf32>, vector<50x360xf32> -> vector<50x360xf32>
    %broadcast_in_dim3A_1074 = vector.shape_cast %get3A_743 : vector<360xf32> to vector<1x360xf32>
    %add3A_1075 = vector.broadcast %broadcast_in_dim3A_1074 : vector<1x360xf32> to vector<50x360xf32>
    %add3A_1076 = arith.addf %dot_general3A_1073, %add3A_1075 : vector<50x360xf32>
    %slice3A_1077 = vector.extract_strided_slice %squeeze3A_1071 {offsets = [0, 0], sizes = [50, 120], strides = [1, 1]} : vector<50x360xf32> to vector<50x120xf32>
    %slice3A_1078 = vector.extract_strided_slice %add3A_1076 {offsets = [0, 0], sizes = [50, 120], strides = [1, 1]} : vector<50x360xf32> to vector<50x120xf32>
    %add3A_1079 = arith.addf %slice3A_1077, %slice3A_1078 : vector<50x120xf32>
    %logistic3A_1080 = arith.negf %add3A_1079 : vector<50x120xf32>
    %logistic3A_1081 = math.exp %logistic3A_1080 : vector<50x120xf32>
    %logistic3A_1082 = arith.constant 1.000000e+00 : f32
    %logistic3A_1083 = vector.broadcast %logistic3A_1082 : f32 to vector<50x120xf32>
    %logistic3A_1084 = arith.addf %logistic3A_1083, %logistic3A_1081 : vector<50x120xf32>
    %logistic3A_1085 = arith.divf %logistic3A_1083, %logistic3A_1084 : vector<50x120xf32>
    %slice3A_1086 = vector.extract_strided_slice %squeeze3A_1071 {offsets = [0, 120], sizes = [50, 120], strides = [1, 1]} : vector<50x360xf32> to vector<50x120xf32>
    %slice3A_1087 = vector.extract_strided_slice %add3A_1076 {offsets = [0, 120], sizes = [50, 120], strides = [1, 1]} : vector<50x360xf32> to vector<50x120xf32>
    %add3A_1088 = arith.addf %slice3A_1086, %slice3A_1087 : vector<50x120xf32>
    %logistic3A_1089 = arith.negf %add3A_1088 : vector<50x120xf32>
    %logistic3A_1090 = math.exp %logistic3A_1089 : vector<50x120xf32>
    %logistic3A_1091 = arith.constant 1.000000e+00 : f32
    %logistic3A_1092 = vector.broadcast %logistic3A_1091 : f32 to vector<50x120xf32>
    %logistic3A_1093 = arith.addf %logistic3A_1092, %logistic3A_1090 : vector<50x120xf32>
    %logistic3A_1094 = arith.divf %logistic3A_1092, %logistic3A_1093 : vector<50x120xf32>
    %slice3A_1095 = vector.extract_strided_slice %squeeze3A_1071 {offsets = [0, 240], sizes = [50, 120], strides = [1, 1]} : vector<50x360xf32> to vector<50x120xf32>
    %slice3A_1096 = vector.extract_strided_slice %add3A_1076 {offsets = [0, 240], sizes = [50, 120], strides = [1, 1]} : vector<50x360xf32> to vector<50x120xf32>
    %mul3A_1097 = arith.mulf %logistic3A_1085, %slice3A_1096 : vector<50x120xf32>
    %add3A_1098 = arith.addf %slice3A_1095, %mul3A_1097 : vector<50x120xf32>
    %tanh3A_1099 = math.tanh %add3A_1098 : vector<50x120xf32>
    %sub3A_1100 = arith.constant 1.000000e+00 : f32
    %sub3A_1101 = vector.broadcast %sub3A_1100 : f32 to vector<50x120xf32>
    %sub3A_1102 = arith.subf %sub3A_1101, %logistic3A_1094 : vector<50x120xf32>
    %mul3A_1103 = arith.mulf %sub3A_1102, %tanh3A_1099 : vector<50x120xf32>
    %mul3A_1104 = arith.mulf %logistic3A_1094, %add3A_1069 : vector<50x120xf32>
    %add3A_1105 = arith.addf %mul3A_1103, %mul3A_1104 : vector<50x120xf32>
    %slice3A_1106 = vector.extract_strided_slice %add3A_738 {offsets = [0, 8, 0], sizes = [50, 1, 360], strides = [1, 1, 1]} : vector<50x19x360xf32> to vector<50x1x360xf32>
    %squeeze3A_1107 = vector.shape_cast %slice3A_1106 : vector<50x1x360xf32> to vector<50x360xf32>
    %dot_general3A_1108 = arith.constant dense<0.000000e+00> : vector<50x360xf32>
    %dot_general3A_1109 = tpu.matmul %add3A_1105, %get3A_741, %dot_general3A_1108 {dimension_numbers = #tpu.dot_dimension_numbers<[1], [1], [0], [0], [0, 0, 1, 0], [], []>, transpose_lhs_hint = false} : vector<50x120xf32>, vector<360x120xf32>, vector<50x360xf32> -> vector<50x360xf32>
    %broadcast_in_dim3A_1110 = vector.shape_cast %get3A_743 : vector<360xf32> to vector<1x360xf32>
    %add3A_1111 = vector.broadcast %broadcast_in_dim3A_1110 : vector<1x360xf32> to vector<50x360xf32>
    %add3A_1112 = arith.addf %dot_general3A_1109, %add3A_1111 : vector<50x360xf32>
    %slice3A_1113 = vector.extract_strided_slice %squeeze3A_1107 {offsets = [0, 0], sizes = [50, 120], strides = [1, 1]} : vector<50x360xf32> to vector<50x120xf32>
    %slice3A_1114 = vector.extract_strided_slice %add3A_1112 {offsets = [0, 0], sizes = [50, 120], strides = [1, 1]} : vector<50x360xf32> to vector<50x120xf32>
    %add3A_1115 = arith.addf %slice3A_1113, %slice3A_1114 : vector<50x120xf32>
    %logistic3A_1116 = arith.negf %add3A_1115 : vector<50x120xf32>
    %logistic3A_1117 = math.exp %logistic3A_1116 : vector<50x120xf32>
    %logistic3A_1118 = arith.constant 1.000000e+00 : f32
    %logistic3A_1119 = vector.broadcast %logistic3A_1118 : f32 to vector<50x120xf32>
    %logistic3A_1120 = arith.addf %logistic3A_1119, %logistic3A_1117 : vector<50x120xf32>
    %logistic3A_1121 = arith.divf %logistic3A_1119, %logistic3A_1120 : vector<50x120xf32>
    %slice3A_1122 = vector.extract_strided_slice %squeeze3A_1107 {offsets = [0, 120], sizes = [50, 120], strides = [1, 1]} : vector<50x360xf32> to vector<50x120xf32>
    %slice3A_1123 = vector.extract_strided_slice %add3A_1112 {offsets = [0, 120], sizes = [50, 120], strides = [1, 1]} : vector<50x360xf32> to vector<50x120xf32>
    %add3A_1124 = arith.addf %slice3A_1122, %slice3A_1123 : vector<50x120xf32>
    %logistic3A_1125 = arith.negf %add3A_1124 : vector<50x120xf32>
    %logistic3A_1126 = math.exp %logistic3A_1125 : vector<50x120xf32>
    %logistic3A_1127 = arith.constant 1.000000e+00 : f32
    %logistic3A_1128 = vector.broadcast %logistic3A_1127 : f32 to vector<50x120xf32>
    %logistic3A_1129 = arith.addf %logistic3A_1128, %logistic3A_1126 : vector<50x120xf32>
    %logistic3A_1130 = arith.divf %logistic3A_1128, %logistic3A_1129 : vector<50x120xf32>
    %slice3A_1131 = vector.extract_strided_slice %squeeze3A_1107 {offsets = [0, 240], sizes = [50, 120], strides = [1, 1]} : vector<50x360xf32> to vector<50x120xf32>
    %slice3A_1132 = vector.extract_strided_slice %add3A_1112 {offsets = [0, 240], sizes = [50, 120], strides = [1, 1]} : vector<50x360xf32> to vector<50x120xf32>
    %mul3A_1133 = arith.mulf %logistic3A_1121, %slice3A_1132 : vector<50x120xf32>
    %add3A_1134 = arith.addf %slice3A_1131, %mul3A_1133 : vector<50x120xf32>
    %tanh3A_1135 = math.tanh %add3A_1134 : vector<50x120xf32>
    %sub3A_1136 = arith.constant 1.000000e+00 : f32
    %sub3A_1137 = vector.broadcast %sub3A_1136 : f32 to vector<50x120xf32>
    %sub3A_1138 = arith.subf %sub3A_1137, %logistic3A_1130 : vector<50x120xf32>
    %mul3A_1139 = arith.mulf %sub3A_1138, %tanh3A_1135 : vector<50x120xf32>
    %mul3A_1140 = arith.mulf %logistic3A_1130, %add3A_1105 : vector<50x120xf32>
    %add3A_1141 = arith.addf %mul3A_1139, %mul3A_1140 : vector<50x120xf32>
    %slice3A_1142 = vector.extract_strided_slice %add3A_738 {offsets = [0, 7, 0], sizes = [50, 1, 360], strides = [1, 1, 1]} : vector<50x19x360xf32> to vector<50x1x360xf32>
    %squeeze3A_1143 = vector.shape_cast %slice3A_1142 : vector<50x1x360xf32> to vector<50x360xf32>
    %dot_general3A_1144 = arith.constant dense<0.000000e+00> : vector<50x360xf32>
    %dot_general3A_1145 = tpu.matmul %add3A_1141, %get3A_741, %dot_general3A_1144 {dimension_numbers = #tpu.dot_dimension_numbers<[1], [1], [0], [0], [0, 0, 1, 0], [], []>, transpose_lhs_hint = false} : vector<50x120xf32>, vector<360x120xf32>, vector<50x360xf32> -> vector<50x360xf32>
    %broadcast_in_dim3A_1146 = vector.shape_cast %get3A_743 : vector<360xf32> to vector<1x360xf32>
    %add3A_1147 = vector.broadcast %broadcast_in_dim3A_1146 : vector<1x360xf32> to vector<50x360xf32>
    %add3A_1148 = arith.addf %dot_general3A_1145, %add3A_1147 : vector<50x360xf32>
    %slice3A_1149 = vector.extract_strided_slice %squeeze3A_1143 {offsets = [0, 0], sizes = [50, 120], strides = [1, 1]} : vector<50x360xf32> to vector<50x120xf32>
    %slice3A_1150 = vector.extract_strided_slice %add3A_1148 {offsets = [0, 0], sizes = [50, 120], strides = [1, 1]} : vector<50x360xf32> to vector<50x120xf32>
    %add3A_1151 = arith.addf %slice3A_1149, %slice3A_1150 : vector<50x120xf32>
    %logistic3A_1152 = arith.negf %add3A_1151 : vector<50x120xf32>
    %logistic3A_1153 = math.exp %logistic3A_1152 : vector<50x120xf32>
    %logistic3A_1154 = arith.constant 1.000000e+00 : f32
    %logistic3A_1155 = vector.broadcast %logistic3A_1154 : f32 to vector<50x120xf32>
    %logistic3A_1156 = arith.addf %logistic3A_1155, %logistic3A_1153 : vector<50x120xf32>
    %logistic3A_1157 = arith.divf %logistic3A_1155, %logistic3A_1156 : vector<50x120xf32>
    %slice3A_1158 = vector.extract_strided_slice %squeeze3A_1143 {offsets = [0, 120], sizes = [50, 120], strides = [1, 1]} : vector<50x360xf32> to vector<50x120xf32>
    %slice3A_1159 = vector.extract_strided_slice %add3A_1148 {offsets = [0, 120], sizes = [50, 120], strides = [1, 1]} : vector<50x360xf32> to vector<50x120xf32>
    %add3A_1160 = arith.addf %slice3A_1158, %slice3A_1159 : vector<50x120xf32>
    %logistic3A_1161 = arith.negf %add3A_1160 : vector<50x120xf32>
    %logistic3A_1162 = math.exp %logistic3A_1161 : vector<50x120xf32>
    %logistic3A_1163 = arith.constant 1.000000e+00 : f32
    %logistic3A_1164 = vector.broadcast %logistic3A_1163 : f32 to vector<50x120xf32>
    %logistic3A_1165 = arith.addf %logistic3A_1164, %logistic3A_1162 : vector<50x120xf32>
    %logistic3A_1166 = arith.divf %logistic3A_1164, %logistic3A_1165 : vector<50x120xf32>
    %slice3A_1167 = vector.extract_strided_slice %squeeze3A_1143 {offsets = [0, 240], sizes = [50, 120], strides = [1, 1]} : vector<50x360xf32> to vector<50x120xf32>
    %slice3A_1168 = vector.extract_strided_slice %add3A_1148 {offsets = [0, 240], sizes = [50, 120], strides = [1, 1]} : vector<50x360xf32> to vector<50x120xf32>
    %mul3A_1169 = arith.mulf %logistic3A_1157, %slice3A_1168 : vector<50x120xf32>
    %add3A_1170 = arith.addf %slice3A_1167, %mul3A_1169 : vector<50x120xf32>
    %tanh3A_1171 = math.tanh %add3A_1170 : vector<50x120xf32>
    %sub3A_1172 = arith.constant 1.000000e+00 : f32
    %sub3A_1173 = vector.broadcast %sub3A_1172 : f32 to vector<50x120xf32>
    %sub3A_1174 = arith.subf %sub3A_1173, %logistic3A_1166 : vector<50x120xf32>
    %mul3A_1175 = arith.mulf %sub3A_1174, %tanh3A_1171 : vector<50x120xf32>
    %mul3A_1176 = arith.mulf %logistic3A_1166, %add3A_1141 : vector<50x120xf32>
    %add3A_1177 = arith.addf %mul3A_1175, %mul3A_1176 : vector<50x120xf32>
    %slice3A_1178 = vector.extract_strided_slice %add3A_738 {offsets = [0, 6, 0], sizes = [50, 1, 360], strides = [1, 1, 1]} : vector<50x19x360xf32> to vector<50x1x360xf32>
    %squeeze3A_1179 = vector.shape_cast %slice3A_1178 : vector<50x1x360xf32> to vector<50x360xf32>
    %dot_general3A_1180 = arith.constant dense<0.000000e+00> : vector<50x360xf32>
    %dot_general3A_1181 = tpu.matmul %add3A_1177, %get3A_741, %dot_general3A_1180 {dimension_numbers = #tpu.dot_dimension_numbers<[1], [1], [0], [0], [0, 0, 1, 0], [], []>, transpose_lhs_hint = false} : vector<50x120xf32>, vector<360x120xf32>, vector<50x360xf32> -> vector<50x360xf32>
    %broadcast_in_dim3A_1182 = vector.shape_cast %get3A_743 : vector<360xf32> to vector<1x360xf32>
    %add3A_1183 = vector.broadcast %broadcast_in_dim3A_1182 : vector<1x360xf32> to vector<50x360xf32>
    %add3A_1184 = arith.addf %dot_general3A_1181, %add3A_1183 : vector<50x360xf32>
    %slice3A_1185 = vector.extract_strided_slice %squeeze3A_1179 {offsets = [0, 0], sizes = [50, 120], strides = [1, 1]} : vector<50x360xf32> to vector<50x120xf32>
    %slice3A_1186 = vector.extract_strided_slice %add3A_1184 {offsets = [0, 0], sizes = [50, 120], strides = [1, 1]} : vector<50x360xf32> to vector<50x120xf32>
    %add3A_1187 = arith.addf %slice3A_1185, %slice3A_1186 : vector<50x120xf32>
    %logistic3A_1188 = arith.negf %add3A_1187 : vector<50x120xf32>
    %logistic3A_1189 = math.exp %logistic3A_1188 : vector<50x120xf32>
    %logistic3A_1190 = arith.constant 1.000000e+00 : f32
    %logistic3A_1191 = vector.broadcast %logistic3A_1190 : f32 to vector<50x120xf32>
    %logistic3A_1192 = arith.addf %logistic3A_1191, %logistic3A_1189 : vector<50x120xf32>
    %logistic3A_1193 = arith.divf %logistic3A_1191, %logistic3A_1192 : vector<50x120xf32>
    %slice3A_1194 = vector.extract_strided_slice %squeeze3A_1179 {offsets = [0, 120], sizes = [50, 120], strides = [1, 1]} : vector<50x360xf32> to vector<50x120xf32>
    %slice3A_1195 = vector.extract_strided_slice %add3A_1184 {offsets = [0, 120], sizes = [50, 120], strides = [1, 1]} : vector<50x360xf32> to vector<50x120xf32>
    %add3A_1196 = arith.addf %slice3A_1194, %slice3A_1195 : vector<50x120xf32>
    %logistic3A_1197 = arith.negf %add3A_1196 : vector<50x120xf32>
    %logistic3A_1198 = math.exp %logistic3A_1197 : vector<50x120xf32>
    %logistic3A_1199 = arith.constant 1.000000e+00 : f32
    %logistic3A_1200 = vector.broadcast %logistic3A_1199 : f32 to vector<50x120xf32>
    %logistic3A_1201 = arith.addf %logistic3A_1200, %logistic3A_1198 : vector<50x120xf32>
    %logistic3A_1202 = arith.divf %logistic3A_1200, %logistic3A_1201 : vector<50x120xf32>
    %slice3A_1203 = vector.extract_strided_slice %squeeze3A_1179 {offsets = [0, 240], sizes = [50, 120], strides = [1, 1]} : vector<50x360xf32> to vector<50x120xf32>
    %slice3A_1204 = vector.extract_strided_slice %add3A_1184 {offsets = [0, 240], sizes = [50, 120], strides = [1, 1]} : vector<50x360xf32> to vector<50x120xf32>
    %mul3A_1205 = arith.mulf %logistic3A_1193, %slice3A_1204 : vector<50x120xf32>
    %add3A_1206 = arith.addf %slice3A_1203, %mul3A_1205 : vector<50x120xf32>
    %tanh3A_1207 = math.tanh %add3A_1206 : vector<50x120xf32>
    %sub3A_1208 = arith.constant 1.000000e+00 : f32
    %sub3A_1209 = vector.broadcast %sub3A_1208 : f32 to vector<50x120xf32>
    %sub3A_1210 = arith.subf %sub3A_1209, %logistic3A_1202 : vector<50x120xf32>
    %mul3A_1211 = arith.mulf %sub3A_1210, %tanh3A_1207 : vector<50x120xf32>
    %mul3A_1212 = arith.mulf %logistic3A_1202, %add3A_1177 : vector<50x120xf32>
    %add3A_1213 = arith.addf %mul3A_1211, %mul3A_1212 : vector<50x120xf32>
    %slice3A_1214 = vector.extract_strided_slice %add3A_738 {offsets = [0, 5, 0], sizes = [50, 1, 360], strides = [1, 1, 1]} : vector<50x19x360xf32> to vector<50x1x360xf32>
    %squeeze3A_1215 = vector.shape_cast %slice3A_1214 : vector<50x1x360xf32> to vector<50x360xf32>
    %dot_general3A_1216 = arith.constant dense<0.000000e+00> : vector<50x360xf32>
    %dot_general3A_1217 = tpu.matmul %add3A_1213, %get3A_741, %dot_general3A_1216 {dimension_numbers = #tpu.dot_dimension_numbers<[1], [1], [0], [0], [0, 0, 1, 0], [], []>, transpose_lhs_hint = false} : vector<50x120xf32>, vector<360x120xf32>, vector<50x360xf32> -> vector<50x360xf32>
    %broadcast_in_dim3A_1218 = vector.shape_cast %get3A_743 : vector<360xf32> to vector<1x360xf32>
    %add3A_1219 = vector.broadcast %broadcast_in_dim3A_1218 : vector<1x360xf32> to vector<50x360xf32>
    %add3A_1220 = arith.addf %dot_general3A_1217, %add3A_1219 : vector<50x360xf32>
    %slice3A_1221 = vector.extract_strided_slice %squeeze3A_1215 {offsets = [0, 0], sizes = [50, 120], strides = [1, 1]} : vector<50x360xf32> to vector<50x120xf32>
    %slice3A_1222 = vector.extract_strided_slice %add3A_1220 {offsets = [0, 0], sizes = [50, 120], strides = [1, 1]} : vector<50x360xf32> to vector<50x120xf32>
    %add3A_1223 = arith.addf %slice3A_1221, %slice3A_1222 : vector<50x120xf32>
    %logistic3A_1224 = arith.negf %add3A_1223 : vector<50x120xf32>
    %logistic3A_1225 = math.exp %logistic3A_1224 : vector<50x120xf32>
    %logistic3A_1226 = arith.constant 1.000000e+00 : f32
    %logistic3A_1227 = vector.broadcast %logistic3A_1226 : f32 to vector<50x120xf32>
    %logistic3A_1228 = arith.addf %logistic3A_1227, %logistic3A_1225 : vector<50x120xf32>
    %logistic3A_1229 = arith.divf %logistic3A_1227, %logistic3A_1228 : vector<50x120xf32>
    %slice3A_1230 = vector.extract_strided_slice %squeeze3A_1215 {offsets = [0, 120], sizes = [50, 120], strides = [1, 1]} : vector<50x360xf32> to vector<50x120xf32>
    %slice3A_1231 = vector.extract_strided_slice %add3A_1220 {offsets = [0, 120], sizes = [50, 120], strides = [1, 1]} : vector<50x360xf32> to vector<50x120xf32>
    %add3A_1232 = arith.addf %slice3A_1230, %slice3A_1231 : vector<50x120xf32>
    %logistic3A_1233 = arith.negf %add3A_1232 : vector<50x120xf32>
    %logistic3A_1234 = math.exp %logistic3A_1233 : vector<50x120xf32>
    %logistic3A_1235 = arith.constant 1.000000e+00 : f32
    %logistic3A_1236 = vector.broadcast %logistic3A_1235 : f32 to vector<50x120xf32>
    %logistic3A_1237 = arith.addf %logistic3A_1236, %logistic3A_1234 : vector<50x120xf32>
    %logistic3A_1238 = arith.divf %logistic3A_1236, %logistic3A_1237 : vector<50x120xf32>
    %slice3A_1239 = vector.extract_strided_slice %squeeze3A_1215 {offsets = [0, 240], sizes = [50, 120], strides = [1, 1]} : vector<50x360xf32> to vector<50x120xf32>
    %slice3A_1240 = vector.extract_strided_slice %add3A_1220 {offsets = [0, 240], sizes = [50, 120], strides = [1, 1]} : vector<50x360xf32> to vector<50x120xf32>
    %mul3A_1241 = arith.mulf %logistic3A_1229, %slice3A_1240 : vector<50x120xf32>
    %add3A_1242 = arith.addf %slice3A_1239, %mul3A_1241 : vector<50x120xf32>
    %tanh3A_1243 = math.tanh %add3A_1242 : vector<50x120xf32>
    %sub3A_1244 = arith.constant 1.000000e+00 : f32
    %sub3A_1245 = vector.broadcast %sub3A_1244 : f32 to vector<50x120xf32>
    %sub3A_1246 = arith.subf %sub3A_1245, %logistic3A_1238 : vector<50x120xf32>
    %mul3A_1247 = arith.mulf %sub3A_1246, %tanh3A_1243 : vector<50x120xf32>
    %mul3A_1248 = arith.mulf %logistic3A_1238, %add3A_1213 : vector<50x120xf32>
    %add3A_1249 = arith.addf %mul3A_1247, %mul3A_1248 : vector<50x120xf32>
    %slice3A_1250 = vector.extract_strided_slice %add3A_738 {offsets = [0, 4, 0], sizes = [50, 1, 360], strides = [1, 1, 1]} : vector<50x19x360xf32> to vector<50x1x360xf32>
    %squeeze3A_1251 = vector.shape_cast %slice3A_1250 : vector<50x1x360xf32> to vector<50x360xf32>
    %dot_general3A_1252 = arith.constant dense<0.000000e+00> : vector<50x360xf32>
    %dot_general3A_1253 = tpu.matmul %add3A_1249, %get3A_741, %dot_general3A_1252 {dimension_numbers = #tpu.dot_dimension_numbers<[1], [1], [0], [0], [0, 0, 1, 0], [], []>, transpose_lhs_hint = false} : vector<50x120xf32>, vector<360x120xf32>, vector<50x360xf32> -> vector<50x360xf32>
    %broadcast_in_dim3A_1254 = vector.shape_cast %get3A_743 : vector<360xf32> to vector<1x360xf32>
    %add3A_1255 = vector.broadcast %broadcast_in_dim3A_1254 : vector<1x360xf32> to vector<50x360xf32>
    %add3A_1256 = arith.addf %dot_general3A_1253, %add3A_1255 : vector<50x360xf32>
    %slice3A_1257 = vector.extract_strided_slice %squeeze3A_1251 {offsets = [0, 0], sizes = [50, 120], strides = [1, 1]} : vector<50x360xf32> to vector<50x120xf32>
    %slice3A_1258 = vector.extract_strided_slice %add3A_1256 {offsets = [0, 0], sizes = [50, 120], strides = [1, 1]} : vector<50x360xf32> to vector<50x120xf32>
    %add3A_1259 = arith.addf %slice3A_1257, %slice3A_1258 : vector<50x120xf32>
    %logistic3A_1260 = arith.negf %add3A_1259 : vector<50x120xf32>
    %logistic3A_1261 = math.exp %logistic3A_1260 : vector<50x120xf32>
    %logistic3A_1262 = arith.constant 1.000000e+00 : f32
    %logistic3A_1263 = vector.broadcast %logistic3A_1262 : f32 to vector<50x120xf32>
    %logistic3A_1264 = arith.addf %logistic3A_1263, %logistic3A_1261 : vector<50x120xf32>
    %logistic3A_1265 = arith.divf %logistic3A_1263, %logistic3A_1264 : vector<50x120xf32>
    %slice3A_1266 = vector.extract_strided_slice %squeeze3A_1251 {offsets = [0, 120], sizes = [50, 120], strides = [1, 1]} : vector<50x360xf32> to vector<50x120xf32>
    %slice3A_1267 = vector.extract_strided_slice %add3A_1256 {offsets = [0, 120], sizes = [50, 120], strides = [1, 1]} : vector<50x360xf32> to vector<50x120xf32>
    %add3A_1268 = arith.addf %slice3A_1266, %slice3A_1267 : vector<50x120xf32>
    %logistic3A_1269 = arith.negf %add3A_1268 : vector<50x120xf32>
    %logistic3A_1270 = math.exp %logistic3A_1269 : vector<50x120xf32>
    %logistic3A_1271 = arith.constant 1.000000e+00 : f32
    %logistic3A_1272 = vector.broadcast %logistic3A_1271 : f32 to vector<50x120xf32>
    %logistic3A_1273 = arith.addf %logistic3A_1272, %logistic3A_1270 : vector<50x120xf32>
    %logistic3A_1274 = arith.divf %logistic3A_1272, %logistic3A_1273 : vector<50x120xf32>
    %slice3A_1275 = vector.extract_strided_slice %squeeze3A_1251 {offsets = [0, 240], sizes = [50, 120], strides = [1, 1]} : vector<50x360xf32> to vector<50x120xf32>
    %slice3A_1276 = vector.extract_strided_slice %add3A_1256 {offsets = [0, 240], sizes = [50, 120], strides = [1, 1]} : vector<50x360xf32> to vector<50x120xf32>
    %mul3A_1277 = arith.mulf %logistic3A_1265, %slice3A_1276 : vector<50x120xf32>
    %add3A_1278 = arith.addf %slice3A_1275, %mul3A_1277 : vector<50x120xf32>
    %tanh3A_1279 = math.tanh %add3A_1278 : vector<50x120xf32>
    %sub3A_1280 = arith.constant 1.000000e+00 : f32
    %sub3A_1281 = vector.broadcast %sub3A_1280 : f32 to vector<50x120xf32>
    %sub3A_1282 = arith.subf %sub3A_1281, %logistic3A_1274 : vector<50x120xf32>
    %mul3A_1283 = arith.mulf %sub3A_1282, %tanh3A_1279 : vector<50x120xf32>
    %mul3A_1284 = arith.mulf %logistic3A_1274, %add3A_1249 : vector<50x120xf32>
    %add3A_1285 = arith.addf %mul3A_1283, %mul3A_1284 : vector<50x120xf32>
    %slice3A_1286 = vector.extract_strided_slice %add3A_738 {offsets = [0, 3, 0], sizes = [50, 1, 360], strides = [1, 1, 1]} : vector<50x19x360xf32> to vector<50x1x360xf32>
    %squeeze3A_1287 = vector.shape_cast %slice3A_1286 : vector<50x1x360xf32> to vector<50x360xf32>
    %dot_general3A_1288 = arith.constant dense<0.000000e+00> : vector<50x360xf32>
    %dot_general3A_1289 = tpu.matmul %add3A_1285, %get3A_741, %dot_general3A_1288 {dimension_numbers = #tpu.dot_dimension_numbers<[1], [1], [0], [0], [0, 0, 1, 0], [], []>, transpose_lhs_hint = false} : vector<50x120xf32>, vector<360x120xf32>, vector<50x360xf32> -> vector<50x360xf32>
    %broadcast_in_dim3A_1290 = vector.shape_cast %get3A_743 : vector<360xf32> to vector<1x360xf32>
    %add3A_1291 = vector.broadcast %broadcast_in_dim3A_1290 : vector<1x360xf32> to vector<50x360xf32>
    %add3A_1292 = arith.addf %dot_general3A_1289, %add3A_1291 : vector<50x360xf32>
    %slice3A_1293 = vector.extract_strided_slice %squeeze3A_1287 {offsets = [0, 0], sizes = [50, 120], strides = [1, 1]} : vector<50x360xf32> to vector<50x120xf32>
    %slice3A_1294 = vector.extract_strided_slice %add3A_1292 {offsets = [0, 0], sizes = [50, 120], strides = [1, 1]} : vector<50x360xf32> to vector<50x120xf32>
    %add3A_1295 = arith.addf %slice3A_1293, %slice3A_1294 : vector<50x120xf32>
    %logistic3A_1296 = arith.negf %add3A_1295 : vector<50x120xf32>
    %logistic3A_1297 = math.exp %logistic3A_1296 : vector<50x120xf32>
    %logistic3A_1298 = arith.constant 1.000000e+00 : f32
    %logistic3A_1299 = vector.broadcast %logistic3A_1298 : f32 to vector<50x120xf32>
    %logistic3A_1300 = arith.addf %logistic3A_1299, %logistic3A_1297 : vector<50x120xf32>
    %logistic3A_1301 = arith.divf %logistic3A_1299, %logistic3A_1300 : vector<50x120xf32>
    %slice3A_1302 = vector.extract_strided_slice %squeeze3A_1287 {offsets = [0, 120], sizes = [50, 120], strides = [1, 1]} : vector<50x360xf32> to vector<50x120xf32>
    %slice3A_1303 = vector.extract_strided_slice %add3A_1292 {offsets = [0, 120], sizes = [50, 120], strides = [1, 1]} : vector<50x360xf32> to vector<50x120xf32>
    %add3A_1304 = arith.addf %slice3A_1302, %slice3A_1303 : vector<50x120xf32>
    %logistic3A_1305 = arith.negf %add3A_1304 : vector<50x120xf32>
    %logistic3A_1306 = math.exp %logistic3A_1305 : vector<50x120xf32>
    %logistic3A_1307 = arith.constant 1.000000e+00 : f32
    %logistic3A_1308 = vector.broadcast %logistic3A_1307 : f32 to vector<50x120xf32>
    %logistic3A_1309 = arith.addf %logistic3A_1308, %logistic3A_1306 : vector<50x120xf32>
    %logistic3A_1310 = arith.divf %logistic3A_1308, %logistic3A_1309 : vector<50x120xf32>
    %slice3A_1311 = vector.extract_strided_slice %squeeze3A_1287 {offsets = [0, 240], sizes = [50, 120], strides = [1, 1]} : vector<50x360xf32> to vector<50x120xf32>
    %slice3A_1312 = vector.extract_strided_slice %add3A_1292 {offsets = [0, 240], sizes = [50, 120], strides = [1, 1]} : vector<50x360xf32> to vector<50x120xf32>
    %mul3A_1313 = arith.mulf %logistic3A_1301, %slice3A_1312 : vector<50x120xf32>
    %add3A_1314 = arith.addf %slice3A_1311, %mul3A_1313 : vector<50x120xf32>
    %tanh3A_1315 = math.tanh %add3A_1314 : vector<50x120xf32>
    %sub3A_1316 = arith.constant 1.000000e+00 : f32
    %sub3A_1317 = vector.broadcast %sub3A_1316 : f32 to vector<50x120xf32>
    %sub3A_1318 = arith.subf %sub3A_1317, %logistic3A_1310 : vector<50x120xf32>
    %mul3A_1319 = arith.mulf %sub3A_1318, %tanh3A_1315 : vector<50x120xf32>
    %mul3A_1320 = arith.mulf %logistic3A_1310, %add3A_1285 : vector<50x120xf32>
    %add3A_1321 = arith.addf %mul3A_1319, %mul3A_1320 : vector<50x120xf32>
    %slice3A_1322 = vector.extract_strided_slice %add3A_738 {offsets = [0, 2, 0], sizes = [50, 1, 360], strides = [1, 1, 1]} : vector<50x19x360xf32> to vector<50x1x360xf32>
    %squeeze3A_1323 = vector.shape_cast %slice3A_1322 : vector<50x1x360xf32> to vector<50x360xf32>
    %dot_general3A_1324 = arith.constant dense<0.000000e+00> : vector<50x360xf32>
    %dot_general3A_1325 = tpu.matmul %add3A_1321, %get3A_741, %dot_general3A_1324 {dimension_numbers = #tpu.dot_dimension_numbers<[1], [1], [0], [0], [0, 0, 1, 0], [], []>, transpose_lhs_hint = false} : vector<50x120xf32>, vector<360x120xf32>, vector<50x360xf32> -> vector<50x360xf32>
    %broadcast_in_dim3A_1326 = vector.shape_cast %get3A_743 : vector<360xf32> to vector<1x360xf32>
    %add3A_1327 = vector.broadcast %broadcast_in_dim3A_1326 : vector<1x360xf32> to vector<50x360xf32>
    %add3A_1328 = arith.addf %dot_general3A_1325, %add3A_1327 : vector<50x360xf32>
    %slice3A_1329 = vector.extract_strided_slice %squeeze3A_1323 {offsets = [0, 0], sizes = [50, 120], strides = [1, 1]} : vector<50x360xf32> to vector<50x120xf32>
    %slice3A_1330 = vector.extract_strided_slice %add3A_1328 {offsets = [0, 0], sizes = [50, 120], strides = [1, 1]} : vector<50x360xf32> to vector<50x120xf32>
    %add3A_1331 = arith.addf %slice3A_1329, %slice3A_1330 : vector<50x120xf32>
    %logistic3A_1332 = arith.negf %add3A_1331 : vector<50x120xf32>
    %logistic3A_1333 = math.exp %logistic3A_1332 : vector<50x120xf32>
    %logistic3A_1334 = arith.constant 1.000000e+00 : f32
    %logistic3A_1335 = vector.broadcast %logistic3A_1334 : f32 to vector<50x120xf32>
    %logistic3A_1336 = arith.addf %logistic3A_1335, %logistic3A_1333 : vector<50x120xf32>
    %logistic3A_1337 = arith.divf %logistic3A_1335, %logistic3A_1336 : vector<50x120xf32>
    %slice3A_1338 = vector.extract_strided_slice %squeeze3A_1323 {offsets = [0, 120], sizes = [50, 120], strides = [1, 1]} : vector<50x360xf32> to vector<50x120xf32>
    %slice3A_1339 = vector.extract_strided_slice %add3A_1328 {offsets = [0, 120], sizes = [50, 120], strides = [1, 1]} : vector<50x360xf32> to vector<50x120xf32>
    %add3A_1340 = arith.addf %slice3A_1338, %slice3A_1339 : vector<50x120xf32>
    %logistic3A_1341 = arith.negf %add3A_1340 : vector<50x120xf32>
    %logistic3A_1342 = math.exp %logistic3A_1341 : vector<50x120xf32>
    %logistic3A_1343 = arith.constant 1.000000e+00 : f32
    %logistic3A_1344 = vector.broadcast %logistic3A_1343 : f32 to vector<50x120xf32>
    %logistic3A_1345 = arith.addf %logistic3A_1344, %logistic3A_1342 : vector<50x120xf32>
    %logistic3A_1346 = arith.divf %logistic3A_1344, %logistic3A_1345 : vector<50x120xf32>
    %slice3A_1347 = vector.extract_strided_slice %squeeze3A_1323 {offsets = [0, 240], sizes = [50, 120], strides = [1, 1]} : vector<50x360xf32> to vector<50x120xf32>
    %slice3A_1348 = vector.extract_strided_slice %add3A_1328 {offsets = [0, 240], sizes = [50, 120], strides = [1, 1]} : vector<50x360xf32> to vector<50x120xf32>
    %mul3A_1349 = arith.mulf %logistic3A_1337, %slice3A_1348 : vector<50x120xf32>
    %add3A_1350 = arith.addf %slice3A_1347, %mul3A_1349 : vector<50x120xf32>
    %tanh3A_1351 = math.tanh %add3A_1350 : vector<50x120xf32>
    %sub3A_1352 = arith.constant 1.000000e+00 : f32
    %sub3A_1353 = vector.broadcast %sub3A_1352 : f32 to vector<50x120xf32>
    %sub3A_1354 = arith.subf %sub3A_1353, %logistic3A_1346 : vector<50x120xf32>
    %mul3A_1355 = arith.mulf %sub3A_1354, %tanh3A_1351 : vector<50x120xf32>
    %mul3A_1356 = arith.mulf %logistic3A_1346, %add3A_1321 : vector<50x120xf32>
    %add3A_1357 = arith.addf %mul3A_1355, %mul3A_1356 : vector<50x120xf32>
    %slice3A_1358 = vector.extract_strided_slice %add3A_738 {offsets = [0, 1, 0], sizes = [50, 1, 360], strides = [1, 1, 1]} : vector<50x19x360xf32> to vector<50x1x360xf32>
    %squeeze3A_1359 = vector.shape_cast %slice3A_1358 : vector<50x1x360xf32> to vector<50x360xf32>
    %dot_general3A_1360 = arith.constant dense<0.000000e+00> : vector<50x360xf32>
    %dot_general3A_1361 = tpu.matmul %add3A_1357, %get3A_741, %dot_general3A_1360 {dimension_numbers = #tpu.dot_dimension_numbers<[1], [1], [0], [0], [0, 0, 1, 0], [], []>, transpose_lhs_hint = false} : vector<50x120xf32>, vector<360x120xf32>, vector<50x360xf32> -> vector<50x360xf32>
    %broadcast_in_dim3A_1362 = vector.shape_cast %get3A_743 : vector<360xf32> to vector<1x360xf32>
    %add3A_1363 = vector.broadcast %broadcast_in_dim3A_1362 : vector<1x360xf32> to vector<50x360xf32>
    %add3A_1364 = arith.addf %dot_general3A_1361, %add3A_1363 : vector<50x360xf32>
    %slice3A_1365 = vector.extract_strided_slice %squeeze3A_1359 {offsets = [0, 0], sizes = [50, 120], strides = [1, 1]} : vector<50x360xf32> to vector<50x120xf32>
    %slice3A_1366 = vector.extract_strided_slice %add3A_1364 {offsets = [0, 0], sizes = [50, 120], strides = [1, 1]} : vector<50x360xf32> to vector<50x120xf32>
    %add3A_1367 = arith.addf %slice3A_1365, %slice3A_1366 : vector<50x120xf32>
    %logistic3A_1368 = arith.negf %add3A_1367 : vector<50x120xf32>
    %logistic3A_1369 = math.exp %logistic3A_1368 : vector<50x120xf32>
    %logistic3A_1370 = arith.constant 1.000000e+00 : f32
    %logistic3A_1371 = vector.broadcast %logistic3A_1370 : f32 to vector<50x120xf32>
    %logistic3A_1372 = arith.addf %logistic3A_1371, %logistic3A_1369 : vector<50x120xf32>
    %logistic3A_1373 = arith.divf %logistic3A_1371, %logistic3A_1372 : vector<50x120xf32>
    %slice3A_1374 = vector.extract_strided_slice %squeeze3A_1359 {offsets = [0, 120], sizes = [50, 120], strides = [1, 1]} : vector<50x360xf32> to vector<50x120xf32>
    %slice3A_1375 = vector.extract_strided_slice %add3A_1364 {offsets = [0, 120], sizes = [50, 120], strides = [1, 1]} : vector<50x360xf32> to vector<50x120xf32>
    %add3A_1376 = arith.addf %slice3A_1374, %slice3A_1375 : vector<50x120xf32>
    %logistic3A_1377 = arith.negf %add3A_1376 : vector<50x120xf32>
    %logistic3A_1378 = math.exp %logistic3A_1377 : vector<50x120xf32>
    %logistic3A_1379 = arith.constant 1.000000e+00 : f32
    %logistic3A_1380 = vector.broadcast %logistic3A_1379 : f32 to vector<50x120xf32>
    %logistic3A_1381 = arith.addf %logistic3A_1380, %logistic3A_1378 : vector<50x120xf32>
    %logistic3A_1382 = arith.divf %logistic3A_1380, %logistic3A_1381 : vector<50x120xf32>
    %slice3A_1383 = vector.extract_strided_slice %squeeze3A_1359 {offsets = [0, 240], sizes = [50, 120], strides = [1, 1]} : vector<50x360xf32> to vector<50x120xf32>
    %slice3A_1384 = vector.extract_strided_slice %add3A_1364 {offsets = [0, 240], sizes = [50, 120], strides = [1, 1]} : vector<50x360xf32> to vector<50x120xf32>
    %mul3A_1385 = arith.mulf %logistic3A_1373, %slice3A_1384 : vector<50x120xf32>
    %add3A_1386 = arith.addf %slice3A_1383, %mul3A_1385 : vector<50x120xf32>
    %tanh3A_1387 = math.tanh %add3A_1386 : vector<50x120xf32>
    %sub3A_1388 = arith.constant 1.000000e+00 : f32
    %sub3A_1389 = vector.broadcast %sub3A_1388 : f32 to vector<50x120xf32>
    %sub3A_1390 = arith.subf %sub3A_1389, %logistic3A_1382 : vector<50x120xf32>
    %mul3A_1391 = arith.mulf %sub3A_1390, %tanh3A_1387 : vector<50x120xf32>
    %mul3A_1392 = arith.mulf %logistic3A_1382, %add3A_1357 : vector<50x120xf32>
    %add3A_1393 = arith.addf %mul3A_1391, %mul3A_1392 : vector<50x120xf32>
    %slice3A_1394 = vector.extract_strided_slice %add3A_738 {offsets = [0, 0, 0], sizes = [50, 1, 360], strides = [1, 1, 1]} : vector<50x19x360xf32> to vector<50x1x360xf32>
    %squeeze3A_1395 = vector.shape_cast %slice3A_1394 : vector<50x1x360xf32> to vector<50x360xf32>
    %dot_general3A_1396 = arith.constant dense<0.000000e+00> : vector<50x360xf32>
    %dot_general3A_1397 = tpu.matmul %add3A_1393, %get3A_741, %dot_general3A_1396 {dimension_numbers = #tpu.dot_dimension_numbers<[1], [1], [0], [0], [0, 0, 1, 0], [], []>, transpose_lhs_hint = false} : vector<50x120xf32>, vector<360x120xf32>, vector<50x360xf32> -> vector<50x360xf32>
    %broadcast_in_dim3A_1398 = vector.shape_cast %get3A_743 : vector<360xf32> to vector<1x360xf32>
    %add3A_1399 = vector.broadcast %broadcast_in_dim3A_1398 : vector<1x360xf32> to vector<50x360xf32>
    %add3A_1400 = arith.addf %dot_general3A_1397, %add3A_1399 : vector<50x360xf32>
    %slice3A_1401 = vector.extract_strided_slice %squeeze3A_1395 {offsets = [0, 0], sizes = [50, 120], strides = [1, 1]} : vector<50x360xf32> to vector<50x120xf32>
    %slice3A_1402 = vector.extract_strided_slice %add3A_1400 {offsets = [0, 0], sizes = [50, 120], strides = [1, 1]} : vector<50x360xf32> to vector<50x120xf32>
    %add3A_1403 = arith.addf %slice3A_1401, %slice3A_1402 : vector<50x120xf32>
    %logistic3A_1404 = arith.negf %add3A_1403 : vector<50x120xf32>
    %logistic3A_1405 = math.exp %logistic3A_1404 : vector<50x120xf32>
    %logistic3A_1406 = arith.constant 1.000000e+00 : f32
    %logistic3A_1407 = vector.broadcast %logistic3A_1406 : f32 to vector<50x120xf32>
    %logistic3A_1408 = arith.addf %logistic3A_1407, %logistic3A_1405 : vector<50x120xf32>
    %logistic3A_1409 = arith.divf %logistic3A_1407, %logistic3A_1408 : vector<50x120xf32>
    %slice3A_1410 = vector.extract_strided_slice %squeeze3A_1395 {offsets = [0, 120], sizes = [50, 120], strides = [1, 1]} : vector<50x360xf32> to vector<50x120xf32>
    %slice3A_1411 = vector.extract_strided_slice %add3A_1400 {offsets = [0, 120], sizes = [50, 120], strides = [1, 1]} : vector<50x360xf32> to vector<50x120xf32>
    %add3A_1412 = arith.addf %slice3A_1410, %slice3A_1411 : vector<50x120xf32>
    %logistic3A_1413 = arith.negf %add3A_1412 : vector<50x120xf32>
    %logistic3A_1414 = math.exp %logistic3A_1413 : vector<50x120xf32>
    %logistic3A_1415 = arith.constant 1.000000e+00 : f32
    %logistic3A_1416 = vector.broadcast %logistic3A_1415 : f32 to vector<50x120xf32>
    %logistic3A_1417 = arith.addf %logistic3A_1416, %logistic3A_1414 : vector<50x120xf32>
    %logistic3A_1418 = arith.divf %logistic3A_1416, %logistic3A_1417 : vector<50x120xf32>
    %slice3A_1419 = vector.extract_strided_slice %squeeze3A_1395 {offsets = [0, 240], sizes = [50, 120], strides = [1, 1]} : vector<50x360xf32> to vector<50x120xf32>
    %slice3A_1420 = vector.extract_strided_slice %add3A_1400 {offsets = [0, 240], sizes = [50, 120], strides = [1, 1]} : vector<50x360xf32> to vector<50x120xf32>
    %mul3A_1421 = arith.mulf %logistic3A_1409, %slice3A_1420 : vector<50x120xf32>
    %add3A_1422 = arith.addf %slice3A_1419, %mul3A_1421 : vector<50x120xf32>
    %tanh3A_1423 = math.tanh %add3A_1422 : vector<50x120xf32>
    %sub3A_1424 = arith.constant 1.000000e+00 : f32
    %sub3A_1425 = vector.broadcast %sub3A_1424 : f32 to vector<50x120xf32>
    %sub3A_1426 = arith.subf %sub3A_1425, %logistic3A_1418 : vector<50x120xf32>
    %mul3A_1427 = arith.mulf %sub3A_1426, %tanh3A_1423 : vector<50x120xf32>
    %mul3A_1428 = arith.mulf %logistic3A_1418, %add3A_1393 : vector<50x120xf32>
    %add3A_1429 = arith.addf %mul3A_1427, %mul3A_1428 : vector<50x120xf32>
    %concatenate3A = tpu.concatenate %add3A_80, %add3A_1429 in 1 : vector<50x120xf32>, vector<50x120xf32> -> vector<50x240xf32>
    %concatenate3A_1430 = tpu.concatenate %add3A_116, %add3A_1393 in 1 : vector<50x120xf32>, vector<50x120xf32> -> vector<50x240xf32>
    %concatenate3A_1431 = tpu.concatenate %add3A_152, %add3A_1357 in 1 : vector<50x120xf32>, vector<50x120xf32> -> vector<50x240xf32>
    %concatenate3A_1432 = tpu.concatenate %add3A_188, %add3A_1321 in 1 : vector<50x120xf32>, vector<50x120xf32> -> vector<50x240xf32>
    %concatenate3A_1433 = tpu.concatenate %add3A_224, %add3A_1285 in 1 : vector<50x120xf32>, vector<50x120xf32> -> vector<50x240xf32>
    %concatenate3A_1434 = tpu.concatenate %add3A_260, %add3A_1249 in 1 : vector<50x120xf32>, vector<50x120xf32> -> vector<50x240xf32>
    %concatenate3A_1435 = tpu.concatenate %add3A_296, %add3A_1213 in 1 : vector<50x120xf32>, vector<50x120xf32> -> vector<50x240xf32>
    %concatenate3A_1436 = tpu.concatenate %add3A_332, %add3A_1177 in 1 : vector<50x120xf32>, vector<50x120xf32> -> vector<50x240xf32>
    %concatenate3A_1437 = tpu.concatenate %add3A_368, %add3A_1141 in 1 : vector<50x120xf32>, vector<50x120xf32> -> vector<50x240xf32>
    %concatenate3A_1438 = tpu.concatenate %add3A_404, %add3A_1105 in 1 : vector<50x120xf32>, vector<50x120xf32> -> vector<50x240xf32>
    %concatenate3A_1439 = tpu.concatenate %add3A_440, %add3A_1069 in 1 : vector<50x120xf32>, vector<50x120xf32> -> vector<50x240xf32>
    %concatenate3A_1440 = tpu.concatenate %add3A_476, %add3A_1033 in 1 : vector<50x120xf32>, vector<50x120xf32> -> vector<50x240xf32>
    %concatenate3A_1441 = tpu.concatenate %add3A_512, %add3A_997 in 1 : vector<50x120xf32>, vector<50x120xf32> -> vector<50x240xf32>
    %concatenate3A_1442 = tpu.concatenate %add3A_548, %add3A_961 in 1 : vector<50x120xf32>, vector<50x120xf32> -> vector<50x240xf32>
    %concatenate3A_1443 = tpu.concatenate %add3A_584, %add3A_925 in 1 : vector<50x120xf32>, vector<50x120xf32> -> vector<50x240xf32>
    %concatenate3A_1444 = tpu.concatenate %add3A_620, %add3A_889 in 1 : vector<50x120xf32>, vector<50x120xf32> -> vector<50x240xf32>
    %concatenate3A_1445 = tpu.concatenate %add3A_656, %add3A_853 in 1 : vector<50x120xf32>, vector<50x120xf32> -> vector<50x240xf32>
    %concatenate3A_1446 = tpu.concatenate %add3A_692, %add3A_817 in 1 : vector<50x120xf32>, vector<50x120xf32> -> vector<50x240xf32>
    %concatenate3A_1447 = tpu.concatenate %add3A_728, %add3A_781 in 1 : vector<50x120xf32>, vector<50x120xf32> -> vector<50x240xf32>
    %concatenate3A_1448 = tpu.concatenate %concatenate3A, %concatenate3A_1430, %concatenate3A_1431, %concatenate3A_1432, %concatenate3A_1433, %concatenate3A_1434, %concatenate3A_1435, %concatenate3A_1436, %concatenate3A_1437, %concatenate3A_1438, %concatenate3A_1439, %concatenate3A_1440, %concatenate3A_1441, %concatenate3A_1442, %concatenate3A_1443, %concatenate3A_1444, %concatenate3A_1445, %concatenate3A_1446, %concatenate3A_1447 in 1 : vector<50x240xf32>, vector<50x240xf32>, vector<50x240xf32>, vector<50x240xf32>, vector<50x240xf32>, vector<50x240xf32>, vector<50x240xf32>, vector<50x240xf32>, vector<50x240xf32>, vector<50x240xf32>, vector<50x240xf32>, vector<50x240xf32>, vector<50x240xf32>, vector<50x240xf32>, vector<50x240xf32>, vector<50x240xf32>, vector<50x240xf32>, vector<50x240xf32>, vector<50x240xf32> -> vector<50x4560xf32>
    %get3A_1449 = arith.constant 0 : index
    %get3A_1450 = arith.constant 0 : index
    %get3A_1451 = vector.load %arg1[%get3A_1449, %get3A_1450] : memref<50x256xf32, #tpu.memory_space<vmem>>, vector<50x256xf32>
    %concatenate3A_1452 = tpu.concatenate %get3A_1451, %concatenate3A_1448 in 1 : vector<50x256xf32>, vector<50x4560xf32> -> vector<50x4816xf32>
    %get3A_1453 = arith.constant 0 : index
    %get3A_1454 = arith.constant 0 : index
    %get3A_1455 = vector.load %arg12[%get3A_1453, %get3A_1454] : memref<102x4816xf32, #tpu.memory_space<vmem>>, vector<102x4816xf32>
    %dot_general3A_1456 = arith.constant dense<0.000000e+00> : vector<50x102xf32>
    %dot_general3A_1457 = tpu.matmul %concatenate3A_1452, %get3A_1455, %dot_general3A_1456 {dimension_numbers = #tpu.dot_dimension_numbers<[1], [1], [0], [0], [0, 0, 1, 0], [], []>, transpose_lhs_hint = false} : vector<50x4816xf32>, vector<102x4816xf32>, vector<50x102xf32> -> vector<50x102xf32>
    %get3A_1458 = arith.constant 0 : index
    %get3A_1459 = vector.load %arg13[%get3A_1458] : memref<102xf32, #tpu.memory_space<vmem>>, vector<102xf32>
    %broadcast_in_dim3A_1460 = vector.shape_cast %get3A_1459 : vector<102xf32> to vector<1x102xf32>
    %add3A_1461 = vector.broadcast %broadcast_in_dim3A_1460 : vector<1x102xf32> to vector<50x102xf32>
    %add3A_1462 = arith.addf %dot_general3A_1457, %add3A_1461 : vector<50x102xf32>
    %max3A_1463 = arith.constant 0.000000e+00 : f32
    %max3A_1464 = vector.broadcast %max3A_1463 : f32 to vector<50x102xf32>
    %max3A_1465 = arith.maximumf %add3A_1462, %max3A_1464 : vector<50x102xf32>
    %get3A_1466 = arith.constant 0 : index
    %get3A_1467 = arith.constant 0 : index
    %get3A_1468 = vector.load %arg14[%get3A_1466, %get3A_1467] : memref<2x102xf32, #tpu.memory_space<vmem>>, vector<2x102xf32>
    %dot_general3A_1469 = arith.constant dense<0.000000e+00> : vector<50x2xf32>
    %dot_general3A_1470 = tpu.matmul %max3A_1465, %get3A_1468, %dot_general3A_1469 {dimension_numbers = #tpu.dot_dimension_numbers<[1], [1], [0], [0], [0, 0, 1, 0], [], []>, transpose_lhs_hint = false} : vector<50x102xf32>, vector<2x102xf32>, vector<50x2xf32> -> vector<50x2xf32>
    %get3A_1471 = arith.constant 0 : index
    %get3A_1472 = vector.load %arg15[%get3A_1471] : memref<2xf32, #tpu.memory_space<vmem>>, vector<2xf32>
    %broadcast_in_dim3A_1473 = vector.shape_cast %get3A_1472 : vector<2xf32> to vector<1x2xf32>
    %add3A_1474 = vector.broadcast %broadcast_in_dim3A_1473 : vector<1x2xf32> to vector<50x2xf32>
    %add3A_1475 = arith.addf %dot_general3A_1470, %add3A_1474 : vector<50x2xf32>
    %reduce_max3A = arith.constant dense<0xFF800000> : vector<50xf32>
    %reduce_max3A_1476 = vector.multi_reduction <maximumf>, %add3A_1475, %reduce_max3A [1] : vector<50x2xf32> to vector<50xf32>
    %broadcast_in_dim3A_1477 = vector.shape_cast %reduce_max3A_1476 : vector<50xf32> to vector<50x1xf32>
    %sub3A_1478 = vector.broadcast %broadcast_in_dim3A_1477 : vector<50x1xf32> to vector<50x2xf32>
    %sub3A_1479 = arith.subf %add3A_1475, %sub3A_1478 : vector<50x2xf32>
    %exp3A = math.exp %sub3A_1479 : vector<50x2xf32>
    %reduce_sum3A_1480 = arith.constant dense<0.000000e+00> : vector<50xf32>
    %reduce_sum3A_1481 = vector.multi_reduction <add>, %exp3A, %reduce_sum3A_1480 [1] : vector<50x2xf32> to vector<50xf32>
    %broadcast_in_dim3A_1482 = vector.shape_cast %reduce_sum3A_1481 : vector<50xf32> to vector<50x1xf32>
    %log3A = math.log %broadcast_in_dim3A_1482 : vector<50x1xf32>
    %sub3A_1483 = vector.broadcast %log3A : vector<50x1xf32> to vector<50x2xf32>
    %sub3A_1484 = arith.subf %sub3A_1479, %sub3A_1483 : vector<50x2xf32>
    %swap3A = arith.constant 0 : index
    %swap3A_1485 = arith.constant 0 : index
    %swap3A_1486 = vector.load %arg16[%swap3A, %swap3A_1485] : memref<50x2xf32, #tpu.memory_space<vmem>>, vector<50x2xf32>
    tpu.vector_store %arg16[%swap3A, %swap3A_1485], %sub3A_1484 {strides = array<i32>} : memref<50x2xf32, #tpu.memory_space<vmem>>, vector<50x2xf32>,
    return
  }
}

</mosaic_0001>

<sc_bundles>
// kernel: gather_offload_async_start.1
scs
__scs_entry_jumppad:
0x0: {  	(pc) =	sbr.rel $0x88, $3  }
0x1: {  	(tag) =	ssettag $0x0;
	lr =	simm.s32 $0x1  }
0x2: {  	[smem:$0x3F88] =	sst lr;
	_ =	strace $0xD0000000  }
0x3: {  	_ = 	snop  }
0x4: {  	_ = 	snop  }
0x5: {  	_ = 	snop  }
0x6: {  	_ = 	snop  }
0x7: {  	_ = 	snop  }
__scs_overlays_trampoline_lowered:
0x8: {  	[smem:$0x3F97] =	sst s0  }
0x9: {  	[smem:$0x3F98] =	sst s1  }
0xa: {  	[smem:$0x3F99] =	sst s2  }
0xb: {  	[smem:$0x3F9A] =	sst s3  }
0xc: {  	[smem:$0x3F9B] =	sst s4  }
0xd: {  	[smem:$0x3F9C] =	sst s5  }
0xe: {  	[smem:$0x3F9D] =	sst s6  }
0xf: {  	[smem:$0x3F9E] =	sst s7  }
0x10: {  	[smem:$0x3F9F] =	sst s8  }
0x11: {  	[smem:$0x3FA0] =	sst s9;
	s0 =	simm.s32 @!p0 $0x0  }
0x12: {  	s1 =	sld [smem:$0x3F86];
	s0 =	simm.s32 @p0 $0x1  }
0x13: {  	[smem:$0x3FA1] =	sst s0;
	s0 =	simm.s32 @!p1 $0x0  }
0x14: {  	s2 =	sld [smem:$0x3F85];
	s0 =	simm.s32 @p1 $0x1  }
0x15: {  	[smem:$0x3FA2] =	sst s0;
	s0 =	simm.s32 @!p2 $0x0  }
0x16: {  	s3 =	sld [smem:$0x3FDB];
	s0 =	simm.s32 @p2 $0x1  }
0x17: {  	s4 =	simm.s32 $0x1BF5;
	[smem:$0x3FA4] =	sst s0  }
0x18: {  	s0 =	sld [smem:$0x3F87];
	_ =	swait.ge [sflag:s4], $0x0  }
0x19: {  	s7 =	sld [smem:$0x3F88]  }
0x1a: {  	s8 =	sadd.s32 $0xFFFFE003, lr  }
0x1b: {  	s9 =	sadd.s32 $0xFFFFFEF7, lr;
	s5 =	simm.s32 $0xFFFFFFFF;
	p2 =	slt.u32 s8, $0xFFFFF086  }
0x1c: {  	p1 =	slt.u32 s9, $0xF7A;
	s5 =	simm.s32 @!p2 $0x0  }
0x1d: {  	s5 =	simm.s32 @p1 $0x1;
	p0 =	seq.s32 s7, s2  }
0x1e: {  	s7 =	smul.u32 @!p0 $0xF7A, s2;
	p2 =	seq.s32 @!p0 s5, $0x0  }
0x1f: {  	s9 =	smul.u32 $0xF7A, s1;
	s8 =	simm.s32 @!p0 $0x1BF5;
	p2 =	por !p2, p0  }
0x20: {  	[sflag:s8] =	ssyncset.s32 @!p0 $0xFFFFF086;
	s6 =	sadd.s32 @!p0 s3, s7;
	s7 =	simm.s32 @!p0 $0x108  }
0x21: {  	s3 =	sadd.s32 s3, s9;
	s6 =	sadd.s32 @!p0 $0x88, s6;
	s7 =	simm.s32 @p2 $0x1082  }
0x22: {  	[simem:s7], [sflag:s8] =	dma.local @!p0 [hbm:s6], $0xF7A  }
0x23: {  	s9 =	sor.u32 $0xD0000000, s2;
	s6 =	simm.s32 $0x108;
	_ =	swait.ge @!p0 [sflag:s8], $0x0  }
0x24: {  	s3 =	sadd.s32 $0x88, s3;
	s6 =	simm.s32 @!p1 $0x1082;
	[sflag:s4] =	ssyncset.s32 $0xFFFFF086  }
0x25: {  	[simem:s6], [sflag:s4] =	dma.local [hbm:s3], $0xF7A  }
0x26: {  	[smem:$0x3F88] =	sst s1;
	(tag) =	ssettag s2;
	_ =	strace s9  }
0x27: {  	s1 =	sld [smem:$0x3F98]  }
0x28: {  	s2 =	sld [smem:$0x3F99]  }
0x29: {  	s4 =	sld [smem:$0x3F9B]  }
0x2a: {  	p0 =	seq.s32 s5, $0x0;
	s5 =	sld [smem:$0x3F9C]  }
0x2b: {  	s6 =	sld [smem:$0x3F9D]  }
0x2c: {  	s7 =	sld [smem:$0x3F9E]  }
0x2d: {  	s3 =	simm.s32 $0x108;
	s8 =	sld [smem:$0x3F9F]  }
0x2e: {  	s3 =	simm.s32 @!p0 $0x1082;
	s9 =	sld [smem:$0x3FA0]  }
0x2f: {  	lr =	sadd.s32 s0, s3;
	s0 =	sld [smem:$0x3F97]  }
0x30: {  	s3 =	sld [smem:$0x3F9A]  }
0x31: {  	[smem:$0x3FA3] =	sst s10  }
0x32: {  	s10 =	sld [smem:$0x3FA1];
	_ =	sdelay $0x3  }
0x33: {  	p0 =	seq.s32 s10, $0x1;
	s10 =	sld [smem:$0x3FA3];
	_ =	sdelay $0x3  }
0x34: {  	[smem:$0x3FA3] =	sst s10  }
0x35: {  	s10 =	sld [smem:$0x3FA2];
	_ =	sdelay $0x3  }
0x36: {  	p1 =	seq.s32 s10, $0x1;
	s10 =	sld [smem:$0x3FA3];
	_ =	sdelay $0x3  }
0x37: {  	[smem:$0x3FA3] =	sst s10  }
0x38: {  	s10 =	sld [smem:$0x3FA4]  }
0x39: {  	_ = 	snop;
	(pc) =	sbr.ind lr, $3  }
0x3a: {  	_ = 	snop  }
0x3b: {  	_ = 	snop  }
0x3c: {  	p2 =	seq.s32 s10, $0x1;
	s10 =	sld [smem:$0x3FA3]  }
0x3d: {  	_ =	shalt  }
0x3e: {  	_ =	shalt  }
0x3f: {  	_ =	shalt  }
0x40: {  	_ =	shalt  }
0x41: {  	_ =	shalt  }
0x42: {  	_ =	shalt  }
0x43: {  	_ =	shalt  }
0x44: {  	_ =	shalt  }
0x45: {  	_ =	shalt  }
0x46: {  	_ =	shalt  }
0x47: {  	_ =	shalt  }
0x48: {  	_ =	shalt  }
0x49: {  	_ =	shalt  }
0x4a: {  	_ =	shalt  }
0x4b: {  	_ =	shalt  }
0x4c: {  	_ =	shalt  }
0x4d: {  	_ =	shalt  }
0x4e: {  	_ =	shalt  }
0x4f: {  	_ =	shalt  }
0x50: {  	_ =	shalt  }
0x51: {  	_ =	shalt  }
0x52: {  	_ =	shalt  }
0x53: {  	_ =	shalt  }
0x54: {  	_ =	shalt  }
0x55: {  	_ =	shalt  }
0x56: {  	_ =	shalt  }
0x57: {  	_ =	shalt  }
0x58: {  	_ =	shalt  }
0x59: {  	_ =	shalt  }
0x5a: {  	_ =	shalt  }
0x5b: {  	_ =	shalt  }
0x5c: {  	_ =	shalt  }
0x5d: {  	_ =	shalt  }
0x5e: {  	_ =	shalt  }
0x5f: {  	_ =	shalt  }
0x60: {  	_ =	shalt  }
0x61: {  	_ =	shalt  }
0x62: {  	_ =	shalt  }
0x63: {  	_ =	shalt  }
0x64: {  	_ =	shalt  }
0x65: {  	_ =	shalt  }
0x66: {  	_ =	shalt  }
0x67: {  	_ =	shalt  }
0x68: {  	_ =	shalt  }
0x69: {  	_ =	shalt  }
0x6a: {  	_ =	shalt  }
0x6b: {  	_ =	shalt  }
0x6c: {  	_ =	shalt  }
0x6d: {  	_ =	shalt  }
0x6e: {  	_ =	shalt  }
0x6f: {  	_ =	shalt  }
0x70: {  	_ =	shalt  }
0x71: {  	_ =	shalt  }
0x72: {  	_ =	shalt  }
0x73: {  	_ =	shalt  }
0x74: {  	_ =	shalt  }
0x75: {  	_ =	shalt  }
0x76: {  	_ =	shalt  }
0x77: {  	_ =	shalt  }
0x78: {  	_ =	shalt  }
0x79: {  	_ =	shalt  }
0x7a: {  	_ =	shalt  }
0x7b: {  	_ =	shalt  }
0x7c: {  	_ =	shalt  }
0x7d: {  	_ =	shalt  }
0x7e: {  	_ =	shalt  }
0x7f: {  	_ =	shalt  }
0x80: {  	_ =	shalt  }
0x81: {  	_ =	shalt  }
0x82: {  	_ =	shalt  }
0x83: {  	_ =	shalt  }
0x84: {  	_ =	shalt  }
0x85: {  	_ =	shalt  }
0x86: {  	_ =	shalt  }
0x87: {  	_ =	shalt  }
.Lfunc_end0:
.L_simem_size_0:
called_computation.2_lowered:
.L_overlay_start_0:
0x88: {  	s2 =	sld [smem:$0x3FD9]  }
0x89: {  	s3 =	sld [smem:$0x3FFE];
	_ =	sdelay $0x1  }
0x8a: {  	s1 =	srdreg.scid  }
0x8b: {  	s0 =	sand.u32 $0x1, s1  }
0x8c: {  	s16 =	sshll.u32 s0, $0xA;
	s2 =	sadd.s32 s3, s2  }
0x8d: {  	s2 =	sadd.s32 s2, s16  }
0x8e: {  	[smem:$0x3FAF] =	sst s2  }
0x8f: {  	_ = 	snop  }
0x90: {  	(tm) =	ssettm $0x1  }
0x91: {  	s17 =	sld [smem:$0x3FFB];
	_ =	sdelay $0x3  }
0x92: {  	_ =	strace s17  }
0x93: {  	s2 =	sld [smem:$0x3FFC];
	_ =	sdelay $0x3  }
0x94: {  	_ =	strace s2  }
0x95: {  	s2 =	sld [smem:$0x3FFD];
	_ =	sdelay $0x3  }
0x96: {  	_ =	strace s2  }
0x97: {  	_ =	strace $0x8FFFFFFF  }
0x98: {  	s18 =	sld [smem:$0x3FDB];
	_ =	sdelay $0x1  }
0x99: {  	s19 =	simm.s32 $_scs_section_size  }
0x9a: {  	s4 =	simm.s32 $_size__tile_overlayer_lowered;
	s5 =	simm.s32 $_tile_overlayer_lowered  }
0x9b: {  	s22 =	simm.s32 $0x1BFF;
	s21 =	sshll.u32 s5, $0x1;
	s2 =	sadd.s32 s19, s18  }
0x9c: {  	s6 =	simm.s32 $0x0;
	s20 =	sshll.u32 s4, $0x1;
	s4 =	sadd.s32 s21, s2  }
0x9d: {  	[timem:s6], [sflag:s22] =	dma.local [hbm:s4], s20  }
0x9e: {  	_ =	swait.ge [sflag:s22], s20  }
0x9f: {  	s3 =	ssub.s32 $0x0, s20;
	[sflag:s22] =	ssyncset.done $0x0  }
0xa0: {  	[sflag:s22] =	ssyncadd.s32 s3;
	_ =	sdelay $0x1  }
0xa1: {  	s23 =	simm.s32 $0x1B8B  }
0xa2: {  	_ =	swait.ge [sflag:s23], $0x1  }
0xa3: {  	[sflag:s23] =	ssyncset.done $0x0  }
0xa4: {  	s25 =	simm.s32 $0x1B8E;
	s24 =	sld [smem:$0x3FFE];
	[sflag:s23] =	ssyncadd.s32 $0xFFFFFFFF  }
0xa5: {  	s26 =	simm.s32 $execute0_lowered;
	[smem:$0x3FD2] =	sst s25  }
0xa6: {  	s4 =	sshll.u32 s26, $0x1;
	_ =	strace $0x8000004C;
	[dreg:$0x1] =	wrdreg $0xFFFFFFFF  }
0xa7: {  	s28 =	simm.s32 $_size_execute0_lowered;
	s2 =	sadd.s32 s2, s4;
	[dreg:$0x0] =	wrdreg $0x0  }
0xa8: {  	s4 =	sshll.u32 s28, $0x1;
	[dreg:$0x2] =	wrdreg s2  }
0xa9: {  	[dreg:$0x3] =	wrdreg s4  }
0xaa: {  	[dreg:$0x4] =	wrdreg $0xC0  }
0xab: {  	_ =	task [dreg:s6], $0x5FFFF  }
0xac: {  	[dreg:$0x1] =	wrdreg $0xFFFFFFFF  }
0xad: {  	[dreg:$0x0] =	wrdreg $0x60  }
0xae: {  	[dreg:$0x2] =	wrdreg s24  }
0xaf: {  	[dreg:$0x3] =	wrdreg $0x9  }
0xb0: {  	_ =	task.clear_ibuf [dreg:s6], $0x4FFFF;
	_ =	strace $0x9000004C  }
0xb1: {  	s29 =	simm.s32 $0x9;
	_ =	strace $0x8000004E  }
0xb2: {  	_ =	swait.ge [sflag:s29], $0x1  }
0xb3: {  	[sflag:s29] =	ssyncadd.s32 $0xFFFFFFFF  }
0xb4: {  	_ =	strace $0x9000004E  }
0xb5: {  	_ =	sfence  }
0xb6: {  	s30 =	sld [smem:$0x0];
	_ =	sdelay $0x2  }
0xb7: {  	s31 =	sshll.u32 s1, $0xD;
	s1 =	sshrl.u32 s1, $0x2  }
0xb8: {  	s3 =	sand.u32 $0x4000, s31;
	s1 =	sadd.s32 s1, s30  }
0xb9: {  	s0 =	sor.u32 s3, s0;
	s1 =	sshll.u32 s1, $0x11  }
0xba: {  	s0 =	sor.u32 s1, s0  }
0xbb: {  	s0 =	sadd.s32 $0x8F2B, s0  }
0xbc: {  	[sflag:s0] =	ssyncadd.remote.s32 $0x1  }
0xbd: {  	_ =	sfence.sel $0xFFFF  }
0xbe: {  	[dreg:$0x0] =	wrdreg $0xFFFFFFFF;
	(pc) =	sbr.abs _section_cstart, $3  }
0xbf: {  	[dreg:$0x1] =	wrdreg $0xFFFFFFFF  }
0xc0: {  	_ =	task.clear_ibuf [dreg:s6], $0x2FFFF;
	_ =	strace $0x9FFFFFFF  }
0xc1: {  	(tm) =	ssettm $0x7FFFFFFF  }
tec
execute0_lowered:
.L_overlay_start_1:
0x0: {  	(tag) =	ssettag $0x1  }
0x1: {  	s8 =	rddreg [dreg:$0x0]  }
0x2: {  	s0 =	rddreg [dreg:$0x1];
	_ =	strace $0x8000004D;
	s1 =	stileid.u32  }
0x3: {  	s3 =	srdreg.scid;
	s4 =	simm.s32 $0x1;
	s7 =	simm.s32 $0x1  }
0x4: {  	s9 =	simm.s32 $0x1;
	s10 =	simm.s32 $0x3;
	s13 =	simm.s32 $0x0  }
0x5: {  	s12 =	simm.s32 $0x0;
	s5 =	sand.u32 $0x1, s3;
	s6 =	sshll.u32 s1, $0x1  }
0x6: {  	s2 =	sadd.s32 $0xA000, s8;
	s3 =	sadd.s32 $0x14000, s8;
	s5 =	sor.u32 s6, s5  }
.Ltmp0:
0x7: {  	[sflag:s4] =	ssyncpa.u1 $0x0;
	p0 =	slt.u32 s5, $0x9;
	(pc) =	sbr.rel .LBB2_1-.Ltmp0, $4  }
0x8: {  	s6 =	simm.s32 $0x2;
	s7 =	simm.s32 @!p0 $0x0;
	p0 =	sne.s32 s5, $0x8  }
0x9: {  	[sflag:s6] =	ssyncpa.u1 $0x0;
	s5 =	smul.u32 $0xFA0, s5;
	s9 =	simm.s32 @!p0 $0x0  }
0xa: {  	s8 =	sadd.s32 $0x3D400, s8;
	[sflag:s10] =	ssyncpa.u1 $0x0;
	s7 =	sadd.s32 s9, s7  }
0xb: {  	vm0 =	vmmov $0xffff;
	s10 =	simm.s32 $0x0;
	s11 =	smov.u32 s5;
	s9 =	sadd.s32 $0x1, s7  }
.LBB2_4:
0xc: {  	v2 =	vnsel vm1, $0x0, v2  }
0xd: {  	vm1 =	vgt.s32 v0, $0x0;
	v2 =	vmin.u32 v2, $0x270FF  }
0xe: {  	v0 =	vnsel vm1, $0x0, v0  }
0xf: {  	v0 =	vmin.u32 v0, $0x270FF  }
0x10: {  	[tilespmem:s18], [sflag:$0x1] =	stream.indirect_vreg.gather [hbm4b:s2+s10], $0x1, v1, vm0, $0x4038;
	[tilespmem:$0x3E80] =	vst v63  }
0x11: {  	(ifvalue) =	ssetifvalue $0x7FFFFFFF  }
0x12: {  	[tilespmem:s15], [sflag:$0x1] =	stream.indirect_vreg.gather [hbm4b:s2+s10], $0x1, v2, vm0, $0x4038;
	[tilespmem:$0x3E80] =	vst v63  }
0x13: {  	s29 =	sadd.s32 $0x10, s15;
	(ifvalue) =	ssetifvalue $0x7FFFFFFF  }
0x14: {  	[tilespmem:s29], [sflag:$0x1] =	stream.indirect_vreg.gather [hbm4b:s2+s10], $0x1, v0, vm0, $0x4038;
	[tilespmem:$0x3E80] =	vst v63  }
0x15: {  	_ =	swait.ge [sflag:s4], $0xFA0  }
0x16: {  	s30 =	sshrl.u32 s13, $0x3;
	[sflag:s4] =	ssyncset.done $0x0  }
0x17: {  	s31 =	sand.u32 $0x7, s13;
	s15 =	sadd.s32 s8, s30;
	[sflag:s4] =	ssyncadd.s32 $0xFFFFF060  }
0x18: {  	[hbm4b:s15+s31] =	stream.linear.scatter [tilespmem:s14], [sflag:$0x3], $0xFA0, $0x38;
	[tilespmem:$0x3E80] =	vst v63  }
.LBB2_5:
0x19: {  	s15 =	sadd.s32 $0x1F400, s11  }
0x1a: {  	p1 =	sgt.s32 s15, $0x270FF  }
0x1b: {  	s15 =	smov.u32 @p1 s5;
	p1 =	sne.s32 s12, s9  }
.Ltmp1:
0x1c: {  	p0 =	slt.u32 s12, $0x2;
	(pc) =	sbr.rel @!p1 .LBB2_6-.Ltmp1, $4  }
0x1d: {  	s14 =	simm.s32 @!p0 $0x3  }
0x1e: {  	_ =	swait.ge @!p0 [sflag:s14], $0xFA0  }
0x1f: {  	s16 =	sadd.s32 $0x1, s12;
	s13 =	smov.u32 s11;
	[sflag:s14] =	ssyncset.done @!p0 $0x0  }
0x20: {  	s12 =	smov.u32 s16;
	s11 =	smov.u32 s15;
	[sflag:s14] =	ssyncadd.s32 @!p0 $0xFFFFF060  }
.LBB2_1:
0x21: {  	p0 =	sge.u32 s12, s7  }
0x22: {  	s14 =	sxor.u32 @!p0 $0x1, s12  }
0x23: {  	s14 =	smul.u32 @!p0 $0x3E80, s14  }
0x24: {  	s31 =	sadd.s32 $0xFFFFFFFF, s12;
	s15 =	sshrl.u32 @!p0 s11, $0x3  }
0x25: {  	s16 =	sand.u32 @!p0 $0x7, s11;
	s15 =	sadd.s32 @!p0 s3, s15;
	s14 =	sshra.s32 @!p0 s14, $0x2  }
0x26: {  	[tilespmem:s14], [sflag:$0x2] =	stream.linear.gather @!p0 [hbm4b:s15+s16], $0xFA0, $0x38;
	[tilespmem:$0x3E80] =	vst v63  }
0x27: {  	p0 =	sge.u32 s31, s7  }
.Ltmp2:
0x28: {  	_ = 	snop;
	(pc) =	sbr.rel @p0 .LBB2_5-.Ltmp2, $1  }
0x29: {  	_ =	sdelay $0x3  }
0x2a: {  	s14 =	sand.u32 $0x1, s12  }
0x2b: {  	_ =	swait.ge [sflag:s6], $0xFA0;
	p0 =	seq.s32 s14, $0x1;
	s14 =	simm.s32 $0xFA0  }
0x2c: {  	[sflag:s6] =	ssyncset.done $0x0;
	s14 =	simm.s32 @!p0 $0x0  }
0x2d: {  	[sflag:s6] =	ssyncadd.s32 $0xFFFFF060;
	(ifvalue) =	ssetifvalue $0x7FFFFFFF;
	v0 =	vld.msk [tilespmem:s14+$0x0 ss:$0x1], $0xffff;
	_ =	sdelay $0x4  }
0x2e: {  	s15 =	sadd.s32 $0x10, s14;
	vm1 =	vgt.s32 v0, $0x0  }
0x2f: {  	v2 =	vld.msk [tilespmem:s15+$0x0 ss:$0x1], $0xffff;
	v1 =	vnsel vm1, $0x0, v0  }
0x30: {  	v1 =	vmin.u32 v1, $0x270FF;
	_ =	sdelay $0x2  }
0x31: {  	s17 =	simm.s32 $0x20;
	s14 =	sadd.s32 $0x1F40, s14;
	s16 =	sadd.s32 $0x10, s15  }
0x32: {  	s15 =	sadd.s32 $0x10, s14;
	s18 =	smov.u32 s14;
	v0 =	vld.msk [tilespmem:s16+$0x0 ss:$0x1], $0xffff;
	vm1 =	vgt.s32 v2, $0x0;
	(ifvalue) =	ssetifvalue $0x7FFFFFFF  }
.LBB2_3:
0x33: {  	[tilespmem:s18], [sflag:$0x1] =	stream.indirect_vreg.gather [hbm4b:s2+s10], $0x1, v1, vm0, $0x4038;
	[tilespmem:$0x3E80] =	vst v63  }
0x34: {  	s17 =	sadd.s32 $0x10, s17  }
0x35: {  	v2 =	vnsel vm1, $0x0, v2;
	p0 =	slt.u32 s17, $0xF90  }
.Ltmp3:
0x36: {  	s18 =	smov.u32 s15;
	v1 =	vmin.u32 v2, $0x270FF;
	(pc) =	sbr.rel @p0 .LBB2_3-.Ltmp3, $3  }
0x37: {  	_ =	sdelay $0x1  }
0x38: {  	s16 =	sadd.s32 $0x10, s16  }
0x39: {  	vm1 =	vgt.s32 v0, $0x0;
	s15 =	sadd.s32 $0x10, s15;
	v2 =	vmov v0;
	(ifvalue) =	ssetifvalue $0x7FFFFFFF;
	v0 =	vld.msk [tilespmem:s16+$0x0 ss:$0x1], $0xffff  }
.Ltmp4:
0x3a: {  	_ = 	snop;
	(pc) =	sbr.rel .LBB2_4-.Ltmp4, $1  }
0x3b: {  	_ =	sdelay $0x3  }
.LBB2_6:
0x3c: {  	_ =	sfence.sel $0x180000  }
0x3d: {  	s2 =	simm.s32 $0x2;
	[bflag:$0x0] =	sbarrier.arrive $0xFFFF  }
0x3e: {  	s30 =	simm.s32 $0x3;
	[sflag:s2] =	ssyncpa.u1 $0x1  }
0x3f: {  	s31 =	simm.s32 $0x1;
	[sflag:s30] =	ssyncpa.u1 $0x1  }
0x40: {  	[sflag:s31] =	ssyncpa.u1 $0x1  }
0x41: {  	p0 =	sne.s32 s1, $0x0;
	_ =	strace $0x9000004D  }
0x42: {  	s0 =	sadd.s32 @!p0 $0x100000, s0;
	[bflag:$0x2] =	sbarrier.arrive $0xFFFF  }
0x43: {  	[sflag:s0] =	ssyncadd.tile.s32 @!p0 $0x1;
	_ =	shalt  }
.Lfunc_end2:
_tile_overlayer_lowered:
.L_overlay_start_2:
0x44: {  	(tag) =	ssettag $0x2  }
0x45: {  	s0 =	rddreg [dreg:$0x0];
	s2 =	stileid.u32  }
0x46: {  	s1 =	rddreg [dreg:$0x1];
	p0 =	sne.s32 s2, $0x0  }
0x47: {  	s3 =	rddreg [dreg:$0x2];
	[bflag:$0x3] =	sbarrier.arrive $0xFFFF;
	s2 =	simm.s32 @!p0 $0x1C01  }
0x48: {  	[timem:s3], [sflag:s2] =	dma.local @!p0 [hbm:s0], s1  }
0x49: {  	s0 =	simm.s32 @!p0 $0x1  }
0x4a: {  	_ =	swait.ge @!p0 [sflag:s0], s1  }
0x4b: {  	s1 =	ssub.s32 @!p0 $0x0, s1;
	[sflag:s0] =	ssyncset.done @!p0 $0x0  }
0x4c: {  	[sflag:s0] =	ssyncadd.s32 @!p0 s1  }
0x4d: {  	[bflag:$0x3] =	sbarrier.arrive $0xFFFF  }
0x4e: {  	_ =	shalt  }

// kernel: gather_offload_async_start.2
scs
__scs_entry_jumppad:
0x0: {  	(pc) =	sbr.rel $0x88, $3  }
0x1: {  	(tag) =	ssettag $0x0;
	lr =	simm.s32 $0x1  }
0x2: {  	[smem:$0x3F88] =	sst lr;
	_ =	strace $0xD0000000  }
0x3: {  	_ = 	snop  }
0x4: {  	_ = 	snop  }
0x5: {  	_ = 	snop  }
0x6: {  	_ = 	snop  }
0x7: {  	_ = 	snop  }
__scs_overlays_trampoline_lowered:
0x8: {  	[smem:$0x3F97] =	sst s0  }
0x9: {  	[smem:$0x3F98] =	sst s1  }
0xa: {  	[smem:$0x3F99] =	sst s2  }
0xb: {  	[smem:$0x3F9A] =	sst s3  }
0xc: {  	[smem:$0x3F9B] =	sst s4  }
0xd: {  	[smem:$0x3F9C] =	sst s5  }
0xe: {  	[smem:$0x3F9D] =	sst s6  }
0xf: {  	[smem:$0x3F9E] =	sst s7  }
0x10: {  	[smem:$0x3F9F] =	sst s8  }
0x11: {  	[smem:$0x3FA0] =	sst s9;
	s0 =	simm.s32 @!p0 $0x0  }
0x12: {  	s1 =	sld [smem:$0x3F86];
	s0 =	simm.s32 @p0 $0x1  }
0x13: {  	[smem:$0x3FA1] =	sst s0;
	s0 =	simm.s32 @!p1 $0x0  }
0x14: {  	s2 =	sld [smem:$0x3F85];
	s0 =	simm.s32 @p1 $0x1  }
0x15: {  	[smem:$0x3FA2] =	sst s0;
	s0 =	simm.s32 @!p2 $0x0  }
0x16: {  	s3 =	sld [smem:$0x3FDB];
	s0 =	simm.s32 @p2 $0x1  }
0x17: {  	s4 =	simm.s32 $0x1BF5;
	[smem:$0x3FA4] =	sst s0  }
0x18: {  	s0 =	sld [smem:$0x3F87];
	_ =	swait.ge [sflag:s4], $0x0  }
0x19: {  	s7 =	sld [smem:$0x3F88]  }
0x1a: {  	s8 =	sadd.s32 $0xFFFFE003, lr  }
0x1b: {  	s9 =	sadd.s32 $0xFFFFFEF7, lr;
	s5 =	simm.s32 $0xFFFFFFFF;
	p2 =	slt.u32 s8, $0xFFFFF086  }
0x1c: {  	p1 =	slt.u32 s9, $0xF7A;
	s5 =	simm.s32 @!p2 $0x0  }
0x1d: {  	s5 =	simm.s32 @p1 $0x1;
	p0 =	seq.s32 s7, s2  }
0x1e: {  	s7 =	smul.u32 @!p0 $0xF7A, s2;
	p2 =	seq.s32 @!p0 s5, $0x0  }
0x1f: {  	s9 =	smul.u32 $0xF7A, s1;
	s8 =	simm.s32 @!p0 $0x1BF5;
	p2 =	por !p2, p0  }
0x20: {  	[sflag:s8] =	ssyncset.s32 @!p0 $0xFFFFF086;
	s6 =	sadd.s32 @!p0 s3, s7;
	s7 =	simm.s32 @!p0 $0x108  }
0x21: {  	s3 =	sadd.s32 s3, s9;
	s6 =	sadd.s32 @!p0 $0x88, s6;
	s7 =	simm.s32 @p2 $0x1082  }
0x22: {  	[simem:s7], [sflag:s8] =	dma.local @!p0 [hbm:s6], $0xF7A  }
0x23: {  	s9 =	sor.u32 $0xD0000000, s2;
	s6 =	simm.s32 $0x108;
	_ =	swait.ge @!p0 [sflag:s8], $0x0  }
0x24: {  	s3 =	sadd.s32 $0x88, s3;
	s6 =	simm.s32 @!p1 $0x1082;
	[sflag:s4] =	ssyncset.s32 $0xFFFFF086  }
0x25: {  	[simem:s6], [sflag:s4] =	dma.local [hbm:s3], $0xF7A  }
0x26: {  	[smem:$0x3F88] =	sst s1;
	(tag) =	ssettag s2;
	_ =	strace s9  }
0x27: {  	s1 =	sld [smem:$0x3F98]  }
0x28: {  	s2 =	sld [smem:$0x3F99]  }
0x29: {  	s4 =	sld [smem:$0x3F9B]  }
0x2a: {  	p0 =	seq.s32 s5, $0x0;
	s5 =	sld [smem:$0x3F9C]  }
0x2b: {  	s6 =	sld [smem:$0x3F9D]  }
0x2c: {  	s7 =	sld [smem:$0x3F9E]  }
0x2d: {  	s3 =	simm.s32 $0x108;
	s8 =	sld [smem:$0x3F9F]  }
0x2e: {  	s3 =	simm.s32 @!p0 $0x1082;
	s9 =	sld [smem:$0x3FA0]  }
0x2f: {  	lr =	sadd.s32 s0, s3;
	s0 =	sld [smem:$0x3F97]  }
0x30: {  	s3 =	sld [smem:$0x3F9A]  }
0x31: {  	[smem:$0x3FA3] =	sst s10  }
0x32: {  	s10 =	sld [smem:$0x3FA1];
	_ =	sdelay $0x3  }
0x33: {  	p0 =	seq.s32 s10, $0x1;
	s10 =	sld [smem:$0x3FA3];
	_ =	sdelay $0x3  }
0x34: {  	[smem:$0x3FA3] =	sst s10  }
0x35: {  	s10 =	sld [smem:$0x3FA2];
	_ =	sdelay $0x3  }
0x36: {  	p1 =	seq.s32 s10, $0x1;
	s10 =	sld [smem:$0x3FA3];
	_ =	sdelay $0x3  }
0x37: {  	[smem:$0x3FA3] =	sst s10  }
0x38: {  	s10 =	sld [smem:$0x3FA4]  }
0x39: {  	_ = 	snop;
	(pc) =	sbr.ind lr, $3  }
0x3a: {  	_ = 	snop  }
0x3b: {  	_ = 	snop  }
0x3c: {  	p2 =	seq.s32 s10, $0x1;
	s10 =	sld [smem:$0x3FA3]  }
0x3d: {  	_ =	shalt  }
0x3e: {  	_ =	shalt  }
0x3f: {  	_ =	shalt  }
0x40: {  	_ =	shalt  }
0x41: {  	_ =	shalt  }
0x42: {  	_ =	shalt  }
0x43: {  	_ =	shalt  }
0x44: {  	_ =	shalt  }
0x45: {  	_ =	shalt  }
0x46: {  	_ =	shalt  }
0x47: {  	_ =	shalt  }
0x48: {  	_ =	shalt  }
0x49: {  	_ =	shalt  }
0x4a: {  	_ =	shalt  }
0x4b: {  	_ =	shalt  }
0x4c: {  	_ =	shalt  }
0x4d: {  	_ =	shalt  }
0x4e: {  	_ =	shalt  }
0x4f: {  	_ =	shalt  }
0x50: {  	_ =	shalt  }
0x51: {  	_ =	shalt  }
0x52: {  	_ =	shalt  }
0x53: {  	_ =	shalt  }
0x54: {  	_ =	shalt  }
0x55: {  	_ =	shalt  }
0x56: {  	_ =	shalt  }
0x57: {  	_ =	shalt  }
0x58: {  	_ =	shalt  }
0x59: {  	_ =	shalt  }
0x5a: {  	_ =	shalt  }
0x5b: {  	_ =	shalt  }
0x5c: {  	_ =	shalt  }
0x5d: {  	_ =	shalt  }
0x5e: {  	_ =	shalt  }
0x5f: {  	_ =	shalt  }
0x60: {  	_ =	shalt  }
0x61: {  	_ =	shalt  }
0x62: {  	_ =	shalt  }
0x63: {  	_ =	shalt  }
0x64: {  	_ =	shalt  }
0x65: {  	_ =	shalt  }
0x66: {  	_ =	shalt  }
0x67: {  	_ =	shalt  }
0x68: {  	_ =	shalt  }
0x69: {  	_ =	shalt  }
0x6a: {  	_ =	shalt  }
0x6b: {  	_ =	shalt  }
0x6c: {  	_ =	shalt  }
0x6d: {  	_ =	shalt  }
0x6e: {  	_ =	shalt  }
0x6f: {  	_ =	shalt  }
0x70: {  	_ =	shalt  }
0x71: {  	_ =	shalt  }
0x72: {  	_ =	shalt  }
0x73: {  	_ =	shalt  }
0x74: {  	_ =	shalt  }
0x75: {  	_ =	shalt  }
0x76: {  	_ =	shalt  }
0x77: {  	_ =	shalt  }
0x78: {  	_ =	shalt  }
0x79: {  	_ =	shalt  }
0x7a: {  	_ =	shalt  }
0x7b: {  	_ =	shalt  }
0x7c: {  	_ =	shalt  }
0x7d: {  	_ =	shalt  }
0x7e: {  	_ =	shalt  }
0x7f: {  	_ =	shalt  }
0x80: {  	_ =	shalt  }
0x81: {  	_ =	shalt  }
0x82: {  	_ =	shalt  }
0x83: {  	_ =	shalt  }
0x84: {  	_ =	shalt  }
0x85: {  	_ =	shalt  }
0x86: {  	_ =	shalt  }
0x87: {  	_ =	shalt  }
.Lfunc_end0:
.L_simem_size_0:
called_computation.3_lowered:
.L_overlay_start_0:
0x88: {  	s2 =	sld [smem:$0x3FD9]  }
0x89: {  	s3 =	sld [smem:$0x3FFE];
	_ =	sdelay $0x1  }
0x8a: {  	s1 =	srdreg.scid  }
0x8b: {  	s0 =	sand.u32 $0x1, s1  }
0x8c: {  	s16 =	sshll.u32 s0, $0xA;
	s2 =	sadd.s32 s3, s2  }
0x8d: {  	s2 =	sadd.s32 s2, s16  }
0x8e: {  	[smem:$0x3FAF] =	sst s2  }
0x8f: {  	_ = 	snop  }
0x90: {  	(tm) =	ssettm $0x1  }
0x91: {  	s17 =	sld [smem:$0x3FFB];
	_ =	sdelay $0x3  }
0x92: {  	_ =	strace s17  }
0x93: {  	s2 =	sld [smem:$0x3FFC];
	_ =	sdelay $0x3  }
0x94: {  	_ =	strace s2  }
0x95: {  	s2 =	sld [smem:$0x3FFD];
	_ =	sdelay $0x3  }
0x96: {  	_ =	strace s2  }
0x97: {  	_ =	strace $0x8FFFFFFF  }
0x98: {  	s18 =	sld [smem:$0x3FDB];
	_ =	sdelay $0x1  }
0x99: {  	s19 =	simm.s32 $_scs_section_size  }
0x9a: {  	s4 =	simm.s32 $_size__tile_overlayer_lowered;
	s5 =	simm.s32 $_tile_overlayer_lowered  }
0x9b: {  	s22 =	simm.s32 $0x1BFF;
	s21 =	sshll.u32 s5, $0x1;
	s2 =	sadd.s32 s19, s18  }
0x9c: {  	s6 =	simm.s32 $0x0;
	s20 =	sshll.u32 s4, $0x1;
	s4 =	sadd.s32 s21, s2  }
0x9d: {  	[timem:s6], [sflag:s22] =	dma.local [hbm:s4], s20  }
0x9e: {  	_ =	swait.ge [sflag:s22], s20  }
0x9f: {  	s3 =	ssub.s32 $0x0, s20;
	[sflag:s22] =	ssyncset.done $0x0  }
0xa0: {  	[sflag:s22] =	ssyncadd.s32 s3;
	_ =	sdelay $0x1  }
0xa1: {  	s23 =	simm.s32 $0x1B8B  }
0xa2: {  	_ =	swait.ge [sflag:s23], $0x1  }
0xa3: {  	[sflag:s23] =	ssyncset.done $0x0  }
0xa4: {  	s25 =	simm.s32 $0x1B8E;
	s24 =	sld [smem:$0x3FFE];
	[sflag:s23] =	ssyncadd.s32 $0xFFFFFFFF  }
0xa5: {  	s26 =	simm.s32 $execute0_lowered;
	[smem:$0x3FD2] =	sst s25  }
0xa6: {  	s4 =	sshll.u32 s26, $0x1;
	_ =	strace $0x80000049;
	[dreg:$0x1] =	wrdreg $0xFFFFFFFF  }
0xa7: {  	s28 =	simm.s32 $_size_execute0_lowered;
	s2 =	sadd.s32 s2, s4;
	[dreg:$0x0] =	wrdreg $0x0  }
0xa8: {  	s4 =	sshll.u32 s28, $0x1;
	[dreg:$0x2] =	wrdreg s2  }
0xa9: {  	[dreg:$0x3] =	wrdreg s4  }
0xaa: {  	[dreg:$0x4] =	wrdreg $0xC0  }
0xab: {  	_ =	task [dreg:s6], $0x5FFFF  }
0xac: {  	[dreg:$0x1] =	wrdreg $0xFFFFFFFF  }
0xad: {  	[dreg:$0x0] =	wrdreg $0x60  }
0xae: {  	[dreg:$0x2] =	wrdreg s24  }
0xaf: {  	[dreg:$0x3] =	wrdreg $0x9  }
0xb0: {  	_ =	task.clear_ibuf [dreg:s6], $0x4FFFF;
	_ =	strace $0x90000049  }
0xb1: {  	s29 =	simm.s32 $0x9;
	_ =	strace $0x8000004B  }
0xb2: {  	_ =	swait.ge [sflag:s29], $0x1  }
0xb3: {  	[sflag:s29] =	ssyncadd.s32 $0xFFFFFFFF  }
0xb4: {  	_ =	strace $0x9000004B  }
0xb5: {  	_ =	sfence  }
0xb6: {  	s30 =	sld [smem:$0x0];
	_ =	sdelay $0x2  }
0xb7: {  	s31 =	sshll.u32 s1, $0xD;
	s1 =	sshrl.u32 s1, $0x2  }
0xb8: {  	s3 =	sand.u32 $0x4000, s31;
	s1 =	sadd.s32 s1, s30  }
0xb9: {  	s0 =	sor.u32 s3, s0;
	s1 =	sshll.u32 s1, $0x11  }
0xba: {  	s0 =	sor.u32 s1, s0  }
0xbb: {  	s0 =	sadd.s32 $0x8F2B, s0  }
0xbc: {  	[sflag:s0] =	ssyncadd.remote.s32 $0x1  }
0xbd: {  	_ =	sfence.sel $0xFFFF  }
0xbe: {  	[dreg:$0x0] =	wrdreg $0xFFFFFFFF;
	(pc) =	sbr.abs _section_cstart, $3  }
0xbf: {  	[dreg:$0x1] =	wrdreg $0xFFFFFFFF  }
0xc0: {  	_ =	task.clear_ibuf [dreg:s6], $0x2FFFF;
	_ =	strace $0x9FFFFFFF  }
0xc1: {  	(tm) =	ssettm $0x7FFFFFFF  }
tec
execute0_lowered:
.L_overlay_start_1:
0x0: {  	(tag) =	ssettag $0x1  }
0x1: {  	s8 =	rddreg [dreg:$0x0]  }
0x2: {  	s0 =	rddreg [dreg:$0x1];
	_ =	strace $0x8000004A;
	s1 =	stileid.u32  }
0x3: {  	s3 =	srdreg.scid;
	s4 =	simm.s32 $0x1;
	s7 =	simm.s32 $0x1  }
0x4: {  	s9 =	simm.s32 $0x1;
	s10 =	simm.s32 $0x3;
	s13 =	simm.s32 $0x0  }
0x5: {  	s12 =	simm.s32 $0x0;
	s5 =	sand.u32 $0x1, s3;
	s6 =	sshll.u32 s1, $0x1  }
0x6: {  	s2 =	sadd.s32 $0xF000, s8;
	s3 =	sadd.s32 $0x14000, s8;
	s5 =	sor.u32 s6, s5  }
.Ltmp0:
0x7: {  	[sflag:s4] =	ssyncpa.u1 $0x0;
	p0 =	slt.u32 s5, $0x9;
	(pc) =	sbr.rel .LBB2_1-.Ltmp0, $4  }
0x8: {  	s6 =	simm.s32 $0x2;
	s7 =	simm.s32 @!p0 $0x0;
	p0 =	sne.s32 s5, $0x8  }
0x9: {  	[sflag:s6] =	ssyncpa.u1 $0x0;
	s5 =	smul.u32 $0xFA0, s5;
	s9 =	simm.s32 @!p0 $0x0  }
0xa: {  	s8 =	sadd.s32 $0x19000, s8;
	[sflag:s10] =	ssyncpa.u1 $0x0;
	s7 =	sadd.s32 s9, s7  }
0xb: {  	vm0 =	vmmov $0xffff;
	s10 =	simm.s32 $0x0;
	s11 =	smov.u32 s5;
	s9 =	sadd.s32 $0x1, s7  }
.LBB2_4:
0xc: {  	v2 =	vnsel vm1, $0x0, v2  }
0xd: {  	vm1 =	vgt.s32 v0, $0x0;
	v2 =	vmin.u32 v2, $0x270FF  }
0xe: {  	v0 =	vnsel vm1, $0x0, v0  }
0xf: {  	v0 =	vmin.u32 v0, $0x270FF  }
0x10: {  	[tilespmem:s18], [sflag:$0x1] =	stream.indirect_vreg.gather [hbm4b:s2+s10], $0x1, v1, vm0, $0x4038;
	[tilespmem:$0x3E80] =	vst v63  }
0x11: {  	(ifvalue) =	ssetifvalue $0x7FFFFFFF  }
0x12: {  	[tilespmem:s15], [sflag:$0x1] =	stream.indirect_vreg.gather [hbm4b:s2+s10], $0x1, v2, vm0, $0x4038;
	[tilespmem:$0x3E80] =	vst v63  }
0x13: {  	s29 =	sadd.s32 $0x10, s15;
	(ifvalue) =	ssetifvalue $0x7FFFFFFF  }
0x14: {  	[tilespmem:s29], [sflag:$0x1] =	stream.indirect_vreg.gather [hbm4b:s2+s10], $0x1, v0, vm0, $0x4038;
	[tilespmem:$0x3E80] =	vst v63  }
0x15: {  	_ =	swait.ge [sflag:s4], $0xFA0  }
0x16: {  	s30 =	sshrl.u32 s13, $0x3;
	[sflag:s4] =	ssyncset.done $0x0  }
0x17: {  	s31 =	sand.u32 $0x7, s13;
	s15 =	sadd.s32 s8, s30;
	[sflag:s4] =	ssyncadd.s32 $0xFFFFF060  }
0x18: {  	[hbm4b:s15+s31] =	stream.linear.scatter [tilespmem:s14], [sflag:$0x3], $0xFA0, $0x38;
	[tilespmem:$0x3E80] =	vst v63  }
.LBB2_5:
0x19: {  	s15 =	sadd.s32 $0x1F400, s11  }
0x1a: {  	p1 =	sgt.s32 s15, $0x270FF  }
0x1b: {  	s15 =	smov.u32 @p1 s5;
	p1 =	sne.s32 s12, s9  }
.Ltmp1:
0x1c: {  	p0 =	slt.u32 s12, $0x2;
	(pc) =	sbr.rel @!p1 .LBB2_6-.Ltmp1, $4  }
0x1d: {  	s14 =	simm.s32 @!p0 $0x3  }
0x1e: {  	_ =	swait.ge @!p0 [sflag:s14], $0xFA0  }
0x1f: {  	s16 =	sadd.s32 $0x1, s12;
	s13 =	smov.u32 s11;
	[sflag:s14] =	ssyncset.done @!p0 $0x0  }
0x20: {  	s12 =	smov.u32 s16;
	s11 =	smov.u32 s15;
	[sflag:s14] =	ssyncadd.s32 @!p0 $0xFFFFF060  }
.LBB2_1:
0x21: {  	p0 =	sge.u32 s12, s7  }
0x22: {  	s14 =	sxor.u32 @!p0 $0x1, s12  }
0x23: {  	s14 =	smul.u32 @!p0 $0x3E80, s14  }
0x24: {  	s31 =	sadd.s32 $0xFFFFFFFF, s12;
	s15 =	sshrl.u32 @!p0 s11, $0x3  }
0x25: {  	s16 =	sand.u32 @!p0 $0x7, s11;
	s15 =	sadd.s32 @!p0 s3, s15;
	s14 =	sshra.s32 @!p0 s14, $0x2  }
0x26: {  	[tilespmem:s14], [sflag:$0x2] =	stream.linear.gather @!p0 [hbm4b:s15+s16], $0xFA0, $0x38;
	[tilespmem:$0x3E80] =	vst v63  }
0x27: {  	p0 =	sge.u32 s31, s7  }
.Ltmp2:
0x28: {  	_ = 	snop;
	(pc) =	sbr.rel @p0 .LBB2_5-.Ltmp2, $1  }
0x29: {  	_ =	sdelay $0x3  }
0x2a: {  	s14 =	sand.u32 $0x1, s12  }
0x2b: {  	_ =	swait.ge [sflag:s6], $0xFA0;
	p0 =	seq.s32 s14, $0x1;
	s14 =	simm.s32 $0xFA0  }
0x2c: {  	[sflag:s6] =	ssyncset.done $0x0;
	s14 =	simm.s32 @!p0 $0x0  }
0x2d: {  	[sflag:s6] =	ssyncadd.s32 $0xFFFFF060;
	(ifvalue) =	ssetifvalue $0x7FFFFFFF;
	v0 =	vld.msk [tilespmem:s14+$0x0 ss:$0x1], $0xffff;
	_ =	sdelay $0x4  }
0x2e: {  	s15 =	sadd.s32 $0x10, s14;
	vm1 =	vgt.s32 v0, $0x0  }
0x2f: {  	v2 =	vld.msk [tilespmem:s15+$0x0 ss:$0x1], $0xffff;
	v1 =	vnsel vm1, $0x0, v0  }
0x30: {  	v1 =	vmin.u32 v1, $0x270FF;
	_ =	sdelay $0x2  }
0x31: {  	s17 =	simm.s32 $0x20;
	s14 =	sadd.s32 $0x1F40, s14;
	s16 =	sadd.s32 $0x10, s15  }
0x32: {  	s15 =	sadd.s32 $0x10, s14;
	s18 =	smov.u32 s14;
	v0 =	vld.msk [tilespmem:s16+$0x0 ss:$0x1], $0xffff;
	vm1 =	vgt.s32 v2, $0x0;
	(ifvalue) =	ssetifvalue $0x7FFFFFFF  }
.LBB2_3:
0x33: {  	[tilespmem:s18], [sflag:$0x1] =	stream.indirect_vreg.gather [hbm4b:s2+s10], $0x1, v1, vm0, $0x4038;
	[tilespmem:$0x3E80] =	vst v63  }
0x34: {  	s17 =	sadd.s32 $0x10, s17  }
0x35: {  	v2 =	vnsel vm1, $0x0, v2;
	p0 =	slt.u32 s17, $0xF90  }
.Ltmp3:
0x36: {  	s18 =	smov.u32 s15;
	v1 =	vmin.u32 v2, $0x270FF;
	(pc) =	sbr.rel @p0 .LBB2_3-.Ltmp3, $3  }
0x37: {  	_ =	sdelay $0x1  }
0x38: {  	s16 =	sadd.s32 $0x10, s16  }
0x39: {  	vm1 =	vgt.s32 v0, $0x0;
	s15 =	sadd.s32 $0x10, s15;
	v2 =	vmov v0;
	(ifvalue) =	ssetifvalue $0x7FFFFFFF;
	v0 =	vld.msk [tilespmem:s16+$0x0 ss:$0x1], $0xffff  }
.Ltmp4:
0x3a: {  	_ = 	snop;
	(pc) =	sbr.rel .LBB2_4-.Ltmp4, $1  }
0x3b: {  	_ =	sdelay $0x3  }
.LBB2_6:
0x3c: {  	_ =	sfence.sel $0x180000  }
0x3d: {  	s2 =	simm.s32 $0x2;
	[bflag:$0x0] =	sbarrier.arrive $0xFFFF  }
0x3e: {  	s30 =	simm.s32 $0x3;
	[sflag:s2] =	ssyncpa.u1 $0x1  }
0x3f: {  	s31 =	simm.s32 $0x1;
	[sflag:s30] =	ssyncpa.u1 $0x1  }
0x40: {  	[sflag:s31] =	ssyncpa.u1 $0x1  }
0x41: {  	p0 =	sne.s32 s1, $0x0;
	_ =	strace $0x9000004A  }
0x42: {  	s0 =	sadd.s32 @!p0 $0x100000, s0;
	[bflag:$0x2] =	sbarrier.arrive $0xFFFF  }
0x43: {  	[sflag:s0] =	ssyncadd.tile.s32 @!p0 $0x1;
	_ =	shalt  }
.Lfunc_end2:
_tile_overlayer_lowered:
.L_overlay_start_2:
0x44: {  	(tag) =	ssettag $0x2  }
0x45: {  	s0 =	rddreg [dreg:$0x0];
	s2 =	stileid.u32  }
0x46: {  	s1 =	rddreg [dreg:$0x1];
	p0 =	sne.s32 s2, $0x0  }
0x47: {  	s3 =	rddreg [dreg:$0x2];
	[bflag:$0x3] =	sbarrier.arrive $0xFFFF;
	s2 =	simm.s32 @!p0 $0x1C01  }
0x48: {  	[timem:s3], [sflag:s2] =	dma.local @!p0 [hbm:s0], s1  }
0x49: {  	s0 =	simm.s32 @!p0 $0x1  }
0x4a: {  	_ =	swait.ge @!p0 [sflag:s0], s1  }
0x4b: {  	s1 =	ssub.s32 @!p0 $0x0, s1;
	[sflag:s0] =	ssyncset.done @!p0 $0x0  }
0x4c: {  	[sflag:s0] =	ssyncadd.s32 @!p0 s1  }
0x4d: {  	[bflag:$0x3] =	sbarrier.arrive $0xFFFF  }
0x4e: {  	_ =	shalt  }

// kernel: gather_offload_async_start.3
scs
__scs_entry_jumppad:
0x0: {  	(pc) =	sbr.rel $0x88, $3  }
0x1: {  	(tag) =	ssettag $0x0;
	lr =	simm.s32 $0x1  }
0x2: {  	[smem:$0x3F88] =	sst lr;
	_ =	strace $0xD0000000  }
0x3: {  	_ = 	snop  }
0x4: {  	_ = 	snop  }
0x5: {  	_ = 	snop  }
0x6: {  	_ = 	snop  }
0x7: {  	_ = 	snop  }
__scs_overlays_trampoline_lowered:
0x8: {  	[smem:$0x3F97] =	sst s0  }
0x9: {  	[smem:$0x3F98] =	sst s1  }
0xa: {  	[smem:$0x3F99] =	sst s2  }
0xb: {  	[smem:$0x3F9A] =	sst s3  }
0xc: {  	[smem:$0x3F9B] =	sst s4  }
0xd: {  	[smem:$0x3F9C] =	sst s5  }
0xe: {  	[smem:$0x3F9D] =	sst s6  }
0xf: {  	[smem:$0x3F9E] =	sst s7  }
0x10: {  	[smem:$0x3F9F] =	sst s8  }
0x11: {  	[smem:$0x3FA0] =	sst s9;
	s0 =	simm.s32 @!p0 $0x0  }
0x12: {  	s1 =	sld [smem:$0x3F86];
	s0 =	simm.s32 @p0 $0x1  }
0x13: {  	[smem:$0x3FA1] =	sst s0;
	s0 =	simm.s32 @!p1 $0x0  }
0x14: {  	s2 =	sld [smem:$0x3F85];
	s0 =	simm.s32 @p1 $0x1  }
0x15: {  	[smem:$0x3FA2] =	sst s0;
	s0 =	simm.s32 @!p2 $0x0  }
0x16: {  	s3 =	sld [smem:$0x3FDB];
	s0 =	simm.s32 @p2 $0x1  }
0x17: {  	s4 =	simm.s32 $0x1BF5;
	[smem:$0x3FA4] =	sst s0  }
0x18: {  	s0 =	sld [smem:$0x3F87];
	_ =	swait.ge [sflag:s4], $0x0  }
0x19: {  	s7 =	sld [smem:$0x3F88]  }
0x1a: {  	s8 =	sadd.s32 $0xFFFFE003, lr  }
0x1b: {  	s9 =	sadd.s32 $0xFFFFFEF7, lr;
	s5 =	simm.s32 $0xFFFFFFFF;
	p2 =	slt.u32 s8, $0xFFFFF086  }
0x1c: {  	p1 =	slt.u32 s9, $0xF7A;
	s5 =	simm.s32 @!p2 $0x0  }
0x1d: {  	s5 =	simm.s32 @p1 $0x1;
	p0 =	seq.s32 s7, s2  }
0x1e: {  	s7 =	smul.u32 @!p0 $0xF7A, s2;
	p2 =	seq.s32 @!p0 s5, $0x0  }
0x1f: {  	s9 =	smul.u32 $0xF7A, s1;
	s8 =	simm.s32 @!p0 $0x1BF5;
	p2 =	por !p2, p0  }
0x20: {  	[sflag:s8] =	ssyncset.s32 @!p0 $0xFFFFF086;
	s6 =	sadd.s32 @!p0 s3, s7;
	s7 =	simm.s32 @!p0 $0x108  }
0x21: {  	s3 =	sadd.s32 s3, s9;
	s6 =	sadd.s32 @!p0 $0x88, s6;
	s7 =	simm.s32 @p2 $0x1082  }
0x22: {  	[simem:s7], [sflag:s8] =	dma.local @!p0 [hbm:s6], $0xF7A  }
0x23: {  	s9 =	sor.u32 $0xD0000000, s2;
	s6 =	simm.s32 $0x108;
	_ =	swait.ge @!p0 [sflag:s8], $0x0  }
0x24: {  	s3 =	sadd.s32 $0x88, s3;
	s6 =	simm.s32 @!p1 $0x1082;
	[sflag:s4] =	ssyncset.s32 $0xFFFFF086  }
0x25: {  	[simem:s6], [sflag:s4] =	dma.local [hbm:s3], $0xF7A  }
0x26: {  	[smem:$0x3F88] =	sst s1;
	(tag) =	ssettag s2;
	_ =	strace s9  }
0x27: {  	s1 =	sld [smem:$0x3F98]  }
0x28: {  	s2 =	sld [smem:$0x3F99]  }
0x29: {  	s4 =	sld [smem:$0x3F9B]  }
0x2a: {  	p0 =	seq.s32 s5, $0x0;
	s5 =	sld [smem:$0x3F9C]  }
0x2b: {  	s6 =	sld [smem:$0x3F9D]  }
0x2c: {  	s7 =	sld [smem:$0x3F9E]  }
0x2d: {  	s3 =	simm.s32 $0x108;
	s8 =	sld [smem:$0x3F9F]  }
0x2e: {  	s3 =	simm.s32 @!p0 $0x1082;
	s9 =	sld [smem:$0x3FA0]  }
0x2f: {  	lr =	sadd.s32 s0, s3;
	s0 =	sld [smem:$0x3F97]  }
0x30: {  	s3 =	sld [smem:$0x3F9A]  }
0x31: {  	[smem:$0x3FA3] =	sst s10  }
0x32: {  	s10 =	sld [smem:$0x3FA1];
	_ =	sdelay $0x3  }
0x33: {  	p0 =	seq.s32 s10, $0x1;
	s10 =	sld [smem:$0x3FA3];
	_ =	sdelay $0x3  }
0x34: {  	[smem:$0x3FA3] =	sst s10  }
0x35: {  	s10 =	sld [smem:$0x3FA2];
	_ =	sdelay $0x3  }
0x36: {  	p1 =	seq.s32 s10, $0x1;
	s10 =	sld [smem:$0x3FA3];
	_ =	sdelay $0x3  }
0x37: {  	[smem:$0x3FA3] =	sst s10  }
0x38: {  	s10 =	sld [smem:$0x3FA4]  }
0x39: {  	_ = 	snop;
	(pc) =	sbr.ind lr, $3  }
0x3a: {  	_ = 	snop  }
0x3b: {  	_ = 	snop  }
0x3c: {  	p2 =	seq.s32 s10, $0x1;
	s10 =	sld [smem:$0x3FA3]  }
0x3d: {  	_ =	shalt  }
0x3e: {  	_ =	shalt  }
0x3f: {  	_ =	shalt  }
0x40: {  	_ =	shalt  }
0x41: {  	_ =	shalt  }
0x42: {  	_ =	shalt  }
0x43: {  	_ =	shalt  }
0x44: {  	_ =	shalt  }
0x45: {  	_ =	shalt  }
0x46: {  	_ =	shalt  }
0x47: {  	_ =	shalt  }
0x48: {  	_ =	shalt  }
0x49: {  	_ =	shalt  }
0x4a: {  	_ =	shalt  }
0x4b: {  	_ =	shalt  }
0x4c: {  	_ =	shalt  }
0x4d: {  	_ =	shalt  }
0x4e: {  	_ =	shalt  }
0x4f: {  	_ =	shalt  }
0x50: {  	_ =	shalt  }
0x51: {  	_ =	shalt  }
0x52: {  	_ =	shalt  }
0x53: {  	_ =	shalt  }
0x54: {  	_ =	shalt  }
0x55: {  	_ =	shalt  }
0x56: {  	_ =	shalt  }
0x57: {  	_ =	shalt  }
0x58: {  	_ =	shalt  }
0x59: {  	_ =	shalt  }
0x5a: {  	_ =	shalt  }
0x5b: {  	_ =	shalt  }
0x5c: {  	_ =	shalt  }
0x5d: {  	_ =	shalt  }
0x5e: {  	_ =	shalt  }
0x5f: {  	_ =	shalt  }
0x60: {  	_ =	shalt  }
0x61: {  	_ =	shalt  }
0x62: {  	_ =	shalt  }
0x63: {  	_ =	shalt  }
0x64: {  	_ =	shalt  }
0x65: {  	_ =	shalt  }
0x66: {  	_ =	shalt  }
0x67: {  	_ =	shalt  }
0x68: {  	_ =	shalt  }
0x69: {  	_ =	shalt  }
0x6a: {  	_ =	shalt  }
0x6b: {  	_ =	shalt  }
0x6c: {  	_ =	shalt  }
0x6d: {  	_ =	shalt  }
0x6e: {  	_ =	shalt  }
0x6f: {  	_ =	shalt  }
0x70: {  	_ =	shalt  }
0x71: {  	_ =	shalt  }
0x72: {  	_ =	shalt  }
0x73: {  	_ =	shalt  }
0x74: {  	_ =	shalt  }
0x75: {  	_ =	shalt  }
0x76: {  	_ =	shalt  }
0x77: {  	_ =	shalt  }
0x78: {  	_ =	shalt  }
0x79: {  	_ =	shalt  }
0x7a: {  	_ =	shalt  }
0x7b: {  	_ =	shalt  }
0x7c: {  	_ =	shalt  }
0x7d: {  	_ =	shalt  }
0x7e: {  	_ =	shalt  }
0x7f: {  	_ =	shalt  }
0x80: {  	_ =	shalt  }
0x81: {  	_ =	shalt  }
0x82: {  	_ =	shalt  }
0x83: {  	_ =	shalt  }
0x84: {  	_ =	shalt  }
0x85: {  	_ =	shalt  }
0x86: {  	_ =	shalt  }
0x87: {  	_ =	shalt  }
.Lfunc_end0:
.L_simem_size_0:
called_computation.4_lowered:
.L_overlay_start_0:
0x88: {  	s2 =	sld [smem:$0x3FD9]  }
0x89: {  	s3 =	sld [smem:$0x3FFE];
	_ =	sdelay $0x1  }
0x8a: {  	s1 =	srdreg.scid  }
0x8b: {  	s0 =	sand.u32 $0x1, s1  }
0x8c: {  	s16 =	sshll.u32 s0, $0xA;
	s2 =	sadd.s32 s3, s2  }
0x8d: {  	s2 =	sadd.s32 s2, s16  }
0x8e: {  	[smem:$0x3FAF] =	sst s2  }
0x8f: {  	_ = 	snop  }
0x90: {  	(tm) =	ssettm $0x1  }
0x91: {  	s17 =	sld [smem:$0x3FFB];
	_ =	sdelay $0x3  }
0x92: {  	_ =	strace s17  }
0x93: {  	s2 =	sld [smem:$0x3FFC];
	_ =	sdelay $0x3  }
0x94: {  	_ =	strace s2  }
0x95: {  	s2 =	sld [smem:$0x3FFD];
	_ =	sdelay $0x3  }
0x96: {  	_ =	strace s2  }
0x97: {  	_ =	strace $0x8FFFFFFF  }
0x98: {  	s18 =	sld [smem:$0x3FDB];
	_ =	sdelay $0x1  }
0x99: {  	s19 =	simm.s32 $_scs_section_size  }
0x9a: {  	s4 =	simm.s32 $_size__tile_overlayer_lowered;
	s5 =	simm.s32 $_tile_overlayer_lowered  }
0x9b: {  	s22 =	simm.s32 $0x1BFF;
	s21 =	sshll.u32 s5, $0x1;
	s2 =	sadd.s32 s19, s18  }
0x9c: {  	s6 =	simm.s32 $0x0;
	s20 =	sshll.u32 s4, $0x1;
	s4 =	sadd.s32 s21, s2  }
0x9d: {  	[timem:s6], [sflag:s22] =	dma.local [hbm:s4], s20  }
0x9e: {  	_ =	swait.ge [sflag:s22], s20  }
0x9f: {  	s3 =	ssub.s32 $0x0, s20;
	[sflag:s22] =	ssyncset.done $0x0  }
0xa0: {  	[sflag:s22] =	ssyncadd.s32 s3;
	_ =	sdelay $0x1  }
0xa1: {  	s23 =	simm.s32 $0x1B8B  }
0xa2: {  	_ =	swait.ge [sflag:s23], $0x1  }
0xa3: {  	[sflag:s23] =	ssyncset.done $0x0  }
0xa4: {  	s25 =	simm.s32 $0x1B8E;
	s24 =	sld [smem:$0x3FFE];
	[sflag:s23] =	ssyncadd.s32 $0xFFFFFFFF  }
0xa5: {  	s26 =	simm.s32 $execute0_lowered;
	[smem:$0x3FD2] =	sst s25  }
0xa6: {  	s4 =	sshll.u32 s26, $0x1;
	_ =	strace $0x80000058;
	[dreg:$0x1] =	wrdreg $0xFFFFFFFF  }
0xa7: {  	s28 =	simm.s32 $_size_execute0_lowered;
	s2 =	sadd.s32 s2, s4;
	[dreg:$0x0] =	wrdreg $0x0  }
0xa8: {  	s4 =	sshll.u32 s28, $0x1;
	[dreg:$0x2] =	wrdreg s2  }
0xa9: {  	[dreg:$0x3] =	wrdreg s4  }
0xaa: {  	[dreg:$0x4] =	wrdreg $0xC0  }
0xab: {  	_ =	task [dreg:s6], $0x5FFFF  }
0xac: {  	[dreg:$0x1] =	wrdreg $0xFFFFFFFF  }
0xad: {  	[dreg:$0x0] =	wrdreg $0x60  }
0xae: {  	[dreg:$0x2] =	wrdreg s24  }
0xaf: {  	[dreg:$0x3] =	wrdreg $0x9  }
0xb0: {  	_ =	task.clear_ibuf [dreg:s6], $0x4FFFF;
	_ =	strace $0x90000058  }
0xb1: {  	s29 =	simm.s32 $0x9;
	_ =	strace $0x8000005A  }
0xb2: {  	_ =	swait.ge [sflag:s29], $0x1  }
0xb3: {  	[sflag:s29] =	ssyncadd.s32 $0xFFFFFFFF  }
0xb4: {  	_ =	strace $0x9000005A  }
0xb5: {  	_ =	sfence  }
0xb6: {  	s30 =	sld [smem:$0x0];
	_ =	sdelay $0x2  }
0xb7: {  	s31 =	sshll.u32 s1, $0xD;
	s1 =	sshrl.u32 s1, $0x2  }
0xb8: {  	s3 =	sand.u32 $0x4000, s31;
	s1 =	sadd.s32 s1, s30  }
0xb9: {  	s0 =	sor.u32 s3, s0;
	s1 =	sshll.u32 s1, $0x11  }
0xba: {  	s0 =	sor.u32 s1, s0  }
0xbb: {  	s0 =	sadd.s32 $0x8F2B, s0  }
0xbc: {  	[sflag:s0] =	ssyncadd.remote.s32 $0x1  }
0xbd: {  	_ =	sfence.sel $0xFFFF  }
0xbe: {  	[dreg:$0x0] =	wrdreg $0xFFFFFFFF;
	(pc) =	sbr.abs _section_cstart, $3  }
0xbf: {  	[dreg:$0x1] =	wrdreg $0xFFFFFFFF  }
0xc0: {  	_ =	task.clear_ibuf [dreg:s6], $0x2FFFF;
	_ =	strace $0x9FFFFFFF  }
0xc1: {  	(tm) =	ssettm $0x7FFFFFFF  }
tec
execute0_lowered:
.L_overlay_start_1:
0x0: {  	(tag) =	ssettag $0x1  }
0x1: {  	s0 =	stileid.u32  }
0x2: {  	s1 =	srdreg.scid;
	s2 =	rddreg [dreg:$0x0]  }
0x3: {  	s5 =	simm.s32 $0x1;
	s8 =	simm.s32 $0x1;
	s9 =	simm.s32 $0x3  }
0x4: {  	s10 =	simm.s32 $0x0;
	s3 =	sand.u32 $0x1, s1;
	s4 =	sshll.u32 s0, $0x1  }
0x5: {  	s13 =	simm.s32 $0x0;
	s12 =	simm.s32 $0x0;
	s6 =	sor.u32 s4, s3  }
0x6: {  	s1 =	rddreg [dreg:$0x1];
	_ =	strace $0x80000059;
	s4 =	smul.u32 $0xA0, s6  }
0x7: {  	s3 =	sadd.s32 $0x6C00, s2;
	p0 =	slt.u32 s6, $0x13;
	s6 =	simm.s32 $0x1400  }
.Ltmp0:
0x8: {  	s6 =	simm.s32 @!p0 $0x0;
	s7 =	ssub.s32 $0x1F40, s4;
	(pc) =	sbr.rel .LBB2_1-.Ltmp0, $4  }
0x9: {  	s8 =	simm.s32 @!p0 $0x0;
	p0 =	sne.s32 s7, s6;
	s7 =	simm.s32 $0x1  }
0xa: {  	[sflag:s5] =	ssyncpa.u1 $0x0;
	s6 =	simm.s32 $0x2;
	s7 =	simm.s32 @!p0 $0x0  }
0xb: {  	s11 =	smov.u32 s4;
	[sflag:s6] =	ssyncpa.u1 $0x0;
	s7 =	sadd.s32 s8, s7  }
0xc: {  	vm0 =	vmmov $0xffff;
	s8 =	sadd.s32 $0x800, s2;
	[sflag:s9] =	ssyncpa.u1 $0x0;
	s9 =	sadd.s32 $0x1, s7  }
.LBB2_4:
0xd: {  	vm1 =	veq.s32 v0, $0x80000000;
	v63 =	vand.u32 $0x3F, v0;
	v2 =	vand.u32 $0xFF, v2  }
0xe: {  	v0 =	vsel vm1, $0xFFFFFFFF, v63;
	v2 =	vsel vm1, $0xFFFFFFFF, v2  }
0xf: {  	v3 =	vshll.u32 v0, $0x8;
	v4 =	vshll.u32 v2, $0x3  }
0x10: {  	v0 =	vshll.u32 v0, $0x7;
	v3 =	vand.u32 $0xFFFFF800, v3;
	v4 =	vand.u32 $0xFFFFFC00, v4  }
0x11: {  	v0 =	vand.u32 $0x380, v0;
	v3 =	vadd.s32 v3, v4  }
0x12: {  	v2 =	vand.u32 $0x7F, v2;
	v0 =	vor.u32 v0, v3  }
0x13: {  	v0 =	vor.u32 v2, v0;
	_ =	sdelay $0x1  }
0x14: {  	(ifvalue) =	ssetifvalue $0x7FFFFFFF;
	s15 =	sadd.s32 $0x10, s15  }
0x15: {  	[tilespmem:s15], [sflag:$0x1] =	stream.indirect_vreg.gather [hbm4b:s2+s10], $0x1, v1, vm0, $0x4038;
	[tilespmem:$0x280] =	vst v63  }
0x16: {  	(ifvalue) =	ssetifvalue $0x7FFFFFFF;
	s15 =	sadd.s32 $0x10, s15  }
0x17: {  	[tilespmem:s15], [sflag:$0x1] =	stream.indirect_vreg.gather [hbm4b:s2+s10], $0x1, v0, vm0, $0x4038;
	[tilespmem:$0x280] =	vst v63  }
0x18: {  	_ =	swait.ge [sflag:s5], $0xA0  }
0x19: {  	s30 =	sshrl.u32 s13, $0x3;
	[sflag:s5] =	ssyncset.done $0x0  }
0x1a: {  	s31 =	sand.u32 $0x7, s13;
	s15 =	sadd.s32 s8, s30;
	[sflag:s5] =	ssyncadd.s32 $0xFFFFFF60  }
0x1b: {  	[hbm4b:s15+s31] =	stream.linear.scatter [tilespmem:s14], [sflag:$0x3], $0xA0, $0x38;
	[tilespmem:$0x280] =	vst v63  }
.LBB2_5:
0x1c: {  	s15 =	sadd.s32 $0x1400, s11  }
0x1d: {  	p1 =	sgt.s32 s15, $0x1F3F  }
0x1e: {  	s15 =	smov.u32 @p1 s4;
	p1 =	sne.s32 s12, s9  }
.Ltmp1:
0x1f: {  	p0 =	slt.u32 s12, $0x2;
	(pc) =	sbr.rel @!p1 .LBB2_6-.Ltmp1, $4  }
0x20: {  	s14 =	simm.s32 @!p0 $0x3  }
0x21: {  	_ =	swait.ge @!p0 [sflag:s14], $0xA0  }
0x22: {  	s16 =	sadd.s32 $0x1, s12;
	s13 =	smov.u32 s11;
	[sflag:s14] =	ssyncset.done @!p0 $0x0  }
0x23: {  	s12 =	smov.u32 s16;
	s11 =	smov.u32 s15;
	[sflag:s14] =	ssyncadd.s32 @!p0 $0xFFFFFF60  }
.LBB2_1:
0x24: {  	p0 =	sge.u32 s12, s7  }
0x25: {  	s14 =	sxor.u32 @!p0 $0x1, s12  }
0x26: {  	s14 =	smul.u32 @!p0 $0x280, s14  }
0x27: {  	s31 =	sadd.s32 $0xFFFFFFFF, s12;
	s15 =	sshrl.u32 @!p0 s11, $0x3  }
0x28: {  	s16 =	sand.u32 @!p0 $0x7, s11;
	s15 =	sadd.s32 @!p0 s3, s15;
	s14 =	sshra.s32 @!p0 s14, $0x2  }
0x29: {  	[tilespmem:s14], [sflag:$0x2] =	stream.linear.gather @!p0 [hbm4b:s15+s16], $0xA0, $0x38;
	[tilespmem:$0x280] =	vst v63  }
0x2a: {  	p0 =	sge.u32 s31, s7  }
.Ltmp2:
0x2b: {  	_ = 	snop;
	(pc) =	sbr.rel @p0 .LBB2_5-.Ltmp2, $1  }
0x2c: {  	_ =	sdelay $0x3  }
0x2d: {  	s14 =	sand.u32 $0x1, s12  }
0x2e: {  	_ =	swait.ge [sflag:s6], $0xA0;
	p0 =	seq.s32 s14, $0x1;
	s14 =	simm.s32 $0xA0  }
0x2f: {  	[sflag:s6] =	ssyncset.done $0x0;
	s14 =	simm.s32 @!p0 $0x0  }
0x30: {  	[sflag:s6] =	ssyncadd.s32 $0xFFFFFF60;
	(ifvalue) =	ssetifvalue $0x7FFFFFFF;
	v0 =	vld.msk [tilespmem:s14+$0x0 ss:$0x1], $0xffff;
	_ =	sdelay $0x3  }
0x31: {  	s15 =	sadd.s32 $0x10, s14  }
0x32: {  	v2 =	vld.msk [tilespmem:s15+$0x0 ss:$0x1], $0xffff;
	v1 =	vshrl.u32 v0, $0x6  }
0x33: {  	vm1 =	veq.s32 v0, $0x80000000;
	v0 =	vand.u32 $0x3F, v0;
	v1 =	vand.u32 $0xFF, v1  }
0x34: {  	v0 =	vsel vm1, $0xFFFFFFFF, v0;
	v1 =	vsel vm1, $0xFFFFFFFF, v1  }
0x35: {  	v3 =	vshll.u32 v0, $0x8;
	v4 =	vshll.u32 v1, $0x3  }
0x36: {  	v0 =	vshll.u32 v0, $0x7;
	v3 =	vand.u32 $0xFFFFF800, v3;
	v4 =	vand.u32 $0xFFFFFC00, v4  }
0x37: {  	vm1 =	veq.s32 v2, $0x80000000;
	v0 =	vand.u32 $0x380, v0;
	v3 =	vadd.s32 v3, v4  }
0x38: {  	v1 =	vand.u32 $0x7F, v1;
	v0 =	vor.u32 v0, v3;
	v3 =	vshrl.u32 v2, $0x6  }
0x39: {  	s15 =	sadd.s32 $0x10, s15;
	v2 =	vand.u32 $0x3F, v2;
	v1 =	vor.u32 v1, v0;
	v3 =	vand.u32 $0xFF, v3  }
0x3a: {  	v0 =	vld.msk [tilespmem:s15+$0x0 ss:$0x1], $0xffff;
	v2 =	vsel vm1, $0xFFFFFFFF, v2;
	v3 =	vsel vm1, $0xFFFFFFFF, v3  }
0x3b: {  	v63 =	vshll.u32 v2, $0x8;
	v5 =	vshll.u32 v3, $0x3  }
0x3c: {  	v2 =	vshll.u32 v2, $0x7;
	v4 =	vand.u32 $0xFFFFF800, v63;
	v5 =	vand.u32 $0xFFFFFC00, v5  }
0x3d: {  	s14 =	sor.u32 $0x140, s14;
	(ifvalue) =	ssetifvalue $0x7FFFFFFF;
	v2 =	vand.u32 $0x380, v2;
	v4 =	vadd.s32 v4, v5  }
0x3e: {  	[tilespmem:s14], [sflag:$0x1] =	stream.indirect_vreg.gather [hbm4b:s2+s10], $0x1, v1, vm0, $0x4038;
	v1 =	vand.u32 $0x7F, v3;
	v3 =	vor.u32 v2, v4;
	[tilespmem:$0x280] =	vst v63  }
0x3f: {  	s16 =	simm.s32 $0x20;
	s17 =	sadd.s32 $0x10, s15;
	s15 =	smov.u32 s14;
	v2 =	vshrl.u32 v0, $0x6;
	v1 =	vor.u32 v1, v3  }
.LBB2_3:
0x40: {  	s16 =	sadd.s32 $0x10, s16;
	vm1 =	veq.s32 v0, $0x80000000;
	v3 =	vand.u32 $0x3F, v0;
	v0 =	vld.msk [tilespmem:s17+$0x0 ss:$0x1], $0xffff;
	v2 =	vand.u32 $0xFF, v2  }
0x41: {  	p0 =	slt.u32 s16, $0x90;
	v3 =	vsel vm1, $0xFFFFFFFF, v3;
	v2 =	vsel vm1, $0xFFFFFFFF, v2  }
.Ltmp3:
0x42: {  	v4 =	vshll.u32 v3, $0x8;
	v5 =	vshll.u32 v2, $0x3;
	(pc) =	sbr.rel @p0 .LBB2_3-.Ltmp3, $4  }
0x43: {  	s15 =	sadd.s32 $0x10, s15;
	v3 =	vshll.u32 v3, $0x7;
	v4 =	vand.u32 $0xFFFFF800, v4;
	v5 =	vand.u32 $0xFFFFFC00, v5;
	(ifvalue) =	ssetifvalue $0x7FFFFFFF  }
0x44: {  	v3 =	vand.u32 $0x380, v3;
	v4 =	vadd.s32 v4, v5;
	[tilespmem:s15], [sflag:$0x1] =	stream.indirect_vreg.gather [hbm4b:s2+s10], $0x1, v1, vm0, $0x4038;
	[tilespmem:$0x280] =	vst v63  }
0x45: {  	v1 =	vand.u32 $0x7F, v2;
	v3 =	vor.u32 v3, v4  }
0x46: {  	s17 =	sadd.s32 $0x10, s17;
	v2 =	vshrl.u32 v0, $0x6;
	v1 =	vor.u32 v1, v3  }
.Ltmp4:
0x47: {  	_ = 	snop;
	(pc) =	sbr.rel .LBB2_4-.Ltmp4, $1  }
0x48: {  	_ =	sdelay $0x3  }
.LBB2_6:
0x49: {  	_ =	sfence.sel $0x180000  }
0x4a: {  	s2 =	simm.s32 $0x2;
	[bflag:$0x0] =	sbarrier.arrive $0xFFFF  }
0x4b: {  	s30 =	simm.s32 $0x3;
	[sflag:s2] =	ssyncpa.u1 $0x1  }
0x4c: {  	s31 =	simm.s32 $0x1;
	[sflag:s30] =	ssyncpa.u1 $0x1  }
0x4d: {  	[sflag:s31] =	ssyncpa.u1 $0x1  }
0x4e: {  	p0 =	sne.s32 s0, $0x0;
	_ =	strace $0x90000059  }
0x4f: {  	s0 =	sadd.s32 @!p0 $0x100000, s1;
	[bflag:$0x2] =	sbarrier.arrive $0xFFFF  }
0x50: {  	[sflag:s0] =	ssyncadd.tile.s32 @!p0 $0x1;
	_ =	shalt  }
.Lfunc_end2:
_tile_overlayer_lowered:
.L_overlay_start_2:
0x51: {  	(tag) =	ssettag $0x2  }
0x52: {  	s0 =	rddreg [dreg:$0x0];
	s2 =	stileid.u32  }
0x53: {  	s1 =	rddreg [dreg:$0x1];
	p0 =	sne.s32 s2, $0x0  }
0x54: {  	s3 =	rddreg [dreg:$0x2];
	[bflag:$0x3] =	sbarrier.arrive $0xFFFF;
	s2 =	simm.s32 @!p0 $0x1C01  }
0x55: {  	[timem:s3], [sflag:s2] =	dma.local @!p0 [hbm:s0], s1  }
0x56: {  	s0 =	simm.s32 @!p0 $0x1  }
0x57: {  	_ =	swait.ge @!p0 [sflag:s0], s1  }
0x58: {  	s1 =	ssub.s32 @!p0 $0x0, s1;
	[sflag:s0] =	ssyncset.done @!p0 $0x0  }
0x59: {  	[sflag:s0] =	ssyncadd.s32 @!p0 s1  }
0x5a: {  	[bflag:$0x3] =	sbarrier.arrive $0xFFFF  }
0x5b: {  	_ =	shalt  }

// kernel: gather_offload_async_start.4
scs
__scs_entry_jumppad:
0x0: {  	(pc) =	sbr.rel $0x88, $3  }
0x1: {  	(tag) =	ssettag $0x0;
	lr =	simm.s32 $0x1  }
0x2: {  	[smem:$0x3F88] =	sst lr;
	_ =	strace $0xD0000000  }
0x3: {  	_ = 	snop  }
0x4: {  	_ = 	snop  }
0x5: {  	_ = 	snop  }
0x6: {  	_ = 	snop  }
0x7: {  	_ = 	snop  }
__scs_overlays_trampoline_lowered:
0x8: {  	[smem:$0x3F97] =	sst s0  }
0x9: {  	[smem:$0x3F98] =	sst s1  }
0xa: {  	[smem:$0x3F99] =	sst s2  }
0xb: {  	[smem:$0x3F9A] =	sst s3  }
0xc: {  	[smem:$0x3F9B] =	sst s4  }
0xd: {  	[smem:$0x3F9C] =	sst s5  }
0xe: {  	[smem:$0x3F9D] =	sst s6  }
0xf: {  	[smem:$0x3F9E] =	sst s7  }
0x10: {  	[smem:$0x3F9F] =	sst s8  }
0x11: {  	[smem:$0x3FA0] =	sst s9;
	s0 =	simm.s32 @!p0 $0x0  }
0x12: {  	s1 =	sld [smem:$0x3F86];
	s0 =	simm.s32 @p0 $0x1  }
0x13: {  	[smem:$0x3FA1] =	sst s0;
	s0 =	simm.s32 @!p1 $0x0  }
0x14: {  	s2 =	sld [smem:$0x3F85];
	s0 =	simm.s32 @p1 $0x1  }
0x15: {  	[smem:$0x3FA2] =	sst s0;
	s0 =	simm.s32 @!p2 $0x0  }
0x16: {  	s3 =	sld [smem:$0x3FDB];
	s0 =	simm.s32 @p2 $0x1  }
0x17: {  	s4 =	simm.s32 $0x1BF5;
	[smem:$0x3FA4] =	sst s0  }
0x18: {  	s0 =	sld [smem:$0x3F87];
	_ =	swait.ge [sflag:s4], $0x0  }
0x19: {  	s7 =	sld [smem:$0x3F88]  }
0x1a: {  	s8 =	sadd.s32 $0xFFFFE003, lr  }
0x1b: {  	s9 =	sadd.s32 $0xFFFFFEF7, lr;
	s5 =	simm.s32 $0xFFFFFFFF;
	p2 =	slt.u32 s8, $0xFFFFF086  }
0x1c: {  	p1 =	slt.u32 s9, $0xF7A;
	s5 =	simm.s32 @!p2 $0x0  }
0x1d: {  	s5 =	simm.s32 @p1 $0x1;
	p0 =	seq.s32 s7, s2  }
0x1e: {  	s7 =	smul.u32 @!p0 $0xF7A, s2;
	p2 =	seq.s32 @!p0 s5, $0x0  }
0x1f: {  	s9 =	smul.u32 $0xF7A, s1;
	s8 =	simm.s32 @!p0 $0x1BF5;
	p2 =	por !p2, p0  }
0x20: {  	[sflag:s8] =	ssyncset.s32 @!p0 $0xFFFFF086;
	s6 =	sadd.s32 @!p0 s3, s7;
	s7 =	simm.s32 @!p0 $0x108  }
0x21: {  	s3 =	sadd.s32 s3, s9;
	s6 =	sadd.s32 @!p0 $0x88, s6;
	s7 =	simm.s32 @p2 $0x1082  }
0x22: {  	[simem:s7], [sflag:s8] =	dma.local @!p0 [hbm:s6], $0xF7A  }
0x23: {  	s9 =	sor.u32 $0xD0000000, s2;
	s6 =	simm.s32 $0x108;
	_ =	swait.ge @!p0 [sflag:s8], $0x0  }
0x24: {  	s3 =	sadd.s32 $0x88, s3;
	s6 =	simm.s32 @!p1 $0x1082;
	[sflag:s4] =	ssyncset.s32 $0xFFFFF086  }
0x25: {  	[simem:s6], [sflag:s4] =	dma.local [hbm:s3], $0xF7A  }
0x26: {  	[smem:$0x3F88] =	sst s1;
	(tag) =	ssettag s2;
	_ =	strace s9  }
0x27: {  	s1 =	sld [smem:$0x3F98]  }
0x28: {  	s2 =	sld [smem:$0x3F99]  }
0x29: {  	s4 =	sld [smem:$0x3F9B]  }
0x2a: {  	p0 =	seq.s32 s5, $0x0;
	s5 =	sld [smem:$0x3F9C]  }
0x2b: {  	s6 =	sld [smem:$0x3F9D]  }
0x2c: {  	s7 =	sld [smem:$0x3F9E]  }
0x2d: {  	s3 =	simm.s32 $0x108;
	s8 =	sld [smem:$0x3F9F]  }
0x2e: {  	s3 =	simm.s32 @!p0 $0x1082;
	s9 =	sld [smem:$0x3FA0]  }
0x2f: {  	lr =	sadd.s32 s0, s3;
	s0 =	sld [smem:$0x3F97]  }
0x30: {  	s3 =	sld [smem:$0x3F9A]  }
0x31: {  	[smem:$0x3FA3] =	sst s10  }
0x32: {  	s10 =	sld [smem:$0x3FA1];
	_ =	sdelay $0x3  }
0x33: {  	p0 =	seq.s32 s10, $0x1;
	s10 =	sld [smem:$0x3FA3];
	_ =	sdelay $0x3  }
0x34: {  	[smem:$0x3FA3] =	sst s10  }
0x35: {  	s10 =	sld [smem:$0x3FA2];
	_ =	sdelay $0x3  }
0x36: {  	p1 =	seq.s32 s10, $0x1;
	s10 =	sld [smem:$0x3FA3];
	_ =	sdelay $0x3  }
0x37: {  	[smem:$0x3FA3] =	sst s10  }
0x38: {  	s10 =	sld [smem:$0x3FA4]  }
0x39: {  	_ = 	snop;
	(pc) =	sbr.ind lr, $3  }
0x3a: {  	_ = 	snop  }
0x3b: {  	_ = 	snop  }
0x3c: {  	p2 =	seq.s32 s10, $0x1;
	s10 =	sld [smem:$0x3FA3]  }
0x3d: {  	_ =	shalt  }
0x3e: {  	_ =	shalt  }
0x3f: {  	_ =	shalt  }
0x40: {  	_ =	shalt  }
0x41: {  	_ =	shalt  }
0x42: {  	_ =	shalt  }
0x43: {  	_ =	shalt  }
0x44: {  	_ =	shalt  }
0x45: {  	_ =	shalt  }
0x46: {  	_ =	shalt  }
0x47: {  	_ =	shalt  }
0x48: {  	_ =	shalt  }
0x49: {  	_ =	shalt  }
0x4a: {  	_ =	shalt  }
0x4b: {  	_ =	shalt  }
0x4c: {  	_ =	shalt  }
0x4d: {  	_ =	shalt  }
0x4e: {  	_ =	shalt  }
0x4f: {  	_ =	shalt  }
0x50: {  	_ =	shalt  }
0x51: {  	_ =	shalt  }
0x52: {  	_ =	shalt  }
0x53: {  	_ =	shalt  }
0x54: {  	_ =	shalt  }
0x55: {  	_ =	shalt  }
0x56: {  	_ =	shalt  }
0x57: {  	_ =	shalt  }
0x58: {  	_ =	shalt  }
0x59: {  	_ =	shalt  }
0x5a: {  	_ =	shalt  }
0x5b: {  	_ =	shalt  }
0x5c: {  	_ =	shalt  }
0x5d: {  	_ =	shalt  }
0x5e: {  	_ =	shalt  }
0x5f: {  	_ =	shalt  }
0x60: {  	_ =	shalt  }
0x61: {  	_ =	shalt  }
0x62: {  	_ =	shalt  }
0x63: {  	_ =	shalt  }
0x64: {  	_ =	shalt  }
0x65: {  	_ =	shalt  }
0x66: {  	_ =	shalt  }
0x67: {  	_ =	shalt  }
0x68: {  	_ =	shalt  }
0x69: {  	_ =	shalt  }
0x6a: {  	_ =	shalt  }
0x6b: {  	_ =	shalt  }
0x6c: {  	_ =	shalt  }
0x6d: {  	_ =	shalt  }
0x6e: {  	_ =	shalt  }
0x6f: {  	_ =	shalt  }
0x70: {  	_ =	shalt  }
0x71: {  	_ =	shalt  }
0x72: {  	_ =	shalt  }
0x73: {  	_ =	shalt  }
0x74: {  	_ =	shalt  }
0x75: {  	_ =	shalt  }
0x76: {  	_ =	shalt  }
0x77: {  	_ =	shalt  }
0x78: {  	_ =	shalt  }
0x79: {  	_ =	shalt  }
0x7a: {  	_ =	shalt  }
0x7b: {  	_ =	shalt  }
0x7c: {  	_ =	shalt  }
0x7d: {  	_ =	shalt  }
0x7e: {  	_ =	shalt  }
0x7f: {  	_ =	shalt  }
0x80: {  	_ =	shalt  }
0x81: {  	_ =	shalt  }
0x82: {  	_ =	shalt  }
0x83: {  	_ =	shalt  }
0x84: {  	_ =	shalt  }
0x85: {  	_ =	shalt  }
0x86: {  	_ =	shalt  }
0x87: {  	_ =	shalt  }
.Lfunc_end0:
.L_simem_size_0:
called_computation.5_lowered:
.L_overlay_start_0:
0x88: {  	s2 =	sld [smem:$0x3FD9]  }
0x89: {  	s3 =	sld [smem:$0x3FFE];
	_ =	sdelay $0x1  }
0x8a: {  	s1 =	srdreg.scid  }
0x8b: {  	s0 =	sand.u32 $0x1, s1  }
0x8c: {  	s16 =	sshll.u32 s0, $0xA;
	s2 =	sadd.s32 s3, s2  }
0x8d: {  	s2 =	sadd.s32 s2, s16  }
0x8e: {  	[smem:$0x3FAF] =	sst s2  }
0x8f: {  	_ = 	snop  }
0x90: {  	(tm) =	ssettm $0x1  }
0x91: {  	s17 =	sld [smem:$0x3FFB];
	_ =	sdelay $0x3  }
0x92: {  	_ =	strace s17  }
0x93: {  	s2 =	sld [smem:$0x3FFC];
	_ =	sdelay $0x3  }
0x94: {  	_ =	strace s2  }
0x95: {  	s2 =	sld [smem:$0x3FFD];
	_ =	sdelay $0x3  }
0x96: {  	_ =	strace s2  }
0x97: {  	_ =	strace $0x8FFFFFFF  }
0x98: {  	s18 =	sld [smem:$0x3FDB];
	_ =	sdelay $0x1  }
0x99: {  	s19 =	simm.s32 $_scs_section_size  }
0x9a: {  	s4 =	simm.s32 $_size__tile_overlayer_lowered;
	s5 =	simm.s32 $_tile_overlayer_lowered  }
0x9b: {  	s22 =	simm.s32 $0x1BFF;
	s21 =	sshll.u32 s5, $0x1;
	s2 =	sadd.s32 s19, s18  }
0x9c: {  	s6 =	simm.s32 $0x0;
	s20 =	sshll.u32 s4, $0x1;
	s4 =	sadd.s32 s21, s2  }
0x9d: {  	[timem:s6], [sflag:s22] =	dma.local [hbm:s4], s20  }
0x9e: {  	_ =	swait.ge [sflag:s22], s20  }
0x9f: {  	s3 =	ssub.s32 $0x0, s20;
	[sflag:s22] =	ssyncset.done $0x0  }
0xa0: {  	[sflag:s22] =	ssyncadd.s32 s3;
	_ =	sdelay $0x1  }
0xa1: {  	s23 =	simm.s32 $0x1B8B  }
0xa2: {  	_ =	swait.ge [sflag:s23], $0x1  }
0xa3: {  	[sflag:s23] =	ssyncset.done $0x0  }
0xa4: {  	s25 =	simm.s32 $0x1B8E;
	s24 =	sld [smem:$0x3FFE];
	[sflag:s23] =	ssyncadd.s32 $0xFFFFFFFF  }
0xa5: {  	s26 =	simm.s32 $execute0_lowered;
	[smem:$0x3FD2] =	sst s25  }
0xa6: {  	s4 =	sshll.u32 s26, $0x1;
	_ =	strace $0x8000005B;
	[dreg:$0x1] =	wrdreg $0xFFFFFFFF  }
0xa7: {  	s28 =	simm.s32 $_size_execute0_lowered;
	s2 =	sadd.s32 s2, s4;
	[dreg:$0x0] =	wrdreg $0x0  }
0xa8: {  	s4 =	sshll.u32 s28, $0x1;
	[dreg:$0x2] =	wrdreg s2  }
0xa9: {  	[dreg:$0x3] =	wrdreg s4  }
0xaa: {  	[dreg:$0x4] =	wrdreg $0xC0  }
0xab: {  	_ =	task [dreg:s6], $0x5FFFF  }
0xac: {  	[dreg:$0x1] =	wrdreg $0xFFFFFFFF  }
0xad: {  	[dreg:$0x0] =	wrdreg $0x60  }
0xae: {  	[dreg:$0x2] =	wrdreg s24  }
0xaf: {  	[dreg:$0x3] =	wrdreg $0x9  }
0xb0: {  	_ =	task.clear_ibuf [dreg:s6], $0x4FFFF;
	_ =	strace $0x9000005B  }
0xb1: {  	s29 =	simm.s32 $0x9;
	_ =	strace $0x8000005D  }
0xb2: {  	_ =	swait.ge [sflag:s29], $0x1  }
0xb3: {  	[sflag:s29] =	ssyncadd.s32 $0xFFFFFFFF  }
0xb4: {  	_ =	strace $0x9000005D  }
0xb5: {  	_ =	sfence  }
0xb6: {  	s30 =	sld [smem:$0x0];
	_ =	sdelay $0x2  }
0xb7: {  	s31 =	sshll.u32 s1, $0xD;
	s1 =	sshrl.u32 s1, $0x2  }
0xb8: {  	s3 =	sand.u32 $0x4000, s31;
	s1 =	sadd.s32 s1, s30  }
0xb9: {  	s0 =	sor.u32 s3, s0;
	s1 =	sshll.u32 s1, $0x11  }
0xba: {  	s0 =	sor.u32 s1, s0  }
0xbb: {  	s0 =	sadd.s32 $0x8F2B, s0  }
0xbc: {  	[sflag:s0] =	ssyncadd.remote.s32 $0x1  }
0xbd: {  	_ =	sfence.sel $0xFFFF  }
0xbe: {  	[dreg:$0x0] =	wrdreg $0xFFFFFFFF;
	(pc) =	sbr.abs _section_cstart, $3  }
0xbf: {  	[dreg:$0x1] =	wrdreg $0xFFFFFFFF  }
0xc0: {  	_ =	task.clear_ibuf [dreg:s6], $0x2FFFF;
	_ =	strace $0x9FFFFFFF  }
0xc1: {  	(tm) =	ssettm $0x7FFFFFFF  }
tec
execute0_lowered:
.L_overlay_start_1:
0x0: {  	(tag) =	ssettag $0x1  }
0x1: {  	s0 =	stileid.u32  }
0x2: {  	s1 =	srdreg.scid;
	s2 =	rddreg [dreg:$0x0]  }
0x3: {  	s5 =	simm.s32 $0x1;
	s8 =	simm.s32 $0x1;
	s9 =	simm.s32 $0x3  }
0x4: {  	s10 =	simm.s32 $0x0;
	s3 =	sand.u32 $0x1, s1;
	s4 =	sshll.u32 s0, $0x1  }
0x5: {  	s13 =	simm.s32 $0x0;
	s12 =	simm.s32 $0x0;
	s6 =	sor.u32 s4, s3  }
0x6: {  	s1 =	rddreg [dreg:$0x1];
	_ =	strace $0x8000005C;
	s4 =	smul.u32 $0xA0, s6  }
0x7: {  	s3 =	sadd.s32 $0x6400, s2;
	p0 =	slt.u32 s6, $0x9;
	s6 =	simm.s32 $0x1400  }
.Ltmp0:
0x8: {  	s6 =	simm.s32 @!p0 $0x0;
	s7 =	ssub.s32 $0x1900, s4;
	(pc) =	sbr.rel .LBB2_1-.Ltmp0, $4  }
0x9: {  	s8 =	simm.s32 @!p0 $0x0;
	p0 =	sne.s32 s7, s6;
	s7 =	simm.s32 $0x1  }
0xa: {  	[sflag:s5] =	ssyncpa.u1 $0x0;
	s6 =	simm.s32 $0x2;
	s7 =	simm.s32 @!p0 $0x0  }
0xb: {  	s11 =	smov.u32 s4;
	[sflag:s6] =	ssyncpa.u1 $0x0;
	s7 =	sadd.s32 s8, s7  }
0xc: {  	vm0 =	vmmov $0xffff;
	s8 =	sadd.s32 $0x400, s2;
	[sflag:s9] =	ssyncpa.u1 $0x0;
	s9 =	sadd.s32 $0x1, s7  }
.LBB2_4:
0xd: {  	vm1 =	veq.s32 v0, $0x80000000;
	v63 =	vand.u32 $0x3F, v0;
	v2 =	vand.u32 $0xFF, v2  }
0xe: {  	v0 =	vsel vm1, $0xFFFFFFFF, v63;
	v2 =	vsel vm1, $0xFFFFFFFF, v2  }
0xf: {  	v3 =	vshll.u32 v0, $0x8;
	v4 =	vshll.u32 v2, $0x3  }
0x10: {  	v0 =	vshll.u32 v0, $0x7;
	v3 =	vand.u32 $0xFFFFF800, v3;
	v4 =	vand.u32 $0xFFFFFC00, v4  }
0x11: {  	v0 =	vand.u32 $0x380, v0;
	v3 =	vadd.s32 v3, v4  }
0x12: {  	v2 =	vand.u32 $0x7F, v2;
	v0 =	vor.u32 v0, v3  }
0x13: {  	v0 =	vor.u32 v2, v0;
	_ =	sdelay $0x1  }
0x14: {  	(ifvalue) =	ssetifvalue $0x7FFFFFFF;
	s15 =	sadd.s32 $0x10, s15  }
0x15: {  	[tilespmem:s15], [sflag:$0x1] =	stream.indirect_vreg.gather [hbm4b:s3+s10], $0x1, v1, vm0, $0x4038;
	[tilespmem:$0x280] =	vst v63  }
0x16: {  	(ifvalue) =	ssetifvalue $0x7FFFFFFF;
	s15 =	sadd.s32 $0x10, s15  }
0x17: {  	[tilespmem:s15], [sflag:$0x1] =	stream.indirect_vreg.gather [hbm4b:s3+s10], $0x1, v0, vm0, $0x4038;
	[tilespmem:$0x280] =	vst v63  }
0x18: {  	_ =	swait.ge [sflag:s5], $0xA0  }
0x19: {  	s30 =	sshrl.u32 s13, $0x3;
	[sflag:s5] =	ssyncset.done $0x0  }
0x1a: {  	s31 =	sand.u32 $0x7, s13;
	s15 =	sadd.s32 s8, s30;
	[sflag:s5] =	ssyncadd.s32 $0xFFFFFF60  }
0x1b: {  	[hbm4b:s15+s31] =	stream.linear.scatter [tilespmem:s14], [sflag:$0x3], $0xA0, $0x38;
	[tilespmem:$0x280] =	vst v63  }
.LBB2_5:
0x1c: {  	s15 =	sadd.s32 $0x1400, s11  }
0x1d: {  	p1 =	sgt.s32 s15, $0x18FF  }
0x1e: {  	s15 =	smov.u32 @p1 s4;
	p1 =	sne.s32 s12, s9  }
.Ltmp1:
0x1f: {  	p0 =	slt.u32 s12, $0x2;
	(pc) =	sbr.rel @!p1 .LBB2_6-.Ltmp1, $4  }
0x20: {  	s14 =	simm.s32 @!p0 $0x3  }
0x21: {  	_ =	swait.ge @!p0 [sflag:s14], $0xA0  }
0x22: {  	s16 =	sadd.s32 $0x1, s12;
	s13 =	smov.u32 s11;
	[sflag:s14] =	ssyncset.done @!p0 $0x0  }
0x23: {  	s12 =	smov.u32 s16;
	s11 =	smov.u32 s15;
	[sflag:s14] =	ssyncadd.s32 @!p0 $0xFFFFFF60  }
.LBB2_1:
0x24: {  	p0 =	sge.u32 s12, s7  }
0x25: {  	s14 =	sxor.u32 @!p0 $0x1, s12  }
0x26: {  	s14 =	smul.u32 @!p0 $0x280, s14  }
0x27: {  	s31 =	sadd.s32 $0xFFFFFFFF, s12;
	s15 =	sshrl.u32 @!p0 s11, $0x3  }
0x28: {  	s16 =	sand.u32 @!p0 $0x7, s11;
	s15 =	sadd.s32 @!p0 s2, s15;
	s14 =	sshra.s32 @!p0 s14, $0x2  }
0x29: {  	[tilespmem:s14], [sflag:$0x2] =	stream.linear.gather @!p0 [hbm4b:s15+s16], $0xA0, $0x38;
	[tilespmem:$0x280] =	vst v63  }
0x2a: {  	p0 =	sge.u32 s31, s7  }
.Ltmp2:
0x2b: {  	_ = 	snop;
	(pc) =	sbr.rel @p0 .LBB2_5-.Ltmp2, $1  }
0x2c: {  	_ =	sdelay $0x3  }
0x2d: {  	s14 =	sand.u32 $0x1, s12  }
0x2e: {  	_ =	swait.ge [sflag:s6], $0xA0;
	p0 =	seq.s32 s14, $0x1;
	s14 =	simm.s32 $0xA0  }
0x2f: {  	[sflag:s6] =	ssyncset.done $0x0;
	s14 =	simm.s32 @!p0 $0x0  }
0x30: {  	[sflag:s6] =	ssyncadd.s32 $0xFFFFFF60;
	(ifvalue) =	ssetifvalue $0x7FFFFFFF;
	v0 =	vld.msk [tilespmem:s14+$0x0 ss:$0x1], $0xffff;
	_ =	sdelay $0x3  }
0x31: {  	s15 =	sadd.s32 $0x10, s14  }
0x32: {  	v2 =	vld.msk [tilespmem:s15+$0x0 ss:$0x1], $0xffff;
	v1 =	vshrl.u32 v0, $0x6  }
0x33: {  	vm1 =	veq.s32 v0, $0x80000000;
	v0 =	vand.u32 $0x3F, v0;
	v1 =	vand.u32 $0xFF, v1  }
0x34: {  	v0 =	vsel vm1, $0xFFFFFFFF, v0;
	v1 =	vsel vm1, $0xFFFFFFFF, v1  }
0x35: {  	v3 =	vshll.u32 v0, $0x8;
	v4 =	vshll.u32 v1, $0x3  }
0x36: {  	v0 =	vshll.u32 v0, $0x7;
	v3 =	vand.u32 $0xFFFFF800, v3;
	v4 =	vand.u32 $0xFFFFFC00, v4  }
0x37: {  	vm1 =	veq.s32 v2, $0x80000000;
	v0 =	vand.u32 $0x380, v0;
	v3 =	vadd.s32 v3, v4  }
0x38: {  	v1 =	vand.u32 $0x7F, v1;
	v0 =	vor.u32 v0, v3;
	v3 =	vshrl.u32 v2, $0x6  }
0x39: {  	s15 =	sadd.s32 $0x10, s15;
	v2 =	vand.u32 $0x3F, v2;
	v1 =	vor.u32 v1, v0;
	v3 =	vand.u32 $0xFF, v3  }
0x3a: {  	v0 =	vld.msk [tilespmem:s15+$0x0 ss:$0x1], $0xffff;
	v2 =	vsel vm1, $0xFFFFFFFF, v2;
	v3 =	vsel vm1, $0xFFFFFFFF, v3  }
0x3b: {  	v63 =	vshll.u32 v2, $0x8;
	v5 =	vshll.u32 v3, $0x3  }
0x3c: {  	v2 =	vshll.u32 v2, $0x7;
	v4 =	vand.u32 $0xFFFFF800, v63;
	v5 =	vand.u32 $0xFFFFFC00, v5  }
0x3d: {  	s14 =	sor.u32 $0x140, s14;
	(ifvalue) =	ssetifvalue $0x7FFFFFFF;
	v2 =	vand.u32 $0x380, v2;
	v4 =	vadd.s32 v4, v5  }
0x3e: {  	[tilespmem:s14], [sflag:$0x1] =	stream.indirect_vreg.gather [hbm4b:s3+s10], $0x1, v1, vm0, $0x4038;
	v1 =	vand.u32 $0x7F, v3;
	v3 =	vor.u32 v2, v4;
	[tilespmem:$0x280] =	vst v63  }
0x3f: {  	s16 =	simm.s32 $0x20;
	s17 =	sadd.s32 $0x10, s15;
	s15 =	smov.u32 s14;
	v2 =	vshrl.u32 v0, $0x6;
	v1 =	vor.u32 v1, v3  }
.LBB2_3:
0x40: {  	s16 =	sadd.s32 $0x10, s16;
	vm1 =	veq.s32 v0, $0x80000000;
	v3 =	vand.u32 $0x3F, v0;
	v0 =	vld.msk [tilespmem:s17+$0x0 ss:$0x1], $0xffff;
	v2 =	vand.u32 $0xFF, v2  }
0x41: {  	p0 =	slt.u32 s16, $0x90;
	v3 =	vsel vm1, $0xFFFFFFFF, v3;
	v2 =	vsel vm1, $0xFFFFFFFF, v2  }
.Ltmp3:
0x42: {  	v4 =	vshll.u32 v3, $0x8;
	v5 =	vshll.u32 v2, $0x3;
	(pc) =	sbr.rel @p0 .LBB2_3-.Ltmp3, $4  }
0x43: {  	s15 =	sadd.s32 $0x10, s15;
	v3 =	vshll.u32 v3, $0x7;
	v4 =	vand.u32 $0xFFFFF800, v4;
	v5 =	vand.u32 $0xFFFFFC00, v5;
	(ifvalue) =	ssetifvalue $0x7FFFFFFF  }
0x44: {  	v3 =	vand.u32 $0x380, v3;
	v4 =	vadd.s32 v4, v5;
	[tilespmem:s15], [sflag:$0x1] =	stream.indirect_vreg.gather [hbm4b:s3+s10], $0x1, v1, vm0, $0x4038;
	[tilespmem:$0x280] =	vst v63  }
0x45: {  	v1 =	vand.u32 $0x7F, v2;
	v3 =	vor.u32 v3, v4  }
0x46: {  	s17 =	sadd.s32 $0x10, s17;
	v2 =	vshrl.u32 v0, $0x6;
	v1 =	vor.u32 v1, v3  }
.Ltmp4:
0x47: {  	_ = 	snop;
	(pc) =	sbr.rel .LBB2_4-.Ltmp4, $1  }
0x48: {  	_ =	sdelay $0x3  }
.LBB2_6:
0x49: {  	_ =	sfence.sel $0x180000  }
0x4a: {  	s2 =	simm.s32 $0x2;
	[bflag:$0x0] =	sbarrier.arrive $0xFFFF  }
0x4b: {  	s30 =	simm.s32 $0x3;
	[sflag:s2] =	ssyncpa.u1 $0x1  }
0x4c: {  	s31 =	simm.s32 $0x1;
	[sflag:s30] =	ssyncpa.u1 $0x1  }
0x4d: {  	[sflag:s31] =	ssyncpa.u1 $0x1  }
0x4e: {  	p0 =	sne.s32 s0, $0x0;
	_ =	strace $0x9000005C  }
0x4f: {  	s0 =	sadd.s32 @!p0 $0x100000, s1;
	[bflag:$0x2] =	sbarrier.arrive $0xFFFF  }
0x50: {  	[sflag:s0] =	ssyncadd.tile.s32 @!p0 $0x1;
	_ =	shalt  }
.Lfunc_end2:
_tile_overlayer_lowered:
.L_overlay_start_2:
0x51: {  	(tag) =	ssettag $0x2  }
0x52: {  	s0 =	rddreg [dreg:$0x0];
	s2 =	stileid.u32  }
0x53: {  	s1 =	rddreg [dreg:$0x1];
	p0 =	sne.s32 s2, $0x0  }
0x54: {  	s3 =	rddreg [dreg:$0x2];
	[bflag:$0x3] =	sbarrier.arrive $0xFFFF;
	s2 =	simm.s32 @!p0 $0x1C01  }
0x55: {  	[timem:s3], [sflag:s2] =	dma.local @!p0 [hbm:s0], s1  }
0x56: {  	s0 =	simm.s32 @!p0 $0x1  }
0x57: {  	_ =	swait.ge @!p0 [sflag:s0], s1  }
0x58: {  	s1 =	ssub.s32 @!p0 $0x0, s1;
	[sflag:s0] =	ssyncset.done @!p0 $0x0  }
0x59: {  	[sflag:s0] =	ssyncadd.s32 @!p0 s1  }
0x5a: {  	[bflag:$0x3] =	sbarrier.arrive $0xFFFF  }
0x5b: {  	_ =	shalt  }

// kernel: gather_offload_async_start
scs
__scs_entry_jumppad:
0x0: {  	(pc) =	sbr.rel $0x88, $3  }
0x1: {  	(tag) =	ssettag $0x0;
	lr =	simm.s32 $0x1  }
0x2: {  	[smem:$0x3F88] =	sst lr;
	_ =	strace $0xD0000000  }
0x3: {  	_ = 	snop  }
0x4: {  	_ = 	snop  }
0x5: {  	_ = 	snop  }
0x6: {  	_ = 	snop  }
0x7: {  	_ = 	snop  }
__scs_overlays_trampoline_lowered:
0x8: {  	[smem:$0x3F97] =	sst s0  }
0x9: {  	[smem:$0x3F98] =	sst s1  }
0xa: {  	[smem:$0x3F99] =	sst s2  }
0xb: {  	[smem:$0x3F9A] =	sst s3  }
0xc: {  	[smem:$0x3F9B] =	sst s4  }
0xd: {  	[smem:$0x3F9C] =	sst s5  }
0xe: {  	[smem:$0x3F9D] =	sst s6  }
0xf: {  	[smem:$0x3F9E] =	sst s7  }
0x10: {  	[smem:$0x3F9F] =	sst s8  }
0x11: {  	[smem:$0x3FA0] =	sst s9;
	s0 =	simm.s32 @!p0 $0x0  }
0x12: {  	s1 =	sld [smem:$0x3F86];
	s0 =	simm.s32 @p0 $0x1  }
0x13: {  	[smem:$0x3FA1] =	sst s0;
	s0 =	simm.s32 @!p1 $0x0  }
0x14: {  	s2 =	sld [smem:$0x3F85];
	s0 =	simm.s32 @p1 $0x1  }
0x15: {  	[smem:$0x3FA2] =	sst s0;
	s0 =	simm.s32 @!p2 $0x0  }
0x16: {  	s3 =	sld [smem:$0x3FDB];
	s0 =	simm.s32 @p2 $0x1  }
0x17: {  	s4 =	simm.s32 $0x1BF5;
	[smem:$0x3FA4] =	sst s0  }
0x18: {  	s0 =	sld [smem:$0x3F87];
	_ =	swait.ge [sflag:s4], $0x0  }
0x19: {  	s7 =	sld [smem:$0x3F88]  }
0x1a: {  	s8 =	sadd.s32 $0xFFFFE003, lr  }
0x1b: {  	s9 =	sadd.s32 $0xFFFFFEF7, lr;
	s5 =	simm.s32 $0xFFFFFFFF;
	p2 =	slt.u32 s8, $0xFFFFF086  }
0x1c: {  	p1 =	slt.u32 s9, $0xF7A;
	s5 =	simm.s32 @!p2 $0x0  }
0x1d: {  	s5 =	simm.s32 @p1 $0x1;
	p0 =	seq.s32 s7, s2  }
0x1e: {  	s7 =	smul.u32 @!p0 $0xF7A, s2;
	p2 =	seq.s32 @!p0 s5, $0x0  }
0x1f: {  	s9 =	smul.u32 $0xF7A, s1;
	s8 =	simm.s32 @!p0 $0x1BF5;
	p2 =	por !p2, p0  }
0x20: {  	[sflag:s8] =	ssyncset.s32 @!p0 $0xFFFFF086;
	s6 =	sadd.s32 @!p0 s3, s7;
	s7 =	simm.s32 @!p0 $0x108  }
0x21: {  	s3 =	sadd.s32 s3, s9;
	s6 =	sadd.s32 @!p0 $0x88, s6;
	s7 =	simm.s32 @p2 $0x1082  }
0x22: {  	[simem:s7], [sflag:s8] =	dma.local @!p0 [hbm:s6], $0xF7A  }
0x23: {  	s9 =	sor.u32 $0xD0000000, s2;
	s6 =	simm.s32 $0x108;
	_ =	swait.ge @!p0 [sflag:s8], $0x0  }
0x24: {  	s3 =	sadd.s32 $0x88, s3;
	s6 =	simm.s32 @!p1 $0x1082;
	[sflag:s4] =	ssyncset.s32 $0xFFFFF086  }
0x25: {  	[simem:s6], [sflag:s4] =	dma.local [hbm:s3], $0xF7A  }
0x26: {  	[smem:$0x3F88] =	sst s1;
	(tag) =	ssettag s2;
	_ =	strace s9  }
0x27: {  	s1 =	sld [smem:$0x3F98]  }
0x28: {  	s2 =	sld [smem:$0x3F99]  }
0x29: {  	s4 =	sld [smem:$0x3F9B]  }
0x2a: {  	p0 =	seq.s32 s5, $0x0;
	s5 =	sld [smem:$0x3F9C]  }
0x2b: {  	s6 =	sld [smem:$0x3F9D]  }
0x2c: {  	s7 =	sld [smem:$0x3F9E]  }
0x2d: {  	s3 =	simm.s32 $0x108;
	s8 =	sld [smem:$0x3F9F]  }
0x2e: {  	s3 =	simm.s32 @!p0 $0x1082;
	s9 =	sld [smem:$0x3FA0]  }
0x2f: {  	lr =	sadd.s32 s0, s3;
	s0 =	sld [smem:$0x3F97]  }
0x30: {  	s3 =	sld [smem:$0x3F9A]  }
0x31: {  	[smem:$0x3FA3] =	sst s10  }
0x32: {  	s10 =	sld [smem:$0x3FA1];
	_ =	sdelay $0x3  }
0x33: {  	p0 =	seq.s32 s10, $0x1;
	s10 =	sld [smem:$0x3FA3];
	_ =	sdelay $0x3  }
0x34: {  	[smem:$0x3FA3] =	sst s10  }
0x35: {  	s10 =	sld [smem:$0x3FA2];
	_ =	sdelay $0x3  }
0x36: {  	p1 =	seq.s32 s10, $0x1;
	s10 =	sld [smem:$0x3FA3];
	_ =	sdelay $0x3  }
0x37: {  	[smem:$0x3FA3] =	sst s10  }
0x38: {  	s10 =	sld [smem:$0x3FA4]  }
0x39: {  	_ = 	snop;
	(pc) =	sbr.ind lr, $3  }
0x3a: {  	_ = 	snop  }
0x3b: {  	_ = 	snop  }
0x3c: {  	p2 =	seq.s32 s10, $0x1;
	s10 =	sld [smem:$0x3FA3]  }
0x3d: {  	_ =	shalt  }
0x3e: {  	_ =	shalt  }
0x3f: {  	_ =	shalt  }
0x40: {  	_ =	shalt  }
0x41: {  	_ =	shalt  }
0x42: {  	_ =	shalt  }
0x43: {  	_ =	shalt  }
0x44: {  	_ =	shalt  }
0x45: {  	_ =	shalt  }
0x46: {  	_ =	shalt  }
0x47: {  	_ =	shalt  }
0x48: {  	_ =	shalt  }
0x49: {  	_ =	shalt  }
0x4a: {  	_ =	shalt  }
0x4b: {  	_ =	shalt  }
0x4c: {  	_ =	shalt  }
0x4d: {  	_ =	shalt  }
0x4e: {  	_ =	shalt  }
0x4f: {  	_ =	shalt  }
0x50: {  	_ =	shalt  }
0x51: {  	_ =	shalt  }
0x52: {  	_ =	shalt  }
0x53: {  	_ =	shalt  }
0x54: {  	_ =	shalt  }
0x55: {  	_ =	shalt  }
0x56: {  	_ =	shalt  }
0x57: {  	_ =	shalt  }
0x58: {  	_ =	shalt  }
0x59: {  	_ =	shalt  }
0x5a: {  	_ =	shalt  }
0x5b: {  	_ =	shalt  }
0x5c: {  	_ =	shalt  }
0x5d: {  	_ =	shalt  }
0x5e: {  	_ =	shalt  }
0x5f: {  	_ =	shalt  }
0x60: {  	_ =	shalt  }
0x61: {  	_ =	shalt  }
0x62: {  	_ =	shalt  }
0x63: {  	_ =	shalt  }
0x64: {  	_ =	shalt  }
0x65: {  	_ =	shalt  }
0x66: {  	_ =	shalt  }
0x67: {  	_ =	shalt  }
0x68: {  	_ =	shalt  }
0x69: {  	_ =	shalt  }
0x6a: {  	_ =	shalt  }
0x6b: {  	_ =	shalt  }
0x6c: {  	_ =	shalt  }
0x6d: {  	_ =	shalt  }
0x6e: {  	_ =	shalt  }
0x6f: {  	_ =	shalt  }
0x70: {  	_ =	shalt  }
0x71: {  	_ =	shalt  }
0x72: {  	_ =	shalt  }
0x73: {  	_ =	shalt  }
0x74: {  	_ =	shalt  }
0x75: {  	_ =	shalt  }
0x76: {  	_ =	shalt  }
0x77: {  	_ =	shalt  }
0x78: {  	_ =	shalt  }
0x79: {  	_ =	shalt  }
0x7a: {  	_ =	shalt  }
0x7b: {  	_ =	shalt  }
0x7c: {  	_ =	shalt  }
0x7d: {  	_ =	shalt  }
0x7e: {  	_ =	shalt  }
0x7f: {  	_ =	shalt  }
0x80: {  	_ =	shalt  }
0x81: {  	_ =	shalt  }
0x82: {  	_ =	shalt  }
0x83: {  	_ =	shalt  }
0x84: {  	_ =	shalt  }
0x85: {  	_ =	shalt  }
0x86: {  	_ =	shalt  }
0x87: {  	_ =	shalt  }
.Lfunc_end0:
.L_simem_size_0:
called_computation.1_lowered:
.L_overlay_start_0:
0x88: {  	s2 =	sld [smem:$0x3FD9]  }
0x89: {  	s3 =	sld [smem:$0x3FFE];
	_ =	sdelay $0x1  }
0x8a: {  	s1 =	srdreg.scid  }
0x8b: {  	s0 =	sand.u32 $0x1, s1  }
0x8c: {  	s16 =	sshll.u32 s0, $0xA;
	s2 =	sadd.s32 s3, s2  }
0x8d: {  	s2 =	sadd.s32 s2, s16  }
0x8e: {  	[smem:$0x3FAF] =	sst s2  }
0x8f: {  	_ = 	snop  }
0x90: {  	(tm) =	ssettm $0x1  }
0x91: {  	s17 =	sld [smem:$0x3FFB];
	_ =	sdelay $0x3  }
0x92: {  	_ =	strace s17  }
0x93: {  	s2 =	sld [smem:$0x3FFC];
	_ =	sdelay $0x3  }
0x94: {  	_ =	strace s2  }
0x95: {  	s2 =	sld [smem:$0x3FFD];
	_ =	sdelay $0x3  }
0x96: {  	_ =	strace s2  }
0x97: {  	_ =	strace $0x8FFFFFFF  }
0x98: {  	s18 =	sld [smem:$0x3FDB];
	_ =	sdelay $0x1  }
0x99: {  	s19 =	simm.s32 $_scs_section_size  }
0x9a: {  	s4 =	simm.s32 $_size__tile_overlayer_lowered;
	s5 =	simm.s32 $_tile_overlayer_lowered  }
0x9b: {  	s22 =	simm.s32 $0x1BFF;
	s21 =	sshll.u32 s5, $0x1;
	s2 =	sadd.s32 s19, s18  }
0x9c: {  	s6 =	simm.s32 $0x0;
	s20 =	sshll.u32 s4, $0x1;
	s4 =	sadd.s32 s21, s2  }
0x9d: {  	[timem:s6], [sflag:s22] =	dma.local [hbm:s4], s20  }
0x9e: {  	_ =	swait.ge [sflag:s22], s20  }
0x9f: {  	s3 =	ssub.s32 $0x0, s20;
	[sflag:s22] =	ssyncset.done $0x0  }
0xa0: {  	[sflag:s22] =	ssyncadd.s32 s3;
	_ =	sdelay $0x1  }
0xa1: {  	s23 =	simm.s32 $0x1B8B  }
0xa2: {  	_ =	swait.ge [sflag:s23], $0x1  }
0xa3: {  	[sflag:s23] =	ssyncset.done $0x0  }
0xa4: {  	s25 =	simm.s32 $0x1B8E;
	s24 =	sld [smem:$0x3FFE];
	[sflag:s23] =	ssyncadd.s32 $0xFFFFFFFF  }
0xa5: {  	s26 =	simm.s32 $execute0_lowered;
	[smem:$0x3FD2] =	sst s25  }
0xa6: {  	s4 =	sshll.u32 s26, $0x1;
	_ =	strace $0x8000004F;
	[dreg:$0x1] =	wrdreg $0xFFFFFFFF  }
0xa7: {  	s28 =	simm.s32 $_size_execute0_lowered;
	s2 =	sadd.s32 s2, s4;
	[dreg:$0x0] =	wrdreg $0x0  }
0xa8: {  	s4 =	sshll.u32 s28, $0x1;
	[dreg:$0x2] =	wrdreg s2  }
0xa9: {  	[dreg:$0x3] =	wrdreg s4  }
0xaa: {  	[dreg:$0x4] =	wrdreg $0xC0  }
0xab: {  	_ =	task [dreg:s6], $0x5FFFF  }
0xac: {  	[dreg:$0x1] =	wrdreg $0xFFFFFFFF  }
0xad: {  	[dreg:$0x0] =	wrdreg $0x60  }
0xae: {  	[dreg:$0x2] =	wrdreg s24  }
0xaf: {  	[dreg:$0x3] =	wrdreg $0x9  }
0xb0: {  	_ =	task.clear_ibuf [dreg:s6], $0x4FFFF;
	_ =	strace $0x9000004F  }
0xb1: {  	s29 =	simm.s32 $0x9;
	_ =	strace $0x80000051  }
0xb2: {  	_ =	swait.ge [sflag:s29], $0x1  }
0xb3: {  	[sflag:s29] =	ssyncadd.s32 $0xFFFFFFFF  }
0xb4: {  	_ =	strace $0x90000051  }
0xb5: {  	_ =	sfence  }
0xb6: {  	s30 =	sld [smem:$0x0];
	_ =	sdelay $0x2  }
0xb7: {  	s31 =	sshll.u32 s1, $0xD;
	s1 =	sshrl.u32 s1, $0x2  }
0xb8: {  	s3 =	sand.u32 $0x4000, s31;
	s1 =	sadd.s32 s1, s30  }
0xb9: {  	s0 =	sor.u32 s3, s0;
	s1 =	sshll.u32 s1, $0x11  }
0xba: {  	s0 =	sor.u32 s1, s0  }
0xbb: {  	s0 =	sadd.s32 $0x8F2B, s0  }
0xbc: {  	[sflag:s0] =	ssyncadd.remote.s32 $0x1  }
0xbd: {  	_ =	sfence.sel $0xFFFF  }
0xbe: {  	[dreg:$0x0] =	wrdreg $0xFFFFFFFF;
	(pc) =	sbr.abs _section_cstart, $3  }
0xbf: {  	[dreg:$0x1] =	wrdreg $0xFFFFFFFF  }
0xc0: {  	_ =	task.clear_ibuf [dreg:s6], $0x2FFFF;
	_ =	strace $0x9FFFFFFF  }
0xc1: {  	(tm) =	ssettm $0x7FFFFFFF  }
tec
execute0_lowered:
.L_overlay_start_1:
0x0: {  	(tag) =	ssettag $0x1  }
0x1: {  	s8 =	rddreg [dreg:$0x0]  }
0x2: {  	s0 =	rddreg [dreg:$0x1];
	_ =	strace $0x80000050;
	s1 =	stileid.u32  }
0x3: {  	s3 =	srdreg.scid;
	s4 =	simm.s32 $0x1;
	s7 =	simm.s32 $0x1  }
0x4: {  	s9 =	simm.s32 $0x1;
	s10 =	simm.s32 $0x3;
	s13 =	simm.s32 $0x0  }
0x5: {  	s12 =	simm.s32 $0x0;
	s5 =	sand.u32 $0x1, s3;
	s6 =	sshll.u32 s1, $0x1  }
0x6: {  	s2 =	sadd.s32 $0x5000, s8;
	s3 =	sadd.s32 $0x14000, s8;
	s5 =	sor.u32 s6, s5  }
.Ltmp0:
0x7: {  	[sflag:s4] =	ssyncpa.u1 $0x0;
	p0 =	slt.u32 s5, $0x9;
	(pc) =	sbr.rel .LBB2_1-.Ltmp0, $4  }
0x8: {  	s6 =	simm.s32 $0x2;
	s7 =	simm.s32 @!p0 $0x0;
	p0 =	sne.s32 s5, $0x8  }
0x9: {  	[sflag:s6] =	ssyncpa.u1 $0x0;
	s5 =	smul.u32 $0xFA0, s5;
	s9 =	simm.s32 @!p0 $0x0  }
0xa: {  	s8 =	sadd.s32 $0xF000, s8;
	[sflag:s10] =	ssyncpa.u1 $0x0;
	s7 =	sadd.s32 s9, s7  }
0xb: {  	vm0 =	vmmov $0xffff;
	s10 =	simm.s32 $0x0;
	s11 =	smov.u32 s5;
	s9 =	sadd.s32 $0x1, s7  }
.LBB2_4:
0xc: {  	v2 =	vnsel vm1, $0x0, v2  }
0xd: {  	vm1 =	vgt.s32 v0, $0x0;
	v2 =	vmin.u32 v2, $0x270FF  }
0xe: {  	v0 =	vnsel vm1, $0x0, v0  }
0xf: {  	v0 =	vmin.u32 v0, $0x270FF  }
0x10: {  	[tilespmem:s18], [sflag:$0x1] =	stream.indirect_vreg.gather [hbm4b:s2+s10], $0x1, v1, vm0, $0x4038;
	[tilespmem:$0x3E80] =	vst v63  }
0x11: {  	(ifvalue) =	ssetifvalue $0x7FFFFFFF  }
0x12: {  	[tilespmem:s15], [sflag:$0x1] =	stream.indirect_vreg.gather [hbm4b:s2+s10], $0x1, v2, vm0, $0x4038;
	[tilespmem:$0x3E80] =	vst v63  }
0x13: {  	s29 =	sadd.s32 $0x10, s15;
	(ifvalue) =	ssetifvalue $0x7FFFFFFF  }
0x14: {  	[tilespmem:s29], [sflag:$0x1] =	stream.indirect_vreg.gather [hbm4b:s2+s10], $0x1, v0, vm0, $0x4038;
	[tilespmem:$0x3E80] =	vst v63  }
0x15: {  	_ =	swait.ge [sflag:s4], $0xFA0  }
0x16: {  	s30 =	sshrl.u32 s13, $0x3;
	[sflag:s4] =	ssyncset.done $0x0  }
0x17: {  	s31 =	sand.u32 $0x7, s13;
	s15 =	sadd.s32 s8, s30;
	[sflag:s4] =	ssyncadd.s32 $0xFFFFF060  }
0x18: {  	[hbm4b:s15+s31] =	stream.linear.scatter [tilespmem:s14], [sflag:$0x3], $0xFA0, $0x38;
	[tilespmem:$0x3E80] =	vst v63  }
.LBB2_5:
0x19: {  	s15 =	sadd.s32 $0x1F400, s11  }
0x1a: {  	p1 =	sgt.s32 s15, $0x270FF  }
0x1b: {  	s15 =	smov.u32 @p1 s5;
	p1 =	sne.s32 s12, s9  }
.Ltmp1:
0x1c: {  	p0 =	slt.u32 s12, $0x2;
	(pc) =	sbr.rel @!p1 .LBB2_6-.Ltmp1, $4  }
0x1d: {  	s14 =	simm.s32 @!p0 $0x3  }
0x1e: {  	_ =	swait.ge @!p0 [sflag:s14], $0xFA0  }
0x1f: {  	s16 =	sadd.s32 $0x1, s12;
	s13 =	smov.u32 s11;
	[sflag:s14] =	ssyncset.done @!p0 $0x0  }
0x20: {  	s12 =	smov.u32 s16;
	s11 =	smov.u32 s15;
	[sflag:s14] =	ssyncadd.s32 @!p0 $0xFFFFF060  }
.LBB2_1:
0x21: {  	p0 =	sge.u32 s12, s7  }
0x22: {  	s14 =	sxor.u32 @!p0 $0x1, s12  }
0x23: {  	s14 =	smul.u32 @!p0 $0x3E80, s14  }
0x24: {  	s31 =	sadd.s32 $0xFFFFFFFF, s12;
	s15 =	sshrl.u32 @!p0 s11, $0x3  }
0x25: {  	s16 =	sand.u32 @!p0 $0x7, s11;
	s15 =	sadd.s32 @!p0 s3, s15;
	s14 =	sshra.s32 @!p0 s14, $0x2  }
0x26: {  	[tilespmem:s14], [sflag:$0x2] =	stream.linear.gather @!p0 [hbm4b:s15+s16], $0xFA0, $0x38;
	[tilespmem:$0x3E80] =	vst v63  }
0x27: {  	p0 =	sge.u32 s31, s7  }
.Ltmp2:
0x28: {  	_ = 	snop;
	(pc) =	sbr.rel @p0 .LBB2_5-.Ltmp2, $1  }
0x29: {  	_ =	sdelay $0x3  }
0x2a: {  	s14 =	sand.u32 $0x1, s12  }
0x2b: {  	_ =	swait.ge [sflag:s6], $0xFA0;
	p0 =	seq.s32 s14, $0x1;
	s14 =	simm.s32 $0xFA0  }
0x2c: {  	[sflag:s6] =	ssyncset.done $0x0;
	s14 =	simm.s32 @!p0 $0x0  }
0x2d: {  	[sflag:s6] =	ssyncadd.s32 $0xFFFFF060;
	(ifvalue) =	ssetifvalue $0x7FFFFFFF;
	v0 =	vld.msk [tilespmem:s14+$0x0 ss:$0x1], $0xffff;
	_ =	sdelay $0x4  }
0x2e: {  	s15 =	sadd.s32 $0x10, s14;
	vm1 =	vgt.s32 v0, $0x0  }
0x2f: {  	v2 =	vld.msk [tilespmem:s15+$0x0 ss:$0x1], $0xffff;
	v1 =	vnsel vm1, $0x0, v0  }
0x30: {  	v1 =	vmin.u32 v1, $0x270FF;
	_ =	sdelay $0x2  }
0x31: {  	s17 =	simm.s32 $0x20;
	s14 =	sadd.s32 $0x1F40, s14;
	s16 =	sadd.s32 $0x10, s15  }
0x32: {  	s15 =	sadd.s32 $0x10, s14;
	s18 =	smov.u32 s14;
	v0 =	vld.msk [tilespmem:s16+$0x0 ss:$0x1], $0xffff;
	vm1 =	vgt.s32 v2, $0x0;
	(ifvalue) =	ssetifvalue $0x7FFFFFFF  }
.LBB2_3:
0x33: {  	[tilespmem:s18], [sflag:$0x1] =	stream.indirect_vreg.gather [hbm4b:s2+s10], $0x1, v1, vm0, $0x4038;
	[tilespmem:$0x3E80] =	vst v63  }
0x34: {  	s17 =	sadd.s32 $0x10, s17  }
0x35: {  	v2 =	vnsel vm1, $0x0, v2;
	p0 =	slt.u32 s17, $0xF90  }
.Ltmp3:
0x36: {  	s18 =	smov.u32 s15;
	v1 =	vmin.u32 v2, $0x270FF;
	(pc) =	sbr.rel @p0 .LBB2_3-.Ltmp3, $3  }
0x37: {  	_ =	sdelay $0x1  }
0x38: {  	s16 =	sadd.s32 $0x10, s16  }
0x39: {  	vm1 =	vgt.s32 v0, $0x0;
	s15 =	sadd.s32 $0x10, s15;
	v2 =	vmov v0;
	(ifvalue) =	ssetifvalue $0x7FFFFFFF;
	v0 =	vld.msk [tilespmem:s16+$0x0 ss:$0x1], $0xffff  }
.Ltmp4:
0x3a: {  	_ = 	snop;
	(pc) =	sbr.rel .LBB2_4-.Ltmp4, $1  }
0x3b: {  	_ =	sdelay $0x3  }
.LBB2_6:
0x3c: {  	_ =	sfence.sel $0x180000  }
0x3d: {  	s2 =	simm.s32 $0x2;
	[bflag:$0x0] =	sbarrier.arrive $0xFFFF  }
0x3e: {  	s30 =	simm.s32 $0x3;
	[sflag:s2] =	ssyncpa.u1 $0x1  }
0x3f: {  	s31 =	simm.s32 $0x1;
	[sflag:s30] =	ssyncpa.u1 $0x1  }
0x40: {  	[sflag:s31] =	ssyncpa.u1 $0x1  }
0x41: {  	p0 =	sne.s32 s1, $0x0;
	_ =	strace $0x90000050  }
0x42: {  	s0 =	sadd.s32 @!p0 $0x100000, s0;
	[bflag:$0x2] =	sbarrier.arrive $0xFFFF  }
0x43: {  	[sflag:s0] =	ssyncadd.tile.s32 @!p0 $0x1;
	_ =	shalt  }
.Lfunc_end2:
_tile_overlayer_lowered:
.L_overlay_start_2:
0x44: {  	(tag) =	ssettag $0x2  }
0x45: {  	s0 =	rddreg [dreg:$0x0];
	s2 =	stileid.u32  }
0x46: {  	s1 =	rddreg [dreg:$0x1];
	p0 =	sne.s32 s2, $0x0  }
0x47: {  	s3 =	rddreg [dreg:$0x2];
	[bflag:$0x3] =	sbarrier.arrive $0xFFFF;
	s2 =	simm.s32 @!p0 $0x1C01  }
0x48: {  	[timem:s3], [sflag:s2] =	dma.local @!p0 [hbm:s0], s1  }
0x49: {  	s0 =	simm.s32 @!p0 $0x1  }
0x4a: {  	_ =	swait.ge @!p0 [sflag:s0], s1  }
0x4b: {  	s1 =	ssub.s32 @!p0 $0x0, s1;
	[sflag:s0] =	ssyncset.done @!p0 $0x0  }
0x4c: {  	[sflag:s0] =	ssyncadd.s32 @!p0 s1  }
0x4d: {  	[bflag:$0x3] =	sbarrier.arrive $0xFFFF  }
0x4e: {  	_ =	shalt  }

// kernel: kernel.5.cloned.1.call-start
scs
__scs_entry_jumppad:
0x0: {  	(pc) =	sbr.rel $0x88, $3  }
0x1: {  	(tag) =	ssettag $0x0;
	lr =	simm.s32 $0x1  }
0x2: {  	[smem:$0x3F88] =	sst lr;
	_ =	strace $0xD0000000  }
0x3: {  	_ = 	snop  }
0x4: {  	_ = 	snop  }
0x5: {  	_ = 	snop  }
0x6: {  	_ = 	snop  }
0x7: {  	_ = 	snop  }
__scs_overlays_trampoline_lowered:
0x8: {  	[smem:$0x3F97] =	sst s0  }
0x9: {  	[smem:$0x3F98] =	sst s1  }
0xa: {  	[smem:$0x3F99] =	sst s2  }
0xb: {  	[smem:$0x3F9A] =	sst s3  }
0xc: {  	[smem:$0x3F9B] =	sst s4  }
0xd: {  	[smem:$0x3F9C] =	sst s5  }
0xe: {  	[smem:$0x3F9D] =	sst s6  }
0xf: {  	[smem:$0x3F9E] =	sst s7  }
0x10: {  	[smem:$0x3F9F] =	sst s8  }
0x11: {  	[smem:$0x3FA0] =	sst s9;
	s0 =	simm.s32 @!p0 $0x0  }
0x12: {  	s1 =	sld [smem:$0x3F86];
	s0 =	simm.s32 @p0 $0x1  }
0x13: {  	[smem:$0x3FA1] =	sst s0;
	s0 =	simm.s32 @!p1 $0x0  }
0x14: {  	s2 =	sld [smem:$0x3F85];
	s0 =	simm.s32 @p1 $0x1  }
0x15: {  	[smem:$0x3FA2] =	sst s0;
	s0 =	simm.s32 @!p2 $0x0  }
0x16: {  	s3 =	sld [smem:$0x3FDB];
	s0 =	simm.s32 @p2 $0x1  }
0x17: {  	s4 =	simm.s32 $0x1BF5;
	[smem:$0x3FA4] =	sst s0  }
0x18: {  	s0 =	sld [smem:$0x3F87];
	_ =	swait.ge [sflag:s4], $0x0  }
0x19: {  	s7 =	sld [smem:$0x3F88]  }
0x1a: {  	s8 =	sadd.s32 $0xFFFFE003, lr  }
0x1b: {  	s9 =	sadd.s32 $0xFFFFFEF7, lr;
	s5 =	simm.s32 $0xFFFFFFFF;
	p2 =	slt.u32 s8, $0xFFFFF086  }
0x1c: {  	p1 =	slt.u32 s9, $0xF7A;
	s5 =	simm.s32 @!p2 $0x0  }
0x1d: {  	s5 =	simm.s32 @p1 $0x1;
	p0 =	seq.s32 s7, s2  }
0x1e: {  	s7 =	smul.u32 @!p0 $0xF7A, s2;
	p2 =	seq.s32 @!p0 s5, $0x0  }
0x1f: {  	s9 =	smul.u32 $0xF7A, s1;
	s8 =	simm.s32 @!p0 $0x1BF5;
	p2 =	por !p2, p0  }
0x20: {  	[sflag:s8] =	ssyncset.s32 @!p0 $0xFFFFF086;
	s6 =	sadd.s32 @!p0 s3, s7;
	s7 =	simm.s32 @!p0 $0x108  }
0x21: {  	s3 =	sadd.s32 s3, s9;
	s6 =	sadd.s32 @!p0 $0x88, s6;
	s7 =	simm.s32 @p2 $0x1082  }
0x22: {  	[simem:s7], [sflag:s8] =	dma.local @!p0 [hbm:s6], $0xF7A  }
0x23: {  	s9 =	sor.u32 $0xD0000000, s2;
	s6 =	simm.s32 $0x108;
	_ =	swait.ge @!p0 [sflag:s8], $0x0  }
0x24: {  	s3 =	sadd.s32 $0x88, s3;
	s6 =	simm.s32 @!p1 $0x1082;
	[sflag:s4] =	ssyncset.s32 $0xFFFFF086  }
0x25: {  	[simem:s6], [sflag:s4] =	dma.local [hbm:s3], $0xF7A  }
0x26: {  	[smem:$0x3F88] =	sst s1;
	(tag) =	ssettag s2;
	_ =	strace s9  }
0x27: {  	s1 =	sld [smem:$0x3F98]  }
0x28: {  	s2 =	sld [smem:$0x3F99]  }
0x29: {  	s4 =	sld [smem:$0x3F9B]  }
0x2a: {  	p0 =	seq.s32 s5, $0x0;
	s5 =	sld [smem:$0x3F9C]  }
0x2b: {  	s6 =	sld [smem:$0x3F9D]  }
0x2c: {  	s7 =	sld [smem:$0x3F9E]  }
0x2d: {  	s3 =	simm.s32 $0x108;
	s8 =	sld [smem:$0x3F9F]  }
0x2e: {  	s3 =	simm.s32 @!p0 $0x1082;
	s9 =	sld [smem:$0x3FA0]  }
0x2f: {  	lr =	sadd.s32 s0, s3;
	s0 =	sld [smem:$0x3F97]  }
0x30: {  	s3 =	sld [smem:$0x3F9A]  }
0x31: {  	[smem:$0x3FA3] =	sst s10  }
0x32: {  	s10 =	sld [smem:$0x3FA1];
	_ =	sdelay $0x3  }
0x33: {  	p0 =	seq.s32 s10, $0x1;
	s10 =	sld [smem:$0x3FA3];
	_ =	sdelay $0x3  }
0x34: {  	[smem:$0x3FA3] =	sst s10  }
0x35: {  	s10 =	sld [smem:$0x3FA2];
	_ =	sdelay $0x3  }
0x36: {  	p1 =	seq.s32 s10, $0x1;
	s10 =	sld [smem:$0x3FA3];
	_ =	sdelay $0x3  }
0x37: {  	[smem:$0x3FA3] =	sst s10  }
0x38: {  	s10 =	sld [smem:$0x3FA4]  }
0x39: {  	_ = 	snop;
	(pc) =	sbr.ind lr, $3  }
0x3a: {  	_ = 	snop  }
0x3b: {  	_ = 	snop  }
0x3c: {  	p2 =	seq.s32 s10, $0x1;
	s10 =	sld [smem:$0x3FA3]  }
0x3d: {  	_ =	shalt  }
0x3e: {  	_ =	shalt  }
0x3f: {  	_ =	shalt  }
0x40: {  	_ =	shalt  }
0x41: {  	_ =	shalt  }
0x42: {  	_ =	shalt  }
0x43: {  	_ =	shalt  }
0x44: {  	_ =	shalt  }
0x45: {  	_ =	shalt  }
0x46: {  	_ =	shalt  }
0x47: {  	_ =	shalt  }
0x48: {  	_ =	shalt  }
0x49: {  	_ =	shalt  }
0x4a: {  	_ =	shalt  }
0x4b: {  	_ =	shalt  }
0x4c: {  	_ =	shalt  }
0x4d: {  	_ =	shalt  }
0x4e: {  	_ =	shalt  }
0x4f: {  	_ =	shalt  }
0x50: {  	_ =	shalt  }
0x51: {  	_ =	shalt  }
0x52: {  	_ =	shalt  }
0x53: {  	_ =	shalt  }
0x54: {  	_ =	shalt  }
0x55: {  	_ =	shalt  }
0x56: {  	_ =	shalt  }
0x57: {  	_ =	shalt  }
0x58: {  	_ =	shalt  }
0x59: {  	_ =	shalt  }
0x5a: {  	_ =	shalt  }
0x5b: {  	_ =	shalt  }
0x5c: {  	_ =	shalt  }
0x5d: {  	_ =	shalt  }
0x5e: {  	_ =	shalt  }
0x5f: {  	_ =	shalt  }
0x60: {  	_ =	shalt  }
0x61: {  	_ =	shalt  }
0x62: {  	_ =	shalt  }
0x63: {  	_ =	shalt  }
0x64: {  	_ =	shalt  }
0x65: {  	_ =	shalt  }
0x66: {  	_ =	shalt  }
0x67: {  	_ =	shalt  }
0x68: {  	_ =	shalt  }
0x69: {  	_ =	shalt  }
0x6a: {  	_ =	shalt  }
0x6b: {  	_ =	shalt  }
0x6c: {  	_ =	shalt  }
0x6d: {  	_ =	shalt  }
0x6e: {  	_ =	shalt  }
0x6f: {  	_ =	shalt  }
0x70: {  	_ =	shalt  }
0x71: {  	_ =	shalt  }
0x72: {  	_ =	shalt  }
0x73: {  	_ =	shalt  }
0x74: {  	_ =	shalt  }
0x75: {  	_ =	shalt  }
0x76: {  	_ =	shalt  }
0x77: {  	_ =	shalt  }
0x78: {  	_ =	shalt  }
0x79: {  	_ =	shalt  }
0x7a: {  	_ =	shalt  }
0x7b: {  	_ =	shalt  }
0x7c: {  	_ =	shalt  }
0x7d: {  	_ =	shalt  }
0x7e: {  	_ =	shalt  }
0x7f: {  	_ =	shalt  }
0x80: {  	_ =	shalt  }
0x81: {  	_ =	shalt  }
0x82: {  	_ =	shalt  }
0x83: {  	_ =	shalt  }
0x84: {  	_ =	shalt  }
0x85: {  	_ =	shalt  }
0x86: {  	_ =	shalt  }
0x87: {  	_ =	shalt  }
.Lfunc_end0:
.L_simem_size_0:
called_computation.6_lowered:
.L_overlay_start_0:
0x88: {  	s2 =	sld [smem:$0x3FD9]  }
0x89: {  	s3 =	sld [smem:$0x3FFE];
	_ =	sdelay $0x1  }
0x8a: {  	s1 =	srdreg.scid  }
0x8b: {  	s0 =	sand.u32 $0x1, s1  }
0x8c: {  	s16 =	sshll.u32 s0, $0xA;
	s2 =	sadd.s32 s3, s2  }
0x8d: {  	s2 =	sadd.s32 s2, s16  }
0x8e: {  	[smem:$0x3FAF] =	sst s2  }
0x8f: {  	_ = 	snop  }
0x90: {  	(tm) =	ssettm $0x1  }
0x91: {  	s17 =	sld [smem:$0x3FFB];
	_ =	sdelay $0x3  }
0x92: {  	_ =	strace s17  }
0x93: {  	s2 =	sld [smem:$0x3FFC];
	_ =	sdelay $0x3  }
0x94: {  	_ =	strace s2  }
0x95: {  	s2 =	sld [smem:$0x3FFD];
	_ =	sdelay $0x3  }
0x96: {  	_ =	strace s2  }
0x97: {  	_ =	strace $0x8FFFFFFF  }
0x98: {  	s18 =	sld [smem:$0x3FDB];
	_ =	sdelay $0x1  }
0x99: {  	s19 =	simm.s32 $_scs_section_size  }
0x9a: {  	s4 =	simm.s32 $_size__tile_overlayer_lowered;
	s5 =	simm.s32 $_tile_overlayer_lowered  }
0x9b: {  	s22 =	simm.s32 $0x1BFF;
	s21 =	sshll.u32 s5, $0x1;
	s2 =	sadd.s32 s19, s18  }
0x9c: {  	s6 =	simm.s32 $0x0;
	s20 =	sshll.u32 s4, $0x1;
	s4 =	sadd.s32 s21, s2  }
0x9d: {  	[timem:s6], [sflag:s22] =	dma.local [hbm:s4], s20  }
0x9e: {  	_ =	swait.ge [sflag:s22], s20  }
0x9f: {  	s3 =	ssub.s32 $0x0, s20;
	[sflag:s22] =	ssyncset.done $0x0  }
0xa0: {  	[sflag:s22] =	ssyncadd.s32 s3;
	_ =	sdelay $0x1  }
0xa1: {  	s23 =	simm.s32 $0x1B8B  }
0xa2: {  	_ =	swait.ge [sflag:s23], $0x1  }
0xa3: {  	[sflag:s23] =	ssyncset.done $0x0  }
0xa4: {  	s25 =	simm.s32 $0x1B8E;
	s24 =	sld [smem:$0x3FFE];
	[sflag:s23] =	ssyncadd.s32 $0xFFFFFFFF  }
0xa5: {  	s26 =	simm.s32 $execute0_lowered;
	[smem:$0x3FD2] =	sst s25  }
0xa6: {  	s4 =	sshll.u32 s26, $0x1;
	_ =	strace $0x80000052;
	[dreg:$0x1] =	wrdreg $0xFFFFFFFF  }
0xa7: {  	s28 =	simm.s32 $_size_execute0_lowered;
	s2 =	sadd.s32 s2, s4;
	[dreg:$0x0] =	wrdreg $0x0  }
0xa8: {  	s4 =	sshll.u32 s28, $0x1;
	[dreg:$0x2] =	wrdreg s2  }
0xa9: {  	[dreg:$0x3] =	wrdreg s4  }
0xaa: {  	[dreg:$0x4] =	wrdreg $0xC0  }
0xab: {  	_ =	task [dreg:s6], $0x5FFFF  }
0xac: {  	[dreg:$0x1] =	wrdreg $0xFFFFFFFF  }
0xad: {  	[dreg:$0x0] =	wrdreg $0x60  }
0xae: {  	[dreg:$0x2] =	wrdreg s24  }
0xaf: {  	[dreg:$0x3] =	wrdreg $0x130000  }
0xb0: {  	[dreg:$0x4] =	wrdreg $0x9  }
0xb1: {  	_ =	task.clear_ibuf [dreg:s6], $0x5FFFF;
	_ =	strace $0x90000052  }
0xb2: {  	s29 =	simm.s32 $0x9;
	_ =	strace $0x80000054  }
0xb3: {  	_ =	swait.ge [sflag:s29], $0x1  }
0xb4: {  	[sflag:s29] =	ssyncadd.s32 $0xFFFFFFFF  }
0xb5: {  	_ =	strace $0x90000054  }
0xb6: {  	_ =	sfence  }
0xb7: {  	s30 =	sld [smem:$0x0];
	_ =	sdelay $0x2  }
0xb8: {  	s31 =	sshll.u32 s1, $0xD;
	s1 =	sshrl.u32 s1, $0x2  }
0xb9: {  	s3 =	sand.u32 $0x4000, s31;
	s1 =	sadd.s32 s1, s30  }
0xba: {  	s0 =	sor.u32 s3, s0;
	s1 =	sshll.u32 s1, $0x11  }
0xbb: {  	s0 =	sor.u32 s1, s0  }
0xbc: {  	s0 =	sadd.s32 $0x8F2B, s0  }
0xbd: {  	[sflag:s0] =	ssyncadd.remote.s32 $0x1  }
0xbe: {  	_ =	sfence.sel $0xFFFF  }
0xbf: {  	[dreg:$0x0] =	wrdreg $0xFFFFFFFF;
	(pc) =	sbr.abs _section_cstart, $3  }
0xc0: {  	[dreg:$0x1] =	wrdreg $0xFFFFFFFF  }
0xc1: {  	_ =	task.clear_ibuf [dreg:s6], $0x2FFFF;
	_ =	strace $0x9FFFFFFF  }
0xc2: {  	(tm) =	ssettm $0x7FFFFFFF  }
0xc3: {  	_ =	shalt  }
tec
execute0_lowered:
.L_overlay_start_1:
0x0: {  	(tag) =	ssettag $0x1  }
0x1: {  	s0 =	rddreg [dreg:$0x0];
	s1 =	srdreg.scid  }
0x2: {  	s12 =	stileid.u32;
	s2 =	rddreg [dreg:$0x1];
	s3 =	simm.s32 $0x0  }
0x3: {  	s18 =	simm.s32 $0x80;
	s19 =	simm.s32 $0x3000;
	s20 =	simm.s32 $0x7000  }
0x4: {  	s21 =	simm.s32 $0x100;
	s22 =	simm.s32 $0xB000;
	s5 =	smul.u32 $0x1400, s12  }
0x5: {  	s23 =	simm.s32 $0x180;
	s28 =	simm.s32 $0x3;
	s8 =	smul.u32 $0x1800, s12  }
0x6: {  	s29 =	simm.s32 $0x4;
	s1 =	sand.u32 $0x1, s1;
	s9 =	smul.u32 $0x28000, s12  }
0x7: {  	[smem:$0x7FF] =	sst s3;
	s4 =	sadd.s32 $0x45200, s0;
	s6 =	smul.u32 $0x14000, s1  }
0x8: {  	s31 =	sshll.u32 s12, $0x6;
	s7 =	smul.u32 $0x18000, s1;
	_ =	strace $0x80000053  }
0x9: {  	s1 =	ssub.s32 $0x2, s1;
	s12 =	sor.u32 $0x1C05, s31;
	s25 =	sshrl.u32 s9, $0x2  }
0xa: {  	s26 =	sshrl.u32 s1, $0x1;
	s6 =	sadd.s32 s5, s6;
	s5 =	sadd.s32 $0x6000, s0  }
0xb: {  	s24 =	sadd.s32 s8, s7;
	s30 =	sadd.s32 s25, s2;
	s1 =	ssub.s32 s1, s26  }
0xc: {  	s25 =	simm.s32 $0x1;
	s26 =	simm.s32 $0x2;
	s10 =	sadd.s32 s6, s0  }
0xd: {  	s6 =	sshrl.u32 s24, $0x3;
	s11 =	sadd.s32 $0x2000, s30;
	s15 =	sadd.s32 $0x4000, s30  }
0xe: {  	s16 =	sadd.s32 $0x6000, s30;
	s17 =	sadd.s32 $0x8000, s30;
	s9 =	smax.u32 s1, $0x1  }
0xf: {  	s13 =	sshrl.u32 s30, $0x3;
	s24 =	simm.s32 $0xF000;
	s6 =	sadd.s32 s0, s6  }
0x10: {  	s8 =	sadd.s32 $0x6D200, s10;
	s10 =	simm.s32 $0x5;
	s14 =	sshrl.u32 s11, $0x3  }
0x11: {  	s15 =	sshrl.u32 s15, $0x3;
	s16 =	sshrl.u32 s16, $0x3;
	s17 =	sshrl.u32 s17, $0x3  }
0x12: {  	s0 =	simm.s32 $0x2F80;
	s11 =	simm.s32 $0x0;
	s7 =	sadd.s32 $0x19000, s6  }
.LBB2_1:
0x13: {  	[tilespmem:s3], [sflag:$0x5] =	stream.linear.gather [hbm4b:s6+s3], $0x1800, $0x38;
	[tilespmem:$0x1D040] =	vst v63  }
0x14: {  	_ =	swait.ge [sflag:s10], $0x1800  }
0x15: {  	[sflag:s10] =	ssyncset.done $0x0  }
0x16: {  	s1 =	simm.s32 $0x1800;
	[sflag:s10] =	ssyncadd.s32 $0xFFFFE800  }
0x17: {  	[tilespmem:s1], [sflag:$0x5] =	stream.linear.gather [hbm4b:s7+s3], $0x1800, $0x38;
	[tilespmem:$0x1D040] =	vst v63  }
0x18: {  	_ =	swait.ge [sflag:s10], $0x1800  }
0x19: {  	[sflag:s10] =	ssyncset.done $0x0  }
0x1a: {  	[sflag:s10] =	ssyncadd.s32 $0xFFFFE800  }
0x1b: {  	[spmem:s13], [sflag:s12] =	dma.local [hbm:s5], $0x400  }
0x1c: {  	_ =	swait.ge [sflag:s10], $0x400  }
0x1d: {  	[sflag:s10] =	ssyncset.done $0x0  }
0x1e: {  	[sflag:s10] =	ssyncadd.s32 $0xFFFFFC00  }
0x1f: {  	[spmem:s14], [sflag:s12] =	dma.local [hbm:s5], $0x400  }
0x20: {  	_ =	swait.ge [sflag:s10], $0x400  }
0x21: {  	[sflag:s10] =	ssyncset.done $0x0  }
0x22: {  	[sflag:s10] =	ssyncadd.s32 $0xFFFFFC00  }
0x23: {  	[spmem:s15], [sflag:s12] =	dma.local [hbm:s5], $0x400  }
0x24: {  	_ =	swait.ge [sflag:s10], $0x400  }
0x25: {  	[sflag:s10] =	ssyncset.done $0x0  }
0x26: {  	[sflag:s10] =	ssyncadd.s32 $0xFFFFFC00  }
0x27: {  	[spmem:s16], [sflag:s12] =	dma.local [hbm:s5], $0x400  }
0x28: {  	_ =	swait.ge [sflag:s10], $0x400  }
0x29: {  	[sflag:s10] =	ssyncset.done $0x0  }
0x2a: {  	[sflag:s10] =	ssyncadd.s32 $0xFFFFFC00  }
0x2b: {  	[spmem:s17], [sflag:s12] =	dma.local [hbm:s5], $0x400  }
0x2c: {  	_ =	swait.ge [sflag:s10], $0x400  }
0x2d: {  	[sflag:s10] =	ssyncset.done $0x0  }
0x2e: {  	[sflag:s10] =	ssyncadd.s32 $0xFFFFFC00  }
0x2f: {  	[bflag:$0x0] =	sbarrier.arrive $0xFFFF  }
0x30: {  	[tilespmem:s19], [sflag:$0x1] =	stream.indirect.gather [hbm4b:s4+s18], $0x80, s3, s18, $0xb8;
	[tilespmem:$0x1D040] =	vst v63  }
0x31: {  	_ = 	snop  }
0x32: {  	[tilespmem:s20], [sflag:$0x2] =	stream.indirect.gather [hbm4b:s4+s18], $0x80, s18, s18, $0xb8;
	[tilespmem:$0x1D040] =	vst v63  }
0x33: {  	_ = 	snop  }
0x34: {  	[tilespmem:s22], [sflag:$0x3] =	stream.indirect.gather [hbm4b:s4+s18], $0x80, s21, s18, $0xb8;
	[tilespmem:$0x1D040] =	vst v63  }
0x35: {  	_ = 	snop  }
0x36: {  	[tilespmem:s24], [sflag:$0x4] =	stream.indirect.gather [hbm4b:s4+s18], $0x80, s23, s18, $0xb8;
	[tilespmem:$0x1D040] =	vst v63  }
0x37: {  	_ =	swait.ge [sflag:s25], $0x4000  }
0x38: {  	[sflag:s25] =	ssyncset.done $0x0  }
0x39: {  	s30 =	simm.s32 $0x1800;
	[sflag:s25] =	ssyncadd.s32 $0xFFFFC000  }
0x3a: {  	[spmem:s2] =	stream.indirect.scatter.add.f32 [tilespmem:s19], [sflag:$0x5], $0x80, s30, s18, $0xb8;
	[tilespmem:$0x1D040] =	vst v63  }
0x3b: {  	_ =	swait.ge [sflag:s10], $0x4000  }
0x3c: {  	[sflag:s10] =	ssyncset.done $0x0  }
0x3d: {  	s30 =	simm.s32 $0x200;
	[sflag:s10] =	ssyncadd.s32 $0xFFFFC000  }
0x3e: {  	[tilespmem:s19], [sflag:$0x1] =	stream.indirect.gather [hbm4b:s4+s18], $0x80, s30, s18, $0xb8;
	[tilespmem:$0x1D040] =	vst v63  }
0x3f: {  	_ =	swait.ge [sflag:s26], $0x4000  }
0x40: {  	[sflag:s26] =	ssyncset.done $0x0  }
0x41: {  	s30 =	simm.s32 $0x1880;
	[sflag:s26] =	ssyncadd.s32 $0xFFFFC000  }
0x42: {  	[spmem:s2] =	stream.indirect.scatter.add.f32 [tilespmem:s20], [sflag:$0x5], $0x80, s30, s18, $0xb8;
	[tilespmem:$0x1D040] =	vst v63  }
0x43: {  	_ =	swait.ge [sflag:s10], $0x4000  }
0x44: {  	[sflag:s10] =	ssyncset.done $0x0  }
0x45: {  	s30 =	simm.s32 $0x280;
	[sflag:s10] =	ssyncadd.s32 $0xFFFFC000  }
0x46: {  	[tilespmem:s20], [sflag:$0x2] =	stream.indirect.gather [hbm4b:s4+s18], $0x80, s30, s18, $0xb8;
	[tilespmem:$0x1D040] =	vst v63  }
0x47: {  	_ =	swait.ge [sflag:s28], $0x4000  }
0x48: {  	[sflag:s28] =	ssyncset.done $0x0  }
0x49: {  	s30 =	simm.s32 $0x1900;
	[sflag:s28] =	ssyncadd.s32 $0xFFFFC000  }
0x4a: {  	[spmem:s2] =	stream.indirect.scatter.add.f32 [tilespmem:s22], [sflag:$0x5], $0x80, s30, s18, $0xb8;
	[tilespmem:$0x1D040] =	vst v63  }
0x4b: {  	_ =	swait.ge [sflag:s10], $0x4000  }
0x4c: {  	[sflag:s10] =	ssyncset.done $0x0  }
0x4d: {  	s30 =	simm.s32 $0x300;
	[sflag:s10] =	ssyncadd.s32 $0xFFFFC000  }
0x4e: {  	[tilespmem:s22], [sflag:$0x3] =	stream.indirect.gather [hbm4b:s4+s18], $0x80, s30, s18, $0xb8;
	[tilespmem:$0x1D040] =	vst v63  }
0x4f: {  	_ =	swait.ge [sflag:s29], $0x4000  }
0x50: {  	[sflag:s29] =	ssyncset.done $0x0  }
0x51: {  	s30 =	simm.s32 $0x1980;
	[sflag:s29] =	ssyncadd.s32 $0xFFFFC000  }
0x52: {  	[spmem:s2] =	stream.indirect.scatter.add.f32 [tilespmem:s24], [sflag:$0x5], $0x80, s30, s18, $0xb8;
	[tilespmem:$0x1D040] =	vst v63  }
0x53: {  	_ =	swait.ge [sflag:s10], $0x4000  }
0x54: {  	[sflag:s10] =	ssyncset.done $0x0  }
0x55: {  	s31 =	simm.s32 $0x380;
	s30 =	simm.s32 $0x800;
	[sflag:s10] =	ssyncadd.s32 $0xFFFFC000  }
.LBB2_2:
0x56: {  	[tilespmem:s24], [sflag:$0x4] =	stream.indirect.gather [hbm4b:s4+s18], $0x80, s31, s18, $0xb8;
	[tilespmem:$0x1D040] =	vst v63  }
0x57: {  	s31 =	smov.u32 s30  }
0x58: {  	p0 =	sne.s32 s30, $0x5000;
	s30 =	sadd.s32 $0x800, s30;
	_ =	swait.ge [sflag:s25], $0x4000  }
0x59: {  	s31 =	sshra.s32 s31, $0x2;
	[sflag:s25] =	ssyncset.done $0x0  }
0x5a: {  	s1 =	sadd.s32 $0x1800, s31;
	[sflag:s25] =	ssyncadd.s32 $0xFFFFC000  }
0x5b: {  	[spmem:s2] =	stream.indirect.scatter.add.f32 [tilespmem:s19], [sflag:$0x5], $0x80, s1, s18, $0xb8;
	[tilespmem:$0x1D040] =	vst v63  }
0x5c: {  	_ =	swait.ge [sflag:s10], $0x4000  }
0x5d: {  	[sflag:s10] =	ssyncset.done $0x0  }
0x5e: {  	s1 =	sadd.s32 $0x200, s31;
	[sflag:s10] =	ssyncadd.s32 $0xFFFFC000  }
0x5f: {  	[tilespmem:s19], [sflag:$0x1] =	stream.indirect.gather [hbm4b:s4+s18], $0x80, s1, s18, $0xb8;
	[tilespmem:$0x1D040] =	vst v63  }
0x60: {  	_ =	swait.ge [sflag:s26], $0x4000  }
0x61: {  	[sflag:s26] =	ssyncset.done $0x0  }
0x62: {  	s1 =	sadd.s32 $0x1880, s31;
	[sflag:s26] =	ssyncadd.s32 $0xFFFFC000  }
0x63: {  	[spmem:s2] =	stream.indirect.scatter.add.f32 [tilespmem:s20], [sflag:$0x5], $0x80, s1, s18, $0xb8;
	[tilespmem:$0x1D040] =	vst v63  }
0x64: {  	_ =	swait.ge [sflag:s10], $0x4000  }
0x65: {  	[sflag:s10] =	ssyncset.done $0x0  }
0x66: {  	s1 =	sadd.s32 $0x280, s31;
	[sflag:s10] =	ssyncadd.s32 $0xFFFFC000  }
0x67: {  	[tilespmem:s20], [sflag:$0x2] =	stream.indirect.gather [hbm4b:s4+s18], $0x80, s1, s18, $0xb8;
	[tilespmem:$0x1D040] =	vst v63  }
0x68: {  	_ =	swait.ge [sflag:s28], $0x4000  }
0x69: {  	[sflag:s28] =	ssyncset.done $0x0  }
0x6a: {  	s1 =	sadd.s32 $0x1900, s31;
	[sflag:s28] =	ssyncadd.s32 $0xFFFFC000  }
0x6b: {  	[spmem:s2] =	stream.indirect.scatter.add.f32 [tilespmem:s22], [sflag:$0x5], $0x80, s1, s18, $0xb8;
	[tilespmem:$0x1D040] =	vst v63  }
0x6c: {  	_ =	swait.ge [sflag:s10], $0x4000  }
0x6d: {  	[sflag:s10] =	ssyncset.done $0x0  }
0x6e: {  	s1 =	sadd.s32 $0x300, s31;
	[sflag:s10] =	ssyncadd.s32 $0xFFFFC000  }
0x6f: {  	[tilespmem:s22], [sflag:$0x3] =	stream.indirect.gather [hbm4b:s4+s18], $0x80, s1, s18, $0xb8;
	[tilespmem:$0x1D040] =	vst v63  }
0x70: {  	_ =	swait.ge [sflag:s29], $0x4000  }
0x71: {  	[sflag:s29] =	ssyncset.done $0x0  }
.Ltmp0:
0x72: {  	s1 =	sadd.s32 $0x1980, s31;
	[sflag:s29] =	ssyncadd.s32 $0xFFFFC000;
	(pc) =	sbr.rel @p0 .LBB2_2-.Ltmp0, $4  }
0x73: {  	[spmem:s2] =	stream.indirect.scatter.add.f32 [tilespmem:s24], [sflag:$0x5], $0x80, s1, s18, $0xb8;
	[tilespmem:$0x1D040] =	vst v63  }
0x74: {  	_ =	swait.ge [sflag:s10], $0x4000  }
0x75: {  	[sflag:s10] =	ssyncset.done $0x0  }
0x76: {  	s31 =	sadd.s32 $0x380, s31;
	[sflag:s10] =	ssyncadd.s32 $0xFFFFC000  }
0x77: {  	[tilespmem:s24], [sflag:$0x4] =	stream.indirect.gather [hbm4b:s4+s18], $0x80, s31, s18, $0xb8;
	[tilespmem:$0x1D040] =	vst v63  }
0x78: {  	_ =	swait.ge [sflag:s25], $0x4000  }
0x79: {  	[sflag:s25] =	ssyncset.done $0x0  }
0x7a: {  	s1 =	simm.s32 $0x2E00;
	[sflag:s25] =	ssyncadd.s32 $0xFFFFC000  }
0x7b: {  	[spmem:s2] =	stream.indirect.scatter.add.f32 [tilespmem:s19], [sflag:$0x5], $0x80, s1, s18, $0xb8;
	[tilespmem:$0x1D040] =	vst v63  }
0x7c: {  	_ =	swait.ge [sflag:s10], $0x4000  }
0x7d: {  	[sflag:s10] =	ssyncset.done $0x0  }
0x7e: {  	[sflag:s10] =	ssyncadd.s32 $0xFFFFC000  }
0x7f: {  	[tilespmem:s19], [sflag:$0x1] =	stream.indirect.gather [hbm4b:s4+s18], $0x80, s3, s18, $0xb8;
	[tilespmem:$0x1D040] =	vst v63  }
0x80: {  	_ =	swait.ge [sflag:s26], $0x4000  }
0x81: {  	[sflag:s26] =	ssyncset.done $0x0  }
0x82: {  	s30 =	simm.s32 $0x2E80;
	[sflag:s26] =	ssyncadd.s32 $0xFFFFC000  }
0x83: {  	[spmem:s2] =	stream.indirect.scatter.add.f32 [tilespmem:s20], [sflag:$0x5], $0x80, s30, s18, $0xb8;
	[tilespmem:$0x1D040] =	vst v63  }
0x84: {  	_ =	swait.ge [sflag:s10], $0x4000  }
0x85: {  	[sflag:s10] =	ssyncset.done $0x0  }
0x86: {  	[sflag:s10] =	ssyncadd.s32 $0xFFFFC000  }
0x87: {  	[tilespmem:s20], [sflag:$0x2] =	stream.indirect.gather [hbm4b:s4+s18], $0x80, s18, s18, $0xb8;
	[tilespmem:$0x1D040] =	vst v63  }
0x88: {  	_ =	swait.ge [sflag:s28], $0x4000  }
0x89: {  	[sflag:s28] =	ssyncset.done $0x0  }
0x8a: {  	s31 =	simm.s32 $0x2F00;
	[sflag:s28] =	ssyncadd.s32 $0xFFFFC000  }
0x8b: {  	[spmem:s2] =	stream.indirect.scatter.add.f32 [tilespmem:s22], [sflag:$0x5], $0x80, s31, s18, $0xb8;
	[tilespmem:$0x1D040] =	vst v63  }
0x8c: {  	_ =	swait.ge [sflag:s10], $0x4000  }
0x8d: {  	[sflag:s10] =	ssyncset.done $0x0  }
0x8e: {  	[sflag:s10] =	ssyncadd.s32 $0xFFFFC000  }
0x8f: {  	[tilespmem:s22], [sflag:$0x3] =	stream.indirect.gather [hbm4b:s4+s18], $0x80, s21, s18, $0xb8;
	[tilespmem:$0x1D040] =	vst v63  }
0x90: {  	_ =	swait.ge [sflag:s29], $0x4000  }
0x91: {  	[sflag:s29] =	ssyncset.done $0x0  }
0x92: {  	[sflag:s29] =	ssyncadd.s32 $0xFFFFC000  }
0x93: {  	[spmem:s2] =	stream.indirect.scatter.add.f32 [tilespmem:s24], [sflag:$0x5], $0x80, s0, s18, $0xb8;
	[tilespmem:$0x1D040] =	vst v63  }
0x94: {  	_ =	swait.ge [sflag:s10], $0x4000  }
0x95: {  	[sflag:s10] =	ssyncset.done $0x0  }
0x96: {  	[sflag:s10] =	ssyncadd.s32 $0xFFFFC000  }
0x97: {  	[tilespmem:s24], [sflag:$0x4] =	stream.indirect.gather [hbm4b:s4+s18], $0x80, s23, s18, $0xb8;
	[tilespmem:$0x1D040] =	vst v63  }
0x98: {  	_ =	swait.ge [sflag:s25], $0x4000  }
0x99: {  	[sflag:s25] =	ssyncset.done $0x0  }
0x9a: {  	[sflag:s25] =	ssyncadd.s32 $0xFFFFC000  }
0x9b: {  	_ =	swait.ge [sflag:s26], $0x4000  }
0x9c: {  	[sflag:s26] =	ssyncset.done $0x0  }
0x9d: {  	[sflag:s26] =	ssyncadd.s32 $0xFFFFC000  }
0x9e: {  	_ =	swait.ge [sflag:s28], $0x4000  }
0x9f: {  	[sflag:s28] =	ssyncset.done $0x0  }
0xa0: {  	[sflag:s28] =	ssyncadd.s32 $0xFFFFC000  }
0xa1: {  	_ =	swait.ge [sflag:s29], $0x4000  }
0xa2: {  	s11 =	sadd.s32 $0x1, s11;
	[sflag:s29] =	ssyncset.done $0x0  }
0xa3: {  	p0 =	sne.s32 s11, s9;
	[sflag:s29] =	ssyncadd.s32 $0xFFFFC000  }
.Ltmp1:
0xa4: {  	[bflag:$0x0] =	sbarrier.arrive $0xFFFF;
	(pc) =	sbr.rel @p0 .LBB2_1-.Ltmp1, $4  }
0xa5: {  	[hbm:s8], [sflag:s12] =	dma.local [spmem:s13], $0x1400  }
0xa6: {  	_ =	swait.ge [sflag:s10], $0x1400  }
0xa7: {  	[sflag:s10] =	ssyncset.done $0x0  }
0xa8: {  	[sflag:s10] =	ssyncadd.s32 $0xFFFFEC00  }
0xa9: {  	_ =	sfence.sel $0x180000  }
0xaa: {  	[bflag:$0x0] =	sbarrier.arrive $0xFFFF  }
0xab: {  	_ =	strace $0x90000053  }
0xac: {  	s0 =	stileid.u32;
	[bflag:$0x2] =	sbarrier.arrive $0xFFFF  }
0xad: {  	p0 =	sne.s32 s0, $0x0;
	s0 =	rddreg [dreg:$0x2]  }
0xae: {  	s0 =	sadd.s32 @!p0 $0x100000, s0  }
0xaf: {  	[sflag:s0] =	ssyncadd.tile.s32 @!p0 $0x1;
	_ =	shalt  }
.Lfunc_end2:
_tile_overlayer_lowered:
.L_overlay_start_2:
0xb0: {  	(tag) =	ssettag $0x2  }
0xb1: {  	s0 =	rddreg [dreg:$0x0];
	s2 =	stileid.u32  }
0xb2: {  	s1 =	rddreg [dreg:$0x1];
	p0 =	sne.s32 s2, $0x0  }
0xb3: {  	s3 =	rddreg [dreg:$0x2];
	[bflag:$0x3] =	sbarrier.arrive $0xFFFF;
	s2 =	simm.s32 @!p0 $0x1C05  }
0xb4: {  	[timem:s3], [sflag:s2] =	dma.local @!p0 [hbm:s0], s1  }
0xb5: {  	s0 =	simm.s32 @!p0 $0x5  }
0xb6: {  	_ =	swait.ge @!p0 [sflag:s0], s1  }
0xb7: {  	s1 =	ssub.s32 @!p0 $0x0, s1;
	[sflag:s0] =	ssyncset.done @!p0 $0x0  }
0xb8: {  	[sflag:s0] =	ssyncadd.s32 @!p0 s1  }
0xb9: {  	[bflag:$0x3] =	sbarrier.arrive $0xFFFF  }
0xba: {  	_ =	shalt  }

// kernel: kernel.8.cloned.1.call-start
scs
__scs_entry_jumppad:
0x0: {  	(pc) =	sbr.rel $0x88, $3  }
0x1: {  	(tag) =	ssettag $0x0;
	lr =	simm.s32 $0x1  }
0x2: {  	[smem:$0x3F88] =	sst lr;
	_ =	strace $0xD0000000  }
0x3: {  	_ = 	snop  }
0x4: {  	_ = 	snop  }
0x5: {  	_ = 	snop  }
0x6: {  	_ = 	snop  }
0x7: {  	_ = 	snop  }
__scs_overlays_trampoline_lowered:
0x8: {  	[smem:$0x3F97] =	sst s0  }
0x9: {  	[smem:$0x3F98] =	sst s1  }
0xa: {  	[smem:$0x3F99] =	sst s2  }
0xb: {  	[smem:$0x3F9A] =	sst s3  }
0xc: {  	[smem:$0x3F9B] =	sst s4  }
0xd: {  	[smem:$0x3F9C] =	sst s5  }
0xe: {  	[smem:$0x3F9D] =	sst s6  }
0xf: {  	[smem:$0x3F9E] =	sst s7  }
0x10: {  	[smem:$0x3F9F] =	sst s8  }
0x11: {  	[smem:$0x3FA0] =	sst s9;
	s0 =	simm.s32 @!p0 $0x0  }
0x12: {  	s1 =	sld [smem:$0x3F86];
	s0 =	simm.s32 @p0 $0x1  }
0x13: {  	[smem:$0x3FA1] =	sst s0;
	s0 =	simm.s32 @!p1 $0x0  }
0x14: {  	s2 =	sld [smem:$0x3F85];
	s0 =	simm.s32 @p1 $0x1  }
0x15: {  	[smem:$0x3FA2] =	sst s0;
	s0 =	simm.s32 @!p2 $0x0  }
0x16: {  	s3 =	sld [smem:$0x3FDB];
	s0 =	simm.s32 @p2 $0x1  }
0x17: {  	s4 =	simm.s32 $0x1BF5;
	[smem:$0x3FA4] =	sst s0  }
0x18: {  	s0 =	sld [smem:$0x3F87];
	_ =	swait.ge [sflag:s4], $0x0  }
0x19: {  	s7 =	sld [smem:$0x3F88]  }
0x1a: {  	s8 =	sadd.s32 $0xFFFFE003, lr  }
0x1b: {  	s9 =	sadd.s32 $0xFFFFFEF7, lr;
	s5 =	simm.s32 $0xFFFFFFFF;
	p2 =	slt.u32 s8, $0xFFFFF086  }
0x1c: {  	p1 =	slt.u32 s9, $0xF7A;
	s5 =	simm.s32 @!p2 $0x0  }
0x1d: {  	s5 =	simm.s32 @p1 $0x1;
	p0 =	seq.s32 s7, s2  }
0x1e: {  	s7 =	smul.u32 @!p0 $0xF7A, s2;
	p2 =	seq.s32 @!p0 s5, $0x0  }
0x1f: {  	s9 =	smul.u32 $0xF7A, s1;
	s8 =	simm.s32 @!p0 $0x1BF5;
	p2 =	por !p2, p0  }
0x20: {  	[sflag:s8] =	ssyncset.s32 @!p0 $0xFFFFF086;
	s6 =	sadd.s32 @!p0 s3, s7;
	s7 =	simm.s32 @!p0 $0x108  }
0x21: {  	s3 =	sadd.s32 s3, s9;
	s6 =	sadd.s32 @!p0 $0x88, s6;
	s7 =	simm.s32 @p2 $0x1082  }
0x22: {  	[simem:s7], [sflag:s8] =	dma.local @!p0 [hbm:s6], $0xF7A  }
0x23: {  	s9 =	sor.u32 $0xD0000000, s2;
	s6 =	simm.s32 $0x108;
	_ =	swait.ge @!p0 [sflag:s8], $0x0  }
0x24: {  	s3 =	sadd.s32 $0x88, s3;
	s6 =	simm.s32 @!p1 $0x1082;
	[sflag:s4] =	ssyncset.s32 $0xFFFFF086  }
0x25: {  	[simem:s6], [sflag:s4] =	dma.local [hbm:s3], $0xF7A  }
0x26: {  	[smem:$0x3F88] =	sst s1;
	(tag) =	ssettag s2;
	_ =	strace s9  }
0x27: {  	s1 =	sld [smem:$0x3F98]  }
0x28: {  	s2 =	sld [smem:$0x3F99]  }
0x29: {  	s4 =	sld [smem:$0x3F9B]  }
0x2a: {  	p0 =	seq.s32 s5, $0x0;
	s5 =	sld [smem:$0x3F9C]  }
0x2b: {  	s6 =	sld [smem:$0x3F9D]  }
0x2c: {  	s7 =	sld [smem:$0x3F9E]  }
0x2d: {  	s3 =	simm.s32 $0x108;
	s8 =	sld [smem:$0x3F9F]  }
0x2e: {  	s3 =	simm.s32 @!p0 $0x1082;
	s9 =	sld [smem:$0x3FA0]  }
0x2f: {  	lr =	sadd.s32 s0, s3;
	s0 =	sld [smem:$0x3F97]  }
0x30: {  	s3 =	sld [smem:$0x3F9A]  }
0x31: {  	[smem:$0x3FA3] =	sst s10  }
0x32: {  	s10 =	sld [smem:$0x3FA1];
	_ =	sdelay $0x3  }
0x33: {  	p0 =	seq.s32 s10, $0x1;
	s10 =	sld [smem:$0x3FA3];
	_ =	sdelay $0x3  }
0x34: {  	[smem:$0x3FA3] =	sst s10  }
0x35: {  	s10 =	sld [smem:$0x3FA2];
	_ =	sdelay $0x3  }
0x36: {  	p1 =	seq.s32 s10, $0x1;
	s10 =	sld [smem:$0x3FA3];
	_ =	sdelay $0x3  }
0x37: {  	[smem:$0x3FA3] =	sst s10  }
0x38: {  	s10 =	sld [smem:$0x3FA4]  }
0x39: {  	_ = 	snop;
	(pc) =	sbr.ind lr, $3  }
0x3a: {  	_ = 	snop  }
0x3b: {  	_ = 	snop  }
0x3c: {  	p2 =	seq.s32 s10, $0x1;
	s10 =	sld [smem:$0x3FA3]  }
0x3d: {  	_ =	shalt  }
0x3e: {  	_ =	shalt  }
0x3f: {  	_ =	shalt  }
0x40: {  	_ =	shalt  }
0x41: {  	_ =	shalt  }
0x42: {  	_ =	shalt  }
0x43: {  	_ =	shalt  }
0x44: {  	_ =	shalt  }
0x45: {  	_ =	shalt  }
0x46: {  	_ =	shalt  }
0x47: {  	_ =	shalt  }
0x48: {  	_ =	shalt  }
0x49: {  	_ =	shalt  }
0x4a: {  	_ =	shalt  }
0x4b: {  	_ =	shalt  }
0x4c: {  	_ =	shalt  }
0x4d: {  	_ =	shalt  }
0x4e: {  	_ =	shalt  }
0x4f: {  	_ =	shalt  }
0x50: {  	_ =	shalt  }
0x51: {  	_ =	shalt  }
0x52: {  	_ =	shalt  }
0x53: {  	_ =	shalt  }
0x54: {  	_ =	shalt  }
0x55: {  	_ =	shalt  }
0x56: {  	_ =	shalt  }
0x57: {  	_ =	shalt  }
0x58: {  	_ =	shalt  }
0x59: {  	_ =	shalt  }
0x5a: {  	_ =	shalt  }
0x5b: {  	_ =	shalt  }
0x5c: {  	_ =	shalt  }
0x5d: {  	_ =	shalt  }
0x5e: {  	_ =	shalt  }
0x5f: {  	_ =	shalt  }
0x60: {  	_ =	shalt  }
0x61: {  	_ =	shalt  }
0x62: {  	_ =	shalt  }
0x63: {  	_ =	shalt  }
0x64: {  	_ =	shalt  }
0x65: {  	_ =	shalt  }
0x66: {  	_ =	shalt  }
0x67: {  	_ =	shalt  }
0x68: {  	_ =	shalt  }
0x69: {  	_ =	shalt  }
0x6a: {  	_ =	shalt  }
0x6b: {  	_ =	shalt  }
0x6c: {  	_ =	shalt  }
0x6d: {  	_ =	shalt  }
0x6e: {  	_ =	shalt  }
0x6f: {  	_ =	shalt  }
0x70: {  	_ =	shalt  }
0x71: {  	_ =	shalt  }
0x72: {  	_ =	shalt  }
0x73: {  	_ =	shalt  }
0x74: {  	_ =	shalt  }
0x75: {  	_ =	shalt  }
0x76: {  	_ =	shalt  }
0x77: {  	_ =	shalt  }
0x78: {  	_ =	shalt  }
0x79: {  	_ =	shalt  }
0x7a: {  	_ =	shalt  }
0x7b: {  	_ =	shalt  }
0x7c: {  	_ =	shalt  }
0x7d: {  	_ =	shalt  }
0x7e: {  	_ =	shalt  }
0x7f: {  	_ =	shalt  }
0x80: {  	_ =	shalt  }
0x81: {  	_ =	shalt  }
0x82: {  	_ =	shalt  }
0x83: {  	_ =	shalt  }
0x84: {  	_ =	shalt  }
0x85: {  	_ =	shalt  }
0x86: {  	_ =	shalt  }
0x87: {  	_ =	shalt  }
.Lfunc_end0:
.L_simem_size_0:
called_computation.7_lowered:
.L_overlay_start_0:
0x88: {  	s2 =	sld [smem:$0x3FD9]  }
0x89: {  	s3 =	sld [smem:$0x3FFE];
	_ =	sdelay $0x1  }
0x8a: {  	s1 =	srdreg.scid  }
0x8b: {  	s0 =	sand.u32 $0x1, s1  }
0x8c: {  	s16 =	sshll.u32 s0, $0xA;
	s2 =	sadd.s32 s3, s2  }
0x8d: {  	s2 =	sadd.s32 s2, s16  }
0x8e: {  	[smem:$0x3FAF] =	sst s2  }
0x8f: {  	_ = 	snop  }
0x90: {  	(tm) =	ssettm $0x1  }
0x91: {  	s17 =	sld [smem:$0x3FFB];
	_ =	sdelay $0x3  }
0x92: {  	_ =	strace s17  }
0x93: {  	s2 =	sld [smem:$0x3FFC];
	_ =	sdelay $0x3  }
0x94: {  	_ =	strace s2  }
0x95: {  	s2 =	sld [smem:$0x3FFD];
	_ =	sdelay $0x3  }
0x96: {  	_ =	strace s2  }
0x97: {  	_ =	strace $0x8FFFFFFF  }
0x98: {  	s18 =	sld [smem:$0x3FDB];
	_ =	sdelay $0x1  }
0x99: {  	s19 =	simm.s32 $_scs_section_size  }
0x9a: {  	s4 =	simm.s32 $_size__tile_overlayer_lowered;
	s5 =	simm.s32 $_tile_overlayer_lowered  }
0x9b: {  	s22 =	simm.s32 $0x1BFF;
	s21 =	sshll.u32 s5, $0x1;
	s2 =	sadd.s32 s19, s18  }
0x9c: {  	s6 =	simm.s32 $0x0;
	s20 =	sshll.u32 s4, $0x1;
	s4 =	sadd.s32 s21, s2  }
0x9d: {  	[timem:s6], [sflag:s22] =	dma.local [hbm:s4], s20  }
0x9e: {  	_ =	swait.ge [sflag:s22], s20  }
0x9f: {  	s3 =	ssub.s32 $0x0, s20;
	[sflag:s22] =	ssyncset.done $0x0  }
0xa0: {  	[sflag:s22] =	ssyncadd.s32 s3;
	_ =	sdelay $0x1  }
0xa1: {  	s23 =	simm.s32 $0x1B8B  }
0xa2: {  	_ =	swait.ge [sflag:s23], $0x1  }
0xa3: {  	[sflag:s23] =	ssyncset.done $0x0  }
0xa4: {  	s25 =	simm.s32 $0x1B8E;
	s24 =	sld [smem:$0x3FFE];
	[sflag:s23] =	ssyncadd.s32 $0xFFFFFFFF  }
0xa5: {  	s26 =	simm.s32 $execute0_lowered;
	[smem:$0x3FD2] =	sst s25  }
0xa6: {  	s4 =	sshll.u32 s26, $0x1;
	_ =	strace $0x80000055;
	[dreg:$0x1] =	wrdreg $0xFFFFFFFF  }
0xa7: {  	s28 =	simm.s32 $_size_execute0_lowered;
	s2 =	sadd.s32 s2, s4;
	[dreg:$0x0] =	wrdreg $0x0  }
0xa8: {  	s4 =	sshll.u32 s28, $0x1;
	[dreg:$0x2] =	wrdreg s2  }
0xa9: {  	[dreg:$0x3] =	wrdreg s4  }
0xaa: {  	[dreg:$0x4] =	wrdreg $0xC0  }
0xab: {  	_ =	task [dreg:s6], $0x5FFFF  }
0xac: {  	[dreg:$0x1] =	wrdreg $0xFFFFFFFF  }
0xad: {  	[dreg:$0x0] =	wrdreg $0x60  }
0xae: {  	[dreg:$0x2] =	wrdreg s24  }
0xaf: {  	[dreg:$0x3] =	wrdreg $0x130000  }
0xb0: {  	[dreg:$0x4] =	wrdreg $0x9  }
0xb1: {  	_ =	task.clear_ibuf [dreg:s6], $0x5FFFF;
	_ =	strace $0x90000055  }
0xb2: {  	s29 =	simm.s32 $0x9;
	_ =	strace $0x80000057  }
0xb3: {  	_ =	swait.ge [sflag:s29], $0x1  }
0xb4: {  	[sflag:s29] =	ssyncadd.s32 $0xFFFFFFFF  }
0xb5: {  	_ =	strace $0x90000057  }
0xb6: {  	_ =	sfence  }
0xb7: {  	s30 =	sld [smem:$0x0];
	_ =	sdelay $0x2  }
0xb8: {  	s31 =	sshll.u32 s1, $0xD;
	s1 =	sshrl.u32 s1, $0x2  }
0xb9: {  	s3 =	sand.u32 $0x4000, s31;
	s1 =	sadd.s32 s1, s30  }
0xba: {  	s0 =	sor.u32 s3, s0;
	s1 =	sshll.u32 s1, $0x11  }
0xbb: {  	s0 =	sor.u32 s1, s0  }
0xbc: {  	s0 =	sadd.s32 $0x8F2B, s0  }
0xbd: {  	[sflag:s0] =	ssyncadd.remote.s32 $0x1  }
0xbe: {  	_ =	sfence.sel $0xFFFF  }
0xbf: {  	[dreg:$0x0] =	wrdreg $0xFFFFFFFF;
	(pc) =	sbr.abs _section_cstart, $3  }
0xc0: {  	[dreg:$0x1] =	wrdreg $0xFFFFFFFF  }
0xc1: {  	_ =	task.clear_ibuf [dreg:s6], $0x2FFFF;
	_ =	strace $0x9FFFFFFF  }
0xc2: {  	(tm) =	ssettm $0x7FFFFFFF  }
0xc3: {  	_ =	shalt  }
tec
execute0_lowered:
.L_overlay_start_1:
0x0: {  	(tag) =	ssettag $0x1  }
0x1: {  	s0 =	rddreg [dreg:$0x0];
	s1 =	srdreg.scid  }
0x2: {  	s12 =	stileid.u32;
	s2 =	rddreg [dreg:$0x1];
	s3 =	simm.s32 $0x0  }
0x3: {  	s18 =	simm.s32 $0x80;
	s19 =	simm.s32 $0x3000;
	s20 =	simm.s32 $0x7000  }
0x4: {  	s21 =	simm.s32 $0x100;
	s22 =	simm.s32 $0xB000;
	s5 =	smul.u32 $0x1400, s12  }
0x5: {  	s23 =	simm.s32 $0x180;
	s28 =	simm.s32 $0x3;
	s8 =	smul.u32 $0x1800, s12  }
0x6: {  	s29 =	simm.s32 $0x4;
	s1 =	sand.u32 $0x1, s1;
	s9 =	smul.u32 $0x28000, s12  }
0x7: {  	[smem:$0x7FF] =	sst s3;
	s4 =	sadd.s32 $0x1F000, s0;
	s6 =	smul.u32 $0x14000, s1  }
0x8: {  	s31 =	sshll.u32 s12, $0x6;
	s7 =	smul.u32 $0x18000, s1;
	_ =	strace $0x80000056  }
0x9: {  	s1 =	ssub.s32 $0x2, s1;
	s12 =	sor.u32 $0x1C05, s31;
	s25 =	sshrl.u32 s9, $0x2  }
0xa: {  	s26 =	sshrl.u32 s1, $0x1;
	s6 =	sadd.s32 s5, s6;
	s5 =	sadd.s32 $0x6000, s0  }
0xb: {  	s24 =	sadd.s32 s8, s7;
	s30 =	sadd.s32 s25, s2;
	s1 =	ssub.s32 s1, s26  }
0xc: {  	s25 =	simm.s32 $0x1;
	s26 =	simm.s32 $0x2;
	s10 =	sadd.s32 s6, s0  }
0xd: {  	s6 =	sshrl.u32 s24, $0x3;
	s11 =	sadd.s32 $0x2000, s30;
	s15 =	sadd.s32 $0x4000, s30  }
0xe: {  	s16 =	sadd.s32 $0x6000, s30;
	s17 =	sadd.s32 $0x8000, s30;
	s9 =	smax.u32 s1, $0x1  }
0xf: {  	s13 =	sshrl.u32 s30, $0x3;
	s24 =	simm.s32 $0xF000;
	s6 =	sadd.s32 s0, s6  }
0x10: {  	s8 =	sadd.s32 $0x47000, s10;
	s10 =	simm.s32 $0x5;
	s14 =	sshrl.u32 s11, $0x3  }
0x11: {  	s15 =	sshrl.u32 s15, $0x3;
	s16 =	sshrl.u32 s16, $0x3;
	s17 =	sshrl.u32 s17, $0x3  }
0x12: {  	s0 =	simm.s32 $0x2F80;
	s11 =	simm.s32 $0x0;
	s7 =	sadd.s32 $0x19000, s6  }
.LBB2_1:
0x13: {  	[tilespmem:s3], [sflag:$0x5] =	stream.linear.gather [hbm4b:s6+s3], $0x1800, $0x38;
	[tilespmem:$0x1D040] =	vst v63  }
0x14: {  	_ =	swait.ge [sflag:s10], $0x1800  }
0x15: {  	[sflag:s10] =	ssyncset.done $0x0  }
0x16: {  	s1 =	simm.s32 $0x1800;
	[sflag:s10] =	ssyncadd.s32 $0xFFFFE800  }
0x17: {  	[tilespmem:s1], [sflag:$0x5] =	stream.linear.gather [hbm4b:s7+s3], $0x1800, $0x38;
	[tilespmem:$0x1D040] =	vst v63  }
0x18: {  	_ =	swait.ge [sflag:s10], $0x1800  }
0x19: {  	[sflag:s10] =	ssyncset.done $0x0  }
0x1a: {  	[sflag:s10] =	ssyncadd.s32 $0xFFFFE800  }
0x1b: {  	[spmem:s13], [sflag:s12] =	dma.local [hbm:s5], $0x400  }
0x1c: {  	_ =	swait.ge [sflag:s10], $0x400  }
0x1d: {  	[sflag:s10] =	ssyncset.done $0x0  }
0x1e: {  	[sflag:s10] =	ssyncadd.s32 $0xFFFFFC00  }
0x1f: {  	[spmem:s14], [sflag:s12] =	dma.local [hbm:s5], $0x400  }
0x20: {  	_ =	swait.ge [sflag:s10], $0x400  }
0x21: {  	[sflag:s10] =	ssyncset.done $0x0  }
0x22: {  	[sflag:s10] =	ssyncadd.s32 $0xFFFFFC00  }
0x23: {  	[spmem:s15], [sflag:s12] =	dma.local [hbm:s5], $0x400  }
0x24: {  	_ =	swait.ge [sflag:s10], $0x400  }
0x25: {  	[sflag:s10] =	ssyncset.done $0x0  }
0x26: {  	[sflag:s10] =	ssyncadd.s32 $0xFFFFFC00  }
0x27: {  	[spmem:s16], [sflag:s12] =	dma.local [hbm:s5], $0x400  }
0x28: {  	_ =	swait.ge [sflag:s10], $0x400  }
0x29: {  	[sflag:s10] =	ssyncset.done $0x0  }
0x2a: {  	[sflag:s10] =	ssyncadd.s32 $0xFFFFFC00  }
0x2b: {  	[spmem:s17], [sflag:s12] =	dma.local [hbm:s5], $0x400  }
0x2c: {  	_ =	swait.ge [sflag:s10], $0x400  }
0x2d: {  	[sflag:s10] =	ssyncset.done $0x0  }
0x2e: {  	[sflag:s10] =	ssyncadd.s32 $0xFFFFFC00  }
0x2f: {  	[bflag:$0x0] =	sbarrier.arrive $0xFFFF  }
0x30: {  	[tilespmem:s19], [sflag:$0x1] =	stream.indirect.gather [hbm4b:s4+s18], $0x80, s3, s18, $0xb8;
	[tilespmem:$0x1D040] =	vst v63  }
0x31: {  	_ = 	snop  }
0x32: {  	[tilespmem:s20], [sflag:$0x2] =	stream.indirect.gather [hbm4b:s4+s18], $0x80, s18, s18, $0xb8;
	[tilespmem:$0x1D040] =	vst v63  }
0x33: {  	_ = 	snop  }
0x34: {  	[tilespmem:s22], [sflag:$0x3] =	stream.indirect.gather [hbm4b:s4+s18], $0x80, s21, s18, $0xb8;
	[tilespmem:$0x1D040] =	vst v63  }
0x35: {  	_ = 	snop  }
0x36: {  	[tilespmem:s24], [sflag:$0x4] =	stream.indirect.gather [hbm4b:s4+s18], $0x80, s23, s18, $0xb8;
	[tilespmem:$0x1D040] =	vst v63  }
0x37: {  	_ =	swait.ge [sflag:s25], $0x4000  }
0x38: {  	[sflag:s25] =	ssyncset.done $0x0  }
0x39: {  	s30 =	simm.s32 $0x1800;
	[sflag:s25] =	ssyncadd.s32 $0xFFFFC000  }
0x3a: {  	[spmem:s2] =	stream.indirect.scatter.add.f32 [tilespmem:s19], [sflag:$0x5], $0x80, s30, s18, $0xb8;
	[tilespmem:$0x1D040] =	vst v63  }
0x3b: {  	_ =	swait.ge [sflag:s10], $0x4000  }
0x3c: {  	[sflag:s10] =	ssyncset.done $0x0  }
0x3d: {  	s30 =	simm.s32 $0x200;
	[sflag:s10] =	ssyncadd.s32 $0xFFFFC000  }
0x3e: {  	[tilespmem:s19], [sflag:$0x1] =	stream.indirect.gather [hbm4b:s4+s18], $0x80, s30, s18, $0xb8;
	[tilespmem:$0x1D040] =	vst v63  }
0x3f: {  	_ =	swait.ge [sflag:s26], $0x4000  }
0x40: {  	[sflag:s26] =	ssyncset.done $0x0  }
0x41: {  	s30 =	simm.s32 $0x1880;
	[sflag:s26] =	ssyncadd.s32 $0xFFFFC000  }
0x42: {  	[spmem:s2] =	stream.indirect.scatter.add.f32 [tilespmem:s20], [sflag:$0x5], $0x80, s30, s18, $0xb8;
	[tilespmem:$0x1D040] =	vst v63  }
0x43: {  	_ =	swait.ge [sflag:s10], $0x4000  }
0x44: {  	[sflag:s10] =	ssyncset.done $0x0  }
0x45: {  	s30 =	simm.s32 $0x280;
	[sflag:s10] =	ssyncadd.s32 $0xFFFFC000  }
0x46: {  	[tilespmem:s20], [sflag:$0x2] =	stream.indirect.gather [hbm4b:s4+s18], $0x80, s30, s18, $0xb8;
	[tilespmem:$0x1D040] =	vst v63  }
0x47: {  	_ =	swait.ge [sflag:s28], $0x4000  }
0x48: {  	[sflag:s28] =	ssyncset.done $0x0  }
0x49: {  	s30 =	simm.s32 $0x1900;
	[sflag:s28] =	ssyncadd.s32 $0xFFFFC000  }
0x4a: {  	[spmem:s2] =	stream.indirect.scatter.add.f32 [tilespmem:s22], [sflag:$0x5], $0x80, s30, s18, $0xb8;
	[tilespmem:$0x1D040] =	vst v63  }
0x4b: {  	_ =	swait.ge [sflag:s10], $0x4000  }
0x4c: {  	[sflag:s10] =	ssyncset.done $0x0  }
0x4d: {  	s30 =	simm.s32 $0x300;
	[sflag:s10] =	ssyncadd.s32 $0xFFFFC000  }
0x4e: {  	[tilespmem:s22], [sflag:$0x3] =	stream.indirect.gather [hbm4b:s4+s18], $0x80, s30, s18, $0xb8;
	[tilespmem:$0x1D040] =	vst v63  }
0x4f: {  	_ =	swait.ge [sflag:s29], $0x4000  }
0x50: {  	[sflag:s29] =	ssyncset.done $0x0  }
0x51: {  	s30 =	simm.s32 $0x1980;
	[sflag:s29] =	ssyncadd.s32 $0xFFFFC000  }
0x52: {  	[spmem:s2] =	stream.indirect.scatter.add.f32 [tilespmem:s24], [sflag:$0x5], $0x80, s30, s18, $0xb8;
	[tilespmem:$0x1D040] =	vst v63  }
0x53: {  	_ =	swait.ge [sflag:s10], $0x4000  }
0x54: {  	[sflag:s10] =	ssyncset.done $0x0  }
0x55: {  	s31 =	simm.s32 $0x380;
	s30 =	simm.s32 $0x800;
	[sflag:s10] =	ssyncadd.s32 $0xFFFFC000  }
.LBB2_2:
0x56: {  	[tilespmem:s24], [sflag:$0x4] =	stream.indirect.gather [hbm4b:s4+s18], $0x80, s31, s18, $0xb8;
	[tilespmem:$0x1D040] =	vst v63  }
0x57: {  	s31 =	smov.u32 s30  }
0x58: {  	p0 =	sne.s32 s30, $0x5000;
	s30 =	sadd.s32 $0x800, s30;
	_ =	swait.ge [sflag:s25], $0x4000  }
0x59: {  	s31 =	sshra.s32 s31, $0x2;
	[sflag:s25] =	ssyncset.done $0x0  }
0x5a: {  	s1 =	sadd.s32 $0x1800, s31;
	[sflag:s25] =	ssyncadd.s32 $0xFFFFC000  }
0x5b: {  	[spmem:s2] =	stream.indirect.scatter.add.f32 [tilespmem:s19], [sflag:$0x5], $0x80, s1, s18, $0xb8;
	[tilespmem:$0x1D040] =	vst v63  }
0x5c: {  	_ =	swait.ge [sflag:s10], $0x4000  }
0x5d: {  	[sflag:s10] =	ssyncset.done $0x0  }
0x5e: {  	s1 =	sadd.s32 $0x200, s31;
	[sflag:s10] =	ssyncadd.s32 $0xFFFFC000  }
0x5f: {  	[tilespmem:s19], [sflag:$0x1] =	stream.indirect.gather [hbm4b:s4+s18], $0x80, s1, s18, $0xb8;
	[tilespmem:$0x1D040] =	vst v63  }
0x60: {  	_ =	swait.ge [sflag:s26], $0x4000  }
0x61: {  	[sflag:s26] =	ssyncset.done $0x0  }
0x62: {  	s1 =	sadd.s32 $0x1880, s31;
	[sflag:s26] =	ssyncadd.s32 $0xFFFFC000  }
0x63: {  	[spmem:s2] =	stream.indirect.scatter.add.f32 [tilespmem:s20], [sflag:$0x5], $0x80, s1, s18, $0xb8;
	[tilespmem:$0x1D040] =	vst v63  }
0x64: {  	_ =	swait.ge [sflag:s10], $0x4000  }
0x65: {  	[sflag:s10] =	ssyncset.done $0x0  }
0x66: {  	s1 =	sadd.s32 $0x280, s31;
	[sflag:s10] =	ssyncadd.s32 $0xFFFFC000  }
0x67: {  	[tilespmem:s20], [sflag:$0x2] =	stream.indirect.gather [hbm4b:s4+s18], $0x80, s1, s18, $0xb8;
	[tilespmem:$0x1D040] =	vst v63  }
0x68: {  	_ =	swait.ge [sflag:s28], $0x4000  }
0x69: {  	[sflag:s28] =	ssyncset.done $0x0  }
0x6a: {  	s1 =	sadd.s32 $0x1900, s31;
	[sflag:s28] =	ssyncadd.s32 $0xFFFFC000  }
0x6b: {  	[spmem:s2] =	stream.indirect.scatter.add.f32 [tilespmem:s22], [sflag:$0x5], $0x80, s1, s18, $0xb8;
	[tilespmem:$0x1D040] =	vst v63  }
0x6c: {  	_ =	swait.ge [sflag:s10], $0x4000  }
0x6d: {  	[sflag:s10] =	ssyncset.done $0x0  }
0x6e: {  	s1 =	sadd.s32 $0x300, s31;
	[sflag:s10] =	ssyncadd.s32 $0xFFFFC000  }
0x6f: {  	[tilespmem:s22], [sflag:$0x3] =	stream.indirect.gather [hbm4b:s4+s18], $0x80, s1, s18, $0xb8;
	[tilespmem:$0x1D040] =	vst v63  }
0x70: {  	_ =	swait.ge [sflag:s29], $0x4000  }
0x71: {  	[sflag:s29] =	ssyncset.done $0x0  }
.Ltmp0:
0x72: {  	s1 =	sadd.s32 $0x1980, s31;
	[sflag:s29] =	ssyncadd.s32 $0xFFFFC000;
	(pc) =	sbr.rel @p0 .LBB2_2-.Ltmp0, $4  }
0x73: {  	[spmem:s2] =	stream.indirect.scatter.add.f32 [tilespmem:s24], [sflag:$0x5], $0x80, s1, s18, $0xb8;
	[tilespmem:$0x1D040] =	vst v63  }
0x74: {  	_ =	swait.ge [sflag:s10], $0x4000  }
0x75: {  	[sflag:s10] =	ssyncset.done $0x0  }
0x76: {  	s31 =	sadd.s32 $0x380, s31;
	[sflag:s10] =	ssyncadd.s32 $0xFFFFC000  }
0x77: {  	[tilespmem:s24], [sflag:$0x4] =	stream.indirect.gather [hbm4b:s4+s18], $0x80, s31, s18, $0xb8;
	[tilespmem:$0x1D040] =	vst v63  }
0x78: {  	_ =	swait.ge [sflag:s25], $0x4000  }
0x79: {  	[sflag:s25] =	ssyncset.done $0x0  }
0x7a: {  	s1 =	simm.s32 $0x2E00;
	[sflag:s25] =	ssyncadd.s32 $0xFFFFC000  }
0x7b: {  	[spmem:s2] =	stream.indirect.scatter.add.f32 [tilespmem:s19], [sflag:$0x5], $0x80, s1, s18, $0xb8;
	[tilespmem:$0x1D040] =	vst v63  }
0x7c: {  	_ =	swait.ge [sflag:s10], $0x4000  }
0x7d: {  	[sflag:s10] =	ssyncset.done $0x0  }
0x7e: {  	[sflag:s10] =	ssyncadd.s32 $0xFFFFC000  }
0x7f: {  	[tilespmem:s19], [sflag:$0x1] =	stream.indirect.gather [hbm4b:s4+s18], $0x80, s3, s18, $0xb8;
	[tilespmem:$0x1D040] =	vst v63  }
0x80: {  	_ =	swait.ge [sflag:s26], $0x4000  }
0x81: {  	[sflag:s26] =	ssyncset.done $0x0  }
0x82: {  	s30 =	simm.s32 $0x2E80;
	[sflag:s26] =	ssyncadd.s32 $0xFFFFC000  }
0x83: {  	[spmem:s2] =	stream.indirect.scatter.add.f32 [tilespmem:s20], [sflag:$0x5], $0x80, s30, s18, $0xb8;
	[tilespmem:$0x1D040] =	vst v63  }
0x84: {  	_ =	swait.ge [sflag:s10], $0x4000  }
0x85: {  	[sflag:s10] =	ssyncset.done $0x0  }
0x86: {  	[sflag:s10] =	ssyncadd.s32 $0xFFFFC000  }
0x87: {  	[tilespmem:s20], [sflag:$0x2] =	stream.indirect.gather [hbm4b:s4+s18], $0x80, s18, s18, $0xb8;
	[tilespmem:$0x1D040] =	vst v63  }
0x88: {  	_ =	swait.ge [sflag:s28], $0x4000  }
0x89: {  	[sflag:s28] =	ssyncset.done $0x0  }
0x8a: {  	s31 =	simm.s32 $0x2F00;
	[sflag:s28] =	ssyncadd.s32 $0xFFFFC000  }
0x8b: {  	[spmem:s2] =	stream.indirect.scatter.add.f32 [tilespmem:s22], [sflag:$0x5], $0x80, s31, s18, $0xb8;
	[tilespmem:$0x1D040] =	vst v63  }
0x8c: {  	_ =	swait.ge [sflag:s10], $0x4000  }
0x8d: {  	[sflag:s10] =	ssyncset.done $0x0  }
0x8e: {  	[sflag:s10] =	ssyncadd.s32 $0xFFFFC000  }
0x8f: {  	[tilespmem:s22], [sflag:$0x3] =	stream.indirect.gather [hbm4b:s4+s18], $0x80, s21, s18, $0xb8;
	[tilespmem:$0x1D040] =	vst v63  }
0x90: {  	_ =	swait.ge [sflag:s29], $0x4000  }
0x91: {  	[sflag:s29] =	ssyncset.done $0x0  }
0x92: {  	[sflag:s29] =	ssyncadd.s32 $0xFFFFC000  }
0x93: {  	[spmem:s2] =	stream.indirect.scatter.add.f32 [tilespmem:s24], [sflag:$0x5], $0x80, s0, s18, $0xb8;
	[tilespmem:$0x1D040] =	vst v63  }
0x94: {  	_ =	swait.ge [sflag:s10], $0x4000  }
0x95: {  	[sflag:s10] =	ssyncset.done $0x0  }
0x96: {  	[sflag:s10] =	ssyncadd.s32 $0xFFFFC000  }
0x97: {  	[tilespmem:s24], [sflag:$0x4] =	stream.indirect.gather [hbm4b:s4+s18], $0x80, s23, s18, $0xb8;
	[tilespmem:$0x1D040] =	vst v63  }
0x98: {  	_ =	swait.ge [sflag:s25], $0x4000  }
0x99: {  	[sflag:s25] =	ssyncset.done $0x0  }
0x9a: {  	[sflag:s25] =	ssyncadd.s32 $0xFFFFC000  }
0x9b: {  	_ =	swait.ge [sflag:s26], $0x4000  }
0x9c: {  	[sflag:s26] =	ssyncset.done $0x0  }
0x9d: {  	[sflag:s26] =	ssyncadd.s32 $0xFFFFC000  }
0x9e: {  	_ =	swait.ge [sflag:s28], $0x4000  }
0x9f: {  	[sflag:s28] =	ssyncset.done $0x0  }
0xa0: {  	[sflag:s28] =	ssyncadd.s32 $0xFFFFC000  }
0xa1: {  	_ =	swait.ge [sflag:s29], $0x4000  }
0xa2: {  	s11 =	sadd.s32 $0x1, s11;
	[sflag:s29] =	ssyncset.done $0x0  }
0xa3: {  	p0 =	sne.s32 s11, s9;
	[sflag:s29] =	ssyncadd.s32 $0xFFFFC000  }
.Ltmp1:
0xa4: {  	[bflag:$0x0] =	sbarrier.arrive $0xFFFF;
	(pc) =	sbr.rel @p0 .LBB2_1-.Ltmp1, $4  }
0xa5: {  	[hbm:s8], [sflag:s12] =	dma.local [spmem:s13], $0x1400  }
0xa6: {  	_ =	swait.ge [sflag:s10], $0x1400  }
0xa7: {  	[sflag:s10] =	ssyncset.done $0x0  }
0xa8: {  	[sflag:s10] =	ssyncadd.s32 $0xFFFFEC00  }
0xa9: {  	_ =	sfence.sel $0x180000  }
0xaa: {  	[bflag:$0x0] =	sbarrier.arrive $0xFFFF  }
0xab: {  	_ =	strace $0x90000056  }
0xac: {  	s0 =	stileid.u32;
	[bflag:$0x2] =	sbarrier.arrive $0xFFFF  }
0xad: {  	p0 =	sne.s32 s0, $0x0;
	s0 =	rddreg [dreg:$0x2]  }
0xae: {  	s0 =	sadd.s32 @!p0 $0x100000, s0  }
0xaf: {  	[sflag:s0] =	ssyncadd.tile.s32 @!p0 $0x1;
	_ =	shalt  }
.Lfunc_end2:
_tile_overlayer_lowered:
.L_overlay_start_2:
0xb0: {  	(tag) =	ssettag $0x2  }
0xb1: {  	s0 =	rddreg [dreg:$0x0];
	s2 =	stileid.u32  }
0xb2: {  	s1 =	rddreg [dreg:$0x1];
	p0 =	sne.s32 s2, $0x0  }
0xb3: {  	s3 =	rddreg [dreg:$0x2];
	[bflag:$0x3] =	sbarrier.arrive $0xFFFF;
	s2 =	simm.s32 @!p0 $0x1C05  }
0xb4: {  	[timem:s3], [sflag:s2] =	dma.local @!p0 [hbm:s0], s1  }
0xb5: {  	s0 =	simm.s32 @!p0 $0x5  }
0xb6: {  	_ =	swait.ge @!p0 [sflag:s0], s1  }
0xb7: {  	s1 =	ssub.s32 @!p0 $0x0, s1;
	[sflag:s0] =	ssyncset.done @!p0 $0x0  }
0xb8: {  	[sflag:s0] =	ssyncadd.s32 @!p0 s1  }
0xb9: {  	[bflag:$0x3] =	sbarrier.arrive $0xFFFF  }
0xba: {  	_ =	shalt  }

// kernel: scatter_offload_async_start
scs
__scs_entry_jumppad:
0x0: {  	(pc) =	sbr.rel $0x88, $3  }
0x1: {  	(tag) =	ssettag $0x0;
	lr =	simm.s32 $0x1  }
0x2: {  	[smem:$0x3F88] =	sst lr;
	_ =	strace $0xD0000000  }
0x3: {  	_ = 	snop  }
0x4: {  	_ = 	snop  }
0x5: {  	_ = 	snop  }
0x6: {  	_ = 	snop  }
0x7: {  	_ = 	snop  }
__scs_overlays_trampoline_lowered:
0x8: {  	[smem:$0x3F97] =	sst s0  }
0x9: {  	[smem:$0x3F98] =	sst s1  }
0xa: {  	[smem:$0x3F99] =	sst s2  }
0xb: {  	[smem:$0x3F9A] =	sst s3  }
0xc: {  	[smem:$0x3F9B] =	sst s4  }
0xd: {  	[smem:$0x3F9C] =	sst s5  }
0xe: {  	[smem:$0x3F9D] =	sst s6  }
0xf: {  	[smem:$0x3F9E] =	sst s7  }
0x10: {  	[smem:$0x3F9F] =	sst s8  }
0x11: {  	[smem:$0x3FA0] =	sst s9;
	s0 =	simm.s32 @!p0 $0x0  }
0x12: {  	s1 =	sld [smem:$0x3F86];
	s0 =	simm.s32 @p0 $0x1  }
0x13: {  	[smem:$0x3FA1] =	sst s0;
	s0 =	simm.s32 @!p1 $0x0  }
0x14: {  	s2 =	sld [smem:$0x3F85];
	s0 =	simm.s32 @p1 $0x1  }
0x15: {  	[smem:$0x3FA2] =	sst s0;
	s0 =	simm.s32 @!p2 $0x0  }
0x16: {  	s3 =	sld [smem:$0x3FDB];
	s0 =	simm.s32 @p2 $0x1  }
0x17: {  	s4 =	simm.s32 $0x1BF5;
	[smem:$0x3FA4] =	sst s0  }
0x18: {  	s0 =	sld [smem:$0x3F87];
	_ =	swait.ge [sflag:s4], $0x0  }
0x19: {  	s7 =	sld [smem:$0x3F88]  }
0x1a: {  	s8 =	sadd.s32 $0xFFFFE003, lr  }
0x1b: {  	s9 =	sadd.s32 $0xFFFFFEF7, lr;
	s5 =	simm.s32 $0xFFFFFFFF;
	p2 =	slt.u32 s8, $0xFFFFF086  }
0x1c: {  	p1 =	slt.u32 s9, $0xF7A;
	s5 =	simm.s32 @!p2 $0x0  }
0x1d: {  	s5 =	simm.s32 @p1 $0x1;
	p0 =	seq.s32 s7, s2  }
0x1e: {  	s7 =	smul.u32 @!p0 $0xF7A, s2;
	p2 =	seq.s32 @!p0 s5, $0x0  }
0x1f: {  	s9 =	smul.u32 $0xF7A, s1;
	s8 =	simm.s32 @!p0 $0x1BF5;
	p2 =	por !p2, p0  }
0x20: {  	[sflag:s8] =	ssyncset.s32 @!p0 $0xFFFFF086;
	s6 =	sadd.s32 @!p0 s3, s7;
	s7 =	simm.s32 @!p0 $0x108  }
0x21: {  	s3 =	sadd.s32 s3, s9;
	s6 =	sadd.s32 @!p0 $0x88, s6;
	s7 =	simm.s32 @p2 $0x1082  }
0x22: {  	[simem:s7], [sflag:s8] =	dma.local @!p0 [hbm:s6], $0xF7A  }
0x23: {  	s9 =	sor.u32 $0xD0000000, s2;
	s6 =	simm.s32 $0x108;
	_ =	swait.ge @!p0 [sflag:s8], $0x0  }
0x24: {  	s3 =	sadd.s32 $0x88, s3;
	s6 =	simm.s32 @!p1 $0x1082;
	[sflag:s4] =	ssyncset.s32 $0xFFFFF086  }
0x25: {  	[simem:s6], [sflag:s4] =	dma.local [hbm:s3], $0xF7A  }
0x26: {  	[smem:$0x3F88] =	sst s1;
	(tag) =	ssettag s2;
	_ =	strace s9  }
0x27: {  	s1 =	sld [smem:$0x3F98]  }
0x28: {  	s2 =	sld [smem:$0x3F99]  }
0x29: {  	s4 =	sld [smem:$0x3F9B]  }
0x2a: {  	p0 =	seq.s32 s5, $0x0;
	s5 =	sld [smem:$0x3F9C]  }
0x2b: {  	s6 =	sld [smem:$0x3F9D]  }
0x2c: {  	s7 =	sld [smem:$0x3F9E]  }
0x2d: {  	s3 =	simm.s32 $0x108;
	s8 =	sld [smem:$0x3F9F]  }
0x2e: {  	s3 =	simm.s32 @!p0 $0x1082;
	s9 =	sld [smem:$0x3FA0]  }
0x2f: {  	lr =	sadd.s32 s0, s3;
	s0 =	sld [smem:$0x3F97]  }
0x30: {  	s3 =	sld [smem:$0x3F9A]  }
0x31: {  	[smem:$0x3FA3] =	sst s10  }
0x32: {  	s10 =	sld [smem:$0x3FA1];
	_ =	sdelay $0x3  }
0x33: {  	p0 =	seq.s32 s10, $0x1;
	s10 =	sld [smem:$0x3FA3];
	_ =	sdelay $0x3  }
0x34: {  	[smem:$0x3FA3] =	sst s10  }
0x35: {  	s10 =	sld [smem:$0x3FA2];
	_ =	sdelay $0x3  }
0x36: {  	p1 =	seq.s32 s10, $0x1;
	s10 =	sld [smem:$0x3FA3];
	_ =	sdelay $0x3  }
0x37: {  	[smem:$0x3FA3] =	sst s10  }
0x38: {  	s10 =	sld [smem:$0x3FA4]  }
0x39: {  	_ = 	snop;
	(pc) =	sbr.ind lr, $3  }
0x3a: {  	_ = 	snop  }
0x3b: {  	_ = 	snop  }
0x3c: {  	p2 =	seq.s32 s10, $0x1;
	s10 =	sld [smem:$0x3FA3]  }
0x3d: {  	_ =	shalt  }
0x3e: {  	_ =	shalt  }
0x3f: {  	_ =	shalt  }
0x40: {  	_ =	shalt  }
0x41: {  	_ =	shalt  }
0x42: {  	_ =	shalt  }
0x43: {  	_ =	shalt  }
0x44: {  	_ =	shalt  }
0x45: {  	_ =	shalt  }
0x46: {  	_ =	shalt  }
0x47: {  	_ =	shalt  }
0x48: {  	_ =	shalt  }
0x49: {  	_ =	shalt  }
0x4a: {  	_ =	shalt  }
0x4b: {  	_ =	shalt  }
0x4c: {  	_ =	shalt  }
0x4d: {  	_ =	shalt  }
0x4e: {  	_ =	shalt  }
0x4f: {  	_ =	shalt  }
0x50: {  	_ =	shalt  }
0x51: {  	_ =	shalt  }
0x52: {  	_ =	shalt  }
0x53: {  	_ =	shalt  }
0x54: {  	_ =	shalt  }
0x55: {  	_ =	shalt  }
0x56: {  	_ =	shalt  }
0x57: {  	_ =	shalt  }
0x58: {  	_ =	shalt  }
0x59: {  	_ =	shalt  }
0x5a: {  	_ =	shalt  }
0x5b: {  	_ =	shalt  }
0x5c: {  	_ =	shalt  }
0x5d: {  	_ =	shalt  }
0x5e: {  	_ =	shalt  }
0x5f: {  	_ =	shalt  }
0x60: {  	_ =	shalt  }
0x61: {  	_ =	shalt  }
0x62: {  	_ =	shalt  }
0x63: {  	_ =	shalt  }
0x64: {  	_ =	shalt  }
0x65: {  	_ =	shalt  }
0x66: {  	_ =	shalt  }
0x67: {  	_ =	shalt  }
0x68: {  	_ =	shalt  }
0x69: {  	_ =	shalt  }
0x6a: {  	_ =	shalt  }
0x6b: {  	_ =	shalt  }
0x6c: {  	_ =	shalt  }
0x6d: {  	_ =	shalt  }
0x6e: {  	_ =	shalt  }
0x6f: {  	_ =	shalt  }
0x70: {  	_ =	shalt  }
0x71: {  	_ =	shalt  }
0x72: {  	_ =	shalt  }
0x73: {  	_ =	shalt  }
0x74: {  	_ =	shalt  }
0x75: {  	_ =	shalt  }
0x76: {  	_ =	shalt  }
0x77: {  	_ =	shalt  }
0x78: {  	_ =	shalt  }
0x79: {  	_ =	shalt  }
0x7a: {  	_ =	shalt  }
0x7b: {  	_ =	shalt  }
0x7c: {  	_ =	shalt  }
0x7d: {  	_ =	shalt  }
0x7e: {  	_ =	shalt  }
0x7f: {  	_ =	shalt  }
0x80: {  	_ =	shalt  }
0x81: {  	_ =	shalt  }
0x82: {  	_ =	shalt  }
0x83: {  	_ =	shalt  }
0x84: {  	_ =	shalt  }
0x85: {  	_ =	shalt  }
0x86: {  	_ =	shalt  }
0x87: {  	_ =	shalt  }
.Lfunc_end0:
.L_simem_size_0:
called_computation_lowered:
.L_overlay_start_0:
0x88: {  	s0 =	sld [smem:$0x3FD9]  }
0x89: {  	s1 =	sld [smem:$0x3FFE];
	_ =	sdelay $0x3  }
0x8a: {  	s0 =	sadd.s32 s1, s0  }
0x8b: {  	[smem:$0x3FAF] =	sst s0  }
0x8c: {  	_ = 	snop  }
0x8d: {  	s0 =	sld [smem:$0x3FD0];
	(tm) =	ssettm $0x1  }
0x8e: {  	s16 =	sld [smem:$0x3FFB];
	_ =	sdelay $0x3  }
0x8f: {  	_ =	strace s16  }
0x90: {  	s1 =	sld [smem:$0x3FFC];
	_ =	sdelay $0x3  }
0x91: {  	_ =	strace s1  }
0x92: {  	s1 =	sld [smem:$0x3FFD];
	_ =	sdelay $0x3  }
0x93: {  	_ =	strace s1  }
0x94: {  	_ =	strace $0x8FFFFFFF  }
0x95: {  	s17 =	sld [smem:$0x3FDB];
	_ =	sdelay $0x1  }
0x96: {  	s2 =	simm.s32 $_scs_section_size  }
0x97: {  	s3 =	simm.s32 $_size__tile_overlayer_lowered;
	s4 =	simm.s32 $_tile_overlayer_lowered  }
0x98: {  	s20 =	simm.s32 $0x1BFF;
	s19 =	sshll.u32 s4, $0x1;
	s1 =	sadd.s32 s2, s17  }
0x99: {  	s5 =	simm.s32 $0x0;
	s18 =	sshll.u32 s3, $0x1;
	s3 =	sadd.s32 s19, s1  }
0x9a: {  	[timem:s5], [sflag:s20] =	dma.local [hbm:s3], s18  }
0x9b: {  	_ =	swait.ge [sflag:s20], s18  }
0x9c: {  	s2 =	ssub.s32 $0x0, s18;
	[sflag:s20] =	ssyncset.done $0x0  }
0x9d: {  	[sflag:s20] =	ssyncadd.s32 s2;
	_ =	sdelay $0x1  }
0x9e: {  	s21 =	simm.s32 $0x1B8B  }
0x9f: {  	_ =	swait.ge [sflag:s21], $0x1  }
0xa0: {  	[sflag:s21] =	ssyncset.done $0x0  }
0xa1: {  	s23 =	simm.s32 $0x1B8E;
	s22 =	sld [smem:$0x3FFE];
	[sflag:s21] =	ssyncadd.s32 $0xFFFFFFFF  }
0xa2: {  	s24 =	simm.s32 $execute0_lowered;
	[smem:$0x3FD2] =	sst s23  }
0xa3: {  	s3 =	sshll.u32 s24, $0x1;
	_ =	strace $0x80000046;
	[dreg:$0x1] =	wrdreg $0xFFFFFFFF  }
0xa4: {  	s25 =	simm.s32 $_size_execute0_lowered;
	s1 =	sadd.s32 s1, s3;
	[dreg:$0x0] =	wrdreg $0x0  }
0xa5: {  	s3 =	sshll.u32 s25, $0x1;
	[dreg:$0x2] =	wrdreg s1  }
0xa6: {  	[dreg:$0x3] =	wrdreg s3  }
0xa7: {  	[dreg:$0x4] =	wrdreg $0xC0  }
0xa8: {  	_ =	task [dreg:s5], $0x5FFFF  }
0xa9: {  	[dreg:$0x1] =	wrdreg $0xFFFFFFFF  }
0xaa: {  	[dreg:$0x0] =	wrdreg $0x60  }
0xab: {  	[dreg:$0x2] =	wrdreg s0  }
0xac: {  	[dreg:$0x3] =	wrdreg s22  }
0xad: {  	[dreg:$0x4] =	wrdreg $0x9  }
0xae: {  	_ =	task.clear_ibuf [dreg:s5], $0x5FFFF;
	_ =	strace $0x90000046  }
0xaf: {  	s26 =	simm.s32 $0x9;
	_ =	strace $0x80000048  }
0xb0: {  	_ =	swait.ge [sflag:s26], $0x1  }
0xb1: {  	[sflag:s26] =	ssyncadd.s32 $0xFFFFFFFF  }
0xb2: {  	_ =	strace $0x90000048  }
0xb3: {  	_ =	sfence  }
0xb4: {  	s28 =	sld [smem:$0x0];
	_ =	sdelay $0x1  }
0xb5: {  	s29 =	srdreg.scid  }
0xb6: {  	s30 =	sshll.u32 s29, $0xD;
	s31 =	sshrl.u32 s29, $0x2  }
0xb7: {  	s2 =	sand.u32 $0x4000, s30;
	s1 =	sand.u32 $0x1, s29;
	s0 =	sadd.s32 s31, s28  }
0xb8: {  	s1 =	sor.u32 s2, s1;
	s0 =	sshll.u32 s0, $0x11  }
0xb9: {  	s0 =	sor.u32 s0, s1  }
0xba: {  	s0 =	sadd.s32 $0x8F2B, s0  }
0xbb: {  	[sflag:s0] =	ssyncadd.remote.s32 $0x1  }
0xbc: {  	_ =	sfence.sel $0xFFFF  }
0xbd: {  	[dreg:$0x0] =	wrdreg $0xFFFFFFFF;
	(pc) =	sbr.abs _section_cstart, $3  }
0xbe: {  	[dreg:$0x1] =	wrdreg $0xFFFFFFFF  }
0xbf: {  	_ =	task.clear_ibuf [dreg:s5], $0x2FFFF;
	_ =	strace $0x9FFFFFFF  }
0xc0: {  	(tm) =	ssettm $0x7FFFFFFF  }
0xc1: {  	_ =	shalt  }
tec
execute0_lowered:
.L_overlay_start_1:
0x0: {  	(tag) =	ssettag $0x1  }
0x1: {  	s1 =	rddreg [dreg:$0x0]  }
0x2: {  	s2 =	rddreg [dreg:$0x1]  }
0x3: {  	s0 =	rddreg [dreg:$0x2]  }
0x4: {  	s4 =	stileid.u32;
	_ =	strace $0x80000047;
	s5 =	simm.s32 $0x3E  }
0x5: {  	p0 =	sne.s32 s4, $0x0;
	[sflag:s5] =	ssyncpa.u1 $0x0  }
0x6: {  	s30 =	smin.u32 s4, $0x4;
	s3 =	simm.s32 @!p0 $0x1C3E;
	s6 =	simm.s32 @!p0 $0x0  }
0x7: {  	[spmem:s6], [sflag:s3] =	dma.local @!p0 [hbm:s1], $0x10  }
0x8: {  	s3 =	sadd.s32 s4, s30  }
0x9: {  	p1 =	slt.u32 s4, $0x4;
	s4 =	simm.s32 $0x3E80;
	s3 =	smul.u32 $0x1F40, s3  }
0xa: {  	s4 =	simm.s32 @!p1 $0x1F40  }
0xb: {  	s4 =	sadd.s32 s4, s3  }
0xc: {  	s4 =	smin.u32 s4, $0x27100  }
0xd: {  	s7 =	ssub.s32 s4, s3  }
0xe: {  	p1 =	sgt.s32 s7, $0x0  }
0xf: {  	s7 =	simm.s32 @!p1 $0x0  }
0x10: {  	s6 =	simm.s32 @!p0 $0x3E;
	s31 =	smulhi.u32 $0x10624DD3, s7  }
0x11: {  	_ =	swait.ge @!p0 [sflag:s6], $0x10  }
0x12: {  	[sflag:s6] =	ssyncset.done @!p0 $0x0;
	s8 =	sshrl.u32 s31, $0x9  }
0x13: {  	s11 =	simm.s32 $0x0;
	[sflag:s6] =	ssyncadd.s32 @!p0 $0xFFFFFFF0;
	s9 =	smul.u32 $0x1F40, s8  }
.Ltmp0:
0x14: {  	s6 =	simm.s32 $0x2;
	[bflag:$0x0] =	sbarrier.arrive $0xFFFF;
	(pc) =	sbr.rel .LBB2_1-.Ltmp0, $4  }
0x15: {  	s10 =	smov.u32 s3;
	[sflag:s5] =	ssyncpa.u1 $0x1;
	s5 =	simm.s32 $0x1  }
0x16: {  	[sflag:s5] =	ssyncpa.u1 $0x0;
	p1 =	sne.s32 s7, s9;
	s9 =	simm.s32 $0x1  }
0x17: {  	(ifvalue) =	ssetifvalue $0x80;
	[sflag:s6] =	ssyncpa.u1 $0x0;
	s9 =	simm.s32 @!p1 $0x0  }
0x18: {  	vm0 =	vmmov $0xffff;
	s7 =	sadd.s32 $0x40200, s2;
	s8 =	sadd.s32 s9, s8;
	s9 =	simm.s32 $0x0  }
.LBB2_5:
0x19: {  	p2 =	sne.s32 s11, s8  }
.Ltmp1:
0x1a: {  	_ = 	snop;
	(pc) =	sbr.rel @!p2 .LBB2_6-.Ltmp1, $4  }
0x1b: {  	_ = 	snop  }
0x1c: {  	s12 =	sadd.s32 $0x1F40, s10  }
0x1d: {  	s10 =	smov.u32 s3;
	s13 =	sadd.s32 $0x1, s11;
	p1 =	slt.s32 s12, s4  }
0x1e: {  	s11 =	smov.u32 s13;
	s10 =	smov.u32 @p1 s12  }
.LBB2_1:
0x1f: {  	p1 =	sge.u32 s11, s8  }
0x20: {  	s12 =	sxor.u32 @!p1 $0xFFFFFFFF, s11  }
0x21: {  	s12 =	sand.u32 @!p1 $0x1, s12  }
0x22: {  	s12 =	smul.u32 @!p1 $0x1F40, s12  }
0x23: {  	s13 =	sshrl.u32 @!p1 s10, $0x3  }
0x24: {  	s16 =	sand.u32 @!p1 $0x7, s10;
	s14 =	sadd.s32 @!p1 s2, s13;
	s15 =	sor.u32 @!p1 $0x8, s12  }
0x25: {  	[tilespmem:s15], [sflag:$0x2] =	stream.linear.gather @!p1 [hbm4b:s14+s16], $0x1F40, $0x38;
	[tilespmem:$0x7D08] =	vst v63  }
0x26: {  	s13 =	sadd.s32 @!p1 s7, s13;
	s12 =	sadd.s32 @!p1 $0x3E88, s12  }
0x27: {  	[tilespmem:s12], [sflag:$0x2] =	stream.linear.gather @!p1 [hbm4b:s13+s16], $0x1F40, $0x38;
	[tilespmem:$0x7D08] =	vst v63  }
0x28: {  	p1 =	seq.s32 s11, $0x0  }
.Ltmp2:
0x29: {  	_ = 	snop;
	(pc) =	sbr.rel @p1 .LBB2_5-.Ltmp2, $1  }
0x2a: {  	_ =	sdelay $0x3  }
0x2b: {  	s12 =	sand.u32 $0x1, s11  }
0x2c: {  	_ =	swait.ge [sflag:s6], $0x3E80;
	p1 =	seq.s32 s12, $0x1;
	s12 =	simm.s32 $0x1F40  }
0x2d: {  	[sflag:s6] =	ssyncset.done $0x0;
	s12 =	simm.s32 @!p1 $0x0  }
0x2e: {  	[sflag:s6] =	ssyncadd.s32 $0xFFFFC180;
	s14 =	sor.u32 $0x8, s12  }
0x2f: {  	v0 =	vld.msk [tilespmem:s14+$0x0 ss:$0x1], $0xffff;
	_ =	sdelay $0x4  }
0x30: {  	v0 =	vmin.u32 v0, $0x80;
	_ =	sdelay $0x3  }
0x31: {  	s13 =	simm.s32 $0x0;
	s12 =	sadd.s32 $0x3E88, s12;
	s14 =	sadd.s32 $0x10, s14  }
0x32: {  	[spmem:s9] =	stream.indirect_vreg.scatter.add.s32 [tilespmem:s12], [sflag:$0x1], $0x1, v0, vm0, $0x4038;
	[tilespmem:$0x7D08] =	vst v63  }
.LBB2_3:
0x33: {  	v0 =	vld.msk [tilespmem:s14+$0x0 ss:$0x1], $0xffff;
	s13 =	sadd.s32 $0x10, s13  }
0x34: {  	p1 =	slt.u32 s13, $0x1F30;
	_ =	sdelay $0x4  }
0x35: {  	v0 =	vmin.u32 v0, $0x80  }
.Ltmp3:
0x36: {  	(pc) =	sbr.rel @p1 .LBB2_3-.Ltmp3, $3  }
0x37: {  	_ =	sdelay $0x1  }
0x38: {  	s14 =	sadd.s32 $0x10, s14;
	s12 =	sadd.s32 $0x10, s12  }
0x39: {  	[spmem:s9] =	stream.indirect_vreg.scatter.add.s32 [tilespmem:s12], [sflag:$0x1], $0x1, v0, vm0, $0x4038;
	[tilespmem:$0x7D08] =	vst v63  }
.Ltmp4:
0x3a: {  	(pc) =	sbr.rel .LBB2_5-.Ltmp4, $4  }
0x3b: {  	_ = 	snop  }
0x3c: {  	_ =	swait.ge [sflag:s5], $0x1F40  }
0x3d: {  	[sflag:s5] =	ssyncset.done $0x0  }
0x3e: {  	[sflag:s5] =	ssyncadd.s32 $0xFFFFE0C0  }
.LBB2_6:
0x3f: {  	_ =	sfence.sel $0x180000  }
0x40: {  	s2 =	simm.s32 $0x2;
	[bflag:$0x0] =	sbarrier.arrive $0xFFFF  }
0x41: {  	s30 =	simm.s32 $0x1;
	[sflag:s2] =	ssyncpa.u1 $0x1  }
0x42: {  	[sflag:s30] =	ssyncpa.u1 $0x1  }
0x43: {  	_ =	sfence.stream.spmem  }
0x44: {  	s31 =	simm.s32 $0x3D;
	[bflag:$0x0] =	sbarrier.arrive $0xFFFF  }
0x45: {  	s2 =	simm.s32 @p0 $0x3D;
	[sflag:s31] =	ssyncpa.u1 $0x0  }
0x46: {  	[sflag:s2] =	ssyncpa.u1 @p0 $0x1  }
0x47: {  	[bflag:$0x0] =	sbarrier.arrive @p0 $0xFFFF  }
0x48: {  	_ =	strace @p0 $0x90000047  }
0x49: {  	s3 =	simm.s32 @!p0 $0x1C3D;
	s2 =	simm.s32 @!p0 $0x0;
	[bflag:$0x2] =	sbarrier.arrive @p0 $0xFFFF  }
0x4a: {  	[hbm:s1], [sflag:s3] =	dma.local @!p0 [spmem:s2], $0x10  }
0x4b: {  	s1 =	simm.s32 @!p0 $0x3D  }
0x4c: {  	_ =	swait.ge @!p0 [sflag:s1], $0x10  }
0x4d: {  	[sflag:s1] =	ssyncset.done @!p0 $0x0  }
0x4e: {  	[sflag:s1] =	ssyncadd.s32 @!p0 $0xFFFFFFF0  }
0x4f: {  	[sflag:s1] =	ssyncpa.u1 @!p0 $0x1  }
0x50: {  	[bflag:$0x0] =	sbarrier.arrive @!p0 $0xFFFF  }
0x51: {  	_ =	strace @!p0 $0x90000047  }
0x52: {  	s0 =	sadd.s32 @!p0 $0x100000, s0;
	[bflag:$0x2] =	sbarrier.arrive @!p0 $0xFFFF  }
0x53: {  	[sflag:s0] =	ssyncadd.tile.s32 @!p0 $0x1;
	_ =	shalt  }
.Lfunc_end2:
_tile_overlayer_lowered:
.L_overlay_start_2:
0x54: {  	(tag) =	ssettag $0x2  }
0x55: {  	s0 =	rddreg [dreg:$0x0];
	s2 =	stileid.u32  }
0x56: {  	s1 =	rddreg [dreg:$0x1];
	p0 =	sne.s32 s2, $0x0  }
0x57: {  	s3 =	rddreg [dreg:$0x2];
	[bflag:$0x3] =	sbarrier.arrive $0xFFFF;
	s2 =	simm.s32 @!p0 $0x1C01  }
0x58: {  	[timem:s3], [sflag:s2] =	dma.local @!p0 [hbm:s0], s1  }
0x59: {  	s0 =	simm.s32 @!p0 $0x1  }
0x5a: {  	_ =	swait.ge @!p0 [sflag:s0], s1  }
0x5b: {  	s1 =	ssub.s32 @!p0 $0x0, s1;
	[sflag:s0] =	ssyncset.done @!p0 $0x0  }
0x5c: {  	[sflag:s0] =	ssyncadd.s32 @!p0 s1  }
0x5d: {  	[bflag:$0x3] =	sbarrier.arrive $0xFFFF  }
0x5e: {  	_ =	shalt  }

</sc_bundles>
